<compile_context>
chip_gen: v7x
topology: tpu7x:2x2x1
jax: 0.10.2.dev20260603
libtpu: 0.0.44.dev20260713+nightly
codegen_flags: <defaults>
</compile_context>

<pallas_src>
import jax
import jax.numpy as jnp
from jax import lax
from jax.experimental import pallas as pl
from jax.experimental.pallas import tpu as pltpu
from jax.experimental.pallas import tpu_sc as plsc

_VOCAB = 100000
_BATCH = 16384
_DIM = 64
_NW = 32
_BPW = _BATCH // _NW
_CHUNK = 128
_NCHUNK = _BPW // _CHUNK
_LANES = 16


def _cbow_body(xf_hbm, tab_hbm, out_hbm, xbuf, rows0, rows1, rows2, stage,
               out_v, sem):
    wid = lax.axis_index("s") * 2 + lax.axis_index("c")
    base = wid * _BPW

    pltpu.sync_copy(
        xf_hbm.at[pl.ds(base * 3, _BPW * 3)], xbuf.at[pl.ds(0, _BPW * 3)]
    )

    def fire_row(k, _):
        v = xbuf[pl.ds(3 * k, _LANES)]
        i0 = v[0]
        i1 = v[1]
        i2 = v[2]
        pltpu.async_copy(
            tab_hbm.at[pl.ds(i0 * 128, _DIM)],
            rows0.at[pl.ds(k * _DIM, _DIM)], sem)
        pltpu.async_copy(
            tab_hbm.at[pl.ds(i1 * 128, _DIM)],
            rows1.at[pl.ds(k * _DIM, _DIM)], sem)
        pltpu.async_copy(
            tab_hbm.at[pl.ds(i2 * 128 + _DIM, _DIM)],
            rows2.at[pl.ds(k * _DIM, _DIM)], sem)
        return 0

    def fire_chunk(j):
        lax.fori_loop(j * _CHUNK, (j + 1) * _CHUNK, fire_row, 0)

    def drain_chunk(j):
        n = _CHUNK * _DIM
        for rows in (rows0, rows1, rows2):
            pltpu.make_async_copy(
                tab_hbm.at[pl.ds(0, n)], rows.at[pl.ds(j * n, n)], sem
            ).wait()

    lane17 = lax.iota(jnp.int32, _LANES) * 17

    def group_body(g, _):
        r = g * _LANES
        for l in range(_LANES):
            vacc = jnp.zeros((_LANES,), jnp.float32)
            for c in range(_DIM // _LANES):
                off = (r + l) * _DIM + c * _LANES
                a0 = rows0[pl.ds(off, _LANES)]
                a1 = rows1[pl.ds(off, _LANES)]
                bv = rows2[pl.ds(off, _LANES)]
                vacc = vacc + (a0 + a1) * bv
            stage[pl.ds(l * 17, _LANES)] = vacc
        acc = jnp.zeros((_LANES,), jnp.float32)
        for c in range(_LANES):
            acc = acc + plsc.load_gather(stage, [lane17 + c])
        out_v[pl.ds(r, _LANES)] = acc * 0.5
        return 0

    groups_per_chunk = _CHUNK // _LANES
    fire_chunk(0)
    for j in range(_NCHUNK):
        drain_chunk(j)
        if j + 1 < _NCHUNK:
            fire_chunk(j + 1)
        lax.fori_loop(
            j * groups_per_chunk, (j + 1) * groups_per_chunk, group_body, 0
        )

    pltpu.sync_copy(out_v, out_hbm.at[pl.ds(base, _BPW)])


@jax.jit
def _cbow(xf, A, B):
    tab = jnp.stack([A, B], axis=1).reshape(-1)
    mesh = plsc.VectorSubcoreMesh(core_axis_name="c", subcore_axis_name="s")
    f = pl.kernel(
        _cbow_body,
        out_type=jax.ShapeDtypeStruct((_BATCH,), jnp.float32),
        mesh=mesh,
        scratch_types=[
            pltpu.VMEM((_BPW * 3 + _LANES,), jnp.int32),
            pltpu.VMEM((_BPW * _DIM,), jnp.float32),
            pltpu.VMEM((_BPW * _DIM,), jnp.float32),
            pltpu.VMEM((_BPW * _DIM,), jnp.float32),
            pltpu.VMEM((_LANES * 17,), jnp.float32),
            pltpu.VMEM((_BPW,), jnp.float32),
            pltpu.SemaphoreType.DMA,
        ],
        compiler_params=pltpu.CompilerParams(
            needs_layout_passes=False, use_tc_tiling_on_sc=False
        ),
    )
    return f(xf, tab)


def kernel(x, A, B):
    xf = jnp.abs(x.astype(jnp.int32).reshape(-1))
    return _cbow(xf, A, B)

# --- scband reference (transcript-rebuilt; emitter-appended) ---
"""Pipeline reference for scband-cbownegative-sampling-55130200211796 (READ-ONLY COPY).

The authoritative reference and input builder live on the scoring server;
editing this copy changes nothing except your own understanding.
"""

import jax, jax.numpy as jnp
import numpy as np

VOCAB = 100000
DIM = 64
BATCH = 16384

def setup_inputs(seed: int = 0) -> dict:
    key = jax.random.key(seed)
    k1, k2, k3 = jax.random.split(key, 3)
    x = jax.random.randint(k1, (BATCH, 3), 0, VOCAB, dtype=jnp.int64 if jax.config.read('jax_enable_x64') else jnp.int32)
    initrange = 0.5
    A = jax.random.uniform(k2, (VOCAB, DIM), dtype=jnp.float32, minval=-initrange, maxval=initrange)
    B = jax.random.uniform(k3, (VOCAB, DIM), dtype=jnp.float32, minval=-initrange, maxval=initrange)
    return {"x": x, "A": A, "B": B}

def reference(x, A, B):
    w_context = x[:, :2]
    wc = x[:, 2]
    a = jnp.take(A, w_context, axis=0)        # [B, 2, D]
    a_avg = a.mean(axis=1)                      # [B, D]
    b = jnp.take(B, wc, axis=0)                # [B, D]
    logits = (a_avg * b).sum(axis=-1)          # [B]
    return logits

if __name__ == "__main__":
    import jax
    _d = setup_inputs()
    print(jax.jit(kernel)(*tuple(_d.values())))

</pallas_src>

<mosaic_0001>
#map = affine_map<(d0, d1) -> (0)>
module attributes {stable_mosaic.version = 14 : i64} {
  func.func @_cbow_body(%arg0: i32, %arg1: i32, %arg2: memref<49152xi32, #tpu.memory_space<hbm>>, %arg3: memref<12800000xf32, #tpu.memory_space<hbm>>, %arg4: memref<16384xf32, #tpu.memory_space<hbm>>, %arg5: memref<1552xi32, #tpu.memory_space<vmem>>, %arg6: memref<32768xf32, #tpu.memory_space<vmem>>, %arg7: memref<32768xf32, #tpu.memory_space<vmem>>, %arg8: memref<32768xf32, #tpu.memory_space<vmem>>, %arg9: memref<272xf32, #tpu.memory_space<vmem>>, %arg10: memref<512xf32, #tpu.memory_space<vmem>>, %arg11: memref<!tpu.dma_semaphore, #tpu.memory_space<semaphore_mem>>) attributes {dimension_semantics = [#tpu.dimension_semantics<core_parallel>, #tpu.dimension_semantics<subcore_parallel>], iteration_bounds = array<i64: 2, 16>, scalar_prefetch = 0 : i64, scratch_operands = 7 : i64, tpu.core_type = #tpu.core_type<sc_vector_subcore>, window_params = [{transform_indices = #map}, {transform_indices = #map}, {transform_indices = #map}]} {
    %mul3A = arith.constant 2 : i32
    %mul3A_0 = arith.muli %arg1, %mul3A : i32
    %add3A = arith.addi %mul3A_0, %arg0 : i32
    %mul3A_1 = arith.constant 512 : i32
    %mul3A_2 = arith.muli %add3A, %mul3A_1 : i32
    %mul3A_3 = arith.constant 3 : i32
    %mul3A_4 = arith.muli %mul3A_2, %mul3A_3 : i32
    "tpu.region"() ({
      %run_scoped3A = tpu.sem_alloc : memref<!tpu.dma_semaphore, #tpu.memory_space<semaphore_mem>>
      %dma_start3A = arith.constant 0 : i32
      %dma_start3A_158 = tpu.memref_slice %arg5[%dma_start3A] : memref<1552xi32, #tpu.memory_space<vmem>> -> memref<1536xi32, #tpu.memory_space<vmem>>
      %dma_start3A_159 = tpu.memref_slice %arg2[%mul3A_4] : memref<49152xi32, #tpu.memory_space<hbm>> -> memref<1536xi32, #tpu.memory_space<hbm>>
      %dma_start3A_160 = arith.constant 0 : i32
      %dma_start3A_161 = tpu.memref_slice %arg5[%dma_start3A_160] : memref<1552xi32, #tpu.memory_space<vmem>> -> memref<1536xi32, #tpu.memory_space<vmem>>
      %dma_start3A_162 = tpu.memref_slice %arg2[%mul3A_4] : memref<49152xi32, #tpu.memory_space<hbm>> -> memref<1536xi32, #tpu.memory_space<hbm>>
      tpu.enqueue_dma source(%dma_start3A_162 : memref<1536xi32, #tpu.memory_space<hbm>>) target(%dma_start3A_161 : memref<1536xi32, #tpu.memory_space<vmem>>) target_semaphore(%run_scoped3A : memref<!tpu.dma_semaphore, #tpu.memory_space<semaphore_mem>>)
      %dma_wait3A_163 = arith.constant 0 : i32
      %dma_wait3A_164 = tpu.memref_slice %arg5[%dma_wait3A_163] : memref<1552xi32, #tpu.memory_space<vmem>> -> memref<1536xi32, #tpu.memory_space<vmem>>
      %dma_wait3A_165 = tpu.memref_slice %arg2[%mul3A_4] : memref<49152xi32, #tpu.memory_space<hbm>> -> memref<1536xi32, #tpu.memory_space<hbm>>
      %dma_wait3A_166 = arith.constant 0 : i32
      %dma_wait3A_167 = tpu.memref_slice %arg5[%dma_wait3A_166] : memref<1552xi32, #tpu.memory_space<vmem>> -> memref<1536xi32, #tpu.memory_space<vmem>>
      %dma_wait3A_168 = tpu.memref_slice %arg2[%mul3A_4] : memref<49152xi32, #tpu.memory_space<hbm>> -> memref<1536xi32, #tpu.memory_space<hbm>>
      tpu.wait_dma2 semaphore(%run_scoped3A : memref<!tpu.dma_semaphore, #tpu.memory_space<semaphore_mem>>) src(%dma_wait3A_168 : memref<1536xi32, #tpu.memory_space<hbm>>) dst(%dma_wait3A_167 : memref<1536xi32, #tpu.memory_space<vmem>>)
      tpu.yield
    }) : () -> ()
    %iota3A = tpu.iota {dimensions = array<i32: 0>} : vector<16xi32>
    %mul3A_5 = arith.constant 17 : i32
    %mul3A_6 = vector.broadcast %mul3A_5 : i32 to vector<16xi32>
    %mul3A_7 = arith.muli %iota3A, %mul3A_6 : vector<16xi32>
    %scan3A = arith.constant 0 : i32
    %scan3A_8 = arith.constant 0 : i32
    %scan3A_9 = arith.constant 128 : i32
    %scan3A_10 = arith.addi %scan3A_8, %scan3A_9 : i32
    %scan3A_11 = arith.constant 1 : i32
    %scan3A_12 = scf.for %scan3A_158 = %scan3A_8 to %scan3A_10 step %scan3A_11 iter_args(%scan3A_159 = %scan3A) -> (i32)  : i32 {
      %mul3A_160 = arith.constant 3 : i32
      %mul3A_161 = arith.muli %mul3A_160, %scan3A_158 : i32
      %get3A = arith.index_cast %mul3A_161 : i32 to index
      %get3A_162 = tpu.vector_load %arg5[%get3A] {strides = array<i32>} : memref<1552xi32, #tpu.memory_space<vmem>>, vector<16xi32>,
      %slice3A = vector.extract_strided_slice %get3A_162 {offsets = [0], sizes = [1], strides = [1]} : vector<16xi32> to vector<1xi32>
      %squeeze3A = vector.extract %slice3A[0] : i32 from vector<1xi32>
      %slice3A_163 = vector.extract_strided_slice %get3A_162 {offsets = [1], sizes = [1], strides = [1]} : vector<16xi32> to vector<1xi32>
      %squeeze3A_164 = vector.extract %slice3A_163[0] : i32 from vector<1xi32>
      %slice3A_165 = vector.extract_strided_slice %get3A_162 {offsets = [2], sizes = [1], strides = [1]} : vector<16xi32> to vector<1xi32>
      %squeeze3A_166 = vector.extract %slice3A_165[0] : i32 from vector<1xi32>
      %mul3A_167 = arith.constant 128 : i32
      %mul3A_168 = arith.muli %squeeze3A, %mul3A_167 : i32
      %mul3A_169 = arith.constant 64 : i32
      %mul3A_170 = arith.muli %scan3A_158, %mul3A_169 : i32
      %dma_start3A = tpu.memref_slice %arg6[%mul3A_170] : memref<32768xf32, #tpu.memory_space<vmem>> -> memref<64xf32, #tpu.memory_space<vmem>>
      %dma_start3A_171 = tpu.memref_slice %arg3[%mul3A_168] : memref<12800000xf32, #tpu.memory_space<hbm>> -> memref<64xf32, #tpu.memory_space<hbm>>
      %dma_start3A_172 = tpu.memref_slice %arg6[%mul3A_170] : memref<32768xf32, #tpu.memory_space<vmem>> -> memref<64xf32, #tpu.memory_space<vmem>>
      %dma_start3A_173 = tpu.memref_slice %arg3[%mul3A_168] : memref<12800000xf32, #tpu.memory_space<hbm>> -> memref<64xf32, #tpu.memory_space<hbm>>
      tpu.enqueue_dma source(%dma_start3A_173 : memref<64xf32, #tpu.memory_space<hbm>>) target(%dma_start3A_172 : memref<64xf32, #tpu.memory_space<vmem>>) target_semaphore(%arg11 : memref<!tpu.dma_semaphore, #tpu.memory_space<semaphore_mem>>)
      %mul3A_174 = arith.constant 128 : i32
      %mul3A_175 = arith.muli %squeeze3A_164, %mul3A_174 : i32
      %mul3A_176 = arith.constant 64 : i32
      %mul3A_177 = arith.muli %scan3A_158, %mul3A_176 : i32
      %dma_start3A_178 = tpu.memref_slice %arg7[%mul3A_177] : memref<32768xf32, #tpu.memory_space<vmem>> -> memref<64xf32, #tpu.memory_space<vmem>>
      %dma_start3A_179 = tpu.memref_slice %arg3[%mul3A_175] : memref<12800000xf32, #tpu.memory_space<hbm>> -> memref<64xf32, #tpu.memory_space<hbm>>
      %dma_start3A_180 = tpu.memref_slice %arg7[%mul3A_177] : memref<32768xf32, #tpu.memory_space<vmem>> -> memref<64xf32, #tpu.memory_space<vmem>>
      %dma_start3A_181 = tpu.memref_slice %arg3[%mul3A_175] : memref<12800000xf32, #tpu.memory_space<hbm>> -> memref<64xf32, #tpu.memory_space<hbm>>
      tpu.enqueue_dma source(%dma_start3A_181 : memref<64xf32, #tpu.memory_space<hbm>>) target(%dma_start3A_180 : memref<64xf32, #tpu.memory_space<vmem>>) target_semaphore(%arg11 : memref<!tpu.dma_semaphore, #tpu.memory_space<semaphore_mem>>)
      %mul3A_182 = arith.constant 128 : i32
      %mul3A_183 = arith.muli %squeeze3A_166, %mul3A_182 : i32
      %add3A_184 = arith.constant 64 : i32
      %add3A_185 = arith.addi %mul3A_183, %add3A_184 : i32
      %mul3A_186 = arith.constant 64 : i32
      %mul3A_187 = arith.muli %scan3A_158, %mul3A_186 : i32
      %dma_start3A_188 = tpu.memref_slice %arg8[%mul3A_187] : memref<32768xf32, #tpu.memory_space<vmem>> -> memref<64xf32, #tpu.memory_space<vmem>>
      %dma_start3A_189 = tpu.memref_slice %arg3[%add3A_185] : memref<12800000xf32, #tpu.memory_space<hbm>> -> memref<64xf32, #tpu.memory_space<hbm>>
      %dma_start3A_190 = tpu.memref_slice %arg8[%mul3A_187] : memref<32768xf32, #tpu.memory_space<vmem>> -> memref<64xf32, #tpu.memory_space<vmem>>
      %dma_start3A_191 = tpu.memref_slice %arg3[%add3A_185] : memref<12800000xf32, #tpu.memory_space<hbm>> -> memref<64xf32, #tpu.memory_space<hbm>>
      tpu.enqueue_dma source(%dma_start3A_191 : memref<64xf32, #tpu.memory_space<hbm>>) target(%dma_start3A_190 : memref<64xf32, #tpu.memory_space<vmem>>) target_semaphore(%arg11 : memref<!tpu.dma_semaphore, #tpu.memory_space<semaphore_mem>>)
      %scan3A_192 = arith.constant 0 : i32
      scf.yield %scan3A_192 : i32
    }
    %scan3A_13 = arith.constant 128 : i32
    %dma_wait3A = arith.constant 0 : i32
    %dma_wait3A_14 = tpu.memref_slice %arg6[%dma_wait3A] : memref<32768xf32, #tpu.memory_space<vmem>> -> memref<8192xf32, #tpu.memory_space<vmem>>
    %dma_wait3A_15 = arith.constant 0 : i32
    %dma_wait3A_16 = tpu.memref_slice %arg3[%dma_wait3A_15] : memref<12800000xf32, #tpu.memory_space<hbm>> -> memref<8192xf32, #tpu.memory_space<hbm>>
    %dma_wait3A_17 = arith.constant 0 : i32
    %dma_wait3A_18 = tpu.memref_slice %arg6[%dma_wait3A_17] : memref<32768xf32, #tpu.memory_space<vmem>> -> memref<8192xf32, #tpu.memory_space<vmem>>
    %dma_wait3A_19 = arith.constant 0 : i32
    %dma_wait3A_20 = tpu.memref_slice %arg3[%dma_wait3A_19] : memref<12800000xf32, #tpu.memory_space<hbm>> -> memref<8192xf32, #tpu.memory_space<hbm>>
    tpu.wait_dma2 semaphore(%arg11 : memref<!tpu.dma_semaphore, #tpu.memory_space<semaphore_mem>>) src(%dma_wait3A_20 : memref<8192xf32, #tpu.memory_space<hbm>>) dst(%dma_wait3A_18 : memref<8192xf32, #tpu.memory_space<vmem>>)
    %dma_wait3A_21 = arith.constant 0 : i32
    %dma_wait3A_22 = tpu.memref_slice %arg7[%dma_wait3A_21] : memref<32768xf32, #tpu.memory_space<vmem>> -> memref<8192xf32, #tpu.memory_space<vmem>>
    %dma_wait3A_23 = arith.constant 0 : i32
    %dma_wait3A_24 = tpu.memref_slice %arg3[%dma_wait3A_23] : memref<12800000xf32, #tpu.memory_space<hbm>> -> memref<8192xf32, #tpu.memory_space<hbm>>
    %dma_wait3A_25 = arith.constant 0 : i32
    %dma_wait3A_26 = tpu.memref_slice %arg7[%dma_wait3A_25] : memref<32768xf32, #tpu.memory_space<vmem>> -> memref<8192xf32, #tpu.memory_space<vmem>>
    %dma_wait3A_27 = arith.constant 0 : i32
    %dma_wait3A_28 = tpu.memref_slice %arg3[%dma_wait3A_27] : memref<12800000xf32, #tpu.memory_space<hbm>> -> memref<8192xf32, #tpu.memory_space<hbm>>
    tpu.wait_dma2 semaphore(%arg11 : memref<!tpu.dma_semaphore, #tpu.memory_space<semaphore_mem>>) src(%dma_wait3A_28 : memref<8192xf32, #tpu.memory_space<hbm>>) dst(%dma_wait3A_26 : memref<8192xf32, #tpu.memory_space<vmem>>)
    %dma_wait3A_29 = arith.constant 0 : i32
    %dma_wait3A_30 = tpu.memref_slice %arg8[%dma_wait3A_29] : memref<32768xf32, #tpu.memory_space<vmem>> -> memref<8192xf32, #tpu.memory_space<vmem>>
    %dma_wait3A_31 = arith.constant 0 : i32
    %dma_wait3A_32 = tpu.memref_slice %arg3[%dma_wait3A_31] : memref<12800000xf32, #tpu.memory_space<hbm>> -> memref<8192xf32, #tpu.memory_space<hbm>>
    %dma_wait3A_33 = arith.constant 0 : i32
    %dma_wait3A_34 = tpu.memref_slice %arg8[%dma_wait3A_33] : memref<32768xf32, #tpu.memory_space<vmem>> -> memref<8192xf32, #tpu.memory_space<vmem>>
    %dma_wait3A_35 = arith.constant 0 : i32
    %dma_wait3A_36 = tpu.memref_slice %arg3[%dma_wait3A_35] : memref<12800000xf32, #tpu.memory_space<hbm>> -> memref<8192xf32, #tpu.memory_space<hbm>>
    tpu.wait_dma2 semaphore(%arg11 : memref<!tpu.dma_semaphore, #tpu.memory_space<semaphore_mem>>) src(%dma_wait3A_36 : memref<8192xf32, #tpu.memory_space<hbm>>) dst(%dma_wait3A_34 : memref<8192xf32, #tpu.memory_space<vmem>>)
    %scan3A_37 = arith.constant 0 : i32
    %scan3A_38 = arith.constant 128 : i32
    %scan3A_39 = arith.constant 128 : i32
    %scan3A_40 = arith.addi %scan3A_38, %scan3A_39 : i32
    %scan3A_41 = arith.constant 1 : i32
    %scan3A_42 = scf.for %scan3A_158 = %scan3A_38 to %scan3A_40 step %scan3A_41 iter_args(%scan3A_159 = %scan3A_37) -> (i32)  : i32 {
      %mul3A_160 = arith.constant 3 : i32
      %mul3A_161 = arith.muli %mul3A_160, %scan3A_158 : i32
      %get3A = arith.index_cast %mul3A_161 : i32 to index
      %get3A_162 = tpu.vector_load %arg5[%get3A] {strides = array<i32>} : memref<1552xi32, #tpu.memory_space<vmem>>, vector<16xi32>,
      %slice3A = vector.extract_strided_slice %get3A_162 {offsets = [0], sizes = [1], strides = [1]} : vector<16xi32> to vector<1xi32>
      %squeeze3A = vector.extract %slice3A[0] : i32 from vector<1xi32>
      %slice3A_163 = vector.extract_strided_slice %get3A_162 {offsets = [1], sizes = [1], strides = [1]} : vector<16xi32> to vector<1xi32>
      %squeeze3A_164 = vector.extract %slice3A_163[0] : i32 from vector<1xi32>
      %slice3A_165 = vector.extract_strided_slice %get3A_162 {offsets = [2], sizes = [1], strides = [1]} : vector<16xi32> to vector<1xi32>
      %squeeze3A_166 = vector.extract %slice3A_165[0] : i32 from vector<1xi32>
      %mul3A_167 = arith.constant 128 : i32
      %mul3A_168 = arith.muli %squeeze3A, %mul3A_167 : i32
      %mul3A_169 = arith.constant 64 : i32
      %mul3A_170 = arith.muli %scan3A_158, %mul3A_169 : i32
      %dma_start3A = tpu.memref_slice %arg6[%mul3A_170] : memref<32768xf32, #tpu.memory_space<vmem>> -> memref<64xf32, #tpu.memory_space<vmem>>
      %dma_start3A_171 = tpu.memref_slice %arg3[%mul3A_168] : memref<12800000xf32, #tpu.memory_space<hbm>> -> memref<64xf32, #tpu.memory_space<hbm>>
      %dma_start3A_172 = tpu.memref_slice %arg6[%mul3A_170] : memref<32768xf32, #tpu.memory_space<vmem>> -> memref<64xf32, #tpu.memory_space<vmem>>
      %dma_start3A_173 = tpu.memref_slice %arg3[%mul3A_168] : memref<12800000xf32, #tpu.memory_space<hbm>> -> memref<64xf32, #tpu.memory_space<hbm>>
      tpu.enqueue_dma source(%dma_start3A_173 : memref<64xf32, #tpu.memory_space<hbm>>) target(%dma_start3A_172 : memref<64xf32, #tpu.memory_space<vmem>>) target_semaphore(%arg11 : memref<!tpu.dma_semaphore, #tpu.memory_space<semaphore_mem>>)
      %mul3A_174 = arith.constant 128 : i32
      %mul3A_175 = arith.muli %squeeze3A_164, %mul3A_174 : i32
      %mul3A_176 = arith.constant 64 : i32
      %mul3A_177 = arith.muli %scan3A_158, %mul3A_176 : i32
      %dma_start3A_178 = tpu.memref_slice %arg7[%mul3A_177] : memref<32768xf32, #tpu.memory_space<vmem>> -> memref<64xf32, #tpu.memory_space<vmem>>
      %dma_start3A_179 = tpu.memref_slice %arg3[%mul3A_175] : memref<12800000xf32, #tpu.memory_space<hbm>> -> memref<64xf32, #tpu.memory_space<hbm>>
      %dma_start3A_180 = tpu.memref_slice %arg7[%mul3A_177] : memref<32768xf32, #tpu.memory_space<vmem>> -> memref<64xf32, #tpu.memory_space<vmem>>
      %dma_start3A_181 = tpu.memref_slice %arg3[%mul3A_175] : memref<12800000xf32, #tpu.memory_space<hbm>> -> memref<64xf32, #tpu.memory_space<hbm>>
      tpu.enqueue_dma source(%dma_start3A_181 : memref<64xf32, #tpu.memory_space<hbm>>) target(%dma_start3A_180 : memref<64xf32, #tpu.memory_space<vmem>>) target_semaphore(%arg11 : memref<!tpu.dma_semaphore, #tpu.memory_space<semaphore_mem>>)
      %mul3A_182 = arith.constant 128 : i32
      %mul3A_183 = arith.muli %squeeze3A_166, %mul3A_182 : i32
      %add3A_184 = arith.constant 64 : i32
      %add3A_185 = arith.addi %mul3A_183, %add3A_184 : i32
      %mul3A_186 = arith.constant 64 : i32
      %mul3A_187 = arith.muli %scan3A_158, %mul3A_186 : i32
      %dma_start3A_188 = tpu.memref_slice %arg8[%mul3A_187] : memref<32768xf32, #tpu.memory_space<vmem>> -> memref<64xf32, #tpu.memory_space<vmem>>
      %dma_start3A_189 = tpu.memref_slice %arg3[%add3A_185] : memref<12800000xf32, #tpu.memory_space<hbm>> -> memref<64xf32, #tpu.memory_space<hbm>>
      %dma_start3A_190 = tpu.memref_slice %arg8[%mul3A_187] : memref<32768xf32, #tpu.memory_space<vmem>> -> memref<64xf32, #tpu.memory_space<vmem>>
      %dma_start3A_191 = tpu.memref_slice %arg3[%add3A_185] : memref<12800000xf32, #tpu.memory_space<hbm>> -> memref<64xf32, #tpu.memory_space<hbm>>
      tpu.enqueue_dma source(%dma_start3A_191 : memref<64xf32, #tpu.memory_space<hbm>>) target(%dma_start3A_190 : memref<64xf32, #tpu.memory_space<vmem>>) target_semaphore(%arg11 : memref<!tpu.dma_semaphore, #tpu.memory_space<semaphore_mem>>)
      %scan3A_192 = arith.constant 0 : i32
      scf.yield %scan3A_192 : i32
    }
    %scan3A_43 = arith.constant 128 : i32
    %scan3A_44 = arith.constant 0 : i32
    %scan3A_45 = arith.constant 0 : i32
    %scan3A_46 = arith.constant 8 : i32
    %scan3A_47 = arith.addi %scan3A_45, %scan3A_46 : i32
    %scan3A_48 = arith.constant 1 : i32
    %scan3A_49 = scf.for %scan3A_158 = %scan3A_45 to %scan3A_47 step %scan3A_48 iter_args(%scan3A_159 = %scan3A_44) -> (i32)  : i32 {
      %mul3A_160 = arith.constant 16 : i32
      %mul3A_161 = arith.muli %scan3A_158, %mul3A_160 : i32
      %broadcast_in_dim3A = arith.constant 0.000000e+00 : f32
      %broadcast_in_dim3A_162 = vector.broadcast %broadcast_in_dim3A : f32 to vector<16xf32>
      %add3A_163 = arith.constant 0 : i32
      %add3A_164 = arith.addi %mul3A_161, %add3A_163 : i32
      %mul3A_165 = arith.constant 64 : i32
      %mul3A_166 = arith.muli %add3A_164, %mul3A_165 : i32
      %add3A_167 = arith.constant 0 : i32
      %add3A_168 = arith.addi %mul3A_166, %add3A_167 : i32
      %get3A = arith.index_cast %add3A_168 : i32 to index
      %get3A_169 = tpu.vector_load %arg6[%get3A] {strides = array<i32>} : memref<32768xf32, #tpu.memory_space<vmem>>, vector<16xf32>,
      %get3A_170 = arith.index_cast %add3A_168 : i32 to index
      %get3A_171 = tpu.vector_load %arg7[%get3A_170] {strides = array<i32>} : memref<32768xf32, #tpu.memory_space<vmem>>, vector<16xf32>,
      %get3A_172 = arith.index_cast %add3A_168 : i32 to index
      %get3A_173 = tpu.vector_load %arg8[%get3A_172] {strides = array<i32>} : memref<32768xf32, #tpu.memory_space<vmem>>, vector<16xf32>,
      %add3A_174 = arith.addf %get3A_169, %get3A_171 : vector<16xf32>
      %mul3A_175 = arith.mulf %add3A_174, %get3A_173 : vector<16xf32>
      %add3A_176 = arith.addf %broadcast_in_dim3A_162, %mul3A_175 : vector<16xf32>
      %add3A_177 = arith.constant 0 : i32
      %add3A_178 = arith.addi %mul3A_161, %add3A_177 : i32
      %mul3A_179 = arith.constant 64 : i32
      %mul3A_180 = arith.muli %add3A_178, %mul3A_179 : i32
      %add3A_181 = arith.constant 16 : i32
      %add3A_182 = arith.addi %mul3A_180, %add3A_181 : i32
      %get3A_183 = arith.index_cast %add3A_182 : i32 to index
      %get3A_184 = tpu.vector_load %arg6[%get3A_183] {strides = array<i32>} : memref<32768xf32, #tpu.memory_space<vmem>>, vector<16xf32>,
      %get3A_185 = arith.index_cast %add3A_182 : i32 to index
      %get3A_186 = tpu.vector_load %arg7[%get3A_185] {strides = array<i32>} : memref<32768xf32, #tpu.memory_space<vmem>>, vector<16xf32>,
      %get3A_187 = arith.index_cast %add3A_182 : i32 to index
      %get3A_188 = tpu.vector_load %arg8[%get3A_187] {strides = array<i32>} : memref<32768xf32, #tpu.memory_space<vmem>>, vector<16xf32>,
      %add3A_189 = arith.addf %get3A_184, %get3A_186 : vector<16xf32>
      %mul3A_190 = arith.mulf %add3A_189, %get3A_188 : vector<16xf32>
      %add3A_191 = arith.addf %add3A_176, %mul3A_190 : vector<16xf32>
      %add3A_192 = arith.constant 0 : i32
      %add3A_193 = arith.addi %mul3A_161, %add3A_192 : i32
      %mul3A_194 = arith.constant 64 : i32
      %mul3A_195 = arith.muli %add3A_193, %mul3A_194 : i32
      %add3A_196 = arith.constant 32 : i32
      %add3A_197 = arith.addi %mul3A_195, %add3A_196 : i32
      %get3A_198 = arith.index_cast %add3A_197 : i32 to index
      %get3A_199 = tpu.vector_load %arg6[%get3A_198] {strides = array<i32>} : memref<32768xf32, #tpu.memory_space<vmem>>, vector<16xf32>,
      %get3A_200 = arith.index_cast %add3A_197 : i32 to index
      %get3A_201 = tpu.vector_load %arg7[%get3A_200] {strides = array<i32>} : memref<32768xf32, #tpu.memory_space<vmem>>, vector<16xf32>,
      %get3A_202 = arith.index_cast %add3A_197 : i32 to index
      %get3A_203 = tpu.vector_load %arg8[%get3A_202] {strides = array<i32>} : memref<32768xf32, #tpu.memory_space<vmem>>, vector<16xf32>,
      %add3A_204 = arith.addf %get3A_199, %get3A_201 : vector<16xf32>
      %mul3A_205 = arith.mulf %add3A_204, %get3A_203 : vector<16xf32>
      %add3A_206 = arith.addf %add3A_191, %mul3A_205 : vector<16xf32>
      %add3A_207 = arith.constant 0 : i32
      %add3A_208 = arith.addi %mul3A_161, %add3A_207 : i32
      %mul3A_209 = arith.constant 64 : i32
      %mul3A_210 = arith.muli %add3A_208, %mul3A_209 : i32
      %add3A_211 = arith.constant 48 : i32
      %add3A_212 = arith.addi %mul3A_210, %add3A_211 : i32
      %get3A_213 = arith.index_cast %add3A_212 : i32 to index
      %get3A_214 = tpu.vector_load %arg6[%get3A_213] {strides = array<i32>} : memref<32768xf32, #tpu.memory_space<vmem>>, vector<16xf32>,
      %get3A_215 = arith.index_cast %add3A_212 : i32 to index
      %get3A_216 = tpu.vector_load %arg7[%get3A_215] {strides = array<i32>} : memref<32768xf32, #tpu.memory_space<vmem>>, vector<16xf32>,
      %get3A_217 = arith.index_cast %add3A_212 : i32 to index
      %get3A_218 = tpu.vector_load %arg8[%get3A_217] {strides = array<i32>} : memref<32768xf32, #tpu.memory_space<vmem>>, vector<16xf32>,
      %add3A_219 = arith.addf %get3A_214, %get3A_216 : vector<16xf32>
      %mul3A_220 = arith.mulf %add3A_219, %get3A_218 : vector<16xf32>
      %add3A_221 = arith.addf %add3A_206, %mul3A_220 : vector<16xf32>
      %swap3A = arith.constant 0 : index
      %swap3A_222 = tpu.vector_load %arg9[%swap3A] {strides = array<i32>} : memref<272xf32, #tpu.memory_space<vmem>>, vector<16xf32>,
      tpu.vector_store %arg9[%swap3A], %add3A_221 {strides = array<i32>} : memref<272xf32, #tpu.memory_space<vmem>>, vector<16xf32>,
      %broadcast_in_dim3A_223 = arith.constant 0.000000e+00 : f32
      %broadcast_in_dim3A_224 = vector.broadcast %broadcast_in_dim3A_223 : f32 to vector<16xf32>
      %add3A_225 = arith.constant 1 : i32
      %add3A_226 = arith.addi %mul3A_161, %add3A_225 : i32
      %mul3A_227 = arith.constant 64 : i32
      %mul3A_228 = arith.muli %add3A_226, %mul3A_227 : i32
      %add3A_229 = arith.constant 0 : i32
      %add3A_230 = arith.addi %mul3A_228, %add3A_229 : i32
      %get3A_231 = arith.index_cast %add3A_230 : i32 to index
      %get3A_232 = tpu.vector_load %arg6[%get3A_231] {strides = array<i32>} : memref<32768xf32, #tpu.memory_space<vmem>>, vector<16xf32>,
      %get3A_233 = arith.index_cast %add3A_230 : i32 to index
      %get3A_234 = tpu.vector_load %arg7[%get3A_233] {strides = array<i32>} : memref<32768xf32, #tpu.memory_space<vmem>>, vector<16xf32>,
      %get3A_235 = arith.index_cast %add3A_230 : i32 to index
      %get3A_236 = tpu.vector_load %arg8[%get3A_235] {strides = array<i32>} : memref<32768xf32, #tpu.memory_space<vmem>>, vector<16xf32>,
      %add3A_237 = arith.addf %get3A_232, %get3A_234 : vector<16xf32>
      %mul3A_238 = arith.mulf %add3A_237, %get3A_236 : vector<16xf32>
      %add3A_239 = arith.addf %broadcast_in_dim3A_224, %mul3A_238 : vector<16xf32>
      %add3A_240 = arith.constant 1 : i32
      %add3A_241 = arith.addi %mul3A_161, %add3A_240 : i32
      %mul3A_242 = arith.constant 64 : i32
      %mul3A_243 = arith.muli %add3A_241, %mul3A_242 : i32
      %add3A_244 = arith.constant 16 : i32
      %add3A_245 = arith.addi %mul3A_243, %add3A_244 : i32
      %get3A_246 = arith.index_cast %add3A_245 : i32 to index
      %get3A_247 = tpu.vector_load %arg6[%get3A_246] {strides = array<i32>} : memref<32768xf32, #tpu.memory_space<vmem>>, vector<16xf32>,
      %get3A_248 = arith.index_cast %add3A_245 : i32 to index
      %get3A_249 = tpu.vector_load %arg7[%get3A_248] {strides = array<i32>} : memref<32768xf32, #tpu.memory_space<vmem>>, vector<16xf32>,
      %get3A_250 = arith.index_cast %add3A_245 : i32 to index
      %get3A_251 = tpu.vector_load %arg8[%get3A_250] {strides = array<i32>} : memref<32768xf32, #tpu.memory_space<vmem>>, vector<16xf32>,
      %add3A_252 = arith.addf %get3A_247, %get3A_249 : vector<16xf32>
      %mul3A_253 = arith.mulf %add3A_252, %get3A_251 : vector<16xf32>
      %add3A_254 = arith.addf %add3A_239, %mul3A_253 : vector<16xf32>
      %add3A_255 = arith.constant 1 : i32
      %add3A_256 = arith.addi %mul3A_161, %add3A_255 : i32
      %mul3A_257 = arith.constant 64 : i32
      %mul3A_258 = arith.muli %add3A_256, %mul3A_257 : i32
      %add3A_259 = arith.constant 32 : i32
      %add3A_260 = arith.addi %mul3A_258, %add3A_259 : i32
      %get3A_261 = arith.index_cast %add3A_260 : i32 to index
      %get3A_262 = tpu.vector_load %arg6[%get3A_261] {strides = array<i32>} : memref<32768xf32, #tpu.memory_space<vmem>>, vector<16xf32>,
      %get3A_263 = arith.index_cast %add3A_260 : i32 to index
      %get3A_264 = tpu.vector_load %arg7[%get3A_263] {strides = array<i32>} : memref<32768xf32, #tpu.memory_space<vmem>>, vector<16xf32>,
      %get3A_265 = arith.index_cast %add3A_260 : i32 to index
      %get3A_266 = tpu.vector_load %arg8[%get3A_265] {strides = array<i32>} : memref<32768xf32, #tpu.memory_space<vmem>>, vector<16xf32>,
      %add3A_267 = arith.addf %get3A_262, %get3A_264 : vector<16xf32>
      %mul3A_268 = arith.mulf %add3A_267, %get3A_266 : vector<16xf32>
      %add3A_269 = arith.addf %add3A_254, %mul3A_268 : vector<16xf32>
      %add3A_270 = arith.constant 1 : i32
      %add3A_271 = arith.addi %mul3A_161, %add3A_270 : i32
      %mul3A_272 = arith.constant 64 : i32
      %mul3A_273 = arith.muli %add3A_271, %mul3A_272 : i32
      %add3A_274 = arith.constant 48 : i32
      %add3A_275 = arith.addi %mul3A_273, %add3A_274 : i32
      %get3A_276 = arith.index_cast %add3A_275 : i32 to index
      %get3A_277 = tpu.vector_load %arg6[%get3A_276] {strides = array<i32>} : memref<32768xf32, #tpu.memory_space<vmem>>, vector<16xf32>,
      %get3A_278 = arith.index_cast %add3A_275 : i32 to index
      %get3A_279 = tpu.vector_load %arg7[%get3A_278] {strides = array<i32>} : memref<32768xf32, #tpu.memory_space<vmem>>, vector<16xf32>,
      %get3A_280 = arith.index_cast %add3A_275 : i32 to index
      %get3A_281 = tpu.vector_load %arg8[%get3A_280] {strides = array<i32>} : memref<32768xf32, #tpu.memory_space<vmem>>, vector<16xf32>,
      %add3A_282 = arith.addf %get3A_277, %get3A_279 : vector<16xf32>
      %mul3A_283 = arith.mulf %add3A_282, %get3A_281 : vector<16xf32>
      %add3A_284 = arith.addf %add3A_269, %mul3A_283 : vector<16xf32>
      %swap3A_285 = arith.constant 17 : index
      %swap3A_286 = tpu.vector_load %arg9[%swap3A_285] {strides = array<i32>} : memref<272xf32, #tpu.memory_space<vmem>>, vector<16xf32>,
      tpu.vector_store %arg9[%swap3A_285], %add3A_284 {strides = array<i32>} : memref<272xf32, #tpu.memory_space<vmem>>, vector<16xf32>,
      %broadcast_in_dim3A_287 = arith.constant 0.000000e+00 : f32
      %broadcast_in_dim3A_288 = vector.broadcast %broadcast_in_dim3A_287 : f32 to vector<16xf32>
      %add3A_289 = arith.constant 2 : i32
      %add3A_290 = arith.addi %mul3A_161, %add3A_289 : i32
      %mul3A_291 = arith.constant 64 : i32
      %mul3A_292 = arith.muli %add3A_290, %mul3A_291 : i32
      %add3A_293 = arith.constant 0 : i32
      %add3A_294 = arith.addi %mul3A_292, %add3A_293 : i32
      %get3A_295 = arith.index_cast %add3A_294 : i32 to index
      %get3A_296 = tpu.vector_load %arg6[%get3A_295] {strides = array<i32>} : memref<32768xf32, #tpu.memory_space<vmem>>, vector<16xf32>,
      %get3A_297 = arith.index_cast %add3A_294 : i32 to index
      %get3A_298 = tpu.vector_load %arg7[%get3A_297] {strides = array<i32>} : memref<32768xf32, #tpu.memory_space<vmem>>, vector<16xf32>,
      %get3A_299 = arith.index_cast %add3A_294 : i32 to index
      %get3A_300 = tpu.vector_load %arg8[%get3A_299] {strides = array<i32>} : memref<32768xf32, #tpu.memory_space<vmem>>, vector<16xf32>,
      %add3A_301 = arith.addf %get3A_296, %get3A_298 : vector<16xf32>
      %mul3A_302 = arith.mulf %add3A_301, %get3A_300 : vector<16xf32>
      %add3A_303 = arith.addf %broadcast_in_dim3A_288, %mul3A_302 : vector<16xf32>
      %add3A_304 = arith.constant 2 : i32
      %add3A_305 = arith.addi %mul3A_161, %add3A_304 : i32
      %mul3A_306 = arith.constant 64 : i32
      %mul3A_307 = arith.muli %add3A_305, %mul3A_306 : i32
      %add3A_308 = arith.constant 16 : i32
      %add3A_309 = arith.addi %mul3A_307, %add3A_308 : i32
      %get3A_310 = arith.index_cast %add3A_309 : i32 to index
      %get3A_311 = tpu.vector_load %arg6[%get3A_310] {strides = array<i32>} : memref<32768xf32, #tpu.memory_space<vmem>>, vector<16xf32>,
      %get3A_312 = arith.index_cast %add3A_309 : i32 to index
      %get3A_313 = tpu.vector_load %arg7[%get3A_312] {strides = array<i32>} : memref<32768xf32, #tpu.memory_space<vmem>>, vector<16xf32>,
      %get3A_314 = arith.index_cast %add3A_309 : i32 to index
      %get3A_315 = tpu.vector_load %arg8[%get3A_314] {strides = array<i32>} : memref<32768xf32, #tpu.memory_space<vmem>>, vector<16xf32>,
      %add3A_316 = arith.addf %get3A_311, %get3A_313 : vector<16xf32>
      %mul3A_317 = arith.mulf %add3A_316, %get3A_315 : vector<16xf32>
      %add3A_318 = arith.addf %add3A_303, %mul3A_317 : vector<16xf32>
      %add3A_319 = arith.constant 2 : i32
      %add3A_320 = arith.addi %mul3A_161, %add3A_319 : i32
      %mul3A_321 = arith.constant 64 : i32
      %mul3A_322 = arith.muli %add3A_320, %mul3A_321 : i32
      %add3A_323 = arith.constant 32 : i32
      %add3A_324 = arith.addi %mul3A_322, %add3A_323 : i32
      %get3A_325 = arith.index_cast %add3A_324 : i32 to index
      %get3A_326 = tpu.vector_load %arg6[%get3A_325] {strides = array<i32>} : memref<32768xf32, #tpu.memory_space<vmem>>, vector<16xf32>,
      %get3A_327 = arith.index_cast %add3A_324 : i32 to index
      %get3A_328 = tpu.vector_load %arg7[%get3A_327] {strides = array<i32>} : memref<32768xf32, #tpu.memory_space<vmem>>, vector<16xf32>,
      %get3A_329 = arith.index_cast %add3A_324 : i32 to index
      %get3A_330 = tpu.vector_load %arg8[%get3A_329] {strides = array<i32>} : memref<32768xf32, #tpu.memory_space<vmem>>, vector<16xf32>,
      %add3A_331 = arith.addf %get3A_326, %get3A_328 : vector<16xf32>
      %mul3A_332 = arith.mulf %add3A_331, %get3A_330 : vector<16xf32>
      %add3A_333 = arith.addf %add3A_318, %mul3A_332 : vector<16xf32>
      %add3A_334 = arith.constant 2 : i32
      %add3A_335 = arith.addi %mul3A_161, %add3A_334 : i32
      %mul3A_336 = arith.constant 64 : i32
      %mul3A_337 = arith.muli %add3A_335, %mul3A_336 : i32
      %add3A_338 = arith.constant 48 : i32
      %add3A_339 = arith.addi %mul3A_337, %add3A_338 : i32
      %get3A_340 = arith.index_cast %add3A_339 : i32 to index
      %get3A_341 = tpu.vector_load %arg6[%get3A_340] {strides = array<i32>} : memref<32768xf32, #tpu.memory_space<vmem>>, vector<16xf32>,
      %get3A_342 = arith.index_cast %add3A_339 : i32 to index
      %get3A_343 = tpu.vector_load %arg7[%get3A_342] {strides = array<i32>} : memref<32768xf32, #tpu.memory_space<vmem>>, vector<16xf32>,
      %get3A_344 = arith.index_cast %add3A_339 : i32 to index
      %get3A_345 = tpu.vector_load %arg8[%get3A_344] {strides = array<i32>} : memref<32768xf32, #tpu.memory_space<vmem>>, vector<16xf32>,
      %add3A_346 = arith.addf %get3A_341, %get3A_343 : vector<16xf32>
      %mul3A_347 = arith.mulf %add3A_346, %get3A_345 : vector<16xf32>
      %add3A_348 = arith.addf %add3A_333, %mul3A_347 : vector<16xf32>
      %swap3A_349 = arith.constant 34 : index
      %swap3A_350 = tpu.vector_load %arg9[%swap3A_349] {strides = array<i32>} : memref<272xf32, #tpu.memory_space<vmem>>, vector<16xf32>,
      tpu.vector_store %arg9[%swap3A_349], %add3A_348 {strides = array<i32>} : memref<272xf32, #tpu.memory_space<vmem>>, vector<16xf32>,
      %broadcast_in_dim3A_351 = arith.constant 0.000000e+00 : f32
      %broadcast_in_dim3A_352 = vector.broadcast %broadcast_in_dim3A_351 : f32 to vector<16xf32>
      %add3A_353 = arith.constant 3 : i32
      %add3A_354 = arith.addi %mul3A_161, %add3A_353 : i32
      %mul3A_355 = arith.constant 64 : i32
      %mul3A_356 = arith.muli %add3A_354, %mul3A_355 : i32
      %add3A_357 = arith.constant 0 : i32
      %add3A_358 = arith.addi %mul3A_356, %add3A_357 : i32
      %get3A_359 = arith.index_cast %add3A_358 : i32 to index
      %get3A_360 = tpu.vector_load %arg6[%get3A_359] {strides = array<i32>} : memref<32768xf32, #tpu.memory_space<vmem>>, vector<16xf32>,
      %get3A_361 = arith.index_cast %add3A_358 : i32 to index
      %get3A_362 = tpu.vector_load %arg7[%get3A_361] {strides = array<i32>} : memref<32768xf32, #tpu.memory_space<vmem>>, vector<16xf32>,
      %get3A_363 = arith.index_cast %add3A_358 : i32 to index
      %get3A_364 = tpu.vector_load %arg8[%get3A_363] {strides = array<i32>} : memref<32768xf32, #tpu.memory_space<vmem>>, vector<16xf32>,
      %add3A_365 = arith.addf %get3A_360, %get3A_362 : vector<16xf32>
      %mul3A_366 = arith.mulf %add3A_365, %get3A_364 : vector<16xf32>
      %add3A_367 = arith.addf %broadcast_in_dim3A_352, %mul3A_366 : vector<16xf32>
      %add3A_368 = arith.constant 3 : i32
      %add3A_369 = arith.addi %mul3A_161, %add3A_368 : i32
      %mul3A_370 = arith.constant 64 : i32
      %mul3A_371 = arith.muli %add3A_369, %mul3A_370 : i32
      %add3A_372 = arith.constant 16 : i32
      %add3A_373 = arith.addi %mul3A_371, %add3A_372 : i32
      %get3A_374 = arith.index_cast %add3A_373 : i32 to index
      %get3A_375 = tpu.vector_load %arg6[%get3A_374] {strides = array<i32>} : memref<32768xf32, #tpu.memory_space<vmem>>, vector<16xf32>,
      %get3A_376 = arith.index_cast %add3A_373 : i32 to index
      %get3A_377 = tpu.vector_load %arg7[%get3A_376] {strides = array<i32>} : memref<32768xf32, #tpu.memory_space<vmem>>, vector<16xf32>,
      %get3A_378 = arith.index_cast %add3A_373 : i32 to index
      %get3A_379 = tpu.vector_load %arg8[%get3A_378] {strides = array<i32>} : memref<32768xf32, #tpu.memory_space<vmem>>, vector<16xf32>,
      %add3A_380 = arith.addf %get3A_375, %get3A_377 : vector<16xf32>
      %mul3A_381 = arith.mulf %add3A_380, %get3A_379 : vector<16xf32>
      %add3A_382 = arith.addf %add3A_367, %mul3A_381 : vector<16xf32>
      %add3A_383 = arith.constant 3 : i32
      %add3A_384 = arith.addi %mul3A_161, %add3A_383 : i32
      %mul3A_385 = arith.constant 64 : i32
      %mul3A_386 = arith.muli %add3A_384, %mul3A_385 : i32
      %add3A_387 = arith.constant 32 : i32
      %add3A_388 = arith.addi %mul3A_386, %add3A_387 : i32
      %get3A_389 = arith.index_cast %add3A_388 : i32 to index
      %get3A_390 = tpu.vector_load %arg6[%get3A_389] {strides = array<i32>} : memref<32768xf32, #tpu.memory_space<vmem>>, vector<16xf32>,
      %get3A_391 = arith.index_cast %add3A_388 : i32 to index
      %get3A_392 = tpu.vector_load %arg7[%get3A_391] {strides = array<i32>} : memref<32768xf32, #tpu.memory_space<vmem>>, vector<16xf32>,
      %get3A_393 = arith.index_cast %add3A_388 : i32 to index
      %get3A_394 = tpu.vector_load %arg8[%get3A_393] {strides = array<i32>} : memref<32768xf32, #tpu.memory_space<vmem>>, vector<16xf32>,
      %add3A_395 = arith.addf %get3A_390, %get3A_392 : vector<16xf32>
      %mul3A_396 = arith.mulf %add3A_395, %get3A_394 : vector<16xf32>
      %add3A_397 = arith.addf %add3A_382, %mul3A_396 : vector<16xf32>
      %add3A_398 = arith.constant 3 : i32
      %add3A_399 = arith.addi %mul3A_161, %add3A_398 : i32
      %mul3A_400 = arith.constant 64 : i32
      %mul3A_401 = arith.muli %add3A_399, %mul3A_400 : i32
      %add3A_402 = arith.constant 48 : i32
      %add3A_403 = arith.addi %mul3A_401, %add3A_402 : i32
      %get3A_404 = arith.index_cast %add3A_403 : i32 to index
      %get3A_405 = tpu.vector_load %arg6[%get3A_404] {strides = array<i32>} : memref<32768xf32, #tpu.memory_space<vmem>>, vector<16xf32>,
      %get3A_406 = arith.index_cast %add3A_403 : i32 to index
      %get3A_407 = tpu.vector_load %arg7[%get3A_406] {strides = array<i32>} : memref<32768xf32, #tpu.memory_space<vmem>>, vector<16xf32>,
      %get3A_408 = arith.index_cast %add3A_403 : i32 to index
      %get3A_409 = tpu.vector_load %arg8[%get3A_408] {strides = array<i32>} : memref<32768xf32, #tpu.memory_space<vmem>>, vector<16xf32>,
      %add3A_410 = arith.addf %get3A_405, %get3A_407 : vector<16xf32>
      %mul3A_411 = arith.mulf %add3A_410, %get3A_409 : vector<16xf32>
      %add3A_412 = arith.addf %add3A_397, %mul3A_411 : vector<16xf32>
      %swap3A_413 = arith.constant 51 : index
      %swap3A_414 = tpu.vector_load %arg9[%swap3A_413] {strides = array<i32>} : memref<272xf32, #tpu.memory_space<vmem>>, vector<16xf32>,
      tpu.vector_store %arg9[%swap3A_413], %add3A_412 {strides = array<i32>} : memref<272xf32, #tpu.memory_space<vmem>>, vector<16xf32>,
      %broadcast_in_dim3A_415 = arith.constant 0.000000e+00 : f32
      %broadcast_in_dim3A_416 = vector.broadcast %broadcast_in_dim3A_415 : f32 to vector<16xf32>
      %add3A_417 = arith.constant 4 : i32
      %add3A_418 = arith.addi %mul3A_161, %add3A_417 : i32
      %mul3A_419 = arith.constant 64 : i32
      %mul3A_420 = arith.muli %add3A_418, %mul3A_419 : i32
      %add3A_421 = arith.constant 0 : i32
      %add3A_422 = arith.addi %mul3A_420, %add3A_421 : i32
      %get3A_423 = arith.index_cast %add3A_422 : i32 to index
      %get3A_424 = tpu.vector_load %arg6[%get3A_423] {strides = array<i32>} : memref<32768xf32, #tpu.memory_space<vmem>>, vector<16xf32>,
      %get3A_425 = arith.index_cast %add3A_422 : i32 to index
      %get3A_426 = tpu.vector_load %arg7[%get3A_425] {strides = array<i32>} : memref<32768xf32, #tpu.memory_space<vmem>>, vector<16xf32>,
      %get3A_427 = arith.index_cast %add3A_422 : i32 to index
      %get3A_428 = tpu.vector_load %arg8[%get3A_427] {strides = array<i32>} : memref<32768xf32, #tpu.memory_space<vmem>>, vector<16xf32>,
      %add3A_429 = arith.addf %get3A_424, %get3A_426 : vector<16xf32>
      %mul3A_430 = arith.mulf %add3A_429, %get3A_428 : vector<16xf32>
      %add3A_431 = arith.addf %broadcast_in_dim3A_416, %mul3A_430 : vector<16xf32>
      %add3A_432 = arith.constant 4 : i32
      %add3A_433 = arith.addi %mul3A_161, %add3A_432 : i32
      %mul3A_434 = arith.constant 64 : i32
      %mul3A_435 = arith.muli %add3A_433, %mul3A_434 : i32
      %add3A_436 = arith.constant 16 : i32
      %add3A_437 = arith.addi %mul3A_435, %add3A_436 : i32
      %get3A_438 = arith.index_cast %add3A_437 : i32 to index
      %get3A_439 = tpu.vector_load %arg6[%get3A_438] {strides = array<i32>} : memref<32768xf32, #tpu.memory_space<vmem>>, vector<16xf32>,
      %get3A_440 = arith.index_cast %add3A_437 : i32 to index
      %get3A_441 = tpu.vector_load %arg7[%get3A_440] {strides = array<i32>} : memref<32768xf32, #tpu.memory_space<vmem>>, vector<16xf32>,
      %get3A_442 = arith.index_cast %add3A_437 : i32 to index
      %get3A_443 = tpu.vector_load %arg8[%get3A_442] {strides = array<i32>} : memref<32768xf32, #tpu.memory_space<vmem>>, vector<16xf32>,
      %add3A_444 = arith.addf %get3A_439, %get3A_441 : vector<16xf32>
      %mul3A_445 = arith.mulf %add3A_444, %get3A_443 : vector<16xf32>
      %add3A_446 = arith.addf %add3A_431, %mul3A_445 : vector<16xf32>
      %add3A_447 = arith.constant 4 : i32
      %add3A_448 = arith.addi %mul3A_161, %add3A_447 : i32
      %mul3A_449 = arith.constant 64 : i32
      %mul3A_450 = arith.muli %add3A_448, %mul3A_449 : i32
      %add3A_451 = arith.constant 32 : i32
      %add3A_452 = arith.addi %mul3A_450, %add3A_451 : i32
      %get3A_453 = arith.index_cast %add3A_452 : i32 to index
      %get3A_454 = tpu.vector_load %arg6[%get3A_453] {strides = array<i32>} : memref<32768xf32, #tpu.memory_space<vmem>>, vector<16xf32>,
      %get3A_455 = arith.index_cast %add3A_452 : i32 to index
      %get3A_456 = tpu.vector_load %arg7[%get3A_455] {strides = array<i32>} : memref<32768xf32, #tpu.memory_space<vmem>>, vector<16xf32>,
      %get3A_457 = arith.index_cast %add3A_452 : i32 to index
      %get3A_458 = tpu.vector_load %arg8[%get3A_457] {strides = array<i32>} : memref<32768xf32, #tpu.memory_space<vmem>>, vector<16xf32>,
      %add3A_459 = arith.addf %get3A_454, %get3A_456 : vector<16xf32>
      %mul3A_460 = arith.mulf %add3A_459, %get3A_458 : vector<16xf32>
      %add3A_461 = arith.addf %add3A_446, %mul3A_460 : vector<16xf32>
      %add3A_462 = arith.constant 4 : i32
      %add3A_463 = arith.addi %mul3A_161, %add3A_462 : i32
      %mul3A_464 = arith.constant 64 : i32
      %mul3A_465 = arith.muli %add3A_463, %mul3A_464 : i32
      %add3A_466 = arith.constant 48 : i32
      %add3A_467 = arith.addi %mul3A_465, %add3A_466 : i32
      %get3A_468 = arith.index_cast %add3A_467 : i32 to index
      %get3A_469 = tpu.vector_load %arg6[%get3A_468] {strides = array<i32>} : memref<32768xf32, #tpu.memory_space<vmem>>, vector<16xf32>,
      %get3A_470 = arith.index_cast %add3A_467 : i32 to index
      %get3A_471 = tpu.vector_load %arg7[%get3A_470] {strides = array<i32>} : memref<32768xf32, #tpu.memory_space<vmem>>, vector<16xf32>,
      %get3A_472 = arith.index_cast %add3A_467 : i32 to index
      %get3A_473 = tpu.vector_load %arg8[%get3A_472] {strides = array<i32>} : memref<32768xf32, #tpu.memory_space<vmem>>, vector<16xf32>,
      %add3A_474 = arith.addf %get3A_469, %get3A_471 : vector<16xf32>
      %mul3A_475 = arith.mulf %add3A_474, %get3A_473 : vector<16xf32>
      %add3A_476 = arith.addf %add3A_461, %mul3A_475 : vector<16xf32>
      %swap3A_477 = arith.constant 68 : index
      %swap3A_478 = tpu.vector_load %arg9[%swap3A_477] {strides = array<i32>} : memref<272xf32, #tpu.memory_space<vmem>>, vector<16xf32>,
      tpu.vector_store %arg9[%swap3A_477], %add3A_476 {strides = array<i32>} : memref<272xf32, #tpu.memory_space<vmem>>, vector<16xf32>,
      %broadcast_in_dim3A_479 = arith.constant 0.000000e+00 : f32
      %broadcast_in_dim3A_480 = vector.broadcast %broadcast_in_dim3A_479 : f32 to vector<16xf32>
      %add3A_481 = arith.constant 5 : i32
      %add3A_482 = arith.addi %mul3A_161, %add3A_481 : i32
      %mul3A_483 = arith.constant 64 : i32
      %mul3A_484 = arith.muli %add3A_482, %mul3A_483 : i32
      %add3A_485 = arith.constant 0 : i32
      %add3A_486 = arith.addi %mul3A_484, %add3A_485 : i32
      %get3A_487 = arith.index_cast %add3A_486 : i32 to index
      %get3A_488 = tpu.vector_load %arg6[%get3A_487] {strides = array<i32>} : memref<32768xf32, #tpu.memory_space<vmem>>, vector<16xf32>,
      %get3A_489 = arith.index_cast %add3A_486 : i32 to index
      %get3A_490 = tpu.vector_load %arg7[%get3A_489] {strides = array<i32>} : memref<32768xf32, #tpu.memory_space<vmem>>, vector<16xf32>,
      %get3A_491 = arith.index_cast %add3A_486 : i32 to index
      %get3A_492 = tpu.vector_load %arg8[%get3A_491] {strides = array<i32>} : memref<32768xf32, #tpu.memory_space<vmem>>, vector<16xf32>,
      %add3A_493 = arith.addf %get3A_488, %get3A_490 : vector<16xf32>
      %mul3A_494 = arith.mulf %add3A_493, %get3A_492 : vector<16xf32>
      %add3A_495 = arith.addf %broadcast_in_dim3A_480, %mul3A_494 : vector<16xf32>
      %add3A_496 = arith.constant 5 : i32
      %add3A_497 = arith.addi %mul3A_161, %add3A_496 : i32
      %mul3A_498 = arith.constant 64 : i32
      %mul3A_499 = arith.muli %add3A_497, %mul3A_498 : i32
      %add3A_500 = arith.constant 16 : i32
      %add3A_501 = arith.addi %mul3A_499, %add3A_500 : i32
      %get3A_502 = arith.index_cast %add3A_501 : i32 to index
      %get3A_503 = tpu.vector_load %arg6[%get3A_502] {strides = array<i32>} : memref<32768xf32, #tpu.memory_space<vmem>>, vector<16xf32>,
      %get3A_504 = arith.index_cast %add3A_501 : i32 to index
      %get3A_505 = tpu.vector_load %arg7[%get3A_504] {strides = array<i32>} : memref<32768xf32, #tpu.memory_space<vmem>>, vector<16xf32>,
      %get3A_506 = arith.index_cast %add3A_501 : i32 to index
      %get3A_507 = tpu.vector_load %arg8[%get3A_506] {strides = array<i32>} : memref<32768xf32, #tpu.memory_space<vmem>>, vector<16xf32>,
      %add3A_508 = arith.addf %get3A_503, %get3A_505 : vector<16xf32>
      %mul3A_509 = arith.mulf %add3A_508, %get3A_507 : vector<16xf32>
      %add3A_510 = arith.addf %add3A_495, %mul3A_509 : vector<16xf32>
      %add3A_511 = arith.constant 5 : i32
      %add3A_512 = arith.addi %mul3A_161, %add3A_511 : i32
      %mul3A_513 = arith.constant 64 : i32
      %mul3A_514 = arith.muli %add3A_512, %mul3A_513 : i32
      %add3A_515 = arith.constant 32 : i32
      %add3A_516 = arith.addi %mul3A_514, %add3A_515 : i32
      %get3A_517 = arith.index_cast %add3A_516 : i32 to index
      %get3A_518 = tpu.vector_load %arg6[%get3A_517] {strides = array<i32>} : memref<32768xf32, #tpu.memory_space<vmem>>, vector<16xf32>,
      %get3A_519 = arith.index_cast %add3A_516 : i32 to index
      %get3A_520 = tpu.vector_load %arg7[%get3A_519] {strides = array<i32>} : memref<32768xf32, #tpu.memory_space<vmem>>, vector<16xf32>,
      %get3A_521 = arith.index_cast %add3A_516 : i32 to index
      %get3A_522 = tpu.vector_load %arg8[%get3A_521] {strides = array<i32>} : memref<32768xf32, #tpu.memory_space<vmem>>, vector<16xf32>,
      %add3A_523 = arith.addf %get3A_518, %get3A_520 : vector<16xf32>
      %mul3A_524 = arith.mulf %add3A_523, %get3A_522 : vector<16xf32>
      %add3A_525 = arith.addf %add3A_510, %mul3A_524 : vector<16xf32>
      %add3A_526 = arith.constant 5 : i32
      %add3A_527 = arith.addi %mul3A_161, %add3A_526 : i32
      %mul3A_528 = arith.constant 64 : i32
      %mul3A_529 = arith.muli %add3A_527, %mul3A_528 : i32
      %add3A_530 = arith.constant 48 : i32
      %add3A_531 = arith.addi %mul3A_529, %add3A_530 : i32
      %get3A_532 = arith.index_cast %add3A_531 : i32 to index
      %get3A_533 = tpu.vector_load %arg6[%get3A_532] {strides = array<i32>} : memref<32768xf32, #tpu.memory_space<vmem>>, vector<16xf32>,
      %get3A_534 = arith.index_cast %add3A_531 : i32 to index
      %get3A_535 = tpu.vector_load %arg7[%get3A_534] {strides = array<i32>} : memref<32768xf32, #tpu.memory_space<vmem>>, vector<16xf32>,
      %get3A_536 = arith.index_cast %add3A_531 : i32 to index
      %get3A_537 = tpu.vector_load %arg8[%get3A_536] {strides = array<i32>} : memref<32768xf32, #tpu.memory_space<vmem>>, vector<16xf32>,
      %add3A_538 = arith.addf %get3A_533, %get3A_535 : vector<16xf32>
      %mul3A_539 = arith.mulf %add3A_538, %get3A_537 : vector<16xf32>
      %add3A_540 = arith.addf %add3A_525, %mul3A_539 : vector<16xf32>
      %swap3A_541 = arith.constant 85 : index
      %swap3A_542 = tpu.vector_load %arg9[%swap3A_541] {strides = array<i32>} : memref<272xf32, #tpu.memory_space<vmem>>, vector<16xf32>,
      tpu.vector_store %arg9[%swap3A_541], %add3A_540 {strides = array<i32>} : memref<272xf32, #tpu.memory_space<vmem>>, vector<16xf32>,
      %broadcast_in_dim3A_543 = arith.constant 0.000000e+00 : f32
      %broadcast_in_dim3A_544 = vector.broadcast %broadcast_in_dim3A_543 : f32 to vector<16xf32>
      %add3A_545 = arith.constant 6 : i32
      %add3A_546 = arith.addi %mul3A_161, %add3A_545 : i32
      %mul3A_547 = arith.constant 64 : i32
      %mul3A_548 = arith.muli %add3A_546, %mul3A_547 : i32
      %add3A_549 = arith.constant 0 : i32
      %add3A_550 = arith.addi %mul3A_548, %add3A_549 : i32
      %get3A_551 = arith.index_cast %add3A_550 : i32 to index
      %get3A_552 = tpu.vector_load %arg6[%get3A_551] {strides = array<i32>} : memref<32768xf32, #tpu.memory_space<vmem>>, vector<16xf32>,
      %get3A_553 = arith.index_cast %add3A_550 : i32 to index
      %get3A_554 = tpu.vector_load %arg7[%get3A_553] {strides = array<i32>} : memref<32768xf32, #tpu.memory_space<vmem>>, vector<16xf32>,
      %get3A_555 = arith.index_cast %add3A_550 : i32 to index
      %get3A_556 = tpu.vector_load %arg8[%get3A_555] {strides = array<i32>} : memref<32768xf32, #tpu.memory_space<vmem>>, vector<16xf32>,
      %add3A_557 = arith.addf %get3A_552, %get3A_554 : vector<16xf32>
      %mul3A_558 = arith.mulf %add3A_557, %get3A_556 : vector<16xf32>
      %add3A_559 = arith.addf %broadcast_in_dim3A_544, %mul3A_558 : vector<16xf32>
      %add3A_560 = arith.constant 6 : i32
      %add3A_561 = arith.addi %mul3A_161, %add3A_560 : i32
      %mul3A_562 = arith.constant 64 : i32
      %mul3A_563 = arith.muli %add3A_561, %mul3A_562 : i32
      %add3A_564 = arith.constant 16 : i32
      %add3A_565 = arith.addi %mul3A_563, %add3A_564 : i32
      %get3A_566 = arith.index_cast %add3A_565 : i32 to index
      %get3A_567 = tpu.vector_load %arg6[%get3A_566] {strides = array<i32>} : memref<32768xf32, #tpu.memory_space<vmem>>, vector<16xf32>,
      %get3A_568 = arith.index_cast %add3A_565 : i32 to index
      %get3A_569 = tpu.vector_load %arg7[%get3A_568] {strides = array<i32>} : memref<32768xf32, #tpu.memory_space<vmem>>, vector<16xf32>,
      %get3A_570 = arith.index_cast %add3A_565 : i32 to index
      %get3A_571 = tpu.vector_load %arg8[%get3A_570] {strides = array<i32>} : memref<32768xf32, #tpu.memory_space<vmem>>, vector<16xf32>,
      %add3A_572 = arith.addf %get3A_567, %get3A_569 : vector<16xf32>
      %mul3A_573 = arith.mulf %add3A_572, %get3A_571 : vector<16xf32>
      %add3A_574 = arith.addf %add3A_559, %mul3A_573 : vector<16xf32>
      %add3A_575 = arith.constant 6 : i32
      %add3A_576 = arith.addi %mul3A_161, %add3A_575 : i32
      %mul3A_577 = arith.constant 64 : i32
      %mul3A_578 = arith.muli %add3A_576, %mul3A_577 : i32
      %add3A_579 = arith.constant 32 : i32
      %add3A_580 = arith.addi %mul3A_578, %add3A_579 : i32
      %get3A_581 = arith.index_cast %add3A_580 : i32 to index
      %get3A_582 = tpu.vector_load %arg6[%get3A_581] {strides = array<i32>} : memref<32768xf32, #tpu.memory_space<vmem>>, vector<16xf32>,
      %get3A_583 = arith.index_cast %add3A_580 : i32 to index
      %get3A_584 = tpu.vector_load %arg7[%get3A_583] {strides = array<i32>} : memref<32768xf32, #tpu.memory_space<vmem>>, vector<16xf32>,
      %get3A_585 = arith.index_cast %add3A_580 : i32 to index
      %get3A_586 = tpu.vector_load %arg8[%get3A_585] {strides = array<i32>} : memref<32768xf32, #tpu.memory_space<vmem>>, vector<16xf32>,
      %add3A_587 = arith.addf %get3A_582, %get3A_584 : vector<16xf32>
      %mul3A_588 = arith.mulf %add3A_587, %get3A_586 : vector<16xf32>
      %add3A_589 = arith.addf %add3A_574, %mul3A_588 : vector<16xf32>
      %add3A_590 = arith.constant 6 : i32
      %add3A_591 = arith.addi %mul3A_161, %add3A_590 : i32
      %mul3A_592 = arith.constant 64 : i32
      %mul3A_593 = arith.muli %add3A_591, %mul3A_592 : i32
      %add3A_594 = arith.constant 48 : i32
      %add3A_595 = arith.addi %mul3A_593, %add3A_594 : i32
      %get3A_596 = arith.index_cast %add3A_595 : i32 to index
      %get3A_597 = tpu.vector_load %arg6[%get3A_596] {strides = array<i32>} : memref<32768xf32, #tpu.memory_space<vmem>>, vector<16xf32>,
      %get3A_598 = arith.index_cast %add3A_595 : i32 to index
      %get3A_599 = tpu.vector_load %arg7[%get3A_598] {strides = array<i32>} : memref<32768xf32, #tpu.memory_space<vmem>>, vector<16xf32>,
      %get3A_600 = arith.index_cast %add3A_595 : i32 to index
      %get3A_601 = tpu.vector_load %arg8[%get3A_600] {strides = array<i32>} : memref<32768xf32, #tpu.memory_space<vmem>>, vector<16xf32>,
      %add3A_602 = arith.addf %get3A_597, %get3A_599 : vector<16xf32>
      %mul3A_603 = arith.mulf %add3A_602, %get3A_601 : vector<16xf32>
      %add3A_604 = arith.addf %add3A_589, %mul3A_603 : vector<16xf32>
      %swap3A_605 = arith.constant 102 : index
      %swap3A_606 = tpu.vector_load %arg9[%swap3A_605] {strides = array<i32>} : memref<272xf32, #tpu.memory_space<vmem>>, vector<16xf32>,
      tpu.vector_store %arg9[%swap3A_605], %add3A_604 {strides = array<i32>} : memref<272xf32, #tpu.memory_space<vmem>>, vector<16xf32>,
      %broadcast_in_dim3A_607 = arith.constant 0.000000e+00 : f32
      %broadcast_in_dim3A_608 = vector.broadcast %broadcast_in_dim3A_607 : f32 to vector<16xf32>
      %add3A_609 = arith.constant 7 : i32
      %add3A_610 = arith.addi %mul3A_161, %add3A_609 : i32
      %mul3A_611 = arith.constant 64 : i32
      %mul3A_612 = arith.muli %add3A_610, %mul3A_611 : i32
      %add3A_613 = arith.constant 0 : i32
      %add3A_614 = arith.addi %mul3A_612, %add3A_613 : i32
      %get3A_615 = arith.index_cast %add3A_614 : i32 to index
      %get3A_616 = tpu.vector_load %arg6[%get3A_615] {strides = array<i32>} : memref<32768xf32, #tpu.memory_space<vmem>>, vector<16xf32>,
      %get3A_617 = arith.index_cast %add3A_614 : i32 to index
      %get3A_618 = tpu.vector_load %arg7[%get3A_617] {strides = array<i32>} : memref<32768xf32, #tpu.memory_space<vmem>>, vector<16xf32>,
      %get3A_619 = arith.index_cast %add3A_614 : i32 to index
      %get3A_620 = tpu.vector_load %arg8[%get3A_619] {strides = array<i32>} : memref<32768xf32, #tpu.memory_space<vmem>>, vector<16xf32>,
      %add3A_621 = arith.addf %get3A_616, %get3A_618 : vector<16xf32>
      %mul3A_622 = arith.mulf %add3A_621, %get3A_620 : vector<16xf32>
      %add3A_623 = arith.addf %broadcast_in_dim3A_608, %mul3A_622 : vector<16xf32>
      %add3A_624 = arith.constant 7 : i32
      %add3A_625 = arith.addi %mul3A_161, %add3A_624 : i32
      %mul3A_626 = arith.constant 64 : i32
      %mul3A_627 = arith.muli %add3A_625, %mul3A_626 : i32
      %add3A_628 = arith.constant 16 : i32
      %add3A_629 = arith.addi %mul3A_627, %add3A_628 : i32
      %get3A_630 = arith.index_cast %add3A_629 : i32 to index
      %get3A_631 = tpu.vector_load %arg6[%get3A_630] {strides = array<i32>} : memref<32768xf32, #tpu.memory_space<vmem>>, vector<16xf32>,
      %get3A_632 = arith.index_cast %add3A_629 : i32 to index
      %get3A_633 = tpu.vector_load %arg7[%get3A_632] {strides = array<i32>} : memref<32768xf32, #tpu.memory_space<vmem>>, vector<16xf32>,
      %get3A_634 = arith.index_cast %add3A_629 : i32 to index
      %get3A_635 = tpu.vector_load %arg8[%get3A_634] {strides = array<i32>} : memref<32768xf32, #tpu.memory_space<vmem>>, vector<16xf32>,
      %add3A_636 = arith.addf %get3A_631, %get3A_633 : vector<16xf32>
      %mul3A_637 = arith.mulf %add3A_636, %get3A_635 : vector<16xf32>
      %add3A_638 = arith.addf %add3A_623, %mul3A_637 : vector<16xf32>
      %add3A_639 = arith.constant 7 : i32
      %add3A_640 = arith.addi %mul3A_161, %add3A_639 : i32
      %mul3A_641 = arith.constant 64 : i32
      %mul3A_642 = arith.muli %add3A_640, %mul3A_641 : i32
      %add3A_643 = arith.constant 32 : i32
      %add3A_644 = arith.addi %mul3A_642, %add3A_643 : i32
      %get3A_645 = arith.index_cast %add3A_644 : i32 to index
      %get3A_646 = tpu.vector_load %arg6[%get3A_645] {strides = array<i32>} : memref<32768xf32, #tpu.memory_space<vmem>>, vector<16xf32>,
      %get3A_647 = arith.index_cast %add3A_644 : i32 to index
      %get3A_648 = tpu.vector_load %arg7[%get3A_647] {strides = array<i32>} : memref<32768xf32, #tpu.memory_space<vmem>>, vector<16xf32>,
      %get3A_649 = arith.index_cast %add3A_644 : i32 to index
      %get3A_650 = tpu.vector_load %arg8[%get3A_649] {strides = array<i32>} : memref<32768xf32, #tpu.memory_space<vmem>>, vector<16xf32>,
      %add3A_651 = arith.addf %get3A_646, %get3A_648 : vector<16xf32>
      %mul3A_652 = arith.mulf %add3A_651, %get3A_650 : vector<16xf32>
      %add3A_653 = arith.addf %add3A_638, %mul3A_652 : vector<16xf32>
      %add3A_654 = arith.constant 7 : i32
      %add3A_655 = arith.addi %mul3A_161, %add3A_654 : i32
      %mul3A_656 = arith.constant 64 : i32
      %mul3A_657 = arith.muli %add3A_655, %mul3A_656 : i32
      %add3A_658 = arith.constant 48 : i32
      %add3A_659 = arith.addi %mul3A_657, %add3A_658 : i32
      %get3A_660 = arith.index_cast %add3A_659 : i32 to index
      %get3A_661 = tpu.vector_load %arg6[%get3A_660] {strides = array<i32>} : memref<32768xf32, #tpu.memory_space<vmem>>, vector<16xf32>,
      %get3A_662 = arith.index_cast %add3A_659 : i32 to index
      %get3A_663 = tpu.vector_load %arg7[%get3A_662] {strides = array<i32>} : memref<32768xf32, #tpu.memory_space<vmem>>, vector<16xf32>,
      %get3A_664 = arith.index_cast %add3A_659 : i32 to index
      %get3A_665 = tpu.vector_load %arg8[%get3A_664] {strides = array<i32>} : memref<32768xf32, #tpu.memory_space<vmem>>, vector<16xf32>,
      %add3A_666 = arith.addf %get3A_661, %get3A_663 : vector<16xf32>
      %mul3A_667 = arith.mulf %add3A_666, %get3A_665 : vector<16xf32>
      %add3A_668 = arith.addf %add3A_653, %mul3A_667 : vector<16xf32>
      %swap3A_669 = arith.constant 119 : index
      %swap3A_670 = tpu.vector_load %arg9[%swap3A_669] {strides = array<i32>} : memref<272xf32, #tpu.memory_space<vmem>>, vector<16xf32>,
      tpu.vector_store %arg9[%swap3A_669], %add3A_668 {strides = array<i32>} : memref<272xf32, #tpu.memory_space<vmem>>, vector<16xf32>,
      %broadcast_in_dim3A_671 = arith.constant 0.000000e+00 : f32
      %broadcast_in_dim3A_672 = vector.broadcast %broadcast_in_dim3A_671 : f32 to vector<16xf32>
      %add3A_673 = arith.constant 8 : i32
      %add3A_674 = arith.addi %mul3A_161, %add3A_673 : i32
      %mul3A_675 = arith.constant 64 : i32
      %mul3A_676 = arith.muli %add3A_674, %mul3A_675 : i32
      %add3A_677 = arith.constant 0 : i32
      %add3A_678 = arith.addi %mul3A_676, %add3A_677 : i32
      %get3A_679 = arith.index_cast %add3A_678 : i32 to index
      %get3A_680 = tpu.vector_load %arg6[%get3A_679] {strides = array<i32>} : memref<32768xf32, #tpu.memory_space<vmem>>, vector<16xf32>,
      %get3A_681 = arith.index_cast %add3A_678 : i32 to index
      %get3A_682 = tpu.vector_load %arg7[%get3A_681] {strides = array<i32>} : memref<32768xf32, #tpu.memory_space<vmem>>, vector<16xf32>,
      %get3A_683 = arith.index_cast %add3A_678 : i32 to index
      %get3A_684 = tpu.vector_load %arg8[%get3A_683] {strides = array<i32>} : memref<32768xf32, #tpu.memory_space<vmem>>, vector<16xf32>,
      %add3A_685 = arith.addf %get3A_680, %get3A_682 : vector<16xf32>
      %mul3A_686 = arith.mulf %add3A_685, %get3A_684 : vector<16xf32>
      %add3A_687 = arith.addf %broadcast_in_dim3A_672, %mul3A_686 : vector<16xf32>
      %add3A_688 = arith.constant 8 : i32
      %add3A_689 = arith.addi %mul3A_161, %add3A_688 : i32
      %mul3A_690 = arith.constant 64 : i32
      %mul3A_691 = arith.muli %add3A_689, %mul3A_690 : i32
      %add3A_692 = arith.constant 16 : i32
      %add3A_693 = arith.addi %mul3A_691, %add3A_692 : i32
      %get3A_694 = arith.index_cast %add3A_693 : i32 to index
      %get3A_695 = tpu.vector_load %arg6[%get3A_694] {strides = array<i32>} : memref<32768xf32, #tpu.memory_space<vmem>>, vector<16xf32>,
      %get3A_696 = arith.index_cast %add3A_693 : i32 to index
      %get3A_697 = tpu.vector_load %arg7[%get3A_696] {strides = array<i32>} : memref<32768xf32, #tpu.memory_space<vmem>>, vector<16xf32>,
      %get3A_698 = arith.index_cast %add3A_693 : i32 to index
      %get3A_699 = tpu.vector_load %arg8[%get3A_698] {strides = array<i32>} : memref<32768xf32, #tpu.memory_space<vmem>>, vector<16xf32>,
      %add3A_700 = arith.addf %get3A_695, %get3A_697 : vector<16xf32>
      %mul3A_701 = arith.mulf %add3A_700, %get3A_699 : vector<16xf32>
      %add3A_702 = arith.addf %add3A_687, %mul3A_701 : vector<16xf32>
      %add3A_703 = arith.constant 8 : i32
      %add3A_704 = arith.addi %mul3A_161, %add3A_703 : i32
      %mul3A_705 = arith.constant 64 : i32
      %mul3A_706 = arith.muli %add3A_704, %mul3A_705 : i32
      %add3A_707 = arith.constant 32 : i32
      %add3A_708 = arith.addi %mul3A_706, %add3A_707 : i32
      %get3A_709 = arith.index_cast %add3A_708 : i32 to index
      %get3A_710 = tpu.vector_load %arg6[%get3A_709] {strides = array<i32>} : memref<32768xf32, #tpu.memory_space<vmem>>, vector<16xf32>,
      %get3A_711 = arith.index_cast %add3A_708 : i32 to index
      %get3A_712 = tpu.vector_load %arg7[%get3A_711] {strides = array<i32>} : memref<32768xf32, #tpu.memory_space<vmem>>, vector<16xf32>,
      %get3A_713 = arith.index_cast %add3A_708 : i32 to index
      %get3A_714 = tpu.vector_load %arg8[%get3A_713] {strides = array<i32>} : memref<32768xf32, #tpu.memory_space<vmem>>, vector<16xf32>,
      %add3A_715 = arith.addf %get3A_710, %get3A_712 : vector<16xf32>
      %mul3A_716 = arith.mulf %add3A_715, %get3A_714 : vector<16xf32>
      %add3A_717 = arith.addf %add3A_702, %mul3A_716 : vector<16xf32>
      %add3A_718 = arith.constant 8 : i32
      %add3A_719 = arith.addi %mul3A_161, %add3A_718 : i32
      %mul3A_720 = arith.constant 64 : i32
      %mul3A_721 = arith.muli %add3A_719, %mul3A_720 : i32
      %add3A_722 = arith.constant 48 : i32
      %add3A_723 = arith.addi %mul3A_721, %add3A_722 : i32
      %get3A_724 = arith.index_cast %add3A_723 : i32 to index
      %get3A_725 = tpu.vector_load %arg6[%get3A_724] {strides = array<i32>} : memref<32768xf32, #tpu.memory_space<vmem>>, vector<16xf32>,
      %get3A_726 = arith.index_cast %add3A_723 : i32 to index
      %get3A_727 = tpu.vector_load %arg7[%get3A_726] {strides = array<i32>} : memref<32768xf32, #tpu.memory_space<vmem>>, vector<16xf32>,
      %get3A_728 = arith.index_cast %add3A_723 : i32 to index
      %get3A_729 = tpu.vector_load %arg8[%get3A_728] {strides = array<i32>} : memref<32768xf32, #tpu.memory_space<vmem>>, vector<16xf32>,
      %add3A_730 = arith.addf %get3A_725, %get3A_727 : vector<16xf32>
      %mul3A_731 = arith.mulf %add3A_730, %get3A_729 : vector<16xf32>
      %add3A_732 = arith.addf %add3A_717, %mul3A_731 : vector<16xf32>
      %swap3A_733 = arith.constant 136 : index
      %swap3A_734 = tpu.vector_load %arg9[%swap3A_733] {strides = array<i32>} : memref<272xf32, #tpu.memory_space<vmem>>, vector<16xf32>,
      tpu.vector_store %arg9[%swap3A_733], %add3A_732 {strides = array<i32>} : memref<272xf32, #tpu.memory_space<vmem>>, vector<16xf32>,
      %broadcast_in_dim3A_735 = arith.constant 0.000000e+00 : f32
      %broadcast_in_dim3A_736 = vector.broadcast %broadcast_in_dim3A_735 : f32 to vector<16xf32>
      %add3A_737 = arith.constant 9 : i32
      %add3A_738 = arith.addi %mul3A_161, %add3A_737 : i32
      %mul3A_739 = arith.constant 64 : i32
      %mul3A_740 = arith.muli %add3A_738, %mul3A_739 : i32
      %add3A_741 = arith.constant 0 : i32
      %add3A_742 = arith.addi %mul3A_740, %add3A_741 : i32
      %get3A_743 = arith.index_cast %add3A_742 : i32 to index
      %get3A_744 = tpu.vector_load %arg6[%get3A_743] {strides = array<i32>} : memref<32768xf32, #tpu.memory_space<vmem>>, vector<16xf32>,
      %get3A_745 = arith.index_cast %add3A_742 : i32 to index
      %get3A_746 = tpu.vector_load %arg7[%get3A_745] {strides = array<i32>} : memref<32768xf32, #tpu.memory_space<vmem>>, vector<16xf32>,
      %get3A_747 = arith.index_cast %add3A_742 : i32 to index
      %get3A_748 = tpu.vector_load %arg8[%get3A_747] {strides = array<i32>} : memref<32768xf32, #tpu.memory_space<vmem>>, vector<16xf32>,
      %add3A_749 = arith.addf %get3A_744, %get3A_746 : vector<16xf32>
      %mul3A_750 = arith.mulf %add3A_749, %get3A_748 : vector<16xf32>
      %add3A_751 = arith.addf %broadcast_in_dim3A_736, %mul3A_750 : vector<16xf32>
      %add3A_752 = arith.constant 9 : i32
      %add3A_753 = arith.addi %mul3A_161, %add3A_752 : i32
      %mul3A_754 = arith.constant 64 : i32
      %mul3A_755 = arith.muli %add3A_753, %mul3A_754 : i32
      %add3A_756 = arith.constant 16 : i32
      %add3A_757 = arith.addi %mul3A_755, %add3A_756 : i32
      %get3A_758 = arith.index_cast %add3A_757 : i32 to index
      %get3A_759 = tpu.vector_load %arg6[%get3A_758] {strides = array<i32>} : memref<32768xf32, #tpu.memory_space<vmem>>, vector<16xf32>,
      %get3A_760 = arith.index_cast %add3A_757 : i32 to index
      %get3A_761 = tpu.vector_load %arg7[%get3A_760] {strides = array<i32>} : memref<32768xf32, #tpu.memory_space<vmem>>, vector<16xf32>,
      %get3A_762 = arith.index_cast %add3A_757 : i32 to index
      %get3A_763 = tpu.vector_load %arg8[%get3A_762] {strides = array<i32>} : memref<32768xf32, #tpu.memory_space<vmem>>, vector<16xf32>,
      %add3A_764 = arith.addf %get3A_759, %get3A_761 : vector<16xf32>
      %mul3A_765 = arith.mulf %add3A_764, %get3A_763 : vector<16xf32>
      %add3A_766 = arith.addf %add3A_751, %mul3A_765 : vector<16xf32>
      %add3A_767 = arith.constant 9 : i32
      %add3A_768 = arith.addi %mul3A_161, %add3A_767 : i32
      %mul3A_769 = arith.constant 64 : i32
      %mul3A_770 = arith.muli %add3A_768, %mul3A_769 : i32
      %add3A_771 = arith.constant 32 : i32
      %add3A_772 = arith.addi %mul3A_770, %add3A_771 : i32
      %get3A_773 = arith.index_cast %add3A_772 : i32 to index
      %get3A_774 = tpu.vector_load %arg6[%get3A_773] {strides = array<i32>} : memref<32768xf32, #tpu.memory_space<vmem>>, vector<16xf32>,
      %get3A_775 = arith.index_cast %add3A_772 : i32 to index
      %get3A_776 = tpu.vector_load %arg7[%get3A_775] {strides = array<i32>} : memref<32768xf32, #tpu.memory_space<vmem>>, vector<16xf32>,
      %get3A_777 = arith.index_cast %add3A_772 : i32 to index
      %get3A_778 = tpu.vector_load %arg8[%get3A_777] {strides = array<i32>} : memref<32768xf32, #tpu.memory_space<vmem>>, vector<16xf32>,
      %add3A_779 = arith.addf %get3A_774, %get3A_776 : vector<16xf32>
      %mul3A_780 = arith.mulf %add3A_779, %get3A_778 : vector<16xf32>
      %add3A_781 = arith.addf %add3A_766, %mul3A_780 : vector<16xf32>
      %add3A_782 = arith.constant 9 : i32
      %add3A_783 = arith.addi %mul3A_161, %add3A_782 : i32
      %mul3A_784 = arith.constant 64 : i32
      %mul3A_785 = arith.muli %add3A_783, %mul3A_784 : i32
      %add3A_786 = arith.constant 48 : i32
      %add3A_787 = arith.addi %mul3A_785, %add3A_786 : i32
      %get3A_788 = arith.index_cast %add3A_787 : i32 to index
      %get3A_789 = tpu.vector_load %arg6[%get3A_788] {strides = array<i32>} : memref<32768xf32, #tpu.memory_space<vmem>>, vector<16xf32>,
      %get3A_790 = arith.index_cast %add3A_787 : i32 to index
      %get3A_791 = tpu.vector_load %arg7[%get3A_790] {strides = array<i32>} : memref<32768xf32, #tpu.memory_space<vmem>>, vector<16xf32>,
      %get3A_792 = arith.index_cast %add3A_787 : i32 to index
      %get3A_793 = tpu.vector_load %arg8[%get3A_792] {strides = array<i32>} : memref<32768xf32, #tpu.memory_space<vmem>>, vector<16xf32>,
      %add3A_794 = arith.addf %get3A_789, %get3A_791 : vector<16xf32>
      %mul3A_795 = arith.mulf %add3A_794, %get3A_793 : vector<16xf32>
      %add3A_796 = arith.addf %add3A_781, %mul3A_795 : vector<16xf32>
      %swap3A_797 = arith.constant 153 : index
      %swap3A_798 = tpu.vector_load %arg9[%swap3A_797] {strides = array<i32>} : memref<272xf32, #tpu.memory_space<vmem>>, vector<16xf32>,
      tpu.vector_store %arg9[%swap3A_797], %add3A_796 {strides = array<i32>} : memref<272xf32, #tpu.memory_space<vmem>>, vector<16xf32>,
      %broadcast_in_dim3A_799 = arith.constant 0.000000e+00 : f32
      %broadcast_in_dim3A_800 = vector.broadcast %broadcast_in_dim3A_799 : f32 to vector<16xf32>
      %add3A_801 = arith.constant 10 : i32
      %add3A_802 = arith.addi %mul3A_161, %add3A_801 : i32
      %mul3A_803 = arith.constant 64 : i32
      %mul3A_804 = arith.muli %add3A_802, %mul3A_803 : i32
      %add3A_805 = arith.constant 0 : i32
      %add3A_806 = arith.addi %mul3A_804, %add3A_805 : i32
      %get3A_807 = arith.index_cast %add3A_806 : i32 to index
      %get3A_808 = tpu.vector_load %arg6[%get3A_807] {strides = array<i32>} : memref<32768xf32, #tpu.memory_space<vmem>>, vector<16xf32>,
      %get3A_809 = arith.index_cast %add3A_806 : i32 to index
      %get3A_810 = tpu.vector_load %arg7[%get3A_809] {strides = array<i32>} : memref<32768xf32, #tpu.memory_space<vmem>>, vector<16xf32>,
      %get3A_811 = arith.index_cast %add3A_806 : i32 to index
      %get3A_812 = tpu.vector_load %arg8[%get3A_811] {strides = array<i32>} : memref<32768xf32, #tpu.memory_space<vmem>>, vector<16xf32>,
      %add3A_813 = arith.addf %get3A_808, %get3A_810 : vector<16xf32>
      %mul3A_814 = arith.mulf %add3A_813, %get3A_812 : vector<16xf32>
      %add3A_815 = arith.addf %broadcast_in_dim3A_800, %mul3A_814 : vector<16xf32>
      %add3A_816 = arith.constant 10 : i32
      %add3A_817 = arith.addi %mul3A_161, %add3A_816 : i32
      %mul3A_818 = arith.constant 64 : i32
      %mul3A_819 = arith.muli %add3A_817, %mul3A_818 : i32
      %add3A_820 = arith.constant 16 : i32
      %add3A_821 = arith.addi %mul3A_819, %add3A_820 : i32
      %get3A_822 = arith.index_cast %add3A_821 : i32 to index
      %get3A_823 = tpu.vector_load %arg6[%get3A_822] {strides = array<i32>} : memref<32768xf32, #tpu.memory_space<vmem>>, vector<16xf32>,
      %get3A_824 = arith.index_cast %add3A_821 : i32 to index
      %get3A_825 = tpu.vector_load %arg7[%get3A_824] {strides = array<i32>} : memref<32768xf32, #tpu.memory_space<vmem>>, vector<16xf32>,
      %get3A_826 = arith.index_cast %add3A_821 : i32 to index
      %get3A_827 = tpu.vector_load %arg8[%get3A_826] {strides = array<i32>} : memref<32768xf32, #tpu.memory_space<vmem>>, vector<16xf32>,
      %add3A_828 = arith.addf %get3A_823, %get3A_825 : vector<16xf32>
      %mul3A_829 = arith.mulf %add3A_828, %get3A_827 : vector<16xf32>
      %add3A_830 = arith.addf %add3A_815, %mul3A_829 : vector<16xf32>
      %add3A_831 = arith.constant 10 : i32
      %add3A_832 = arith.addi %mul3A_161, %add3A_831 : i32
      %mul3A_833 = arith.constant 64 : i32
      %mul3A_834 = arith.muli %add3A_832, %mul3A_833 : i32
      %add3A_835 = arith.constant 32 : i32
      %add3A_836 = arith.addi %mul3A_834, %add3A_835 : i32
      %get3A_837 = arith.index_cast %add3A_836 : i32 to index
      %get3A_838 = tpu.vector_load %arg6[%get3A_837] {strides = array<i32>} : memref<32768xf32, #tpu.memory_space<vmem>>, vector<16xf32>,
      %get3A_839 = arith.index_cast %add3A_836 : i32 to index
      %get3A_840 = tpu.vector_load %arg7[%get3A_839] {strides = array<i32>} : memref<32768xf32, #tpu.memory_space<vmem>>, vector<16xf32>,
      %get3A_841 = arith.index_cast %add3A_836 : i32 to index
      %get3A_842 = tpu.vector_load %arg8[%get3A_841] {strides = array<i32>} : memref<32768xf32, #tpu.memory_space<vmem>>, vector<16xf32>,
      %add3A_843 = arith.addf %get3A_838, %get3A_840 : vector<16xf32>
      %mul3A_844 = arith.mulf %add3A_843, %get3A_842 : vector<16xf32>
      %add3A_845 = arith.addf %add3A_830, %mul3A_844 : vector<16xf32>
      %add3A_846 = arith.constant 10 : i32
      %add3A_847 = arith.addi %mul3A_161, %add3A_846 : i32
      %mul3A_848 = arith.constant 64 : i32
      %mul3A_849 = arith.muli %add3A_847, %mul3A_848 : i32
      %add3A_850 = arith.constant 48 : i32
      %add3A_851 = arith.addi %mul3A_849, %add3A_850 : i32
      %get3A_852 = arith.index_cast %add3A_851 : i32 to index
      %get3A_853 = tpu.vector_load %arg6[%get3A_852] {strides = array<i32>} : memref<32768xf32, #tpu.memory_space<vmem>>, vector<16xf32>,
      %get3A_854 = arith.index_cast %add3A_851 : i32 to index
      %get3A_855 = tpu.vector_load %arg7[%get3A_854] {strides = array<i32>} : memref<32768xf32, #tpu.memory_space<vmem>>, vector<16xf32>,
      %get3A_856 = arith.index_cast %add3A_851 : i32 to index
      %get3A_857 = tpu.vector_load %arg8[%get3A_856] {strides = array<i32>} : memref<32768xf32, #tpu.memory_space<vmem>>, vector<16xf32>,
      %add3A_858 = arith.addf %get3A_853, %get3A_855 : vector<16xf32>
      %mul3A_859 = arith.mulf %add3A_858, %get3A_857 : vector<16xf32>
      %add3A_860 = arith.addf %add3A_845, %mul3A_859 : vector<16xf32>
      %swap3A_861 = arith.constant 170 : index
      %swap3A_862 = tpu.vector_load %arg9[%swap3A_861] {strides = array<i32>} : memref<272xf32, #tpu.memory_space<vmem>>, vector<16xf32>,
      tpu.vector_store %arg9[%swap3A_861], %add3A_860 {strides = array<i32>} : memref<272xf32, #tpu.memory_space<vmem>>, vector<16xf32>,
      %broadcast_in_dim3A_863 = arith.constant 0.000000e+00 : f32
      %broadcast_in_dim3A_864 = vector.broadcast %broadcast_in_dim3A_863 : f32 to vector<16xf32>
      %add3A_865 = arith.constant 11 : i32
      %add3A_866 = arith.addi %mul3A_161, %add3A_865 : i32
      %mul3A_867 = arith.constant 64 : i32
      %mul3A_868 = arith.muli %add3A_866, %mul3A_867 : i32
      %add3A_869 = arith.constant 0 : i32
      %add3A_870 = arith.addi %mul3A_868, %add3A_869 : i32
      %get3A_871 = arith.index_cast %add3A_870 : i32 to index
      %get3A_872 = tpu.vector_load %arg6[%get3A_871] {strides = array<i32>} : memref<32768xf32, #tpu.memory_space<vmem>>, vector<16xf32>,
      %get3A_873 = arith.index_cast %add3A_870 : i32 to index
      %get3A_874 = tpu.vector_load %arg7[%get3A_873] {strides = array<i32>} : memref<32768xf32, #tpu.memory_space<vmem>>, vector<16xf32>,
      %get3A_875 = arith.index_cast %add3A_870 : i32 to index
      %get3A_876 = tpu.vector_load %arg8[%get3A_875] {strides = array<i32>} : memref<32768xf32, #tpu.memory_space<vmem>>, vector<16xf32>,
      %add3A_877 = arith.addf %get3A_872, %get3A_874 : vector<16xf32>
      %mul3A_878 = arith.mulf %add3A_877, %get3A_876 : vector<16xf32>
      %add3A_879 = arith.addf %broadcast_in_dim3A_864, %mul3A_878 : vector<16xf32>
      %add3A_880 = arith.constant 11 : i32
      %add3A_881 = arith.addi %mul3A_161, %add3A_880 : i32
      %mul3A_882 = arith.constant 64 : i32
      %mul3A_883 = arith.muli %add3A_881, %mul3A_882 : i32
      %add3A_884 = arith.constant 16 : i32
      %add3A_885 = arith.addi %mul3A_883, %add3A_884 : i32
      %get3A_886 = arith.index_cast %add3A_885 : i32 to index
      %get3A_887 = tpu.vector_load %arg6[%get3A_886] {strides = array<i32>} : memref<32768xf32, #tpu.memory_space<vmem>>, vector<16xf32>,
      %get3A_888 = arith.index_cast %add3A_885 : i32 to index
      %get3A_889 = tpu.vector_load %arg7[%get3A_888] {strides = array<i32>} : memref<32768xf32, #tpu.memory_space<vmem>>, vector<16xf32>,
      %get3A_890 = arith.index_cast %add3A_885 : i32 to index
      %get3A_891 = tpu.vector_load %arg8[%get3A_890] {strides = array<i32>} : memref<32768xf32, #tpu.memory_space<vmem>>, vector<16xf32>,
      %add3A_892 = arith.addf %get3A_887, %get3A_889 : vector<16xf32>
      %mul3A_893 = arith.mulf %add3A_892, %get3A_891 : vector<16xf32>
      %add3A_894 = arith.addf %add3A_879, %mul3A_893 : vector<16xf32>
      %add3A_895 = arith.constant 11 : i32
      %add3A_896 = arith.addi %mul3A_161, %add3A_895 : i32
      %mul3A_897 = arith.constant 64 : i32
      %mul3A_898 = arith.muli %add3A_896, %mul3A_897 : i32
      %add3A_899 = arith.constant 32 : i32
      %add3A_900 = arith.addi %mul3A_898, %add3A_899 : i32
      %get3A_901 = arith.index_cast %add3A_900 : i32 to index
      %get3A_902 = tpu.vector_load %arg6[%get3A_901] {strides = array<i32>} : memref<32768xf32, #tpu.memory_space<vmem>>, vector<16xf32>,
      %get3A_903 = arith.index_cast %add3A_900 : i32 to index
      %get3A_904 = tpu.vector_load %arg7[%get3A_903] {strides = array<i32>} : memref<32768xf32, #tpu.memory_space<vmem>>, vector<16xf32>,
      %get3A_905 = arith.index_cast %add3A_900 : i32 to index
      %get3A_906 = tpu.vector_load %arg8[%get3A_905] {strides = array<i32>} : memref<32768xf32, #tpu.memory_space<vmem>>, vector<16xf32>,
      %add3A_907 = arith.addf %get3A_902, %get3A_904 : vector<16xf32>
      %mul3A_908 = arith.mulf %add3A_907, %get3A_906 : vector<16xf32>
      %add3A_909 = arith.addf %add3A_894, %mul3A_908 : vector<16xf32>
      %add3A_910 = arith.constant 11 : i32
      %add3A_911 = arith.addi %mul3A_161, %add3A_910 : i32
      %mul3A_912 = arith.constant 64 : i32
      %mul3A_913 = arith.muli %add3A_911, %mul3A_912 : i32
      %add3A_914 = arith.constant 48 : i32
      %add3A_915 = arith.addi %mul3A_913, %add3A_914 : i32
      %get3A_916 = arith.index_cast %add3A_915 : i32 to index
      %get3A_917 = tpu.vector_load %arg6[%get3A_916] {strides = array<i32>} : memref<32768xf32, #tpu.memory_space<vmem>>, vector<16xf32>,
      %get3A_918 = arith.index_cast %add3A_915 : i32 to index
      %get3A_919 = tpu.vector_load %arg7[%get3A_918] {strides = array<i32>} : memref<32768xf32, #tpu.memory_space<vmem>>, vector<16xf32>,
      %get3A_920 = arith.index_cast %add3A_915 : i32 to index
      %get3A_921 = tpu.vector_load %arg8[%get3A_920] {strides = array<i32>} : memref<32768xf32, #tpu.memory_space<vmem>>, vector<16xf32>,
      %add3A_922 = arith.addf %get3A_917, %get3A_919 : vector<16xf32>
      %mul3A_923 = arith.mulf %add3A_922, %get3A_921 : vector<16xf32>
      %add3A_924 = arith.addf %add3A_909, %mul3A_923 : vector<16xf32>
      %swap3A_925 = arith.constant 187 : index
      %swap3A_926 = tpu.vector_load %arg9[%swap3A_925] {strides = array<i32>} : memref<272xf32, #tpu.memory_space<vmem>>, vector<16xf32>,
      tpu.vector_store %arg9[%swap3A_925], %add3A_924 {strides = array<i32>} : memref<272xf32, #tpu.memory_space<vmem>>, vector<16xf32>,
      %broadcast_in_dim3A_927 = arith.constant 0.000000e+00 : f32
      %broadcast_in_dim3A_928 = vector.broadcast %broadcast_in_dim3A_927 : f32 to vector<16xf32>
      %add3A_929 = arith.constant 12 : i32
      %add3A_930 = arith.addi %mul3A_161, %add3A_929 : i32
      %mul3A_931 = arith.constant 64 : i32
      %mul3A_932 = arith.muli %add3A_930, %mul3A_931 : i32
      %add3A_933 = arith.constant 0 : i32
      %add3A_934 = arith.addi %mul3A_932, %add3A_933 : i32
      %get3A_935 = arith.index_cast %add3A_934 : i32 to index
      %get3A_936 = tpu.vector_load %arg6[%get3A_935] {strides = array<i32>} : memref<32768xf32, #tpu.memory_space<vmem>>, vector<16xf32>,
      %get3A_937 = arith.index_cast %add3A_934 : i32 to index
      %get3A_938 = tpu.vector_load %arg7[%get3A_937] {strides = array<i32>} : memref<32768xf32, #tpu.memory_space<vmem>>, vector<16xf32>,
      %get3A_939 = arith.index_cast %add3A_934 : i32 to index
      %get3A_940 = tpu.vector_load %arg8[%get3A_939] {strides = array<i32>} : memref<32768xf32, #tpu.memory_space<vmem>>, vector<16xf32>,
      %add3A_941 = arith.addf %get3A_936, %get3A_938 : vector<16xf32>
      %mul3A_942 = arith.mulf %add3A_941, %get3A_940 : vector<16xf32>
      %add3A_943 = arith.addf %broadcast_in_dim3A_928, %mul3A_942 : vector<16xf32>
      %add3A_944 = arith.constant 12 : i32
      %add3A_945 = arith.addi %mul3A_161, %add3A_944 : i32
      %mul3A_946 = arith.constant 64 : i32
      %mul3A_947 = arith.muli %add3A_945, %mul3A_946 : i32
      %add3A_948 = arith.constant 16 : i32
      %add3A_949 = arith.addi %mul3A_947, %add3A_948 : i32
      %get3A_950 = arith.index_cast %add3A_949 : i32 to index
      %get3A_951 = tpu.vector_load %arg6[%get3A_950] {strides = array<i32>} : memref<32768xf32, #tpu.memory_space<vmem>>, vector<16xf32>,
      %get3A_952 = arith.index_cast %add3A_949 : i32 to index
      %get3A_953 = tpu.vector_load %arg7[%get3A_952] {strides = array<i32>} : memref<32768xf32, #tpu.memory_space<vmem>>, vector<16xf32>,
      %get3A_954 = arith.index_cast %add3A_949 : i32 to index
      %get3A_955 = tpu.vector_load %arg8[%get3A_954] {strides = array<i32>} : memref<32768xf32, #tpu.memory_space<vmem>>, vector<16xf32>,
      %add3A_956 = arith.addf %get3A_951, %get3A_953 : vector<16xf32>
      %mul3A_957 = arith.mulf %add3A_956, %get3A_955 : vector<16xf32>
      %add3A_958 = arith.addf %add3A_943, %mul3A_957 : vector<16xf32>
      %add3A_959 = arith.constant 12 : i32
      %add3A_960 = arith.addi %mul3A_161, %add3A_959 : i32
      %mul3A_961 = arith.constant 64 : i32
      %mul3A_962 = arith.muli %add3A_960, %mul3A_961 : i32
      %add3A_963 = arith.constant 32 : i32
      %add3A_964 = arith.addi %mul3A_962, %add3A_963 : i32
      %get3A_965 = arith.index_cast %add3A_964 : i32 to index
      %get3A_966 = tpu.vector_load %arg6[%get3A_965] {strides = array<i32>} : memref<32768xf32, #tpu.memory_space<vmem>>, vector<16xf32>,
      %get3A_967 = arith.index_cast %add3A_964 : i32 to index
      %get3A_968 = tpu.vector_load %arg7[%get3A_967] {strides = array<i32>} : memref<32768xf32, #tpu.memory_space<vmem>>, vector<16xf32>,
      %get3A_969 = arith.index_cast %add3A_964 : i32 to index
      %get3A_970 = tpu.vector_load %arg8[%get3A_969] {strides = array<i32>} : memref<32768xf32, #tpu.memory_space<vmem>>, vector<16xf32>,
      %add3A_971 = arith.addf %get3A_966, %get3A_968 : vector<16xf32>
      %mul3A_972 = arith.mulf %add3A_971, %get3A_970 : vector<16xf32>
      %add3A_973 = arith.addf %add3A_958, %mul3A_972 : vector<16xf32>
      %add3A_974 = arith.constant 12 : i32
      %add3A_975 = arith.addi %mul3A_161, %add3A_974 : i32
      %mul3A_976 = arith.constant 64 : i32
      %mul3A_977 = arith.muli %add3A_975, %mul3A_976 : i32
      %add3A_978 = arith.constant 48 : i32
      %add3A_979 = arith.addi %mul3A_977, %add3A_978 : i32
      %get3A_980 = arith.index_cast %add3A_979 : i32 to index
      %get3A_981 = tpu.vector_load %arg6[%get3A_980] {strides = array<i32>} : memref<32768xf32, #tpu.memory_space<vmem>>, vector<16xf32>,
      %get3A_982 = arith.index_cast %add3A_979 : i32 to index
      %get3A_983 = tpu.vector_load %arg7[%get3A_982] {strides = array<i32>} : memref<32768xf32, #tpu.memory_space<vmem>>, vector<16xf32>,
      %get3A_984 = arith.index_cast %add3A_979 : i32 to index
      %get3A_985 = tpu.vector_load %arg8[%get3A_984] {strides = array<i32>} : memref<32768xf32, #tpu.memory_space<vmem>>, vector<16xf32>,
      %add3A_986 = arith.addf %get3A_981, %get3A_983 : vector<16xf32>
      %mul3A_987 = arith.mulf %add3A_986, %get3A_985 : vector<16xf32>
      %add3A_988 = arith.addf %add3A_973, %mul3A_987 : vector<16xf32>
      %swap3A_989 = arith.constant 204 : index
      %swap3A_990 = tpu.vector_load %arg9[%swap3A_989] {strides = array<i32>} : memref<272xf32, #tpu.memory_space<vmem>>, vector<16xf32>,
      tpu.vector_store %arg9[%swap3A_989], %add3A_988 {strides = array<i32>} : memref<272xf32, #tpu.memory_space<vmem>>, vector<16xf32>,
      %broadcast_in_dim3A_991 = arith.constant 0.000000e+00 : f32
      %broadcast_in_dim3A_992 = vector.broadcast %broadcast_in_dim3A_991 : f32 to vector<16xf32>
      %add3A_993 = arith.constant 13 : i32
      %add3A_994 = arith.addi %mul3A_161, %add3A_993 : i32
      %mul3A_995 = arith.constant 64 : i32
      %mul3A_996 = arith.muli %add3A_994, %mul3A_995 : i32
      %add3A_997 = arith.constant 0 : i32
      %add3A_998 = arith.addi %mul3A_996, %add3A_997 : i32
      %get3A_999 = arith.index_cast %add3A_998 : i32 to index
      %get3A_1000 = tpu.vector_load %arg6[%get3A_999] {strides = array<i32>} : memref<32768xf32, #tpu.memory_space<vmem>>, vector<16xf32>,
      %get3A_1001 = arith.index_cast %add3A_998 : i32 to index
      %get3A_1002 = tpu.vector_load %arg7[%get3A_1001] {strides = array<i32>} : memref<32768xf32, #tpu.memory_space<vmem>>, vector<16xf32>,
      %get3A_1003 = arith.index_cast %add3A_998 : i32 to index
      %get3A_1004 = tpu.vector_load %arg8[%get3A_1003] {strides = array<i32>} : memref<32768xf32, #tpu.memory_space<vmem>>, vector<16xf32>,
      %add3A_1005 = arith.addf %get3A_1000, %get3A_1002 : vector<16xf32>
      %mul3A_1006 = arith.mulf %add3A_1005, %get3A_1004 : vector<16xf32>
      %add3A_1007 = arith.addf %broadcast_in_dim3A_992, %mul3A_1006 : vector<16xf32>
      %add3A_1008 = arith.constant 13 : i32
      %add3A_1009 = arith.addi %mul3A_161, %add3A_1008 : i32
      %mul3A_1010 = arith.constant 64 : i32
      %mul3A_1011 = arith.muli %add3A_1009, %mul3A_1010 : i32
      %add3A_1012 = arith.constant 16 : i32
      %add3A_1013 = arith.addi %mul3A_1011, %add3A_1012 : i32
      %get3A_1014 = arith.index_cast %add3A_1013 : i32 to index
      %get3A_1015 = tpu.vector_load %arg6[%get3A_1014] {strides = array<i32>} : memref<32768xf32, #tpu.memory_space<vmem>>, vector<16xf32>,
      %get3A_1016 = arith.index_cast %add3A_1013 : i32 to index
      %get3A_1017 = tpu.vector_load %arg7[%get3A_1016] {strides = array<i32>} : memref<32768xf32, #tpu.memory_space<vmem>>, vector<16xf32>,
      %get3A_1018 = arith.index_cast %add3A_1013 : i32 to index
      %get3A_1019 = tpu.vector_load %arg8[%get3A_1018] {strides = array<i32>} : memref<32768xf32, #tpu.memory_space<vmem>>, vector<16xf32>,
      %add3A_1020 = arith.addf %get3A_1015, %get3A_1017 : vector<16xf32>
      %mul3A_1021 = arith.mulf %add3A_1020, %get3A_1019 : vector<16xf32>
      %add3A_1022 = arith.addf %add3A_1007, %mul3A_1021 : vector<16xf32>
      %add3A_1023 = arith.constant 13 : i32
      %add3A_1024 = arith.addi %mul3A_161, %add3A_1023 : i32
      %mul3A_1025 = arith.constant 64 : i32
      %mul3A_1026 = arith.muli %add3A_1024, %mul3A_1025 : i32
      %add3A_1027 = arith.constant 32 : i32
      %add3A_1028 = arith.addi %mul3A_1026, %add3A_1027 : i32
      %get3A_1029 = arith.index_cast %add3A_1028 : i32 to index
      %get3A_1030 = tpu.vector_load %arg6[%get3A_1029] {strides = array<i32>} : memref<32768xf32, #tpu.memory_space<vmem>>, vector<16xf32>,
      %get3A_1031 = arith.index_cast %add3A_1028 : i32 to index
      %get3A_1032 = tpu.vector_load %arg7[%get3A_1031] {strides = array<i32>} : memref<32768xf32, #tpu.memory_space<vmem>>, vector<16xf32>,
      %get3A_1033 = arith.index_cast %add3A_1028 : i32 to index
      %get3A_1034 = tpu.vector_load %arg8[%get3A_1033] {strides = array<i32>} : memref<32768xf32, #tpu.memory_space<vmem>>, vector<16xf32>,
      %add3A_1035 = arith.addf %get3A_1030, %get3A_1032 : vector<16xf32>
      %mul3A_1036 = arith.mulf %add3A_1035, %get3A_1034 : vector<16xf32>
      %add3A_1037 = arith.addf %add3A_1022, %mul3A_1036 : vector<16xf32>
      %add3A_1038 = arith.constant 13 : i32
      %add3A_1039 = arith.addi %mul3A_161, %add3A_1038 : i32
      %mul3A_1040 = arith.constant 64 : i32
      %mul3A_1041 = arith.muli %add3A_1039, %mul3A_1040 : i32
      %add3A_1042 = arith.constant 48 : i32
      %add3A_1043 = arith.addi %mul3A_1041, %add3A_1042 : i32
      %get3A_1044 = arith.index_cast %add3A_1043 : i32 to index
      %get3A_1045 = tpu.vector_load %arg6[%get3A_1044] {strides = array<i32>} : memref<32768xf32, #tpu.memory_space<vmem>>, vector<16xf32>,
      %get3A_1046 = arith.index_cast %add3A_1043 : i32 to index
      %get3A_1047 = tpu.vector_load %arg7[%get3A_1046] {strides = array<i32>} : memref<32768xf32, #tpu.memory_space<vmem>>, vector<16xf32>,
      %get3A_1048 = arith.index_cast %add3A_1043 : i32 to index
      %get3A_1049 = tpu.vector_load %arg8[%get3A_1048] {strides = array<i32>} : memref<32768xf32, #tpu.memory_space<vmem>>, vector<16xf32>,
      %add3A_1050 = arith.addf %get3A_1045, %get3A_1047 : vector<16xf32>
      %mul3A_1051 = arith.mulf %add3A_1050, %get3A_1049 : vector<16xf32>
      %add3A_1052 = arith.addf %add3A_1037, %mul3A_1051 : vector<16xf32>
      %swap3A_1053 = arith.constant 221 : index
      %swap3A_1054 = tpu.vector_load %arg9[%swap3A_1053] {strides = array<i32>} : memref<272xf32, #tpu.memory_space<vmem>>, vector<16xf32>,
      tpu.vector_store %arg9[%swap3A_1053], %add3A_1052 {strides = array<i32>} : memref<272xf32, #tpu.memory_space<vmem>>, vector<16xf32>,
      %broadcast_in_dim3A_1055 = arith.constant 0.000000e+00 : f32
      %broadcast_in_dim3A_1056 = vector.broadcast %broadcast_in_dim3A_1055 : f32 to vector<16xf32>
      %add3A_1057 = arith.constant 14 : i32
      %add3A_1058 = arith.addi %mul3A_161, %add3A_1057 : i32
      %mul3A_1059 = arith.constant 64 : i32
      %mul3A_1060 = arith.muli %add3A_1058, %mul3A_1059 : i32
      %add3A_1061 = arith.constant 0 : i32
      %add3A_1062 = arith.addi %mul3A_1060, %add3A_1061 : i32
      %get3A_1063 = arith.index_cast %add3A_1062 : i32 to index
      %get3A_1064 = tpu.vector_load %arg6[%get3A_1063] {strides = array<i32>} : memref<32768xf32, #tpu.memory_space<vmem>>, vector<16xf32>,
      %get3A_1065 = arith.index_cast %add3A_1062 : i32 to index
      %get3A_1066 = tpu.vector_load %arg7[%get3A_1065] {strides = array<i32>} : memref<32768xf32, #tpu.memory_space<vmem>>, vector<16xf32>,
      %get3A_1067 = arith.index_cast %add3A_1062 : i32 to index
      %get3A_1068 = tpu.vector_load %arg8[%get3A_1067] {strides = array<i32>} : memref<32768xf32, #tpu.memory_space<vmem>>, vector<16xf32>,
      %add3A_1069 = arith.addf %get3A_1064, %get3A_1066 : vector<16xf32>
      %mul3A_1070 = arith.mulf %add3A_1069, %get3A_1068 : vector<16xf32>
      %add3A_1071 = arith.addf %broadcast_in_dim3A_1056, %mul3A_1070 : vector<16xf32>
      %add3A_1072 = arith.constant 14 : i32
      %add3A_1073 = arith.addi %mul3A_161, %add3A_1072 : i32
      %mul3A_1074 = arith.constant 64 : i32
      %mul3A_1075 = arith.muli %add3A_1073, %mul3A_1074 : i32
      %add3A_1076 = arith.constant 16 : i32
      %add3A_1077 = arith.addi %mul3A_1075, %add3A_1076 : i32
      %get3A_1078 = arith.index_cast %add3A_1077 : i32 to index
      %get3A_1079 = tpu.vector_load %arg6[%get3A_1078] {strides = array<i32>} : memref<32768xf32, #tpu.memory_space<vmem>>, vector<16xf32>,
      %get3A_1080 = arith.index_cast %add3A_1077 : i32 to index
      %get3A_1081 = tpu.vector_load %arg7[%get3A_1080] {strides = array<i32>} : memref<32768xf32, #tpu.memory_space<vmem>>, vector<16xf32>,
      %get3A_1082 = arith.index_cast %add3A_1077 : i32 to index
      %get3A_1083 = tpu.vector_load %arg8[%get3A_1082] {strides = array<i32>} : memref<32768xf32, #tpu.memory_space<vmem>>, vector<16xf32>,
      %add3A_1084 = arith.addf %get3A_1079, %get3A_1081 : vector<16xf32>
      %mul3A_1085 = arith.mulf %add3A_1084, %get3A_1083 : vector<16xf32>
      %add3A_1086 = arith.addf %add3A_1071, %mul3A_1085 : vector<16xf32>
      %add3A_1087 = arith.constant 14 : i32
      %add3A_1088 = arith.addi %mul3A_161, %add3A_1087 : i32
      %mul3A_1089 = arith.constant 64 : i32
      %mul3A_1090 = arith.muli %add3A_1088, %mul3A_1089 : i32
      %add3A_1091 = arith.constant 32 : i32
      %add3A_1092 = arith.addi %mul3A_1090, %add3A_1091 : i32
      %get3A_1093 = arith.index_cast %add3A_1092 : i32 to index
      %get3A_1094 = tpu.vector_load %arg6[%get3A_1093] {strides = array<i32>} : memref<32768xf32, #tpu.memory_space<vmem>>, vector<16xf32>,
      %get3A_1095 = arith.index_cast %add3A_1092 : i32 to index
      %get3A_1096 = tpu.vector_load %arg7[%get3A_1095] {strides = array<i32>} : memref<32768xf32, #tpu.memory_space<vmem>>, vector<16xf32>,
      %get3A_1097 = arith.index_cast %add3A_1092 : i32 to index
      %get3A_1098 = tpu.vector_load %arg8[%get3A_1097] {strides = array<i32>} : memref<32768xf32, #tpu.memory_space<vmem>>, vector<16xf32>,
      %add3A_1099 = arith.addf %get3A_1094, %get3A_1096 : vector<16xf32>
      %mul3A_1100 = arith.mulf %add3A_1099, %get3A_1098 : vector<16xf32>
      %add3A_1101 = arith.addf %add3A_1086, %mul3A_1100 : vector<16xf32>
      %add3A_1102 = arith.constant 14 : i32
      %add3A_1103 = arith.addi %mul3A_161, %add3A_1102 : i32
      %mul3A_1104 = arith.constant 64 : i32
      %mul3A_1105 = arith.muli %add3A_1103, %mul3A_1104 : i32
      %add3A_1106 = arith.constant 48 : i32
      %add3A_1107 = arith.addi %mul3A_1105, %add3A_1106 : i32
      %get3A_1108 = arith.index_cast %add3A_1107 : i32 to index
      %get3A_1109 = tpu.vector_load %arg6[%get3A_1108] {strides = array<i32>} : memref<32768xf32, #tpu.memory_space<vmem>>, vector<16xf32>,
      %get3A_1110 = arith.index_cast %add3A_1107 : i32 to index
      %get3A_1111 = tpu.vector_load %arg7[%get3A_1110] {strides = array<i32>} : memref<32768xf32, #tpu.memory_space<vmem>>, vector<16xf32>,
      %get3A_1112 = arith.index_cast %add3A_1107 : i32 to index
      %get3A_1113 = tpu.vector_load %arg8[%get3A_1112] {strides = array<i32>} : memref<32768xf32, #tpu.memory_space<vmem>>, vector<16xf32>,
      %add3A_1114 = arith.addf %get3A_1109, %get3A_1111 : vector<16xf32>
      %mul3A_1115 = arith.mulf %add3A_1114, %get3A_1113 : vector<16xf32>
      %add3A_1116 = arith.addf %add3A_1101, %mul3A_1115 : vector<16xf32>
      %swap3A_1117 = arith.constant 238 : index
      %swap3A_1118 = tpu.vector_load %arg9[%swap3A_1117] {strides = array<i32>} : memref<272xf32, #tpu.memory_space<vmem>>, vector<16xf32>,
      tpu.vector_store %arg9[%swap3A_1117], %add3A_1116 {strides = array<i32>} : memref<272xf32, #tpu.memory_space<vmem>>, vector<16xf32>,
      %broadcast_in_dim3A_1119 = arith.constant 0.000000e+00 : f32
      %broadcast_in_dim3A_1120 = vector.broadcast %broadcast_in_dim3A_1119 : f32 to vector<16xf32>
      %add3A_1121 = arith.constant 15 : i32
      %add3A_1122 = arith.addi %mul3A_161, %add3A_1121 : i32
      %mul3A_1123 = arith.constant 64 : i32
      %mul3A_1124 = arith.muli %add3A_1122, %mul3A_1123 : i32
      %add3A_1125 = arith.constant 0 : i32
      %add3A_1126 = arith.addi %mul3A_1124, %add3A_1125 : i32
      %get3A_1127 = arith.index_cast %add3A_1126 : i32 to index
      %get3A_1128 = tpu.vector_load %arg6[%get3A_1127] {strides = array<i32>} : memref<32768xf32, #tpu.memory_space<vmem>>, vector<16xf32>,
      %get3A_1129 = arith.index_cast %add3A_1126 : i32 to index
      %get3A_1130 = tpu.vector_load %arg7[%get3A_1129] {strides = array<i32>} : memref<32768xf32, #tpu.memory_space<vmem>>, vector<16xf32>,
      %get3A_1131 = arith.index_cast %add3A_1126 : i32 to index
      %get3A_1132 = tpu.vector_load %arg8[%get3A_1131] {strides = array<i32>} : memref<32768xf32, #tpu.memory_space<vmem>>, vector<16xf32>,
      %add3A_1133 = arith.addf %get3A_1128, %get3A_1130 : vector<16xf32>
      %mul3A_1134 = arith.mulf %add3A_1133, %get3A_1132 : vector<16xf32>
      %add3A_1135 = arith.addf %broadcast_in_dim3A_1120, %mul3A_1134 : vector<16xf32>
      %add3A_1136 = arith.constant 15 : i32
      %add3A_1137 = arith.addi %mul3A_161, %add3A_1136 : i32
      %mul3A_1138 = arith.constant 64 : i32
      %mul3A_1139 = arith.muli %add3A_1137, %mul3A_1138 : i32
      %add3A_1140 = arith.constant 16 : i32
      %add3A_1141 = arith.addi %mul3A_1139, %add3A_1140 : i32
      %get3A_1142 = arith.index_cast %add3A_1141 : i32 to index
      %get3A_1143 = tpu.vector_load %arg6[%get3A_1142] {strides = array<i32>} : memref<32768xf32, #tpu.memory_space<vmem>>, vector<16xf32>,
      %get3A_1144 = arith.index_cast %add3A_1141 : i32 to index
      %get3A_1145 = tpu.vector_load %arg7[%get3A_1144] {strides = array<i32>} : memref<32768xf32, #tpu.memory_space<vmem>>, vector<16xf32>,
      %get3A_1146 = arith.index_cast %add3A_1141 : i32 to index
      %get3A_1147 = tpu.vector_load %arg8[%get3A_1146] {strides = array<i32>} : memref<32768xf32, #tpu.memory_space<vmem>>, vector<16xf32>,
      %add3A_1148 = arith.addf %get3A_1143, %get3A_1145 : vector<16xf32>
      %mul3A_1149 = arith.mulf %add3A_1148, %get3A_1147 : vector<16xf32>
      %add3A_1150 = arith.addf %add3A_1135, %mul3A_1149 : vector<16xf32>
      %add3A_1151 = arith.constant 15 : i32
      %add3A_1152 = arith.addi %mul3A_161, %add3A_1151 : i32
      %mul3A_1153 = arith.constant 64 : i32
      %mul3A_1154 = arith.muli %add3A_1152, %mul3A_1153 : i32
      %add3A_1155 = arith.constant 32 : i32
      %add3A_1156 = arith.addi %mul3A_1154, %add3A_1155 : i32
      %get3A_1157 = arith.index_cast %add3A_1156 : i32 to index
      %get3A_1158 = tpu.vector_load %arg6[%get3A_1157] {strides = array<i32>} : memref<32768xf32, #tpu.memory_space<vmem>>, vector<16xf32>,
      %get3A_1159 = arith.index_cast %add3A_1156 : i32 to index
      %get3A_1160 = tpu.vector_load %arg7[%get3A_1159] {strides = array<i32>} : memref<32768xf32, #tpu.memory_space<vmem>>, vector<16xf32>,
      %get3A_1161 = arith.index_cast %add3A_1156 : i32 to index
      %get3A_1162 = tpu.vector_load %arg8[%get3A_1161] {strides = array<i32>} : memref<32768xf32, #tpu.memory_space<vmem>>, vector<16xf32>,
      %add3A_1163 = arith.addf %get3A_1158, %get3A_1160 : vector<16xf32>
      %mul3A_1164 = arith.mulf %add3A_1163, %get3A_1162 : vector<16xf32>
      %add3A_1165 = arith.addf %add3A_1150, %mul3A_1164 : vector<16xf32>
      %add3A_1166 = arith.constant 15 : i32
      %add3A_1167 = arith.addi %mul3A_161, %add3A_1166 : i32
      %mul3A_1168 = arith.constant 64 : i32
      %mul3A_1169 = arith.muli %add3A_1167, %mul3A_1168 : i32
      %add3A_1170 = arith.constant 48 : i32
      %add3A_1171 = arith.addi %mul3A_1169, %add3A_1170 : i32
      %get3A_1172 = arith.index_cast %add3A_1171 : i32 to index
      %get3A_1173 = tpu.vector_load %arg6[%get3A_1172] {strides = array<i32>} : memref<32768xf32, #tpu.memory_space<vmem>>, vector<16xf32>,
      %get3A_1174 = arith.index_cast %add3A_1171 : i32 to index
      %get3A_1175 = tpu.vector_load %arg7[%get3A_1174] {strides = array<i32>} : memref<32768xf32, #tpu.memory_space<vmem>>, vector<16xf32>,
      %get3A_1176 = arith.index_cast %add3A_1171 : i32 to index
      %get3A_1177 = tpu.vector_load %arg8[%get3A_1176] {strides = array<i32>} : memref<32768xf32, #tpu.memory_space<vmem>>, vector<16xf32>,
      %add3A_1178 = arith.addf %get3A_1173, %get3A_1175 : vector<16xf32>
      %mul3A_1179 = arith.mulf %add3A_1178, %get3A_1177 : vector<16xf32>
      %add3A_1180 = arith.addf %add3A_1165, %mul3A_1179 : vector<16xf32>
      %swap3A_1181 = arith.constant 255 : index
      %swap3A_1182 = tpu.vector_load %arg9[%swap3A_1181] {strides = array<i32>} : memref<272xf32, #tpu.memory_space<vmem>>, vector<16xf32>,
      tpu.vector_store %arg9[%swap3A_1181], %add3A_1180 {strides = array<i32>} : memref<272xf32, #tpu.memory_space<vmem>>, vector<16xf32>,
      %broadcast_in_dim3A_1183 = arith.constant 0.000000e+00 : f32
      %broadcast_in_dim3A_1184 = vector.broadcast %broadcast_in_dim3A_1183 : f32 to vector<16xf32>
      %add3A_1185 = arith.constant 0 : i32
      %add3A_1186 = vector.broadcast %add3A_1185 : i32 to vector<16xi32>
      %add3A_1187 = arith.addi %mul3A_7, %add3A_1186 : vector<16xi32>
      %gather3A = tpu.vector_load_idx %arg9[%add3A_1187] : memref<272xf32, #tpu.memory_space<vmem>>[vector<16xi32>], vector<16xf32>,
      %add3A_1188 = arith.addf %broadcast_in_dim3A_1184, %gather3A : vector<16xf32>
      %add3A_1189 = arith.constant 1 : i32
      %add3A_1190 = vector.broadcast %add3A_1189 : i32 to vector<16xi32>
      %add3A_1191 = arith.addi %mul3A_7, %add3A_1190 : vector<16xi32>
      %gather3A_1192 = tpu.vector_load_idx %arg9[%add3A_1191] : memref<272xf32, #tpu.memory_space<vmem>>[vector<16xi32>], vector<16xf32>,
      %add3A_1193 = arith.addf %add3A_1188, %gather3A_1192 : vector<16xf32>
      %add3A_1194 = arith.constant 2 : i32
      %add3A_1195 = vector.broadcast %add3A_1194 : i32 to vector<16xi32>
      %add3A_1196 = arith.addi %mul3A_7, %add3A_1195 : vector<16xi32>
      %gather3A_1197 = tpu.vector_load_idx %arg9[%add3A_1196] : memref<272xf32, #tpu.memory_space<vmem>>[vector<16xi32>], vector<16xf32>,
      %add3A_1198 = arith.addf %add3A_1193, %gather3A_1197 : vector<16xf32>
      %add3A_1199 = arith.constant 3 : i32
      %add3A_1200 = vector.broadcast %add3A_1199 : i32 to vector<16xi32>
      %add3A_1201 = arith.addi %mul3A_7, %add3A_1200 : vector<16xi32>
      %gather3A_1202 = tpu.vector_load_idx %arg9[%add3A_1201] : memref<272xf32, #tpu.memory_space<vmem>>[vector<16xi32>], vector<16xf32>,
      %add3A_1203 = arith.addf %add3A_1198, %gather3A_1202 : vector<16xf32>
      %add3A_1204 = arith.constant 4 : i32
      %add3A_1205 = vector.broadcast %add3A_1204 : i32 to vector<16xi32>
      %add3A_1206 = arith.addi %mul3A_7, %add3A_1205 : vector<16xi32>
      %gather3A_1207 = tpu.vector_load_idx %arg9[%add3A_1206] : memref<272xf32, #tpu.memory_space<vmem>>[vector<16xi32>], vector<16xf32>,
      %add3A_1208 = arith.addf %add3A_1203, %gather3A_1207 : vector<16xf32>
      %add3A_1209 = arith.constant 5 : i32
      %add3A_1210 = vector.broadcast %add3A_1209 : i32 to vector<16xi32>
      %add3A_1211 = arith.addi %mul3A_7, %add3A_1210 : vector<16xi32>
      %gather3A_1212 = tpu.vector_load_idx %arg9[%add3A_1211] : memref<272xf32, #tpu.memory_space<vmem>>[vector<16xi32>], vector<16xf32>,
      %add3A_1213 = arith.addf %add3A_1208, %gather3A_1212 : vector<16xf32>
      %add3A_1214 = arith.constant 6 : i32
      %add3A_1215 = vector.broadcast %add3A_1214 : i32 to vector<16xi32>
      %add3A_1216 = arith.addi %mul3A_7, %add3A_1215 : vector<16xi32>
      %gather3A_1217 = tpu.vector_load_idx %arg9[%add3A_1216] : memref<272xf32, #tpu.memory_space<vmem>>[vector<16xi32>], vector<16xf32>,
      %add3A_1218 = arith.addf %add3A_1213, %gather3A_1217 : vector<16xf32>
      %add3A_1219 = arith.constant 7 : i32
      %add3A_1220 = vector.broadcast %add3A_1219 : i32 to vector<16xi32>
      %add3A_1221 = arith.addi %mul3A_7, %add3A_1220 : vector<16xi32>
      %gather3A_1222 = tpu.vector_load_idx %arg9[%add3A_1221] : memref<272xf32, #tpu.memory_space<vmem>>[vector<16xi32>], vector<16xf32>,
      %add3A_1223 = arith.addf %add3A_1218, %gather3A_1222 : vector<16xf32>
      %add3A_1224 = arith.constant 8 : i32
      %add3A_1225 = vector.broadcast %add3A_1224 : i32 to vector<16xi32>
      %add3A_1226 = arith.addi %mul3A_7, %add3A_1225 : vector<16xi32>
      %gather3A_1227 = tpu.vector_load_idx %arg9[%add3A_1226] : memref<272xf32, #tpu.memory_space<vmem>>[vector<16xi32>], vector<16xf32>,
      %add3A_1228 = arith.addf %add3A_1223, %gather3A_1227 : vector<16xf32>
      %add3A_1229 = arith.constant 9 : i32
      %add3A_1230 = vector.broadcast %add3A_1229 : i32 to vector<16xi32>
      %add3A_1231 = arith.addi %mul3A_7, %add3A_1230 : vector<16xi32>
      %gather3A_1232 = tpu.vector_load_idx %arg9[%add3A_1231] : memref<272xf32, #tpu.memory_space<vmem>>[vector<16xi32>], vector<16xf32>,
      %add3A_1233 = arith.addf %add3A_1228, %gather3A_1232 : vector<16xf32>
      %add3A_1234 = arith.constant 10 : i32
      %add3A_1235 = vector.broadcast %add3A_1234 : i32 to vector<16xi32>
      %add3A_1236 = arith.addi %mul3A_7, %add3A_1235 : vector<16xi32>
      %gather3A_1237 = tpu.vector_load_idx %arg9[%add3A_1236] : memref<272xf32, #tpu.memory_space<vmem>>[vector<16xi32>], vector<16xf32>,
      %add3A_1238 = arith.addf %add3A_1233, %gather3A_1237 : vector<16xf32>
      %add3A_1239 = arith.constant 11 : i32
      %add3A_1240 = vector.broadcast %add3A_1239 : i32 to vector<16xi32>
      %add3A_1241 = arith.addi %mul3A_7, %add3A_1240 : vector<16xi32>
      %gather3A_1242 = tpu.vector_load_idx %arg9[%add3A_1241] : memref<272xf32, #tpu.memory_space<vmem>>[vector<16xi32>], vector<16xf32>,
      %add3A_1243 = arith.addf %add3A_1238, %gather3A_1242 : vector<16xf32>
      %add3A_1244 = arith.constant 12 : i32
      %add3A_1245 = vector.broadcast %add3A_1244 : i32 to vector<16xi32>
      %add3A_1246 = arith.addi %mul3A_7, %add3A_1245 : vector<16xi32>
      %gather3A_1247 = tpu.vector_load_idx %arg9[%add3A_1246] : memref<272xf32, #tpu.memory_space<vmem>>[vector<16xi32>], vector<16xf32>,
      %add3A_1248 = arith.addf %add3A_1243, %gather3A_1247 : vector<16xf32>
      %add3A_1249 = arith.constant 13 : i32
      %add3A_1250 = vector.broadcast %add3A_1249 : i32 to vector<16xi32>
      %add3A_1251 = arith.addi %mul3A_7, %add3A_1250 : vector<16xi32>
      %gather3A_1252 = tpu.vector_load_idx %arg9[%add3A_1251] : memref<272xf32, #tpu.memory_space<vmem>>[vector<16xi32>], vector<16xf32>,
      %add3A_1253 = arith.addf %add3A_1248, %gather3A_1252 : vector<16xf32>
      %add3A_1254 = arith.constant 14 : i32
      %add3A_1255 = vector.broadcast %add3A_1254 : i32 to vector<16xi32>
      %add3A_1256 = arith.addi %mul3A_7, %add3A_1255 : vector<16xi32>
      %gather3A_1257 = tpu.vector_load_idx %arg9[%add3A_1256] : memref<272xf32, #tpu.memory_space<vmem>>[vector<16xi32>], vector<16xf32>,
      %add3A_1258 = arith.addf %add3A_1253, %gather3A_1257 : vector<16xf32>
      %add3A_1259 = arith.constant 15 : i32
      %add3A_1260 = vector.broadcast %add3A_1259 : i32 to vector<16xi32>
      %add3A_1261 = arith.addi %mul3A_7, %add3A_1260 : vector<16xi32>
      %gather3A_1262 = tpu.vector_load_idx %arg9[%add3A_1261] : memref<272xf32, #tpu.memory_space<vmem>>[vector<16xi32>], vector<16xf32>,
      %add3A_1263 = arith.addf %add3A_1258, %gather3A_1262 : vector<16xf32>
      %mul3A_1264 = arith.constant 5.000000e-01 : f32
      %mul3A_1265 = vector.broadcast %mul3A_1264 : f32 to vector<16xf32>
      %mul3A_1266 = arith.mulf %add3A_1263, %mul3A_1265 : vector<16xf32>
      %swap3A_1267 = arith.index_cast %mul3A_161 : i32 to index
      %swap3A_1268 = tpu.vector_load %arg10[%swap3A_1267] {strides = array<i32>} : memref<512xf32, #tpu.memory_space<vmem>>, vector<16xf32>,
      tpu.vector_store %arg10[%swap3A_1267], %mul3A_1266 {strides = array<i32>} : memref<512xf32, #tpu.memory_space<vmem>>, vector<16xf32>,
      %scan3A_1269 = arith.constant 0 : i32
      scf.yield %scan3A_1269 : i32
    }
    %scan3A_50 = arith.constant 8 : i32
    %dma_wait3A_51 = arith.constant 8192 : i32
    %dma_wait3A_52 = tpu.memref_slice %arg6[%dma_wait3A_51] : memref<32768xf32, #tpu.memory_space<vmem>> -> memref<8192xf32, #tpu.memory_space<vmem>>
    %dma_wait3A_53 = arith.constant 0 : i32
    %dma_wait3A_54 = tpu.memref_slice %arg3[%dma_wait3A_53] : memref<12800000xf32, #tpu.memory_space<hbm>> -> memref<8192xf32, #tpu.memory_space<hbm>>
    %dma_wait3A_55 = arith.constant 8192 : i32
    %dma_wait3A_56 = tpu.memref_slice %arg6[%dma_wait3A_55] : memref<32768xf32, #tpu.memory_space<vmem>> -> memref<8192xf32, #tpu.memory_space<vmem>>
    %dma_wait3A_57 = arith.constant 0 : i32
    %dma_wait3A_58 = tpu.memref_slice %arg3[%dma_wait3A_57] : memref<12800000xf32, #tpu.memory_space<hbm>> -> memref<8192xf32, #tpu.memory_space<hbm>>
    tpu.wait_dma2 semaphore(%arg11 : memref<!tpu.dma_semaphore, #tpu.memory_space<semaphore_mem>>) src(%dma_wait3A_58 : memref<8192xf32, #tpu.memory_space<hbm>>) dst(%dma_wait3A_56 : memref<8192xf32, #tpu.memory_space<vmem>>)
    %dma_wait3A_59 = arith.constant 8192 : i32
    %dma_wait3A_60 = tpu.memref_slice %arg7[%dma_wait3A_59] : memref<32768xf32, #tpu.memory_space<vmem>> -> memref<8192xf32, #tpu.memory_space<vmem>>
    %dma_wait3A_61 = arith.constant 0 : i32
    %dma_wait3A_62 = tpu.memref_slice %arg3[%dma_wait3A_61] : memref<12800000xf32, #tpu.memory_space<hbm>> -> memref<8192xf32, #tpu.memory_space<hbm>>
    %dma_wait3A_63 = arith.constant 8192 : i32
    %dma_wait3A_64 = tpu.memref_slice %arg7[%dma_wait3A_63] : memref<32768xf32, #tpu.memory_space<vmem>> -> memref<8192xf32, #tpu.memory_space<vmem>>
    %dma_wait3A_65 = arith.constant 0 : i32
    %dma_wait3A_66 = tpu.memref_slice %arg3[%dma_wait3A_65] : memref<12800000xf32, #tpu.memory_space<hbm>> -> memref<8192xf32, #tpu.memory_space<hbm>>
    tpu.wait_dma2 semaphore(%arg11 : memref<!tpu.dma_semaphore, #tpu.memory_space<semaphore_mem>>) src(%dma_wait3A_66 : memref<8192xf32, #tpu.memory_space<hbm>>) dst(%dma_wait3A_64 : memref<8192xf32, #tpu.memory_space<vmem>>)
    %dma_wait3A_67 = arith.constant 8192 : i32
    %dma_wait3A_68 = tpu.memref_slice %arg8[%dma_wait3A_67] : memref<32768xf32, #tpu.memory_space<vmem>> -> memref<8192xf32, #tpu.memory_space<vmem>>
    %dma_wait3A_69 = arith.constant 0 : i32
    %dma_wait3A_70 = tpu.memref_slice %arg3[%dma_wait3A_69] : memref<12800000xf32, #tpu.memory_space<hbm>> -> memref<8192xf32, #tpu.memory_space<hbm>>
    %dma_wait3A_71 = arith.constant 8192 : i32
    %dma_wait3A_72 = tpu.memref_slice %arg8[%dma_wait3A_71] : memref<32768xf32, #tpu.memory_space<vmem>> -> memref<8192xf32, #tpu.memory_space<vmem>>
    %dma_wait3A_73 = arith.constant 0 : i32
    %dma_wait3A_74 = tpu.memref_slice %arg3[%dma_wait3A_73] : memref<12800000xf32, #tpu.memory_space<hbm>> -> memref<8192xf32, #tpu.memory_space<hbm>>
    tpu.wait_dma2 semaphore(%arg11 : memref<!tpu.dma_semaphore, #tpu.memory_space<semaphore_mem>>) src(%dma_wait3A_74 : memref<8192xf32, #tpu.memory_space<hbm>>) dst(%dma_wait3A_72 : memref<8192xf32, #tpu.memory_space<vmem>>)
    %scan3A_75 = arith.constant 0 : i32
    %scan3A_76 = arith.constant 256 : i32
    %scan3A_77 = arith.constant 128 : i32
    %scan3A_78 = arith.addi %scan3A_76, %scan3A_77 : i32
    %scan3A_79 = arith.constant 1 : i32
    %scan3A_80 = scf.for %scan3A_158 = %scan3A_76 to %scan3A_78 step %scan3A_79 iter_args(%scan3A_159 = %scan3A_75) -> (i32)  : i32 {
      %mul3A_160 = arith.constant 3 : i32
      %mul3A_161 = arith.muli %mul3A_160, %scan3A_158 : i32
      %get3A = arith.index_cast %mul3A_161 : i32 to index
      %get3A_162 = tpu.vector_load %arg5[%get3A] {strides = array<i32>} : memref<1552xi32, #tpu.memory_space<vmem>>, vector<16xi32>,
      %slice3A = vector.extract_strided_slice %get3A_162 {offsets = [0], sizes = [1], strides = [1]} : vector<16xi32> to vector<1xi32>
      %squeeze3A = vector.extract %slice3A[0] : i32 from vector<1xi32>
      %slice3A_163 = vector.extract_strided_slice %get3A_162 {offsets = [1], sizes = [1], strides = [1]} : vector<16xi32> to vector<1xi32>
      %squeeze3A_164 = vector.extract %slice3A_163[0] : i32 from vector<1xi32>
      %slice3A_165 = vector.extract_strided_slice %get3A_162 {offsets = [2], sizes = [1], strides = [1]} : vector<16xi32> to vector<1xi32>
      %squeeze3A_166 = vector.extract %slice3A_165[0] : i32 from vector<1xi32>
      %mul3A_167 = arith.constant 128 : i32
      %mul3A_168 = arith.muli %squeeze3A, %mul3A_167 : i32
      %mul3A_169 = arith.constant 64 : i32
      %mul3A_170 = arith.muli %scan3A_158, %mul3A_169 : i32
      %dma_start3A = tpu.memref_slice %arg6[%mul3A_170] : memref<32768xf32, #tpu.memory_space<vmem>> -> memref<64xf32, #tpu.memory_space<vmem>>
      %dma_start3A_171 = tpu.memref_slice %arg3[%mul3A_168] : memref<12800000xf32, #tpu.memory_space<hbm>> -> memref<64xf32, #tpu.memory_space<hbm>>
      %dma_start3A_172 = tpu.memref_slice %arg6[%mul3A_170] : memref<32768xf32, #tpu.memory_space<vmem>> -> memref<64xf32, #tpu.memory_space<vmem>>
      %dma_start3A_173 = tpu.memref_slice %arg3[%mul3A_168] : memref<12800000xf32, #tpu.memory_space<hbm>> -> memref<64xf32, #tpu.memory_space<hbm>>
      tpu.enqueue_dma source(%dma_start3A_173 : memref<64xf32, #tpu.memory_space<hbm>>) target(%dma_start3A_172 : memref<64xf32, #tpu.memory_space<vmem>>) target_semaphore(%arg11 : memref<!tpu.dma_semaphore, #tpu.memory_space<semaphore_mem>>)
      %mul3A_174 = arith.constant 128 : i32
      %mul3A_175 = arith.muli %squeeze3A_164, %mul3A_174 : i32
      %mul3A_176 = arith.constant 64 : i32
      %mul3A_177 = arith.muli %scan3A_158, %mul3A_176 : i32
      %dma_start3A_178 = tpu.memref_slice %arg7[%mul3A_177] : memref<32768xf32, #tpu.memory_space<vmem>> -> memref<64xf32, #tpu.memory_space<vmem>>
      %dma_start3A_179 = tpu.memref_slice %arg3[%mul3A_175] : memref<12800000xf32, #tpu.memory_space<hbm>> -> memref<64xf32, #tpu.memory_space<hbm>>
      %dma_start3A_180 = tpu.memref_slice %arg7[%mul3A_177] : memref<32768xf32, #tpu.memory_space<vmem>> -> memref<64xf32, #tpu.memory_space<vmem>>
      %dma_start3A_181 = tpu.memref_slice %arg3[%mul3A_175] : memref<12800000xf32, #tpu.memory_space<hbm>> -> memref<64xf32, #tpu.memory_space<hbm>>
      tpu.enqueue_dma source(%dma_start3A_181 : memref<64xf32, #tpu.memory_space<hbm>>) target(%dma_start3A_180 : memref<64xf32, #tpu.memory_space<vmem>>) target_semaphore(%arg11 : memref<!tpu.dma_semaphore, #tpu.memory_space<semaphore_mem>>)
      %mul3A_182 = arith.constant 128 : i32
      %mul3A_183 = arith.muli %squeeze3A_166, %mul3A_182 : i32
      %add3A_184 = arith.constant 64 : i32
      %add3A_185 = arith.addi %mul3A_183, %add3A_184 : i32
      %mul3A_186 = arith.constant 64 : i32
      %mul3A_187 = arith.muli %scan3A_158, %mul3A_186 : i32
      %dma_start3A_188 = tpu.memref_slice %arg8[%mul3A_187] : memref<32768xf32, #tpu.memory_space<vmem>> -> memref<64xf32, #tpu.memory_space<vmem>>
      %dma_start3A_189 = tpu.memref_slice %arg3[%add3A_185] : memref<12800000xf32, #tpu.memory_space<hbm>> -> memref<64xf32, #tpu.memory_space<hbm>>
      %dma_start3A_190 = tpu.memref_slice %arg8[%mul3A_187] : memref<32768xf32, #tpu.memory_space<vmem>> -> memref<64xf32, #tpu.memory_space<vmem>>
      %dma_start3A_191 = tpu.memref_slice %arg3[%add3A_185] : memref<12800000xf32, #tpu.memory_space<hbm>> -> memref<64xf32, #tpu.memory_space<hbm>>
      tpu.enqueue_dma source(%dma_start3A_191 : memref<64xf32, #tpu.memory_space<hbm>>) target(%dma_start3A_190 : memref<64xf32, #tpu.memory_space<vmem>>) target_semaphore(%arg11 : memref<!tpu.dma_semaphore, #tpu.memory_space<semaphore_mem>>)
      %scan3A_192 = arith.constant 0 : i32
      scf.yield %scan3A_192 : i32
    }
    %scan3A_81 = arith.constant 128 : i32
    %scan3A_82 = arith.constant 0 : i32
    %scan3A_83 = arith.constant 8 : i32
    %scan3A_84 = arith.constant 8 : i32
    %scan3A_85 = arith.addi %scan3A_83, %scan3A_84 : i32
    %scan3A_86 = arith.constant 1 : i32
    %scan3A_87 = scf.for %scan3A_158 = %scan3A_83 to %scan3A_85 step %scan3A_86 iter_args(%scan3A_159 = %scan3A_82) -> (i32)  : i32 {
      %mul3A_160 = arith.constant 16 : i32
      %mul3A_161 = arith.muli %scan3A_158, %mul3A_160 : i32
      %broadcast_in_dim3A = arith.constant 0.000000e+00 : f32
      %broadcast_in_dim3A_162 = vector.broadcast %broadcast_in_dim3A : f32 to vector<16xf32>
      %add3A_163 = arith.constant 0 : i32
      %add3A_164 = arith.addi %mul3A_161, %add3A_163 : i32
      %mul3A_165 = arith.constant 64 : i32
      %mul3A_166 = arith.muli %add3A_164, %mul3A_165 : i32
      %add3A_167 = arith.constant 0 : i32
      %add3A_168 = arith.addi %mul3A_166, %add3A_167 : i32
      %get3A = arith.index_cast %add3A_168 : i32 to index
      %get3A_169 = tpu.vector_load %arg6[%get3A] {strides = array<i32>} : memref<32768xf32, #tpu.memory_space<vmem>>, vector<16xf32>,
      %get3A_170 = arith.index_cast %add3A_168 : i32 to index
      %get3A_171 = tpu.vector_load %arg7[%get3A_170] {strides = array<i32>} : memref<32768xf32, #tpu.memory_space<vmem>>, vector<16xf32>,
      %get3A_172 = arith.index_cast %add3A_168 : i32 to index
      %get3A_173 = tpu.vector_load %arg8[%get3A_172] {strides = array<i32>} : memref<32768xf32, #tpu.memory_space<vmem>>, vector<16xf32>,
      %add3A_174 = arith.addf %get3A_169, %get3A_171 : vector<16xf32>
      %mul3A_175 = arith.mulf %add3A_174, %get3A_173 : vector<16xf32>
      %add3A_176 = arith.addf %broadcast_in_dim3A_162, %mul3A_175 : vector<16xf32>
      %add3A_177 = arith.constant 0 : i32
      %add3A_178 = arith.addi %mul3A_161, %add3A_177 : i32
      %mul3A_179 = arith.constant 64 : i32
      %mul3A_180 = arith.muli %add3A_178, %mul3A_179 : i32
      %add3A_181 = arith.constant 16 : i32
      %add3A_182 = arith.addi %mul3A_180, %add3A_181 : i32
      %get3A_183 = arith.index_cast %add3A_182 : i32 to index
      %get3A_184 = tpu.vector_load %arg6[%get3A_183] {strides = array<i32>} : memref<32768xf32, #tpu.memory_space<vmem>>, vector<16xf32>,
      %get3A_185 = arith.index_cast %add3A_182 : i32 to index
      %get3A_186 = tpu.vector_load %arg7[%get3A_185] {strides = array<i32>} : memref<32768xf32, #tpu.memory_space<vmem>>, vector<16xf32>,
      %get3A_187 = arith.index_cast %add3A_182 : i32 to index
      %get3A_188 = tpu.vector_load %arg8[%get3A_187] {strides = array<i32>} : memref<32768xf32, #tpu.memory_space<vmem>>, vector<16xf32>,
      %add3A_189 = arith.addf %get3A_184, %get3A_186 : vector<16xf32>
      %mul3A_190 = arith.mulf %add3A_189, %get3A_188 : vector<16xf32>
      %add3A_191 = arith.addf %add3A_176, %mul3A_190 : vector<16xf32>
      %add3A_192 = arith.constant 0 : i32
      %add3A_193 = arith.addi %mul3A_161, %add3A_192 : i32
      %mul3A_194 = arith.constant 64 : i32
      %mul3A_195 = arith.muli %add3A_193, %mul3A_194 : i32
      %add3A_196 = arith.constant 32 : i32
      %add3A_197 = arith.addi %mul3A_195, %add3A_196 : i32
      %get3A_198 = arith.index_cast %add3A_197 : i32 to index
      %get3A_199 = tpu.vector_load %arg6[%get3A_198] {strides = array<i32>} : memref<32768xf32, #tpu.memory_space<vmem>>, vector<16xf32>,
      %get3A_200 = arith.index_cast %add3A_197 : i32 to index
      %get3A_201 = tpu.vector_load %arg7[%get3A_200] {strides = array<i32>} : memref<32768xf32, #tpu.memory_space<vmem>>, vector<16xf32>,
      %get3A_202 = arith.index_cast %add3A_197 : i32 to index
      %get3A_203 = tpu.vector_load %arg8[%get3A_202] {strides = array<i32>} : memref<32768xf32, #tpu.memory_space<vmem>>, vector<16xf32>,
      %add3A_204 = arith.addf %get3A_199, %get3A_201 : vector<16xf32>
      %mul3A_205 = arith.mulf %add3A_204, %get3A_203 : vector<16xf32>
      %add3A_206 = arith.addf %add3A_191, %mul3A_205 : vector<16xf32>
      %add3A_207 = arith.constant 0 : i32
      %add3A_208 = arith.addi %mul3A_161, %add3A_207 : i32
      %mul3A_209 = arith.constant 64 : i32
      %mul3A_210 = arith.muli %add3A_208, %mul3A_209 : i32
      %add3A_211 = arith.constant 48 : i32
      %add3A_212 = arith.addi %mul3A_210, %add3A_211 : i32
      %get3A_213 = arith.index_cast %add3A_212 : i32 to index
      %get3A_214 = tpu.vector_load %arg6[%get3A_213] {strides = array<i32>} : memref<32768xf32, #tpu.memory_space<vmem>>, vector<16xf32>,
      %get3A_215 = arith.index_cast %add3A_212 : i32 to index
      %get3A_216 = tpu.vector_load %arg7[%get3A_215] {strides = array<i32>} : memref<32768xf32, #tpu.memory_space<vmem>>, vector<16xf32>,
      %get3A_217 = arith.index_cast %add3A_212 : i32 to index
      %get3A_218 = tpu.vector_load %arg8[%get3A_217] {strides = array<i32>} : memref<32768xf32, #tpu.memory_space<vmem>>, vector<16xf32>,
      %add3A_219 = arith.addf %get3A_214, %get3A_216 : vector<16xf32>
      %mul3A_220 = arith.mulf %add3A_219, %get3A_218 : vector<16xf32>
      %add3A_221 = arith.addf %add3A_206, %mul3A_220 : vector<16xf32>
      %swap3A = arith.constant 0 : index
      %swap3A_222 = tpu.vector_load %arg9[%swap3A] {strides = array<i32>} : memref<272xf32, #tpu.memory_space<vmem>>, vector<16xf32>,
      tpu.vector_store %arg9[%swap3A], %add3A_221 {strides = array<i32>} : memref<272xf32, #tpu.memory_space<vmem>>, vector<16xf32>,
      %broadcast_in_dim3A_223 = arith.constant 0.000000e+00 : f32
      %broadcast_in_dim3A_224 = vector.broadcast %broadcast_in_dim3A_223 : f32 to vector<16xf32>
      %add3A_225 = arith.constant 1 : i32
      %add3A_226 = arith.addi %mul3A_161, %add3A_225 : i32
      %mul3A_227 = arith.constant 64 : i32
      %mul3A_228 = arith.muli %add3A_226, %mul3A_227 : i32
      %add3A_229 = arith.constant 0 : i32
      %add3A_230 = arith.addi %mul3A_228, %add3A_229 : i32
      %get3A_231 = arith.index_cast %add3A_230 : i32 to index
      %get3A_232 = tpu.vector_load %arg6[%get3A_231] {strides = array<i32>} : memref<32768xf32, #tpu.memory_space<vmem>>, vector<16xf32>,
      %get3A_233 = arith.index_cast %add3A_230 : i32 to index
      %get3A_234 = tpu.vector_load %arg7[%get3A_233] {strides = array<i32>} : memref<32768xf32, #tpu.memory_space<vmem>>, vector<16xf32>,
      %get3A_235 = arith.index_cast %add3A_230 : i32 to index
      %get3A_236 = tpu.vector_load %arg8[%get3A_235] {strides = array<i32>} : memref<32768xf32, #tpu.memory_space<vmem>>, vector<16xf32>,
      %add3A_237 = arith.addf %get3A_232, %get3A_234 : vector<16xf32>
      %mul3A_238 = arith.mulf %add3A_237, %get3A_236 : vector<16xf32>
      %add3A_239 = arith.addf %broadcast_in_dim3A_224, %mul3A_238 : vector<16xf32>
      %add3A_240 = arith.constant 1 : i32
      %add3A_241 = arith.addi %mul3A_161, %add3A_240 : i32
      %mul3A_242 = arith.constant 64 : i32
      %mul3A_243 = arith.muli %add3A_241, %mul3A_242 : i32
      %add3A_244 = arith.constant 16 : i32
      %add3A_245 = arith.addi %mul3A_243, %add3A_244 : i32
      %get3A_246 = arith.index_cast %add3A_245 : i32 to index
      %get3A_247 = tpu.vector_load %arg6[%get3A_246] {strides = array<i32>} : memref<32768xf32, #tpu.memory_space<vmem>>, vector<16xf32>,
      %get3A_248 = arith.index_cast %add3A_245 : i32 to index
      %get3A_249 = tpu.vector_load %arg7[%get3A_248] {strides = array<i32>} : memref<32768xf32, #tpu.memory_space<vmem>>, vector<16xf32>,
      %get3A_250 = arith.index_cast %add3A_245 : i32 to index
      %get3A_251 = tpu.vector_load %arg8[%get3A_250] {strides = array<i32>} : memref<32768xf32, #tpu.memory_space<vmem>>, vector<16xf32>,
      %add3A_252 = arith.addf %get3A_247, %get3A_249 : vector<16xf32>
      %mul3A_253 = arith.mulf %add3A_252, %get3A_251 : vector<16xf32>
      %add3A_254 = arith.addf %add3A_239, %mul3A_253 : vector<16xf32>
      %add3A_255 = arith.constant 1 : i32
      %add3A_256 = arith.addi %mul3A_161, %add3A_255 : i32
      %mul3A_257 = arith.constant 64 : i32
      %mul3A_258 = arith.muli %add3A_256, %mul3A_257 : i32
      %add3A_259 = arith.constant 32 : i32
      %add3A_260 = arith.addi %mul3A_258, %add3A_259 : i32
      %get3A_261 = arith.index_cast %add3A_260 : i32 to index
      %get3A_262 = tpu.vector_load %arg6[%get3A_261] {strides = array<i32>} : memref<32768xf32, #tpu.memory_space<vmem>>, vector<16xf32>,
      %get3A_263 = arith.index_cast %add3A_260 : i32 to index
      %get3A_264 = tpu.vector_load %arg7[%get3A_263] {strides = array<i32>} : memref<32768xf32, #tpu.memory_space<vmem>>, vector<16xf32>,
      %get3A_265 = arith.index_cast %add3A_260 : i32 to index
      %get3A_266 = tpu.vector_load %arg8[%get3A_265] {strides = array<i32>} : memref<32768xf32, #tpu.memory_space<vmem>>, vector<16xf32>,
      %add3A_267 = arith.addf %get3A_262, %get3A_264 : vector<16xf32>
      %mul3A_268 = arith.mulf %add3A_267, %get3A_266 : vector<16xf32>
      %add3A_269 = arith.addf %add3A_254, %mul3A_268 : vector<16xf32>
      %add3A_270 = arith.constant 1 : i32
      %add3A_271 = arith.addi %mul3A_161, %add3A_270 : i32
      %mul3A_272 = arith.constant 64 : i32
      %mul3A_273 = arith.muli %add3A_271, %mul3A_272 : i32
      %add3A_274 = arith.constant 48 : i32
      %add3A_275 = arith.addi %mul3A_273, %add3A_274 : i32
      %get3A_276 = arith.index_cast %add3A_275 : i32 to index
      %get3A_277 = tpu.vector_load %arg6[%get3A_276] {strides = array<i32>} : memref<32768xf32, #tpu.memory_space<vmem>>, vector<16xf32>,
      %get3A_278 = arith.index_cast %add3A_275 : i32 to index
      %get3A_279 = tpu.vector_load %arg7[%get3A_278] {strides = array<i32>} : memref<32768xf32, #tpu.memory_space<vmem>>, vector<16xf32>,
      %get3A_280 = arith.index_cast %add3A_275 : i32 to index
      %get3A_281 = tpu.vector_load %arg8[%get3A_280] {strides = array<i32>} : memref<32768xf32, #tpu.memory_space<vmem>>, vector<16xf32>,
      %add3A_282 = arith.addf %get3A_277, %get3A_279 : vector<16xf32>
      %mul3A_283 = arith.mulf %add3A_282, %get3A_281 : vector<16xf32>
      %add3A_284 = arith.addf %add3A_269, %mul3A_283 : vector<16xf32>
      %swap3A_285 = arith.constant 17 : index
      %swap3A_286 = tpu.vector_load %arg9[%swap3A_285] {strides = array<i32>} : memref<272xf32, #tpu.memory_space<vmem>>, vector<16xf32>,
      tpu.vector_store %arg9[%swap3A_285], %add3A_284 {strides = array<i32>} : memref<272xf32, #tpu.memory_space<vmem>>, vector<16xf32>,
      %broadcast_in_dim3A_287 = arith.constant 0.000000e+00 : f32
      %broadcast_in_dim3A_288 = vector.broadcast %broadcast_in_dim3A_287 : f32 to vector<16xf32>
      %add3A_289 = arith.constant 2 : i32
      %add3A_290 = arith.addi %mul3A_161, %add3A_289 : i32
      %mul3A_291 = arith.constant 64 : i32
      %mul3A_292 = arith.muli %add3A_290, %mul3A_291 : i32
      %add3A_293 = arith.constant 0 : i32
      %add3A_294 = arith.addi %mul3A_292, %add3A_293 : i32
      %get3A_295 = arith.index_cast %add3A_294 : i32 to index
      %get3A_296 = tpu.vector_load %arg6[%get3A_295] {strides = array<i32>} : memref<32768xf32, #tpu.memory_space<vmem>>, vector<16xf32>,
      %get3A_297 = arith.index_cast %add3A_294 : i32 to index
      %get3A_298 = tpu.vector_load %arg7[%get3A_297] {strides = array<i32>} : memref<32768xf32, #tpu.memory_space<vmem>>, vector<16xf32>,
      %get3A_299 = arith.index_cast %add3A_294 : i32 to index
      %get3A_300 = tpu.vector_load %arg8[%get3A_299] {strides = array<i32>} : memref<32768xf32, #tpu.memory_space<vmem>>, vector<16xf32>,
      %add3A_301 = arith.addf %get3A_296, %get3A_298 : vector<16xf32>
      %mul3A_302 = arith.mulf %add3A_301, %get3A_300 : vector<16xf32>
      %add3A_303 = arith.addf %broadcast_in_dim3A_288, %mul3A_302 : vector<16xf32>
      %add3A_304 = arith.constant 2 : i32
      %add3A_305 = arith.addi %mul3A_161, %add3A_304 : i32
      %mul3A_306 = arith.constant 64 : i32
      %mul3A_307 = arith.muli %add3A_305, %mul3A_306 : i32
      %add3A_308 = arith.constant 16 : i32
      %add3A_309 = arith.addi %mul3A_307, %add3A_308 : i32
      %get3A_310 = arith.index_cast %add3A_309 : i32 to index
      %get3A_311 = tpu.vector_load %arg6[%get3A_310] {strides = array<i32>} : memref<32768xf32, #tpu.memory_space<vmem>>, vector<16xf32>,
      %get3A_312 = arith.index_cast %add3A_309 : i32 to index
      %get3A_313 = tpu.vector_load %arg7[%get3A_312] {strides = array<i32>} : memref<32768xf32, #tpu.memory_space<vmem>>, vector<16xf32>,
      %get3A_314 = arith.index_cast %add3A_309 : i32 to index
      %get3A_315 = tpu.vector_load %arg8[%get3A_314] {strides = array<i32>} : memref<32768xf32, #tpu.memory_space<vmem>>, vector<16xf32>,
      %add3A_316 = arith.addf %get3A_311, %get3A_313 : vector<16xf32>
      %mul3A_317 = arith.mulf %add3A_316, %get3A_315 : vector<16xf32>
      %add3A_318 = arith.addf %add3A_303, %mul3A_317 : vector<16xf32>
      %add3A_319 = arith.constant 2 : i32
      %add3A_320 = arith.addi %mul3A_161, %add3A_319 : i32
      %mul3A_321 = arith.constant 64 : i32
      %mul3A_322 = arith.muli %add3A_320, %mul3A_321 : i32
      %add3A_323 = arith.constant 32 : i32
      %add3A_324 = arith.addi %mul3A_322, %add3A_323 : i32
      %get3A_325 = arith.index_cast %add3A_324 : i32 to index
      %get3A_326 = tpu.vector_load %arg6[%get3A_325] {strides = array<i32>} : memref<32768xf32, #tpu.memory_space<vmem>>, vector<16xf32>,
      %get3A_327 = arith.index_cast %add3A_324 : i32 to index
      %get3A_328 = tpu.vector_load %arg7[%get3A_327] {strides = array<i32>} : memref<32768xf32, #tpu.memory_space<vmem>>, vector<16xf32>,
      %get3A_329 = arith.index_cast %add3A_324 : i32 to index
      %get3A_330 = tpu.vector_load %arg8[%get3A_329] {strides = array<i32>} : memref<32768xf32, #tpu.memory_space<vmem>>, vector<16xf32>,
      %add3A_331 = arith.addf %get3A_326, %get3A_328 : vector<16xf32>
      %mul3A_332 = arith.mulf %add3A_331, %get3A_330 : vector<16xf32>
      %add3A_333 = arith.addf %add3A_318, %mul3A_332 : vector<16xf32>
      %add3A_334 = arith.constant 2 : i32
      %add3A_335 = arith.addi %mul3A_161, %add3A_334 : i32
      %mul3A_336 = arith.constant 64 : i32
      %mul3A_337 = arith.muli %add3A_335, %mul3A_336 : i32
      %add3A_338 = arith.constant 48 : i32
      %add3A_339 = arith.addi %mul3A_337, %add3A_338 : i32
      %get3A_340 = arith.index_cast %add3A_339 : i32 to index
      %get3A_341 = tpu.vector_load %arg6[%get3A_340] {strides = array<i32>} : memref<32768xf32, #tpu.memory_space<vmem>>, vector<16xf32>,
      %get3A_342 = arith.index_cast %add3A_339 : i32 to index
      %get3A_343 = tpu.vector_load %arg7[%get3A_342] {strides = array<i32>} : memref<32768xf32, #tpu.memory_space<vmem>>, vector<16xf32>,
      %get3A_344 = arith.index_cast %add3A_339 : i32 to index
      %get3A_345 = tpu.vector_load %arg8[%get3A_344] {strides = array<i32>} : memref<32768xf32, #tpu.memory_space<vmem>>, vector<16xf32>,
      %add3A_346 = arith.addf %get3A_341, %get3A_343 : vector<16xf32>
      %mul3A_347 = arith.mulf %add3A_346, %get3A_345 : vector<16xf32>
      %add3A_348 = arith.addf %add3A_333, %mul3A_347 : vector<16xf32>
      %swap3A_349 = arith.constant 34 : index
      %swap3A_350 = tpu.vector_load %arg9[%swap3A_349] {strides = array<i32>} : memref<272xf32, #tpu.memory_space<vmem>>, vector<16xf32>,
      tpu.vector_store %arg9[%swap3A_349], %add3A_348 {strides = array<i32>} : memref<272xf32, #tpu.memory_space<vmem>>, vector<16xf32>,
      %broadcast_in_dim3A_351 = arith.constant 0.000000e+00 : f32
      %broadcast_in_dim3A_352 = vector.broadcast %broadcast_in_dim3A_351 : f32 to vector<16xf32>
      %add3A_353 = arith.constant 3 : i32
      %add3A_354 = arith.addi %mul3A_161, %add3A_353 : i32
      %mul3A_355 = arith.constant 64 : i32
      %mul3A_356 = arith.muli %add3A_354, %mul3A_355 : i32
      %add3A_357 = arith.constant 0 : i32
      %add3A_358 = arith.addi %mul3A_356, %add3A_357 : i32
      %get3A_359 = arith.index_cast %add3A_358 : i32 to index
      %get3A_360 = tpu.vector_load %arg6[%get3A_359] {strides = array<i32>} : memref<32768xf32, #tpu.memory_space<vmem>>, vector<16xf32>,
      %get3A_361 = arith.index_cast %add3A_358 : i32 to index
      %get3A_362 = tpu.vector_load %arg7[%get3A_361] {strides = array<i32>} : memref<32768xf32, #tpu.memory_space<vmem>>, vector<16xf32>,
      %get3A_363 = arith.index_cast %add3A_358 : i32 to index
      %get3A_364 = tpu.vector_load %arg8[%get3A_363] {strides = array<i32>} : memref<32768xf32, #tpu.memory_space<vmem>>, vector<16xf32>,
      %add3A_365 = arith.addf %get3A_360, %get3A_362 : vector<16xf32>
      %mul3A_366 = arith.mulf %add3A_365, %get3A_364 : vector<16xf32>
      %add3A_367 = arith.addf %broadcast_in_dim3A_352, %mul3A_366 : vector<16xf32>
      %add3A_368 = arith.constant 3 : i32
      %add3A_369 = arith.addi %mul3A_161, %add3A_368 : i32
      %mul3A_370 = arith.constant 64 : i32
      %mul3A_371 = arith.muli %add3A_369, %mul3A_370 : i32
      %add3A_372 = arith.constant 16 : i32
      %add3A_373 = arith.addi %mul3A_371, %add3A_372 : i32
      %get3A_374 = arith.index_cast %add3A_373 : i32 to index
      %get3A_375 = tpu.vector_load %arg6[%get3A_374] {strides = array<i32>} : memref<32768xf32, #tpu.memory_space<vmem>>, vector<16xf32>,
      %get3A_376 = arith.index_cast %add3A_373 : i32 to index
      %get3A_377 = tpu.vector_load %arg7[%get3A_376] {strides = array<i32>} : memref<32768xf32, #tpu.memory_space<vmem>>, vector<16xf32>,
      %get3A_378 = arith.index_cast %add3A_373 : i32 to index
      %get3A_379 = tpu.vector_load %arg8[%get3A_378] {strides = array<i32>} : memref<32768xf32, #tpu.memory_space<vmem>>, vector<16xf32>,
      %add3A_380 = arith.addf %get3A_375, %get3A_377 : vector<16xf32>
      %mul3A_381 = arith.mulf %add3A_380, %get3A_379 : vector<16xf32>
      %add3A_382 = arith.addf %add3A_367, %mul3A_381 : vector<16xf32>
      %add3A_383 = arith.constant 3 : i32
      %add3A_384 = arith.addi %mul3A_161, %add3A_383 : i32
      %mul3A_385 = arith.constant 64 : i32
      %mul3A_386 = arith.muli %add3A_384, %mul3A_385 : i32
      %add3A_387 = arith.constant 32 : i32
      %add3A_388 = arith.addi %mul3A_386, %add3A_387 : i32
      %get3A_389 = arith.index_cast %add3A_388 : i32 to index
      %get3A_390 = tpu.vector_load %arg6[%get3A_389] {strides = array<i32>} : memref<32768xf32, #tpu.memory_space<vmem>>, vector<16xf32>,
      %get3A_391 = arith.index_cast %add3A_388 : i32 to index
      %get3A_392 = tpu.vector_load %arg7[%get3A_391] {strides = array<i32>} : memref<32768xf32, #tpu.memory_space<vmem>>, vector<16xf32>,
      %get3A_393 = arith.index_cast %add3A_388 : i32 to index
      %get3A_394 = tpu.vector_load %arg8[%get3A_393] {strides = array<i32>} : memref<32768xf32, #tpu.memory_space<vmem>>, vector<16xf32>,
      %add3A_395 = arith.addf %get3A_390, %get3A_392 : vector<16xf32>
      %mul3A_396 = arith.mulf %add3A_395, %get3A_394 : vector<16xf32>
      %add3A_397 = arith.addf %add3A_382, %mul3A_396 : vector<16xf32>
      %add3A_398 = arith.constant 3 : i32
      %add3A_399 = arith.addi %mul3A_161, %add3A_398 : i32
      %mul3A_400 = arith.constant 64 : i32
      %mul3A_401 = arith.muli %add3A_399, %mul3A_400 : i32
      %add3A_402 = arith.constant 48 : i32
      %add3A_403 = arith.addi %mul3A_401, %add3A_402 : i32
      %get3A_404 = arith.index_cast %add3A_403 : i32 to index
      %get3A_405 = tpu.vector_load %arg6[%get3A_404] {strides = array<i32>} : memref<32768xf32, #tpu.memory_space<vmem>>, vector<16xf32>,
      %get3A_406 = arith.index_cast %add3A_403 : i32 to index
      %get3A_407 = tpu.vector_load %arg7[%get3A_406] {strides = array<i32>} : memref<32768xf32, #tpu.memory_space<vmem>>, vector<16xf32>,
      %get3A_408 = arith.index_cast %add3A_403 : i32 to index
      %get3A_409 = tpu.vector_load %arg8[%get3A_408] {strides = array<i32>} : memref<32768xf32, #tpu.memory_space<vmem>>, vector<16xf32>,
      %add3A_410 = arith.addf %get3A_405, %get3A_407 : vector<16xf32>
      %mul3A_411 = arith.mulf %add3A_410, %get3A_409 : vector<16xf32>
      %add3A_412 = arith.addf %add3A_397, %mul3A_411 : vector<16xf32>
      %swap3A_413 = arith.constant 51 : index
      %swap3A_414 = tpu.vector_load %arg9[%swap3A_413] {strides = array<i32>} : memref<272xf32, #tpu.memory_space<vmem>>, vector<16xf32>,
      tpu.vector_store %arg9[%swap3A_413], %add3A_412 {strides = array<i32>} : memref<272xf32, #tpu.memory_space<vmem>>, vector<16xf32>,
      %broadcast_in_dim3A_415 = arith.constant 0.000000e+00 : f32
      %broadcast_in_dim3A_416 = vector.broadcast %broadcast_in_dim3A_415 : f32 to vector<16xf32>
      %add3A_417 = arith.constant 4 : i32
      %add3A_418 = arith.addi %mul3A_161, %add3A_417 : i32
      %mul3A_419 = arith.constant 64 : i32
      %mul3A_420 = arith.muli %add3A_418, %mul3A_419 : i32
      %add3A_421 = arith.constant 0 : i32
      %add3A_422 = arith.addi %mul3A_420, %add3A_421 : i32
      %get3A_423 = arith.index_cast %add3A_422 : i32 to index
      %get3A_424 = tpu.vector_load %arg6[%get3A_423] {strides = array<i32>} : memref<32768xf32, #tpu.memory_space<vmem>>, vector<16xf32>,
      %get3A_425 = arith.index_cast %add3A_422 : i32 to index
      %get3A_426 = tpu.vector_load %arg7[%get3A_425] {strides = array<i32>} : memref<32768xf32, #tpu.memory_space<vmem>>, vector<16xf32>,
      %get3A_427 = arith.index_cast %add3A_422 : i32 to index
      %get3A_428 = tpu.vector_load %arg8[%get3A_427] {strides = array<i32>} : memref<32768xf32, #tpu.memory_space<vmem>>, vector<16xf32>,
      %add3A_429 = arith.addf %get3A_424, %get3A_426 : vector<16xf32>
      %mul3A_430 = arith.mulf %add3A_429, %get3A_428 : vector<16xf32>
      %add3A_431 = arith.addf %broadcast_in_dim3A_416, %mul3A_430 : vector<16xf32>
      %add3A_432 = arith.constant 4 : i32
      %add3A_433 = arith.addi %mul3A_161, %add3A_432 : i32
      %mul3A_434 = arith.constant 64 : i32
      %mul3A_435 = arith.muli %add3A_433, %mul3A_434 : i32
      %add3A_436 = arith.constant 16 : i32
      %add3A_437 = arith.addi %mul3A_435, %add3A_436 : i32
      %get3A_438 = arith.index_cast %add3A_437 : i32 to index
      %get3A_439 = tpu.vector_load %arg6[%get3A_438] {strides = array<i32>} : memref<32768xf32, #tpu.memory_space<vmem>>, vector<16xf32>,
      %get3A_440 = arith.index_cast %add3A_437 : i32 to index
      %get3A_441 = tpu.vector_load %arg7[%get3A_440] {strides = array<i32>} : memref<32768xf32, #tpu.memory_space<vmem>>, vector<16xf32>,
      %get3A_442 = arith.index_cast %add3A_437 : i32 to index
      %get3A_443 = tpu.vector_load %arg8[%get3A_442] {strides = array<i32>} : memref<32768xf32, #tpu.memory_space<vmem>>, vector<16xf32>,
      %add3A_444 = arith.addf %get3A_439, %get3A_441 : vector<16xf32>
      %mul3A_445 = arith.mulf %add3A_444, %get3A_443 : vector<16xf32>
      %add3A_446 = arith.addf %add3A_431, %mul3A_445 : vector<16xf32>
      %add3A_447 = arith.constant 4 : i32
      %add3A_448 = arith.addi %mul3A_161, %add3A_447 : i32
      %mul3A_449 = arith.constant 64 : i32
      %mul3A_450 = arith.muli %add3A_448, %mul3A_449 : i32
      %add3A_451 = arith.constant 32 : i32
      %add3A_452 = arith.addi %mul3A_450, %add3A_451 : i32
      %get3A_453 = arith.index_cast %add3A_452 : i32 to index
      %get3A_454 = tpu.vector_load %arg6[%get3A_453] {strides = array<i32>} : memref<32768xf32, #tpu.memory_space<vmem>>, vector<16xf32>,
      %get3A_455 = arith.index_cast %add3A_452 : i32 to index
      %get3A_456 = tpu.vector_load %arg7[%get3A_455] {strides = array<i32>} : memref<32768xf32, #tpu.memory_space<vmem>>, vector<16xf32>,
      %get3A_457 = arith.index_cast %add3A_452 : i32 to index
      %get3A_458 = tpu.vector_load %arg8[%get3A_457] {strides = array<i32>} : memref<32768xf32, #tpu.memory_space<vmem>>, vector<16xf32>,
      %add3A_459 = arith.addf %get3A_454, %get3A_456 : vector<16xf32>
      %mul3A_460 = arith.mulf %add3A_459, %get3A_458 : vector<16xf32>
      %add3A_461 = arith.addf %add3A_446, %mul3A_460 : vector<16xf32>
      %add3A_462 = arith.constant 4 : i32
      %add3A_463 = arith.addi %mul3A_161, %add3A_462 : i32
      %mul3A_464 = arith.constant 64 : i32
      %mul3A_465 = arith.muli %add3A_463, %mul3A_464 : i32
      %add3A_466 = arith.constant 48 : i32
      %add3A_467 = arith.addi %mul3A_465, %add3A_466 : i32
      %get3A_468 = arith.index_cast %add3A_467 : i32 to index
      %get3A_469 = tpu.vector_load %arg6[%get3A_468] {strides = array<i32>} : memref<32768xf32, #tpu.memory_space<vmem>>, vector<16xf32>,
      %get3A_470 = arith.index_cast %add3A_467 : i32 to index
      %get3A_471 = tpu.vector_load %arg7[%get3A_470] {strides = array<i32>} : memref<32768xf32, #tpu.memory_space<vmem>>, vector<16xf32>,
      %get3A_472 = arith.index_cast %add3A_467 : i32 to index
      %get3A_473 = tpu.vector_load %arg8[%get3A_472] {strides = array<i32>} : memref<32768xf32, #tpu.memory_space<vmem>>, vector<16xf32>,
      %add3A_474 = arith.addf %get3A_469, %get3A_471 : vector<16xf32>
      %mul3A_475 = arith.mulf %add3A_474, %get3A_473 : vector<16xf32>
      %add3A_476 = arith.addf %add3A_461, %mul3A_475 : vector<16xf32>
      %swap3A_477 = arith.constant 68 : index
      %swap3A_478 = tpu.vector_load %arg9[%swap3A_477] {strides = array<i32>} : memref<272xf32, #tpu.memory_space<vmem>>, vector<16xf32>,
      tpu.vector_store %arg9[%swap3A_477], %add3A_476 {strides = array<i32>} : memref<272xf32, #tpu.memory_space<vmem>>, vector<16xf32>,
      %broadcast_in_dim3A_479 = arith.constant 0.000000e+00 : f32
      %broadcast_in_dim3A_480 = vector.broadcast %broadcast_in_dim3A_479 : f32 to vector<16xf32>
      %add3A_481 = arith.constant 5 : i32
      %add3A_482 = arith.addi %mul3A_161, %add3A_481 : i32
      %mul3A_483 = arith.constant 64 : i32
      %mul3A_484 = arith.muli %add3A_482, %mul3A_483 : i32
      %add3A_485 = arith.constant 0 : i32
      %add3A_486 = arith.addi %mul3A_484, %add3A_485 : i32
      %get3A_487 = arith.index_cast %add3A_486 : i32 to index
      %get3A_488 = tpu.vector_load %arg6[%get3A_487] {strides = array<i32>} : memref<32768xf32, #tpu.memory_space<vmem>>, vector<16xf32>,
      %get3A_489 = arith.index_cast %add3A_486 : i32 to index
      %get3A_490 = tpu.vector_load %arg7[%get3A_489] {strides = array<i32>} : memref<32768xf32, #tpu.memory_space<vmem>>, vector<16xf32>,
      %get3A_491 = arith.index_cast %add3A_486 : i32 to index
      %get3A_492 = tpu.vector_load %arg8[%get3A_491] {strides = array<i32>} : memref<32768xf32, #tpu.memory_space<vmem>>, vector<16xf32>,
      %add3A_493 = arith.addf %get3A_488, %get3A_490 : vector<16xf32>
      %mul3A_494 = arith.mulf %add3A_493, %get3A_492 : vector<16xf32>
      %add3A_495 = arith.addf %broadcast_in_dim3A_480, %mul3A_494 : vector<16xf32>
      %add3A_496 = arith.constant 5 : i32
      %add3A_497 = arith.addi %mul3A_161, %add3A_496 : i32
      %mul3A_498 = arith.constant 64 : i32
      %mul3A_499 = arith.muli %add3A_497, %mul3A_498 : i32
      %add3A_500 = arith.constant 16 : i32
      %add3A_501 = arith.addi %mul3A_499, %add3A_500 : i32
      %get3A_502 = arith.index_cast %add3A_501 : i32 to index
      %get3A_503 = tpu.vector_load %arg6[%get3A_502] {strides = array<i32>} : memref<32768xf32, #tpu.memory_space<vmem>>, vector<16xf32>,
      %get3A_504 = arith.index_cast %add3A_501 : i32 to index
      %get3A_505 = tpu.vector_load %arg7[%get3A_504] {strides = array<i32>} : memref<32768xf32, #tpu.memory_space<vmem>>, vector<16xf32>,
      %get3A_506 = arith.index_cast %add3A_501 : i32 to index
      %get3A_507 = tpu.vector_load %arg8[%get3A_506] {strides = array<i32>} : memref<32768xf32, #tpu.memory_space<vmem>>, vector<16xf32>,
      %add3A_508 = arith.addf %get3A_503, %get3A_505 : vector<16xf32>
      %mul3A_509 = arith.mulf %add3A_508, %get3A_507 : vector<16xf32>
      %add3A_510 = arith.addf %add3A_495, %mul3A_509 : vector<16xf32>
      %add3A_511 = arith.constant 5 : i32
      %add3A_512 = arith.addi %mul3A_161, %add3A_511 : i32
      %mul3A_513 = arith.constant 64 : i32
      %mul3A_514 = arith.muli %add3A_512, %mul3A_513 : i32
      %add3A_515 = arith.constant 32 : i32
      %add3A_516 = arith.addi %mul3A_514, %add3A_515 : i32
      %get3A_517 = arith.index_cast %add3A_516 : i32 to index
      %get3A_518 = tpu.vector_load %arg6[%get3A_517] {strides = array<i32>} : memref<32768xf32, #tpu.memory_space<vmem>>, vector<16xf32>,
      %get3A_519 = arith.index_cast %add3A_516 : i32 to index
      %get3A_520 = tpu.vector_load %arg7[%get3A_519] {strides = array<i32>} : memref<32768xf32, #tpu.memory_space<vmem>>, vector<16xf32>,
      %get3A_521 = arith.index_cast %add3A_516 : i32 to index
      %get3A_522 = tpu.vector_load %arg8[%get3A_521] {strides = array<i32>} : memref<32768xf32, #tpu.memory_space<vmem>>, vector<16xf32>,
      %add3A_523 = arith.addf %get3A_518, %get3A_520 : vector<16xf32>
      %mul3A_524 = arith.mulf %add3A_523, %get3A_522 : vector<16xf32>
      %add3A_525 = arith.addf %add3A_510, %mul3A_524 : vector<16xf32>
      %add3A_526 = arith.constant 5 : i32
      %add3A_527 = arith.addi %mul3A_161, %add3A_526 : i32
      %mul3A_528 = arith.constant 64 : i32
      %mul3A_529 = arith.muli %add3A_527, %mul3A_528 : i32
      %add3A_530 = arith.constant 48 : i32
      %add3A_531 = arith.addi %mul3A_529, %add3A_530 : i32
      %get3A_532 = arith.index_cast %add3A_531 : i32 to index
      %get3A_533 = tpu.vector_load %arg6[%get3A_532] {strides = array<i32>} : memref<32768xf32, #tpu.memory_space<vmem>>, vector<16xf32>,
      %get3A_534 = arith.index_cast %add3A_531 : i32 to index
      %get3A_535 = tpu.vector_load %arg7[%get3A_534] {strides = array<i32>} : memref<32768xf32, #tpu.memory_space<vmem>>, vector<16xf32>,
      %get3A_536 = arith.index_cast %add3A_531 : i32 to index
      %get3A_537 = tpu.vector_load %arg8[%get3A_536] {strides = array<i32>} : memref<32768xf32, #tpu.memory_space<vmem>>, vector<16xf32>,
      %add3A_538 = arith.addf %get3A_533, %get3A_535 : vector<16xf32>
      %mul3A_539 = arith.mulf %add3A_538, %get3A_537 : vector<16xf32>
      %add3A_540 = arith.addf %add3A_525, %mul3A_539 : vector<16xf32>
      %swap3A_541 = arith.constant 85 : index
      %swap3A_542 = tpu.vector_load %arg9[%swap3A_541] {strides = array<i32>} : memref<272xf32, #tpu.memory_space<vmem>>, vector<16xf32>,
      tpu.vector_store %arg9[%swap3A_541], %add3A_540 {strides = array<i32>} : memref<272xf32, #tpu.memory_space<vmem>>, vector<16xf32>,
      %broadcast_in_dim3A_543 = arith.constant 0.000000e+00 : f32
      %broadcast_in_dim3A_544 = vector.broadcast %broadcast_in_dim3A_543 : f32 to vector<16xf32>
      %add3A_545 = arith.constant 6 : i32
      %add3A_546 = arith.addi %mul3A_161, %add3A_545 : i32
      %mul3A_547 = arith.constant 64 : i32
      %mul3A_548 = arith.muli %add3A_546, %mul3A_547 : i32
      %add3A_549 = arith.constant 0 : i32
      %add3A_550 = arith.addi %mul3A_548, %add3A_549 : i32
      %get3A_551 = arith.index_cast %add3A_550 : i32 to index
      %get3A_552 = tpu.vector_load %arg6[%get3A_551] {strides = array<i32>} : memref<32768xf32, #tpu.memory_space<vmem>>, vector<16xf32>,
      %get3A_553 = arith.index_cast %add3A_550 : i32 to index
      %get3A_554 = tpu.vector_load %arg7[%get3A_553] {strides = array<i32>} : memref<32768xf32, #tpu.memory_space<vmem>>, vector<16xf32>,
      %get3A_555 = arith.index_cast %add3A_550 : i32 to index
      %get3A_556 = tpu.vector_load %arg8[%get3A_555] {strides = array<i32>} : memref<32768xf32, #tpu.memory_space<vmem>>, vector<16xf32>,
      %add3A_557 = arith.addf %get3A_552, %get3A_554 : vector<16xf32>
      %mul3A_558 = arith.mulf %add3A_557, %get3A_556 : vector<16xf32>
      %add3A_559 = arith.addf %broadcast_in_dim3A_544, %mul3A_558 : vector<16xf32>
      %add3A_560 = arith.constant 6 : i32
      %add3A_561 = arith.addi %mul3A_161, %add3A_560 : i32
      %mul3A_562 = arith.constant 64 : i32
      %mul3A_563 = arith.muli %add3A_561, %mul3A_562 : i32
      %add3A_564 = arith.constant 16 : i32
      %add3A_565 = arith.addi %mul3A_563, %add3A_564 : i32
      %get3A_566 = arith.index_cast %add3A_565 : i32 to index
      %get3A_567 = tpu.vector_load %arg6[%get3A_566] {strides = array<i32>} : memref<32768xf32, #tpu.memory_space<vmem>>, vector<16xf32>,
      %get3A_568 = arith.index_cast %add3A_565 : i32 to index
      %get3A_569 = tpu.vector_load %arg7[%get3A_568] {strides = array<i32>} : memref<32768xf32, #tpu.memory_space<vmem>>, vector<16xf32>,
      %get3A_570 = arith.index_cast %add3A_565 : i32 to index
      %get3A_571 = tpu.vector_load %arg8[%get3A_570] {strides = array<i32>} : memref<32768xf32, #tpu.memory_space<vmem>>, vector<16xf32>,
      %add3A_572 = arith.addf %get3A_567, %get3A_569 : vector<16xf32>
      %mul3A_573 = arith.mulf %add3A_572, %get3A_571 : vector<16xf32>
      %add3A_574 = arith.addf %add3A_559, %mul3A_573 : vector<16xf32>
      %add3A_575 = arith.constant 6 : i32
      %add3A_576 = arith.addi %mul3A_161, %add3A_575 : i32
      %mul3A_577 = arith.constant 64 : i32
      %mul3A_578 = arith.muli %add3A_576, %mul3A_577 : i32
      %add3A_579 = arith.constant 32 : i32
      %add3A_580 = arith.addi %mul3A_578, %add3A_579 : i32
      %get3A_581 = arith.index_cast %add3A_580 : i32 to index
      %get3A_582 = tpu.vector_load %arg6[%get3A_581] {strides = array<i32>} : memref<32768xf32, #tpu.memory_space<vmem>>, vector<16xf32>,
      %get3A_583 = arith.index_cast %add3A_580 : i32 to index
      %get3A_584 = tpu.vector_load %arg7[%get3A_583] {strides = array<i32>} : memref<32768xf32, #tpu.memory_space<vmem>>, vector<16xf32>,
      %get3A_585 = arith.index_cast %add3A_580 : i32 to index
      %get3A_586 = tpu.vector_load %arg8[%get3A_585] {strides = array<i32>} : memref<32768xf32, #tpu.memory_space<vmem>>, vector<16xf32>,
      %add3A_587 = arith.addf %get3A_582, %get3A_584 : vector<16xf32>
      %mul3A_588 = arith.mulf %add3A_587, %get3A_586 : vector<16xf32>
      %add3A_589 = arith.addf %add3A_574, %mul3A_588 : vector<16xf32>
      %add3A_590 = arith.constant 6 : i32
      %add3A_591 = arith.addi %mul3A_161, %add3A_590 : i32
      %mul3A_592 = arith.constant 64 : i32
      %mul3A_593 = arith.muli %add3A_591, %mul3A_592 : i32
      %add3A_594 = arith.constant 48 : i32
      %add3A_595 = arith.addi %mul3A_593, %add3A_594 : i32
      %get3A_596 = arith.index_cast %add3A_595 : i32 to index
      %get3A_597 = tpu.vector_load %arg6[%get3A_596] {strides = array<i32>} : memref<32768xf32, #tpu.memory_space<vmem>>, vector<16xf32>,
      %get3A_598 = arith.index_cast %add3A_595 : i32 to index
      %get3A_599 = tpu.vector_load %arg7[%get3A_598] {strides = array<i32>} : memref<32768xf32, #tpu.memory_space<vmem>>, vector<16xf32>,
      %get3A_600 = arith.index_cast %add3A_595 : i32 to index
      %get3A_601 = tpu.vector_load %arg8[%get3A_600] {strides = array<i32>} : memref<32768xf32, #tpu.memory_space<vmem>>, vector<16xf32>,
      %add3A_602 = arith.addf %get3A_597, %get3A_599 : vector<16xf32>
      %mul3A_603 = arith.mulf %add3A_602, %get3A_601 : vector<16xf32>
      %add3A_604 = arith.addf %add3A_589, %mul3A_603 : vector<16xf32>
      %swap3A_605 = arith.constant 102 : index
      %swap3A_606 = tpu.vector_load %arg9[%swap3A_605] {strides = array<i32>} : memref<272xf32, #tpu.memory_space<vmem>>, vector<16xf32>,
      tpu.vector_store %arg9[%swap3A_605], %add3A_604 {strides = array<i32>} : memref<272xf32, #tpu.memory_space<vmem>>, vector<16xf32>,
      %broadcast_in_dim3A_607 = arith.constant 0.000000e+00 : f32
      %broadcast_in_dim3A_608 = vector.broadcast %broadcast_in_dim3A_607 : f32 to vector<16xf32>
      %add3A_609 = arith.constant 7 : i32
      %add3A_610 = arith.addi %mul3A_161, %add3A_609 : i32
      %mul3A_611 = arith.constant 64 : i32
      %mul3A_612 = arith.muli %add3A_610, %mul3A_611 : i32
      %add3A_613 = arith.constant 0 : i32
      %add3A_614 = arith.addi %mul3A_612, %add3A_613 : i32
      %get3A_615 = arith.index_cast %add3A_614 : i32 to index
      %get3A_616 = tpu.vector_load %arg6[%get3A_615] {strides = array<i32>} : memref<32768xf32, #tpu.memory_space<vmem>>, vector<16xf32>,
      %get3A_617 = arith.index_cast %add3A_614 : i32 to index
      %get3A_618 = tpu.vector_load %arg7[%get3A_617] {strides = array<i32>} : memref<32768xf32, #tpu.memory_space<vmem>>, vector<16xf32>,
      %get3A_619 = arith.index_cast %add3A_614 : i32 to index
      %get3A_620 = tpu.vector_load %arg8[%get3A_619] {strides = array<i32>} : memref<32768xf32, #tpu.memory_space<vmem>>, vector<16xf32>,
      %add3A_621 = arith.addf %get3A_616, %get3A_618 : vector<16xf32>
      %mul3A_622 = arith.mulf %add3A_621, %get3A_620 : vector<16xf32>
      %add3A_623 = arith.addf %broadcast_in_dim3A_608, %mul3A_622 : vector<16xf32>
      %add3A_624 = arith.constant 7 : i32
      %add3A_625 = arith.addi %mul3A_161, %add3A_624 : i32
      %mul3A_626 = arith.constant 64 : i32
      %mul3A_627 = arith.muli %add3A_625, %mul3A_626 : i32
      %add3A_628 = arith.constant 16 : i32
      %add3A_629 = arith.addi %mul3A_627, %add3A_628 : i32
      %get3A_630 = arith.index_cast %add3A_629 : i32 to index
      %get3A_631 = tpu.vector_load %arg6[%get3A_630] {strides = array<i32>} : memref<32768xf32, #tpu.memory_space<vmem>>, vector<16xf32>,
      %get3A_632 = arith.index_cast %add3A_629 : i32 to index
      %get3A_633 = tpu.vector_load %arg7[%get3A_632] {strides = array<i32>} : memref<32768xf32, #tpu.memory_space<vmem>>, vector<16xf32>,
      %get3A_634 = arith.index_cast %add3A_629 : i32 to index
      %get3A_635 = tpu.vector_load %arg8[%get3A_634] {strides = array<i32>} : memref<32768xf32, #tpu.memory_space<vmem>>, vector<16xf32>,
      %add3A_636 = arith.addf %get3A_631, %get3A_633 : vector<16xf32>
      %mul3A_637 = arith.mulf %add3A_636, %get3A_635 : vector<16xf32>
      %add3A_638 = arith.addf %add3A_623, %mul3A_637 : vector<16xf32>
      %add3A_639 = arith.constant 7 : i32
      %add3A_640 = arith.addi %mul3A_161, %add3A_639 : i32
      %mul3A_641 = arith.constant 64 : i32
      %mul3A_642 = arith.muli %add3A_640, %mul3A_641 : i32
      %add3A_643 = arith.constant 32 : i32
      %add3A_644 = arith.addi %mul3A_642, %add3A_643 : i32
      %get3A_645 = arith.index_cast %add3A_644 : i32 to index
      %get3A_646 = tpu.vector_load %arg6[%get3A_645] {strides = array<i32>} : memref<32768xf32, #tpu.memory_space<vmem>>, vector<16xf32>,
      %get3A_647 = arith.index_cast %add3A_644 : i32 to index
      %get3A_648 = tpu.vector_load %arg7[%get3A_647] {strides = array<i32>} : memref<32768xf32, #tpu.memory_space<vmem>>, vector<16xf32>,
      %get3A_649 = arith.index_cast %add3A_644 : i32 to index
      %get3A_650 = tpu.vector_load %arg8[%get3A_649] {strides = array<i32>} : memref<32768xf32, #tpu.memory_space<vmem>>, vector<16xf32>,
      %add3A_651 = arith.addf %get3A_646, %get3A_648 : vector<16xf32>
      %mul3A_652 = arith.mulf %add3A_651, %get3A_650 : vector<16xf32>
      %add3A_653 = arith.addf %add3A_638, %mul3A_652 : vector<16xf32>
      %add3A_654 = arith.constant 7 : i32
      %add3A_655 = arith.addi %mul3A_161, %add3A_654 : i32
      %mul3A_656 = arith.constant 64 : i32
      %mul3A_657 = arith.muli %add3A_655, %mul3A_656 : i32
      %add3A_658 = arith.constant 48 : i32
      %add3A_659 = arith.addi %mul3A_657, %add3A_658 : i32
      %get3A_660 = arith.index_cast %add3A_659 : i32 to index
      %get3A_661 = tpu.vector_load %arg6[%get3A_660] {strides = array<i32>} : memref<32768xf32, #tpu.memory_space<vmem>>, vector<16xf32>,
      %get3A_662 = arith.index_cast %add3A_659 : i32 to index
      %get3A_663 = tpu.vector_load %arg7[%get3A_662] {strides = array<i32>} : memref<32768xf32, #tpu.memory_space<vmem>>, vector<16xf32>,
      %get3A_664 = arith.index_cast %add3A_659 : i32 to index
      %get3A_665 = tpu.vector_load %arg8[%get3A_664] {strides = array<i32>} : memref<32768xf32, #tpu.memory_space<vmem>>, vector<16xf32>,
      %add3A_666 = arith.addf %get3A_661, %get3A_663 : vector<16xf32>
      %mul3A_667 = arith.mulf %add3A_666, %get3A_665 : vector<16xf32>
      %add3A_668 = arith.addf %add3A_653, %mul3A_667 : vector<16xf32>
      %swap3A_669 = arith.constant 119 : index
      %swap3A_670 = tpu.vector_load %arg9[%swap3A_669] {strides = array<i32>} : memref<272xf32, #tpu.memory_space<vmem>>, vector<16xf32>,
      tpu.vector_store %arg9[%swap3A_669], %add3A_668 {strides = array<i32>} : memref<272xf32, #tpu.memory_space<vmem>>, vector<16xf32>,
      %broadcast_in_dim3A_671 = arith.constant 0.000000e+00 : f32
      %broadcast_in_dim3A_672 = vector.broadcast %broadcast_in_dim3A_671 : f32 to vector<16xf32>
      %add3A_673 = arith.constant 8 : i32
      %add3A_674 = arith.addi %mul3A_161, %add3A_673 : i32
      %mul3A_675 = arith.constant 64 : i32
      %mul3A_676 = arith.muli %add3A_674, %mul3A_675 : i32
      %add3A_677 = arith.constant 0 : i32
      %add3A_678 = arith.addi %mul3A_676, %add3A_677 : i32
      %get3A_679 = arith.index_cast %add3A_678 : i32 to index
      %get3A_680 = tpu.vector_load %arg6[%get3A_679] {strides = array<i32>} : memref<32768xf32, #tpu.memory_space<vmem>>, vector<16xf32>,
      %get3A_681 = arith.index_cast %add3A_678 : i32 to index
      %get3A_682 = tpu.vector_load %arg7[%get3A_681] {strides = array<i32>} : memref<32768xf32, #tpu.memory_space<vmem>>, vector<16xf32>,
      %get3A_683 = arith.index_cast %add3A_678 : i32 to index
      %get3A_684 = tpu.vector_load %arg8[%get3A_683] {strides = array<i32>} : memref<32768xf32, #tpu.memory_space<vmem>>, vector<16xf32>,
      %add3A_685 = arith.addf %get3A_680, %get3A_682 : vector<16xf32>
      %mul3A_686 = arith.mulf %add3A_685, %get3A_684 : vector<16xf32>
      %add3A_687 = arith.addf %broadcast_in_dim3A_672, %mul3A_686 : vector<16xf32>
      %add3A_688 = arith.constant 8 : i32
      %add3A_689 = arith.addi %mul3A_161, %add3A_688 : i32
      %mul3A_690 = arith.constant 64 : i32
      %mul3A_691 = arith.muli %add3A_689, %mul3A_690 : i32
      %add3A_692 = arith.constant 16 : i32
      %add3A_693 = arith.addi %mul3A_691, %add3A_692 : i32
      %get3A_694 = arith.index_cast %add3A_693 : i32 to index
      %get3A_695 = tpu.vector_load %arg6[%get3A_694] {strides = array<i32>} : memref<32768xf32, #tpu.memory_space<vmem>>, vector<16xf32>,
      %get3A_696 = arith.index_cast %add3A_693 : i32 to index
      %get3A_697 = tpu.vector_load %arg7[%get3A_696] {strides = array<i32>} : memref<32768xf32, #tpu.memory_space<vmem>>, vector<16xf32>,
      %get3A_698 = arith.index_cast %add3A_693 : i32 to index
      %get3A_699 = tpu.vector_load %arg8[%get3A_698] {strides = array<i32>} : memref<32768xf32, #tpu.memory_space<vmem>>, vector<16xf32>,
      %add3A_700 = arith.addf %get3A_695, %get3A_697 : vector<16xf32>
      %mul3A_701 = arith.mulf %add3A_700, %get3A_699 : vector<16xf32>
      %add3A_702 = arith.addf %add3A_687, %mul3A_701 : vector<16xf32>
      %add3A_703 = arith.constant 8 : i32
      %add3A_704 = arith.addi %mul3A_161, %add3A_703 : i32
      %mul3A_705 = arith.constant 64 : i32
      %mul3A_706 = arith.muli %add3A_704, %mul3A_705 : i32
      %add3A_707 = arith.constant 32 : i32
      %add3A_708 = arith.addi %mul3A_706, %add3A_707 : i32
      %get3A_709 = arith.index_cast %add3A_708 : i32 to index
      %get3A_710 = tpu.vector_load %arg6[%get3A_709] {strides = array<i32>} : memref<32768xf32, #tpu.memory_space<vmem>>, vector<16xf32>,
      %get3A_711 = arith.index_cast %add3A_708 : i32 to index
      %get3A_712 = tpu.vector_load %arg7[%get3A_711] {strides = array<i32>} : memref<32768xf32, #tpu.memory_space<vmem>>, vector<16xf32>,
      %get3A_713 = arith.index_cast %add3A_708 : i32 to index
      %get3A_714 = tpu.vector_load %arg8[%get3A_713] {strides = array<i32>} : memref<32768xf32, #tpu.memory_space<vmem>>, vector<16xf32>,
      %add3A_715 = arith.addf %get3A_710, %get3A_712 : vector<16xf32>
      %mul3A_716 = arith.mulf %add3A_715, %get3A_714 : vector<16xf32>
      %add3A_717 = arith.addf %add3A_702, %mul3A_716 : vector<16xf32>
      %add3A_718 = arith.constant 8 : i32
      %add3A_719 = arith.addi %mul3A_161, %add3A_718 : i32
      %mul3A_720 = arith.constant 64 : i32
      %mul3A_721 = arith.muli %add3A_719, %mul3A_720 : i32
      %add3A_722 = arith.constant 48 : i32
      %add3A_723 = arith.addi %mul3A_721, %add3A_722 : i32
      %get3A_724 = arith.index_cast %add3A_723 : i32 to index
      %get3A_725 = tpu.vector_load %arg6[%get3A_724] {strides = array<i32>} : memref<32768xf32, #tpu.memory_space<vmem>>, vector<16xf32>,
      %get3A_726 = arith.index_cast %add3A_723 : i32 to index
      %get3A_727 = tpu.vector_load %arg7[%get3A_726] {strides = array<i32>} : memref<32768xf32, #tpu.memory_space<vmem>>, vector<16xf32>,
      %get3A_728 = arith.index_cast %add3A_723 : i32 to index
      %get3A_729 = tpu.vector_load %arg8[%get3A_728] {strides = array<i32>} : memref<32768xf32, #tpu.memory_space<vmem>>, vector<16xf32>,
      %add3A_730 = arith.addf %get3A_725, %get3A_727 : vector<16xf32>
      %mul3A_731 = arith.mulf %add3A_730, %get3A_729 : vector<16xf32>
      %add3A_732 = arith.addf %add3A_717, %mul3A_731 : vector<16xf32>
      %swap3A_733 = arith.constant 136 : index
      %swap3A_734 = tpu.vector_load %arg9[%swap3A_733] {strides = array<i32>} : memref<272xf32, #tpu.memory_space<vmem>>, vector<16xf32>,
      tpu.vector_store %arg9[%swap3A_733], %add3A_732 {strides = array<i32>} : memref<272xf32, #tpu.memory_space<vmem>>, vector<16xf32>,
      %broadcast_in_dim3A_735 = arith.constant 0.000000e+00 : f32
      %broadcast_in_dim3A_736 = vector.broadcast %broadcast_in_dim3A_735 : f32 to vector<16xf32>
      %add3A_737 = arith.constant 9 : i32
      %add3A_738 = arith.addi %mul3A_161, %add3A_737 : i32
      %mul3A_739 = arith.constant 64 : i32
      %mul3A_740 = arith.muli %add3A_738, %mul3A_739 : i32
      %add3A_741 = arith.constant 0 : i32
      %add3A_742 = arith.addi %mul3A_740, %add3A_741 : i32
      %get3A_743 = arith.index_cast %add3A_742 : i32 to index
      %get3A_744 = tpu.vector_load %arg6[%get3A_743] {strides = array<i32>} : memref<32768xf32, #tpu.memory_space<vmem>>, vector<16xf32>,
      %get3A_745 = arith.index_cast %add3A_742 : i32 to index
      %get3A_746 = tpu.vector_load %arg7[%get3A_745] {strides = array<i32>} : memref<32768xf32, #tpu.memory_space<vmem>>, vector<16xf32>,
      %get3A_747 = arith.index_cast %add3A_742 : i32 to index
      %get3A_748 = tpu.vector_load %arg8[%get3A_747] {strides = array<i32>} : memref<32768xf32, #tpu.memory_space<vmem>>, vector<16xf32>,
      %add3A_749 = arith.addf %get3A_744, %get3A_746 : vector<16xf32>
      %mul3A_750 = arith.mulf %add3A_749, %get3A_748 : vector<16xf32>
      %add3A_751 = arith.addf %broadcast_in_dim3A_736, %mul3A_750 : vector<16xf32>
      %add3A_752 = arith.constant 9 : i32
      %add3A_753 = arith.addi %mul3A_161, %add3A_752 : i32
      %mul3A_754 = arith.constant 64 : i32
      %mul3A_755 = arith.muli %add3A_753, %mul3A_754 : i32
      %add3A_756 = arith.constant 16 : i32
      %add3A_757 = arith.addi %mul3A_755, %add3A_756 : i32
      %get3A_758 = arith.index_cast %add3A_757 : i32 to index
      %get3A_759 = tpu.vector_load %arg6[%get3A_758] {strides = array<i32>} : memref<32768xf32, #tpu.memory_space<vmem>>, vector<16xf32>,
      %get3A_760 = arith.index_cast %add3A_757 : i32 to index
      %get3A_761 = tpu.vector_load %arg7[%get3A_760] {strides = array<i32>} : memref<32768xf32, #tpu.memory_space<vmem>>, vector<16xf32>,
      %get3A_762 = arith.index_cast %add3A_757 : i32 to index
      %get3A_763 = tpu.vector_load %arg8[%get3A_762] {strides = array<i32>} : memref<32768xf32, #tpu.memory_space<vmem>>, vector<16xf32>,
      %add3A_764 = arith.addf %get3A_759, %get3A_761 : vector<16xf32>
      %mul3A_765 = arith.mulf %add3A_764, %get3A_763 : vector<16xf32>
      %add3A_766 = arith.addf %add3A_751, %mul3A_765 : vector<16xf32>
      %add3A_767 = arith.constant 9 : i32
      %add3A_768 = arith.addi %mul3A_161, %add3A_767 : i32
      %mul3A_769 = arith.constant 64 : i32
      %mul3A_770 = arith.muli %add3A_768, %mul3A_769 : i32
      %add3A_771 = arith.constant 32 : i32
      %add3A_772 = arith.addi %mul3A_770, %add3A_771 : i32
      %get3A_773 = arith.index_cast %add3A_772 : i32 to index
      %get3A_774 = tpu.vector_load %arg6[%get3A_773] {strides = array<i32>} : memref<32768xf32, #tpu.memory_space<vmem>>, vector<16xf32>,
      %get3A_775 = arith.index_cast %add3A_772 : i32 to index
      %get3A_776 = tpu.vector_load %arg7[%get3A_775] {strides = array<i32>} : memref<32768xf32, #tpu.memory_space<vmem>>, vector<16xf32>,
      %get3A_777 = arith.index_cast %add3A_772 : i32 to index
      %get3A_778 = tpu.vector_load %arg8[%get3A_777] {strides = array<i32>} : memref<32768xf32, #tpu.memory_space<vmem>>, vector<16xf32>,
      %add3A_779 = arith.addf %get3A_774, %get3A_776 : vector<16xf32>
      %mul3A_780 = arith.mulf %add3A_779, %get3A_778 : vector<16xf32>
      %add3A_781 = arith.addf %add3A_766, %mul3A_780 : vector<16xf32>
      %add3A_782 = arith.constant 9 : i32
      %add3A_783 = arith.addi %mul3A_161, %add3A_782 : i32
      %mul3A_784 = arith.constant 64 : i32
      %mul3A_785 = arith.muli %add3A_783, %mul3A_784 : i32
      %add3A_786 = arith.constant 48 : i32
      %add3A_787 = arith.addi %mul3A_785, %add3A_786 : i32
      %get3A_788 = arith.index_cast %add3A_787 : i32 to index
      %get3A_789 = tpu.vector_load %arg6[%get3A_788] {strides = array<i32>} : memref<32768xf32, #tpu.memory_space<vmem>>, vector<16xf32>,
      %get3A_790 = arith.index_cast %add3A_787 : i32 to index
      %get3A_791 = tpu.vector_load %arg7[%get3A_790] {strides = array<i32>} : memref<32768xf32, #tpu.memory_space<vmem>>, vector<16xf32>,
      %get3A_792 = arith.index_cast %add3A_787 : i32 to index
      %get3A_793 = tpu.vector_load %arg8[%get3A_792] {strides = array<i32>} : memref<32768xf32, #tpu.memory_space<vmem>>, vector<16xf32>,
      %add3A_794 = arith.addf %get3A_789, %get3A_791 : vector<16xf32>
      %mul3A_795 = arith.mulf %add3A_794, %get3A_793 : vector<16xf32>
      %add3A_796 = arith.addf %add3A_781, %mul3A_795 : vector<16xf32>
      %swap3A_797 = arith.constant 153 : index
      %swap3A_798 = tpu.vector_load %arg9[%swap3A_797] {strides = array<i32>} : memref<272xf32, #tpu.memory_space<vmem>>, vector<16xf32>,
      tpu.vector_store %arg9[%swap3A_797], %add3A_796 {strides = array<i32>} : memref<272xf32, #tpu.memory_space<vmem>>, vector<16xf32>,
      %broadcast_in_dim3A_799 = arith.constant 0.000000e+00 : f32
      %broadcast_in_dim3A_800 = vector.broadcast %broadcast_in_dim3A_799 : f32 to vector<16xf32>
      %add3A_801 = arith.constant 10 : i32
      %add3A_802 = arith.addi %mul3A_161, %add3A_801 : i32
      %mul3A_803 = arith.constant 64 : i32
      %mul3A_804 = arith.muli %add3A_802, %mul3A_803 : i32
      %add3A_805 = arith.constant 0 : i32
      %add3A_806 = arith.addi %mul3A_804, %add3A_805 : i32
      %get3A_807 = arith.index_cast %add3A_806 : i32 to index
      %get3A_808 = tpu.vector_load %arg6[%get3A_807] {strides = array<i32>} : memref<32768xf32, #tpu.memory_space<vmem>>, vector<16xf32>,
      %get3A_809 = arith.index_cast %add3A_806 : i32 to index
      %get3A_810 = tpu.vector_load %arg7[%get3A_809] {strides = array<i32>} : memref<32768xf32, #tpu.memory_space<vmem>>, vector<16xf32>,
      %get3A_811 = arith.index_cast %add3A_806 : i32 to index
      %get3A_812 = tpu.vector_load %arg8[%get3A_811] {strides = array<i32>} : memref<32768xf32, #tpu.memory_space<vmem>>, vector<16xf32>,
      %add3A_813 = arith.addf %get3A_808, %get3A_810 : vector<16xf32>
      %mul3A_814 = arith.mulf %add3A_813, %get3A_812 : vector<16xf32>
      %add3A_815 = arith.addf %broadcast_in_dim3A_800, %mul3A_814 : vector<16xf32>
      %add3A_816 = arith.constant 10 : i32
      %add3A_817 = arith.addi %mul3A_161, %add3A_816 : i32
      %mul3A_818 = arith.constant 64 : i32
      %mul3A_819 = arith.muli %add3A_817, %mul3A_818 : i32
      %add3A_820 = arith.constant 16 : i32
      %add3A_821 = arith.addi %mul3A_819, %add3A_820 : i32
      %get3A_822 = arith.index_cast %add3A_821 : i32 to index
      %get3A_823 = tpu.vector_load %arg6[%get3A_822] {strides = array<i32>} : memref<32768xf32, #tpu.memory_space<vmem>>, vector<16xf32>,
      %get3A_824 = arith.index_cast %add3A_821 : i32 to index
      %get3A_825 = tpu.vector_load %arg7[%get3A_824] {strides = array<i32>} : memref<32768xf32, #tpu.memory_space<vmem>>, vector<16xf32>,
      %get3A_826 = arith.index_cast %add3A_821 : i32 to index
      %get3A_827 = tpu.vector_load %arg8[%get3A_826] {strides = array<i32>} : memref<32768xf32, #tpu.memory_space<vmem>>, vector<16xf32>,
      %add3A_828 = arith.addf %get3A_823, %get3A_825 : vector<16xf32>
      %mul3A_829 = arith.mulf %add3A_828, %get3A_827 : vector<16xf32>
      %add3A_830 = arith.addf %add3A_815, %mul3A_829 : vector<16xf32>
      %add3A_831 = arith.constant 10 : i32
      %add3A_832 = arith.addi %mul3A_161, %add3A_831 : i32
      %mul3A_833 = arith.constant 64 : i32
      %mul3A_834 = arith.muli %add3A_832, %mul3A_833 : i32
      %add3A_835 = arith.constant 32 : i32
      %add3A_836 = arith.addi %mul3A_834, %add3A_835 : i32
      %get3A_837 = arith.index_cast %add3A_836 : i32 to index
      %get3A_838 = tpu.vector_load %arg6[%get3A_837] {strides = array<i32>} : memref<32768xf32, #tpu.memory_space<vmem>>, vector<16xf32>,
      %get3A_839 = arith.index_cast %add3A_836 : i32 to index
      %get3A_840 = tpu.vector_load %arg7[%get3A_839] {strides = array<i32>} : memref<32768xf32, #tpu.memory_space<vmem>>, vector<16xf32>,
      %get3A_841 = arith.index_cast %add3A_836 : i32 to index
      %get3A_842 = tpu.vector_load %arg8[%get3A_841] {strides = array<i32>} : memref<32768xf32, #tpu.memory_space<vmem>>, vector<16xf32>,
      %add3A_843 = arith.addf %get3A_838, %get3A_840 : vector<16xf32>
      %mul3A_844 = arith.mulf %add3A_843, %get3A_842 : vector<16xf32>
      %add3A_845 = arith.addf %add3A_830, %mul3A_844 : vector<16xf32>
      %add3A_846 = arith.constant 10 : i32
      %add3A_847 = arith.addi %mul3A_161, %add3A_846 : i32
      %mul3A_848 = arith.constant 64 : i32
      %mul3A_849 = arith.muli %add3A_847, %mul3A_848 : i32
      %add3A_850 = arith.constant 48 : i32
      %add3A_851 = arith.addi %mul3A_849, %add3A_850 : i32
      %get3A_852 = arith.index_cast %add3A_851 : i32 to index
      %get3A_853 = tpu.vector_load %arg6[%get3A_852] {strides = array<i32>} : memref<32768xf32, #tpu.memory_space<vmem>>, vector<16xf32>,
      %get3A_854 = arith.index_cast %add3A_851 : i32 to index
      %get3A_855 = tpu.vector_load %arg7[%get3A_854] {strides = array<i32>} : memref<32768xf32, #tpu.memory_space<vmem>>, vector<16xf32>,
      %get3A_856 = arith.index_cast %add3A_851 : i32 to index
      %get3A_857 = tpu.vector_load %arg8[%get3A_856] {strides = array<i32>} : memref<32768xf32, #tpu.memory_space<vmem>>, vector<16xf32>,
      %add3A_858 = arith.addf %get3A_853, %get3A_855 : vector<16xf32>
      %mul3A_859 = arith.mulf %add3A_858, %get3A_857 : vector<16xf32>
      %add3A_860 = arith.addf %add3A_845, %mul3A_859 : vector<16xf32>
      %swap3A_861 = arith.constant 170 : index
      %swap3A_862 = tpu.vector_load %arg9[%swap3A_861] {strides = array<i32>} : memref<272xf32, #tpu.memory_space<vmem>>, vector<16xf32>,
      tpu.vector_store %arg9[%swap3A_861], %add3A_860 {strides = array<i32>} : memref<272xf32, #tpu.memory_space<vmem>>, vector<16xf32>,
      %broadcast_in_dim3A_863 = arith.constant 0.000000e+00 : f32
      %broadcast_in_dim3A_864 = vector.broadcast %broadcast_in_dim3A_863 : f32 to vector<16xf32>
      %add3A_865 = arith.constant 11 : i32
      %add3A_866 = arith.addi %mul3A_161, %add3A_865 : i32
      %mul3A_867 = arith.constant 64 : i32
      %mul3A_868 = arith.muli %add3A_866, %mul3A_867 : i32
      %add3A_869 = arith.constant 0 : i32
      %add3A_870 = arith.addi %mul3A_868, %add3A_869 : i32
      %get3A_871 = arith.index_cast %add3A_870 : i32 to index
      %get3A_872 = tpu.vector_load %arg6[%get3A_871] {strides = array<i32>} : memref<32768xf32, #tpu.memory_space<vmem>>, vector<16xf32>,
      %get3A_873 = arith.index_cast %add3A_870 : i32 to index
      %get3A_874 = tpu.vector_load %arg7[%get3A_873] {strides = array<i32>} : memref<32768xf32, #tpu.memory_space<vmem>>, vector<16xf32>,
      %get3A_875 = arith.index_cast %add3A_870 : i32 to index
      %get3A_876 = tpu.vector_load %arg8[%get3A_875] {strides = array<i32>} : memref<32768xf32, #tpu.memory_space<vmem>>, vector<16xf32>,
      %add3A_877 = arith.addf %get3A_872, %get3A_874 : vector<16xf32>
      %mul3A_878 = arith.mulf %add3A_877, %get3A_876 : vector<16xf32>
      %add3A_879 = arith.addf %broadcast_in_dim3A_864, %mul3A_878 : vector<16xf32>
      %add3A_880 = arith.constant 11 : i32
      %add3A_881 = arith.addi %mul3A_161, %add3A_880 : i32
      %mul3A_882 = arith.constant 64 : i32
      %mul3A_883 = arith.muli %add3A_881, %mul3A_882 : i32
      %add3A_884 = arith.constant 16 : i32
      %add3A_885 = arith.addi %mul3A_883, %add3A_884 : i32
      %get3A_886 = arith.index_cast %add3A_885 : i32 to index
      %get3A_887 = tpu.vector_load %arg6[%get3A_886] {strides = array<i32>} : memref<32768xf32, #tpu.memory_space<vmem>>, vector<16xf32>,
      %get3A_888 = arith.index_cast %add3A_885 : i32 to index
      %get3A_889 = tpu.vector_load %arg7[%get3A_888] {strides = array<i32>} : memref<32768xf32, #tpu.memory_space<vmem>>, vector<16xf32>,
      %get3A_890 = arith.index_cast %add3A_885 : i32 to index
      %get3A_891 = tpu.vector_load %arg8[%get3A_890] {strides = array<i32>} : memref<32768xf32, #tpu.memory_space<vmem>>, vector<16xf32>,
      %add3A_892 = arith.addf %get3A_887, %get3A_889 : vector<16xf32>
      %mul3A_893 = arith.mulf %add3A_892, %get3A_891 : vector<16xf32>
      %add3A_894 = arith.addf %add3A_879, %mul3A_893 : vector<16xf32>
      %add3A_895 = arith.constant 11 : i32
      %add3A_896 = arith.addi %mul3A_161, %add3A_895 : i32
      %mul3A_897 = arith.constant 64 : i32
      %mul3A_898 = arith.muli %add3A_896, %mul3A_897 : i32
      %add3A_899 = arith.constant 32 : i32
      %add3A_900 = arith.addi %mul3A_898, %add3A_899 : i32
      %get3A_901 = arith.index_cast %add3A_900 : i32 to index
      %get3A_902 = tpu.vector_load %arg6[%get3A_901] {strides = array<i32>} : memref<32768xf32, #tpu.memory_space<vmem>>, vector<16xf32>,
      %get3A_903 = arith.index_cast %add3A_900 : i32 to index
      %get3A_904 = tpu.vector_load %arg7[%get3A_903] {strides = array<i32>} : memref<32768xf32, #tpu.memory_space<vmem>>, vector<16xf32>,
      %get3A_905 = arith.index_cast %add3A_900 : i32 to index
      %get3A_906 = tpu.vector_load %arg8[%get3A_905] {strides = array<i32>} : memref<32768xf32, #tpu.memory_space<vmem>>, vector<16xf32>,
      %add3A_907 = arith.addf %get3A_902, %get3A_904 : vector<16xf32>
      %mul3A_908 = arith.mulf %add3A_907, %get3A_906 : vector<16xf32>
      %add3A_909 = arith.addf %add3A_894, %mul3A_908 : vector<16xf32>
      %add3A_910 = arith.constant 11 : i32
      %add3A_911 = arith.addi %mul3A_161, %add3A_910 : i32
      %mul3A_912 = arith.constant 64 : i32
      %mul3A_913 = arith.muli %add3A_911, %mul3A_912 : i32
      %add3A_914 = arith.constant 48 : i32
      %add3A_915 = arith.addi %mul3A_913, %add3A_914 : i32
      %get3A_916 = arith.index_cast %add3A_915 : i32 to index
      %get3A_917 = tpu.vector_load %arg6[%get3A_916] {strides = array<i32>} : memref<32768xf32, #tpu.memory_space<vmem>>, vector<16xf32>,
      %get3A_918 = arith.index_cast %add3A_915 : i32 to index
      %get3A_919 = tpu.vector_load %arg7[%get3A_918] {strides = array<i32>} : memref<32768xf32, #tpu.memory_space<vmem>>, vector<16xf32>,
      %get3A_920 = arith.index_cast %add3A_915 : i32 to index
      %get3A_921 = tpu.vector_load %arg8[%get3A_920] {strides = array<i32>} : memref<32768xf32, #tpu.memory_space<vmem>>, vector<16xf32>,
      %add3A_922 = arith.addf %get3A_917, %get3A_919 : vector<16xf32>
      %mul3A_923 = arith.mulf %add3A_922, %get3A_921 : vector<16xf32>
      %add3A_924 = arith.addf %add3A_909, %mul3A_923 : vector<16xf32>
      %swap3A_925 = arith.constant 187 : index
      %swap3A_926 = tpu.vector_load %arg9[%swap3A_925] {strides = array<i32>} : memref<272xf32, #tpu.memory_space<vmem>>, vector<16xf32>,
      tpu.vector_store %arg9[%swap3A_925], %add3A_924 {strides = array<i32>} : memref<272xf32, #tpu.memory_space<vmem>>, vector<16xf32>,
      %broadcast_in_dim3A_927 = arith.constant 0.000000e+00 : f32
      %broadcast_in_dim3A_928 = vector.broadcast %broadcast_in_dim3A_927 : f32 to vector<16xf32>
      %add3A_929 = arith.constant 12 : i32
      %add3A_930 = arith.addi %mul3A_161, %add3A_929 : i32
      %mul3A_931 = arith.constant 64 : i32
      %mul3A_932 = arith.muli %add3A_930, %mul3A_931 : i32
      %add3A_933 = arith.constant 0 : i32
      %add3A_934 = arith.addi %mul3A_932, %add3A_933 : i32
      %get3A_935 = arith.index_cast %add3A_934 : i32 to index
      %get3A_936 = tpu.vector_load %arg6[%get3A_935] {strides = array<i32>} : memref<32768xf32, #tpu.memory_space<vmem>>, vector<16xf32>,
      %get3A_937 = arith.index_cast %add3A_934 : i32 to index
      %get3A_938 = tpu.vector_load %arg7[%get3A_937] {strides = array<i32>} : memref<32768xf32, #tpu.memory_space<vmem>>, vector<16xf32>,
      %get3A_939 = arith.index_cast %add3A_934 : i32 to index
      %get3A_940 = tpu.vector_load %arg8[%get3A_939] {strides = array<i32>} : memref<32768xf32, #tpu.memory_space<vmem>>, vector<16xf32>,
      %add3A_941 = arith.addf %get3A_936, %get3A_938 : vector<16xf32>
      %mul3A_942 = arith.mulf %add3A_941, %get3A_940 : vector<16xf32>
      %add3A_943 = arith.addf %broadcast_in_dim3A_928, %mul3A_942 : vector<16xf32>
      %add3A_944 = arith.constant 12 : i32
      %add3A_945 = arith.addi %mul3A_161, %add3A_944 : i32
      %mul3A_946 = arith.constant 64 : i32
      %mul3A_947 = arith.muli %add3A_945, %mul3A_946 : i32
      %add3A_948 = arith.constant 16 : i32
      %add3A_949 = arith.addi %mul3A_947, %add3A_948 : i32
      %get3A_950 = arith.index_cast %add3A_949 : i32 to index
      %get3A_951 = tpu.vector_load %arg6[%get3A_950] {strides = array<i32>} : memref<32768xf32, #tpu.memory_space<vmem>>, vector<16xf32>,
      %get3A_952 = arith.index_cast %add3A_949 : i32 to index
      %get3A_953 = tpu.vector_load %arg7[%get3A_952] {strides = array<i32>} : memref<32768xf32, #tpu.memory_space<vmem>>, vector<16xf32>,
      %get3A_954 = arith.index_cast %add3A_949 : i32 to index
      %get3A_955 = tpu.vector_load %arg8[%get3A_954] {strides = array<i32>} : memref<32768xf32, #tpu.memory_space<vmem>>, vector<16xf32>,
      %add3A_956 = arith.addf %get3A_951, %get3A_953 : vector<16xf32>
      %mul3A_957 = arith.mulf %add3A_956, %get3A_955 : vector<16xf32>
      %add3A_958 = arith.addf %add3A_943, %mul3A_957 : vector<16xf32>
      %add3A_959 = arith.constant 12 : i32
      %add3A_960 = arith.addi %mul3A_161, %add3A_959 : i32
      %mul3A_961 = arith.constant 64 : i32
      %mul3A_962 = arith.muli %add3A_960, %mul3A_961 : i32
      %add3A_963 = arith.constant 32 : i32
      %add3A_964 = arith.addi %mul3A_962, %add3A_963 : i32
      %get3A_965 = arith.index_cast %add3A_964 : i32 to index
      %get3A_966 = tpu.vector_load %arg6[%get3A_965] {strides = array<i32>} : memref<32768xf32, #tpu.memory_space<vmem>>, vector<16xf32>,
      %get3A_967 = arith.index_cast %add3A_964 : i32 to index
      %get3A_968 = tpu.vector_load %arg7[%get3A_967] {strides = array<i32>} : memref<32768xf32, #tpu.memory_space<vmem>>, vector<16xf32>,
      %get3A_969 = arith.index_cast %add3A_964 : i32 to index
      %get3A_970 = tpu.vector_load %arg8[%get3A_969] {strides = array<i32>} : memref<32768xf32, #tpu.memory_space<vmem>>, vector<16xf32>,
      %add3A_971 = arith.addf %get3A_966, %get3A_968 : vector<16xf32>
      %mul3A_972 = arith.mulf %add3A_971, %get3A_970 : vector<16xf32>
      %add3A_973 = arith.addf %add3A_958, %mul3A_972 : vector<16xf32>
      %add3A_974 = arith.constant 12 : i32
      %add3A_975 = arith.addi %mul3A_161, %add3A_974 : i32
      %mul3A_976 = arith.constant 64 : i32
      %mul3A_977 = arith.muli %add3A_975, %mul3A_976 : i32
      %add3A_978 = arith.constant 48 : i32
      %add3A_979 = arith.addi %mul3A_977, %add3A_978 : i32
      %get3A_980 = arith.index_cast %add3A_979 : i32 to index
      %get3A_981 = tpu.vector_load %arg6[%get3A_980] {strides = array<i32>} : memref<32768xf32, #tpu.memory_space<vmem>>, vector<16xf32>,
      %get3A_982 = arith.index_cast %add3A_979 : i32 to index
      %get3A_983 = tpu.vector_load %arg7[%get3A_982] {strides = array<i32>} : memref<32768xf32, #tpu.memory_space<vmem>>, vector<16xf32>,
      %get3A_984 = arith.index_cast %add3A_979 : i32 to index
      %get3A_985 = tpu.vector_load %arg8[%get3A_984] {strides = array<i32>} : memref<32768xf32, #tpu.memory_space<vmem>>, vector<16xf32>,
      %add3A_986 = arith.addf %get3A_981, %get3A_983 : vector<16xf32>
      %mul3A_987 = arith.mulf %add3A_986, %get3A_985 : vector<16xf32>
      %add3A_988 = arith.addf %add3A_973, %mul3A_987 : vector<16xf32>
      %swap3A_989 = arith.constant 204 : index
      %swap3A_990 = tpu.vector_load %arg9[%swap3A_989] {strides = array<i32>} : memref<272xf32, #tpu.memory_space<vmem>>, vector<16xf32>,
      tpu.vector_store %arg9[%swap3A_989], %add3A_988 {strides = array<i32>} : memref<272xf32, #tpu.memory_space<vmem>>, vector<16xf32>,
      %broadcast_in_dim3A_991 = arith.constant 0.000000e+00 : f32
      %broadcast_in_dim3A_992 = vector.broadcast %broadcast_in_dim3A_991 : f32 to vector<16xf32>
      %add3A_993 = arith.constant 13 : i32
      %add3A_994 = arith.addi %mul3A_161, %add3A_993 : i32
      %mul3A_995 = arith.constant 64 : i32
      %mul3A_996 = arith.muli %add3A_994, %mul3A_995 : i32
      %add3A_997 = arith.constant 0 : i32
      %add3A_998 = arith.addi %mul3A_996, %add3A_997 : i32
      %get3A_999 = arith.index_cast %add3A_998 : i32 to index
      %get3A_1000 = tpu.vector_load %arg6[%get3A_999] {strides = array<i32>} : memref<32768xf32, #tpu.memory_space<vmem>>, vector<16xf32>,
      %get3A_1001 = arith.index_cast %add3A_998 : i32 to index
      %get3A_1002 = tpu.vector_load %arg7[%get3A_1001] {strides = array<i32>} : memref<32768xf32, #tpu.memory_space<vmem>>, vector<16xf32>,
      %get3A_1003 = arith.index_cast %add3A_998 : i32 to index
      %get3A_1004 = tpu.vector_load %arg8[%get3A_1003] {strides = array<i32>} : memref<32768xf32, #tpu.memory_space<vmem>>, vector<16xf32>,
      %add3A_1005 = arith.addf %get3A_1000, %get3A_1002 : vector<16xf32>
      %mul3A_1006 = arith.mulf %add3A_1005, %get3A_1004 : vector<16xf32>
      %add3A_1007 = arith.addf %broadcast_in_dim3A_992, %mul3A_1006 : vector<16xf32>
      %add3A_1008 = arith.constant 13 : i32
      %add3A_1009 = arith.addi %mul3A_161, %add3A_1008 : i32
      %mul3A_1010 = arith.constant 64 : i32
      %mul3A_1011 = arith.muli %add3A_1009, %mul3A_1010 : i32
      %add3A_1012 = arith.constant 16 : i32
      %add3A_1013 = arith.addi %mul3A_1011, %add3A_1012 : i32
      %get3A_1014 = arith.index_cast %add3A_1013 : i32 to index
      %get3A_1015 = tpu.vector_load %arg6[%get3A_1014] {strides = array<i32>} : memref<32768xf32, #tpu.memory_space<vmem>>, vector<16xf32>,
      %get3A_1016 = arith.index_cast %add3A_1013 : i32 to index
      %get3A_1017 = tpu.vector_load %arg7[%get3A_1016] {strides = array<i32>} : memref<32768xf32, #tpu.memory_space<vmem>>, vector<16xf32>,
      %get3A_1018 = arith.index_cast %add3A_1013 : i32 to index
      %get3A_1019 = tpu.vector_load %arg8[%get3A_1018] {strides = array<i32>} : memref<32768xf32, #tpu.memory_space<vmem>>, vector<16xf32>,
      %add3A_1020 = arith.addf %get3A_1015, %get3A_1017 : vector<16xf32>
      %mul3A_1021 = arith.mulf %add3A_1020, %get3A_1019 : vector<16xf32>
      %add3A_1022 = arith.addf %add3A_1007, %mul3A_1021 : vector<16xf32>
      %add3A_1023 = arith.constant 13 : i32
      %add3A_1024 = arith.addi %mul3A_161, %add3A_1023 : i32
      %mul3A_1025 = arith.constant 64 : i32
      %mul3A_1026 = arith.muli %add3A_1024, %mul3A_1025 : i32
      %add3A_1027 = arith.constant 32 : i32
      %add3A_1028 = arith.addi %mul3A_1026, %add3A_1027 : i32
      %get3A_1029 = arith.index_cast %add3A_1028 : i32 to index
      %get3A_1030 = tpu.vector_load %arg6[%get3A_1029] {strides = array<i32>} : memref<32768xf32, #tpu.memory_space<vmem>>, vector<16xf32>,
      %get3A_1031 = arith.index_cast %add3A_1028 : i32 to index
      %get3A_1032 = tpu.vector_load %arg7[%get3A_1031] {strides = array<i32>} : memref<32768xf32, #tpu.memory_space<vmem>>, vector<16xf32>,
      %get3A_1033 = arith.index_cast %add3A_1028 : i32 to index
      %get3A_1034 = tpu.vector_load %arg8[%get3A_1033] {strides = array<i32>} : memref<32768xf32, #tpu.memory_space<vmem>>, vector<16xf32>,
      %add3A_1035 = arith.addf %get3A_1030, %get3A_1032 : vector<16xf32>
      %mul3A_1036 = arith.mulf %add3A_1035, %get3A_1034 : vector<16xf32>
      %add3A_1037 = arith.addf %add3A_1022, %mul3A_1036 : vector<16xf32>
      %add3A_1038 = arith.constant 13 : i32
      %add3A_1039 = arith.addi %mul3A_161, %add3A_1038 : i32
      %mul3A_1040 = arith.constant 64 : i32
      %mul3A_1041 = arith.muli %add3A_1039, %mul3A_1040 : i32
      %add3A_1042 = arith.constant 48 : i32
      %add3A_1043 = arith.addi %mul3A_1041, %add3A_1042 : i32
      %get3A_1044 = arith.index_cast %add3A_1043 : i32 to index
      %get3A_1045 = tpu.vector_load %arg6[%get3A_1044] {strides = array<i32>} : memref<32768xf32, #tpu.memory_space<vmem>>, vector<16xf32>,
      %get3A_1046 = arith.index_cast %add3A_1043 : i32 to index
      %get3A_1047 = tpu.vector_load %arg7[%get3A_1046] {strides = array<i32>} : memref<32768xf32, #tpu.memory_space<vmem>>, vector<16xf32>,
      %get3A_1048 = arith.index_cast %add3A_1043 : i32 to index
      %get3A_1049 = tpu.vector_load %arg8[%get3A_1048] {strides = array<i32>} : memref<32768xf32, #tpu.memory_space<vmem>>, vector<16xf32>,
      %add3A_1050 = arith.addf %get3A_1045, %get3A_1047 : vector<16xf32>
      %mul3A_1051 = arith.mulf %add3A_1050, %get3A_1049 : vector<16xf32>
      %add3A_1052 = arith.addf %add3A_1037, %mul3A_1051 : vector<16xf32>
      %swap3A_1053 = arith.constant 221 : index
      %swap3A_1054 = tpu.vector_load %arg9[%swap3A_1053] {strides = array<i32>} : memref<272xf32, #tpu.memory_space<vmem>>, vector<16xf32>,
      tpu.vector_store %arg9[%swap3A_1053], %add3A_1052 {strides = array<i32>} : memref<272xf32, #tpu.memory_space<vmem>>, vector<16xf32>,
      %broadcast_in_dim3A_1055 = arith.constant 0.000000e+00 : f32
      %broadcast_in_dim3A_1056 = vector.broadcast %broadcast_in_dim3A_1055 : f32 to vector<16xf32>
      %add3A_1057 = arith.constant 14 : i32
      %add3A_1058 = arith.addi %mul3A_161, %add3A_1057 : i32
      %mul3A_1059 = arith.constant 64 : i32
      %mul3A_1060 = arith.muli %add3A_1058, %mul3A_1059 : i32
      %add3A_1061 = arith.constant 0 : i32
      %add3A_1062 = arith.addi %mul3A_1060, %add3A_1061 : i32
      %get3A_1063 = arith.index_cast %add3A_1062 : i32 to index
      %get3A_1064 = tpu.vector_load %arg6[%get3A_1063] {strides = array<i32>} : memref<32768xf32, #tpu.memory_space<vmem>>, vector<16xf32>,
      %get3A_1065 = arith.index_cast %add3A_1062 : i32 to index
      %get3A_1066 = tpu.vector_load %arg7[%get3A_1065] {strides = array<i32>} : memref<32768xf32, #tpu.memory_space<vmem>>, vector<16xf32>,
      %get3A_1067 = arith.index_cast %add3A_1062 : i32 to index
      %get3A_1068 = tpu.vector_load %arg8[%get3A_1067] {strides = array<i32>} : memref<32768xf32, #tpu.memory_space<vmem>>, vector<16xf32>,
      %add3A_1069 = arith.addf %get3A_1064, %get3A_1066 : vector<16xf32>
      %mul3A_1070 = arith.mulf %add3A_1069, %get3A_1068 : vector<16xf32>
      %add3A_1071 = arith.addf %broadcast_in_dim3A_1056, %mul3A_1070 : vector<16xf32>
      %add3A_1072 = arith.constant 14 : i32
      %add3A_1073 = arith.addi %mul3A_161, %add3A_1072 : i32
      %mul3A_1074 = arith.constant 64 : i32
      %mul3A_1075 = arith.muli %add3A_1073, %mul3A_1074 : i32
      %add3A_1076 = arith.constant 16 : i32
      %add3A_1077 = arith.addi %mul3A_1075, %add3A_1076 : i32
      %get3A_1078 = arith.index_cast %add3A_1077 : i32 to index
      %get3A_1079 = tpu.vector_load %arg6[%get3A_1078] {strides = array<i32>} : memref<32768xf32, #tpu.memory_space<vmem>>, vector<16xf32>,
      %get3A_1080 = arith.index_cast %add3A_1077 : i32 to index
      %get3A_1081 = tpu.vector_load %arg7[%get3A_1080] {strides = array<i32>} : memref<32768xf32, #tpu.memory_space<vmem>>, vector<16xf32>,
      %get3A_1082 = arith.index_cast %add3A_1077 : i32 to index
      %get3A_1083 = tpu.vector_load %arg8[%get3A_1082] {strides = array<i32>} : memref<32768xf32, #tpu.memory_space<vmem>>, vector<16xf32>,
      %add3A_1084 = arith.addf %get3A_1079, %get3A_1081 : vector<16xf32>
      %mul3A_1085 = arith.mulf %add3A_1084, %get3A_1083 : vector<16xf32>
      %add3A_1086 = arith.addf %add3A_1071, %mul3A_1085 : vector<16xf32>
      %add3A_1087 = arith.constant 14 : i32
      %add3A_1088 = arith.addi %mul3A_161, %add3A_1087 : i32
      %mul3A_1089 = arith.constant 64 : i32
      %mul3A_1090 = arith.muli %add3A_1088, %mul3A_1089 : i32
      %add3A_1091 = arith.constant 32 : i32
      %add3A_1092 = arith.addi %mul3A_1090, %add3A_1091 : i32
      %get3A_1093 = arith.index_cast %add3A_1092 : i32 to index
      %get3A_1094 = tpu.vector_load %arg6[%get3A_1093] {strides = array<i32>} : memref<32768xf32, #tpu.memory_space<vmem>>, vector<16xf32>,
      %get3A_1095 = arith.index_cast %add3A_1092 : i32 to index
      %get3A_1096 = tpu.vector_load %arg7[%get3A_1095] {strides = array<i32>} : memref<32768xf32, #tpu.memory_space<vmem>>, vector<16xf32>,
      %get3A_1097 = arith.index_cast %add3A_1092 : i32 to index
      %get3A_1098 = tpu.vector_load %arg8[%get3A_1097] {strides = array<i32>} : memref<32768xf32, #tpu.memory_space<vmem>>, vector<16xf32>,
      %add3A_1099 = arith.addf %get3A_1094, %get3A_1096 : vector<16xf32>
      %mul3A_1100 = arith.mulf %add3A_1099, %get3A_1098 : vector<16xf32>
      %add3A_1101 = arith.addf %add3A_1086, %mul3A_1100 : vector<16xf32>
      %add3A_1102 = arith.constant 14 : i32
      %add3A_1103 = arith.addi %mul3A_161, %add3A_1102 : i32
      %mul3A_1104 = arith.constant 64 : i32
      %mul3A_1105 = arith.muli %add3A_1103, %mul3A_1104 : i32
      %add3A_1106 = arith.constant 48 : i32
      %add3A_1107 = arith.addi %mul3A_1105, %add3A_1106 : i32
      %get3A_1108 = arith.index_cast %add3A_1107 : i32 to index
      %get3A_1109 = tpu.vector_load %arg6[%get3A_1108] {strides = array<i32>} : memref<32768xf32, #tpu.memory_space<vmem>>, vector<16xf32>,
      %get3A_1110 = arith.index_cast %add3A_1107 : i32 to index
      %get3A_1111 = tpu.vector_load %arg7[%get3A_1110] {strides = array<i32>} : memref<32768xf32, #tpu.memory_space<vmem>>, vector<16xf32>,
      %get3A_1112 = arith.index_cast %add3A_1107 : i32 to index
      %get3A_1113 = tpu.vector_load %arg8[%get3A_1112] {strides = array<i32>} : memref<32768xf32, #tpu.memory_space<vmem>>, vector<16xf32>,
      %add3A_1114 = arith.addf %get3A_1109, %get3A_1111 : vector<16xf32>
      %mul3A_1115 = arith.mulf %add3A_1114, %get3A_1113 : vector<16xf32>
      %add3A_1116 = arith.addf %add3A_1101, %mul3A_1115 : vector<16xf32>
      %swap3A_1117 = arith.constant 238 : index
      %swap3A_1118 = tpu.vector_load %arg9[%swap3A_1117] {strides = array<i32>} : memref<272xf32, #tpu.memory_space<vmem>>, vector<16xf32>,
      tpu.vector_store %arg9[%swap3A_1117], %add3A_1116 {strides = array<i32>} : memref<272xf32, #tpu.memory_space<vmem>>, vector<16xf32>,
      %broadcast_in_dim3A_1119 = arith.constant 0.000000e+00 : f32
      %broadcast_in_dim3A_1120 = vector.broadcast %broadcast_in_dim3A_1119 : f32 to vector<16xf32>
      %add3A_1121 = arith.constant 15 : i32
      %add3A_1122 = arith.addi %mul3A_161, %add3A_1121 : i32
      %mul3A_1123 = arith.constant 64 : i32
      %mul3A_1124 = arith.muli %add3A_1122, %mul3A_1123 : i32
      %add3A_1125 = arith.constant 0 : i32
      %add3A_1126 = arith.addi %mul3A_1124, %add3A_1125 : i32
      %get3A_1127 = arith.index_cast %add3A_1126 : i32 to index
      %get3A_1128 = tpu.vector_load %arg6[%get3A_1127] {strides = array<i32>} : memref<32768xf32, #tpu.memory_space<vmem>>, vector<16xf32>,
      %get3A_1129 = arith.index_cast %add3A_1126 : i32 to index
      %get3A_1130 = tpu.vector_load %arg7[%get3A_1129] {strides = array<i32>} : memref<32768xf32, #tpu.memory_space<vmem>>, vector<16xf32>,
      %get3A_1131 = arith.index_cast %add3A_1126 : i32 to index
      %get3A_1132 = tpu.vector_load %arg8[%get3A_1131] {strides = array<i32>} : memref<32768xf32, #tpu.memory_space<vmem>>, vector<16xf32>,
      %add3A_1133 = arith.addf %get3A_1128, %get3A_1130 : vector<16xf32>
      %mul3A_1134 = arith.mulf %add3A_1133, %get3A_1132 : vector<16xf32>
      %add3A_1135 = arith.addf %broadcast_in_dim3A_1120, %mul3A_1134 : vector<16xf32>
      %add3A_1136 = arith.constant 15 : i32
      %add3A_1137 = arith.addi %mul3A_161, %add3A_1136 : i32
      %mul3A_1138 = arith.constant 64 : i32
      %mul3A_1139 = arith.muli %add3A_1137, %mul3A_1138 : i32
      %add3A_1140 = arith.constant 16 : i32
      %add3A_1141 = arith.addi %mul3A_1139, %add3A_1140 : i32
      %get3A_1142 = arith.index_cast %add3A_1141 : i32 to index
      %get3A_1143 = tpu.vector_load %arg6[%get3A_1142] {strides = array<i32>} : memref<32768xf32, #tpu.memory_space<vmem>>, vector<16xf32>,
      %get3A_1144 = arith.index_cast %add3A_1141 : i32 to index
      %get3A_1145 = tpu.vector_load %arg7[%get3A_1144] {strides = array<i32>} : memref<32768xf32, #tpu.memory_space<vmem>>, vector<16xf32>,
      %get3A_1146 = arith.index_cast %add3A_1141 : i32 to index
      %get3A_1147 = tpu.vector_load %arg8[%get3A_1146] {strides = array<i32>} : memref<32768xf32, #tpu.memory_space<vmem>>, vector<16xf32>,
      %add3A_1148 = arith.addf %get3A_1143, %get3A_1145 : vector<16xf32>
      %mul3A_1149 = arith.mulf %add3A_1148, %get3A_1147 : vector<16xf32>
      %add3A_1150 = arith.addf %add3A_1135, %mul3A_1149 : vector<16xf32>
      %add3A_1151 = arith.constant 15 : i32
      %add3A_1152 = arith.addi %mul3A_161, %add3A_1151 : i32
      %mul3A_1153 = arith.constant 64 : i32
      %mul3A_1154 = arith.muli %add3A_1152, %mul3A_1153 : i32
      %add3A_1155 = arith.constant 32 : i32
      %add3A_1156 = arith.addi %mul3A_1154, %add3A_1155 : i32
      %get3A_1157 = arith.index_cast %add3A_1156 : i32 to index
      %get3A_1158 = tpu.vector_load %arg6[%get3A_1157] {strides = array<i32>} : memref<32768xf32, #tpu.memory_space<vmem>>, vector<16xf32>,
      %get3A_1159 = arith.index_cast %add3A_1156 : i32 to index
      %get3A_1160 = tpu.vector_load %arg7[%get3A_1159] {strides = array<i32>} : memref<32768xf32, #tpu.memory_space<vmem>>, vector<16xf32>,
      %get3A_1161 = arith.index_cast %add3A_1156 : i32 to index
      %get3A_1162 = tpu.vector_load %arg8[%get3A_1161] {strides = array<i32>} : memref<32768xf32, #tpu.memory_space<vmem>>, vector<16xf32>,
      %add3A_1163 = arith.addf %get3A_1158, %get3A_1160 : vector<16xf32>
      %mul3A_1164 = arith.mulf %add3A_1163, %get3A_1162 : vector<16xf32>
      %add3A_1165 = arith.addf %add3A_1150, %mul3A_1164 : vector<16xf32>
      %add3A_1166 = arith.constant 15 : i32
      %add3A_1167 = arith.addi %mul3A_161, %add3A_1166 : i32
      %mul3A_1168 = arith.constant 64 : i32
      %mul3A_1169 = arith.muli %add3A_1167, %mul3A_1168 : i32
      %add3A_1170 = arith.constant 48 : i32
      %add3A_1171 = arith.addi %mul3A_1169, %add3A_1170 : i32
      %get3A_1172 = arith.index_cast %add3A_1171 : i32 to index
      %get3A_1173 = tpu.vector_load %arg6[%get3A_1172] {strides = array<i32>} : memref<32768xf32, #tpu.memory_space<vmem>>, vector<16xf32>,
      %get3A_1174 = arith.index_cast %add3A_1171 : i32 to index
      %get3A_1175 = tpu.vector_load %arg7[%get3A_1174] {strides = array<i32>} : memref<32768xf32, #tpu.memory_space<vmem>>, vector<16xf32>,
      %get3A_1176 = arith.index_cast %add3A_1171 : i32 to index
      %get3A_1177 = tpu.vector_load %arg8[%get3A_1176] {strides = array<i32>} : memref<32768xf32, #tpu.memory_space<vmem>>, vector<16xf32>,
      %add3A_1178 = arith.addf %get3A_1173, %get3A_1175 : vector<16xf32>
      %mul3A_1179 = arith.mulf %add3A_1178, %get3A_1177 : vector<16xf32>
      %add3A_1180 = arith.addf %add3A_1165, %mul3A_1179 : vector<16xf32>
      %swap3A_1181 = arith.constant 255 : index
      %swap3A_1182 = tpu.vector_load %arg9[%swap3A_1181] {strides = array<i32>} : memref<272xf32, #tpu.memory_space<vmem>>, vector<16xf32>,
      tpu.vector_store %arg9[%swap3A_1181], %add3A_1180 {strides = array<i32>} : memref<272xf32, #tpu.memory_space<vmem>>, vector<16xf32>,
      %broadcast_in_dim3A_1183 = arith.constant 0.000000e+00 : f32
      %broadcast_in_dim3A_1184 = vector.broadcast %broadcast_in_dim3A_1183 : f32 to vector<16xf32>
      %add3A_1185 = arith.constant 0 : i32
      %add3A_1186 = vector.broadcast %add3A_1185 : i32 to vector<16xi32>
      %add3A_1187 = arith.addi %mul3A_7, %add3A_1186 : vector<16xi32>
      %gather3A = tpu.vector_load_idx %arg9[%add3A_1187] : memref<272xf32, #tpu.memory_space<vmem>>[vector<16xi32>], vector<16xf32>,
      %add3A_1188 = arith.addf %broadcast_in_dim3A_1184, %gather3A : vector<16xf32>
      %add3A_1189 = arith.constant 1 : i32
      %add3A_1190 = vector.broadcast %add3A_1189 : i32 to vector<16xi32>
      %add3A_1191 = arith.addi %mul3A_7, %add3A_1190 : vector<16xi32>
      %gather3A_1192 = tpu.vector_load_idx %arg9[%add3A_1191] : memref<272xf32, #tpu.memory_space<vmem>>[vector<16xi32>], vector<16xf32>,
      %add3A_1193 = arith.addf %add3A_1188, %gather3A_1192 : vector<16xf32>
      %add3A_1194 = arith.constant 2 : i32
      %add3A_1195 = vector.broadcast %add3A_1194 : i32 to vector<16xi32>
      %add3A_1196 = arith.addi %mul3A_7, %add3A_1195 : vector<16xi32>
      %gather3A_1197 = tpu.vector_load_idx %arg9[%add3A_1196] : memref<272xf32, #tpu.memory_space<vmem>>[vector<16xi32>], vector<16xf32>,
      %add3A_1198 = arith.addf %add3A_1193, %gather3A_1197 : vector<16xf32>
      %add3A_1199 = arith.constant 3 : i32
      %add3A_1200 = vector.broadcast %add3A_1199 : i32 to vector<16xi32>
      %add3A_1201 = arith.addi %mul3A_7, %add3A_1200 : vector<16xi32>
      %gather3A_1202 = tpu.vector_load_idx %arg9[%add3A_1201] : memref<272xf32, #tpu.memory_space<vmem>>[vector<16xi32>], vector<16xf32>,
      %add3A_1203 = arith.addf %add3A_1198, %gather3A_1202 : vector<16xf32>
      %add3A_1204 = arith.constant 4 : i32
      %add3A_1205 = vector.broadcast %add3A_1204 : i32 to vector<16xi32>
      %add3A_1206 = arith.addi %mul3A_7, %add3A_1205 : vector<16xi32>
      %gather3A_1207 = tpu.vector_load_idx %arg9[%add3A_1206] : memref<272xf32, #tpu.memory_space<vmem>>[vector<16xi32>], vector<16xf32>,
      %add3A_1208 = arith.addf %add3A_1203, %gather3A_1207 : vector<16xf32>
      %add3A_1209 = arith.constant 5 : i32
      %add3A_1210 = vector.broadcast %add3A_1209 : i32 to vector<16xi32>
      %add3A_1211 = arith.addi %mul3A_7, %add3A_1210 : vector<16xi32>
      %gather3A_1212 = tpu.vector_load_idx %arg9[%add3A_1211] : memref<272xf32, #tpu.memory_space<vmem>>[vector<16xi32>], vector<16xf32>,
      %add3A_1213 = arith.addf %add3A_1208, %gather3A_1212 : vector<16xf32>
      %add3A_1214 = arith.constant 6 : i32
      %add3A_1215 = vector.broadcast %add3A_1214 : i32 to vector<16xi32>
      %add3A_1216 = arith.addi %mul3A_7, %add3A_1215 : vector<16xi32>
      %gather3A_1217 = tpu.vector_load_idx %arg9[%add3A_1216] : memref<272xf32, #tpu.memory_space<vmem>>[vector<16xi32>], vector<16xf32>,
      %add3A_1218 = arith.addf %add3A_1213, %gather3A_1217 : vector<16xf32>
      %add3A_1219 = arith.constant 7 : i32
      %add3A_1220 = vector.broadcast %add3A_1219 : i32 to vector<16xi32>
      %add3A_1221 = arith.addi %mul3A_7, %add3A_1220 : vector<16xi32>
      %gather3A_1222 = tpu.vector_load_idx %arg9[%add3A_1221] : memref<272xf32, #tpu.memory_space<vmem>>[vector<16xi32>], vector<16xf32>,
      %add3A_1223 = arith.addf %add3A_1218, %gather3A_1222 : vector<16xf32>
      %add3A_1224 = arith.constant 8 : i32
      %add3A_1225 = vector.broadcast %add3A_1224 : i32 to vector<16xi32>
      %add3A_1226 = arith.addi %mul3A_7, %add3A_1225 : vector<16xi32>
      %gather3A_1227 = tpu.vector_load_idx %arg9[%add3A_1226] : memref<272xf32, #tpu.memory_space<vmem>>[vector<16xi32>], vector<16xf32>,
      %add3A_1228 = arith.addf %add3A_1223, %gather3A_1227 : vector<16xf32>
      %add3A_1229 = arith.constant 9 : i32
      %add3A_1230 = vector.broadcast %add3A_1229 : i32 to vector<16xi32>
      %add3A_1231 = arith.addi %mul3A_7, %add3A_1230 : vector<16xi32>
      %gather3A_1232 = tpu.vector_load_idx %arg9[%add3A_1231] : memref<272xf32, #tpu.memory_space<vmem>>[vector<16xi32>], vector<16xf32>,
      %add3A_1233 = arith.addf %add3A_1228, %gather3A_1232 : vector<16xf32>
      %add3A_1234 = arith.constant 10 : i32
      %add3A_1235 = vector.broadcast %add3A_1234 : i32 to vector<16xi32>
      %add3A_1236 = arith.addi %mul3A_7, %add3A_1235 : vector<16xi32>
      %gather3A_1237 = tpu.vector_load_idx %arg9[%add3A_1236] : memref<272xf32, #tpu.memory_space<vmem>>[vector<16xi32>], vector<16xf32>,
      %add3A_1238 = arith.addf %add3A_1233, %gather3A_1237 : vector<16xf32>
      %add3A_1239 = arith.constant 11 : i32
      %add3A_1240 = vector.broadcast %add3A_1239 : i32 to vector<16xi32>
      %add3A_1241 = arith.addi %mul3A_7, %add3A_1240 : vector<16xi32>
      %gather3A_1242 = tpu.vector_load_idx %arg9[%add3A_1241] : memref<272xf32, #tpu.memory_space<vmem>>[vector<16xi32>], vector<16xf32>,
      %add3A_1243 = arith.addf %add3A_1238, %gather3A_1242 : vector<16xf32>
      %add3A_1244 = arith.constant 12 : i32
      %add3A_1245 = vector.broadcast %add3A_1244 : i32 to vector<16xi32>
      %add3A_1246 = arith.addi %mul3A_7, %add3A_1245 : vector<16xi32>
      %gather3A_1247 = tpu.vector_load_idx %arg9[%add3A_1246] : memref<272xf32, #tpu.memory_space<vmem>>[vector<16xi32>], vector<16xf32>,
      %add3A_1248 = arith.addf %add3A_1243, %gather3A_1247 : vector<16xf32>
      %add3A_1249 = arith.constant 13 : i32
      %add3A_1250 = vector.broadcast %add3A_1249 : i32 to vector<16xi32>
      %add3A_1251 = arith.addi %mul3A_7, %add3A_1250 : vector<16xi32>
      %gather3A_1252 = tpu.vector_load_idx %arg9[%add3A_1251] : memref<272xf32, #tpu.memory_space<vmem>>[vector<16xi32>], vector<16xf32>,
      %add3A_1253 = arith.addf %add3A_1248, %gather3A_1252 : vector<16xf32>
      %add3A_1254 = arith.constant 14 : i32
      %add3A_1255 = vector.broadcast %add3A_1254 : i32 to vector<16xi32>
      %add3A_1256 = arith.addi %mul3A_7, %add3A_1255 : vector<16xi32>
      %gather3A_1257 = tpu.vector_load_idx %arg9[%add3A_1256] : memref<272xf32, #tpu.memory_space<vmem>>[vector<16xi32>], vector<16xf32>,
      %add3A_1258 = arith.addf %add3A_1253, %gather3A_1257 : vector<16xf32>
      %add3A_1259 = arith.constant 15 : i32
      %add3A_1260 = vector.broadcast %add3A_1259 : i32 to vector<16xi32>
      %add3A_1261 = arith.addi %mul3A_7, %add3A_1260 : vector<16xi32>
      %gather3A_1262 = tpu.vector_load_idx %arg9[%add3A_1261] : memref<272xf32, #tpu.memory_space<vmem>>[vector<16xi32>], vector<16xf32>,
      %add3A_1263 = arith.addf %add3A_1258, %gather3A_1262 : vector<16xf32>
      %mul3A_1264 = arith.constant 5.000000e-01 : f32
      %mul3A_1265 = vector.broadcast %mul3A_1264 : f32 to vector<16xf32>
      %mul3A_1266 = arith.mulf %add3A_1263, %mul3A_1265 : vector<16xf32>
      %swap3A_1267 = arith.index_cast %mul3A_161 : i32 to index
      %swap3A_1268 = tpu.vector_load %arg10[%swap3A_1267] {strides = array<i32>} : memref<512xf32, #tpu.memory_space<vmem>>, vector<16xf32>,
      tpu.vector_store %arg10[%swap3A_1267], %mul3A_1266 {strides = array<i32>} : memref<512xf32, #tpu.memory_space<vmem>>, vector<16xf32>,
      %scan3A_1269 = arith.constant 0 : i32
      scf.yield %scan3A_1269 : i32
    }
    %scan3A_88 = arith.constant 8 : i32
    %dma_wait3A_89 = arith.constant 16384 : i32
    %dma_wait3A_90 = tpu.memref_slice %arg6[%dma_wait3A_89] : memref<32768xf32, #tpu.memory_space<vmem>> -> memref<8192xf32, #tpu.memory_space<vmem>>
    %dma_wait3A_91 = arith.constant 0 : i32
    %dma_wait3A_92 = tpu.memref_slice %arg3[%dma_wait3A_91] : memref<12800000xf32, #tpu.memory_space<hbm>> -> memref<8192xf32, #tpu.memory_space<hbm>>
    %dma_wait3A_93 = arith.constant 16384 : i32
    %dma_wait3A_94 = tpu.memref_slice %arg6[%dma_wait3A_93] : memref<32768xf32, #tpu.memory_space<vmem>> -> memref<8192xf32, #tpu.memory_space<vmem>>
    %dma_wait3A_95 = arith.constant 0 : i32
    %dma_wait3A_96 = tpu.memref_slice %arg3[%dma_wait3A_95] : memref<12800000xf32, #tpu.memory_space<hbm>> -> memref<8192xf32, #tpu.memory_space<hbm>>
    tpu.wait_dma2 semaphore(%arg11 : memref<!tpu.dma_semaphore, #tpu.memory_space<semaphore_mem>>) src(%dma_wait3A_96 : memref<8192xf32, #tpu.memory_space<hbm>>) dst(%dma_wait3A_94 : memref<8192xf32, #tpu.memory_space<vmem>>)
    %dma_wait3A_97 = arith.constant 16384 : i32
    %dma_wait3A_98 = tpu.memref_slice %arg7[%dma_wait3A_97] : memref<32768xf32, #tpu.memory_space<vmem>> -> memref<8192xf32, #tpu.memory_space<vmem>>
    %dma_wait3A_99 = arith.constant 0 : i32
    %dma_wait3A_100 = tpu.memref_slice %arg3[%dma_wait3A_99] : memref<12800000xf32, #tpu.memory_space<hbm>> -> memref<8192xf32, #tpu.memory_space<hbm>>
    %dma_wait3A_101 = arith.constant 16384 : i32
    %dma_wait3A_102 = tpu.memref_slice %arg7[%dma_wait3A_101] : memref<32768xf32, #tpu.memory_space<vmem>> -> memref<8192xf32, #tpu.memory_space<vmem>>
    %dma_wait3A_103 = arith.constant 0 : i32
    %dma_wait3A_104 = tpu.memref_slice %arg3[%dma_wait3A_103] : memref<12800000xf32, #tpu.memory_space<hbm>> -> memref<8192xf32, #tpu.memory_space<hbm>>
    tpu.wait_dma2 semaphore(%arg11 : memref<!tpu.dma_semaphore, #tpu.memory_space<semaphore_mem>>) src(%dma_wait3A_104 : memref<8192xf32, #tpu.memory_space<hbm>>) dst(%dma_wait3A_102 : memref<8192xf32, #tpu.memory_space<vmem>>)
    %dma_wait3A_105 = arith.constant 16384 : i32
    %dma_wait3A_106 = tpu.memref_slice %arg8[%dma_wait3A_105] : memref<32768xf32, #tpu.memory_space<vmem>> -> memref<8192xf32, #tpu.memory_space<vmem>>
    %dma_wait3A_107 = arith.constant 0 : i32
    %dma_wait3A_108 = tpu.memref_slice %arg3[%dma_wait3A_107] : memref<12800000xf32, #tpu.memory_space<hbm>> -> memref<8192xf32, #tpu.memory_space<hbm>>
    %dma_wait3A_109 = arith.constant 16384 : i32
    %dma_wait3A_110 = tpu.memref_slice %arg8[%dma_wait3A_109] : memref<32768xf32, #tpu.memory_space<vmem>> -> memref<8192xf32, #tpu.memory_space<vmem>>
    %dma_wait3A_111 = arith.constant 0 : i32
    %dma_wait3A_112 = tpu.memref_slice %arg3[%dma_wait3A_111] : memref<12800000xf32, #tpu.memory_space<hbm>> -> memref<8192xf32, #tpu.memory_space<hbm>>
    tpu.wait_dma2 semaphore(%arg11 : memref<!tpu.dma_semaphore, #tpu.memory_space<semaphore_mem>>) src(%dma_wait3A_112 : memref<8192xf32, #tpu.memory_space<hbm>>) dst(%dma_wait3A_110 : memref<8192xf32, #tpu.memory_space<vmem>>)
    %scan3A_113 = arith.constant 0 : i32
    %scan3A_114 = arith.constant 384 : i32
    %scan3A_115 = arith.constant 128 : i32
    %scan3A_116 = arith.addi %scan3A_114, %scan3A_115 : i32
    %scan3A_117 = arith.constant 1 : i32
    %scan3A_118 = scf.for %scan3A_158 = %scan3A_114 to %scan3A_116 step %scan3A_117 iter_args(%scan3A_159 = %scan3A_113) -> (i32)  : i32 {
      %mul3A_160 = arith.constant 3 : i32
      %mul3A_161 = arith.muli %mul3A_160, %scan3A_158 : i32
      %get3A = arith.index_cast %mul3A_161 : i32 to index
      %get3A_162 = tpu.vector_load %arg5[%get3A] {strides = array<i32>} : memref<1552xi32, #tpu.memory_space<vmem>>, vector<16xi32>,
      %slice3A = vector.extract_strided_slice %get3A_162 {offsets = [0], sizes = [1], strides = [1]} : vector<16xi32> to vector<1xi32>
      %squeeze3A = vector.extract %slice3A[0] : i32 from vector<1xi32>
      %slice3A_163 = vector.extract_strided_slice %get3A_162 {offsets = [1], sizes = [1], strides = [1]} : vector<16xi32> to vector<1xi32>
      %squeeze3A_164 = vector.extract %slice3A_163[0] : i32 from vector<1xi32>
      %slice3A_165 = vector.extract_strided_slice %get3A_162 {offsets = [2], sizes = [1], strides = [1]} : vector<16xi32> to vector<1xi32>
      %squeeze3A_166 = vector.extract %slice3A_165[0] : i32 from vector<1xi32>
      %mul3A_167 = arith.constant 128 : i32
      %mul3A_168 = arith.muli %squeeze3A, %mul3A_167 : i32
      %mul3A_169 = arith.constant 64 : i32
      %mul3A_170 = arith.muli %scan3A_158, %mul3A_169 : i32
      %dma_start3A = tpu.memref_slice %arg6[%mul3A_170] : memref<32768xf32, #tpu.memory_space<vmem>> -> memref<64xf32, #tpu.memory_space<vmem>>
      %dma_start3A_171 = tpu.memref_slice %arg3[%mul3A_168] : memref<12800000xf32, #tpu.memory_space<hbm>> -> memref<64xf32, #tpu.memory_space<hbm>>
      %dma_start3A_172 = tpu.memref_slice %arg6[%mul3A_170] : memref<32768xf32, #tpu.memory_space<vmem>> -> memref<64xf32, #tpu.memory_space<vmem>>
      %dma_start3A_173 = tpu.memref_slice %arg3[%mul3A_168] : memref<12800000xf32, #tpu.memory_space<hbm>> -> memref<64xf32, #tpu.memory_space<hbm>>
      tpu.enqueue_dma source(%dma_start3A_173 : memref<64xf32, #tpu.memory_space<hbm>>) target(%dma_start3A_172 : memref<64xf32, #tpu.memory_space<vmem>>) target_semaphore(%arg11 : memref<!tpu.dma_semaphore, #tpu.memory_space<semaphore_mem>>)
      %mul3A_174 = arith.constant 128 : i32
      %mul3A_175 = arith.muli %squeeze3A_164, %mul3A_174 : i32
      %mul3A_176 = arith.constant 64 : i32
      %mul3A_177 = arith.muli %scan3A_158, %mul3A_176 : i32
      %dma_start3A_178 = tpu.memref_slice %arg7[%mul3A_177] : memref<32768xf32, #tpu.memory_space<vmem>> -> memref<64xf32, #tpu.memory_space<vmem>>
      %dma_start3A_179 = tpu.memref_slice %arg3[%mul3A_175] : memref<12800000xf32, #tpu.memory_space<hbm>> -> memref<64xf32, #tpu.memory_space<hbm>>
      %dma_start3A_180 = tpu.memref_slice %arg7[%mul3A_177] : memref<32768xf32, #tpu.memory_space<vmem>> -> memref<64xf32, #tpu.memory_space<vmem>>
      %dma_start3A_181 = tpu.memref_slice %arg3[%mul3A_175] : memref<12800000xf32, #tpu.memory_space<hbm>> -> memref<64xf32, #tpu.memory_space<hbm>>
      tpu.enqueue_dma source(%dma_start3A_181 : memref<64xf32, #tpu.memory_space<hbm>>) target(%dma_start3A_180 : memref<64xf32, #tpu.memory_space<vmem>>) target_semaphore(%arg11 : memref<!tpu.dma_semaphore, #tpu.memory_space<semaphore_mem>>)
      %mul3A_182 = arith.constant 128 : i32
      %mul3A_183 = arith.muli %squeeze3A_166, %mul3A_182 : i32
      %add3A_184 = arith.constant 64 : i32
      %add3A_185 = arith.addi %mul3A_183, %add3A_184 : i32
      %mul3A_186 = arith.constant 64 : i32
      %mul3A_187 = arith.muli %scan3A_158, %mul3A_186 : i32
      %dma_start3A_188 = tpu.memref_slice %arg8[%mul3A_187] : memref<32768xf32, #tpu.memory_space<vmem>> -> memref<64xf32, #tpu.memory_space<vmem>>
      %dma_start3A_189 = tpu.memref_slice %arg3[%add3A_185] : memref<12800000xf32, #tpu.memory_space<hbm>> -> memref<64xf32, #tpu.memory_space<hbm>>
      %dma_start3A_190 = tpu.memref_slice %arg8[%mul3A_187] : memref<32768xf32, #tpu.memory_space<vmem>> -> memref<64xf32, #tpu.memory_space<vmem>>
      %dma_start3A_191 = tpu.memref_slice %arg3[%add3A_185] : memref<12800000xf32, #tpu.memory_space<hbm>> -> memref<64xf32, #tpu.memory_space<hbm>>
      tpu.enqueue_dma source(%dma_start3A_191 : memref<64xf32, #tpu.memory_space<hbm>>) target(%dma_start3A_190 : memref<64xf32, #tpu.memory_space<vmem>>) target_semaphore(%arg11 : memref<!tpu.dma_semaphore, #tpu.memory_space<semaphore_mem>>)
      %scan3A_192 = arith.constant 0 : i32
      scf.yield %scan3A_192 : i32
    }
    %scan3A_119 = arith.constant 128 : i32
    %scan3A_120 = arith.constant 0 : i32
    %scan3A_121 = arith.constant 16 : i32
    %scan3A_122 = arith.constant 8 : i32
    %scan3A_123 = arith.addi %scan3A_121, %scan3A_122 : i32
    %scan3A_124 = arith.constant 1 : i32
    %scan3A_125 = scf.for %scan3A_158 = %scan3A_121 to %scan3A_123 step %scan3A_124 iter_args(%scan3A_159 = %scan3A_120) -> (i32)  : i32 {
      %mul3A_160 = arith.constant 16 : i32
      %mul3A_161 = arith.muli %scan3A_158, %mul3A_160 : i32
      %broadcast_in_dim3A = arith.constant 0.000000e+00 : f32
      %broadcast_in_dim3A_162 = vector.broadcast %broadcast_in_dim3A : f32 to vector<16xf32>
      %add3A_163 = arith.constant 0 : i32
      %add3A_164 = arith.addi %mul3A_161, %add3A_163 : i32
      %mul3A_165 = arith.constant 64 : i32
      %mul3A_166 = arith.muli %add3A_164, %mul3A_165 : i32
      %add3A_167 = arith.constant 0 : i32
      %add3A_168 = arith.addi %mul3A_166, %add3A_167 : i32
      %get3A = arith.index_cast %add3A_168 : i32 to index
      %get3A_169 = tpu.vector_load %arg6[%get3A] {strides = array<i32>} : memref<32768xf32, #tpu.memory_space<vmem>>, vector<16xf32>,
      %get3A_170 = arith.index_cast %add3A_168 : i32 to index
      %get3A_171 = tpu.vector_load %arg7[%get3A_170] {strides = array<i32>} : memref<32768xf32, #tpu.memory_space<vmem>>, vector<16xf32>,
      %get3A_172 = arith.index_cast %add3A_168 : i32 to index
      %get3A_173 = tpu.vector_load %arg8[%get3A_172] {strides = array<i32>} : memref<32768xf32, #tpu.memory_space<vmem>>, vector<16xf32>,
      %add3A_174 = arith.addf %get3A_169, %get3A_171 : vector<16xf32>
      %mul3A_175 = arith.mulf %add3A_174, %get3A_173 : vector<16xf32>
      %add3A_176 = arith.addf %broadcast_in_dim3A_162, %mul3A_175 : vector<16xf32>
      %add3A_177 = arith.constant 0 : i32
      %add3A_178 = arith.addi %mul3A_161, %add3A_177 : i32
      %mul3A_179 = arith.constant 64 : i32
      %mul3A_180 = arith.muli %add3A_178, %mul3A_179 : i32
      %add3A_181 = arith.constant 16 : i32
      %add3A_182 = arith.addi %mul3A_180, %add3A_181 : i32
      %get3A_183 = arith.index_cast %add3A_182 : i32 to index
      %get3A_184 = tpu.vector_load %arg6[%get3A_183] {strides = array<i32>} : memref<32768xf32, #tpu.memory_space<vmem>>, vector<16xf32>,
      %get3A_185 = arith.index_cast %add3A_182 : i32 to index
      %get3A_186 = tpu.vector_load %arg7[%get3A_185] {strides = array<i32>} : memref<32768xf32, #tpu.memory_space<vmem>>, vector<16xf32>,
      %get3A_187 = arith.index_cast %add3A_182 : i32 to index
      %get3A_188 = tpu.vector_load %arg8[%get3A_187] {strides = array<i32>} : memref<32768xf32, #tpu.memory_space<vmem>>, vector<16xf32>,
      %add3A_189 = arith.addf %get3A_184, %get3A_186 : vector<16xf32>
      %mul3A_190 = arith.mulf %add3A_189, %get3A_188 : vector<16xf32>
      %add3A_191 = arith.addf %add3A_176, %mul3A_190 : vector<16xf32>
      %add3A_192 = arith.constant 0 : i32
      %add3A_193 = arith.addi %mul3A_161, %add3A_192 : i32
      %mul3A_194 = arith.constant 64 : i32
      %mul3A_195 = arith.muli %add3A_193, %mul3A_194 : i32
      %add3A_196 = arith.constant 32 : i32
      %add3A_197 = arith.addi %mul3A_195, %add3A_196 : i32
      %get3A_198 = arith.index_cast %add3A_197 : i32 to index
      %get3A_199 = tpu.vector_load %arg6[%get3A_198] {strides = array<i32>} : memref<32768xf32, #tpu.memory_space<vmem>>, vector<16xf32>,
      %get3A_200 = arith.index_cast %add3A_197 : i32 to index
      %get3A_201 = tpu.vector_load %arg7[%get3A_200] {strides = array<i32>} : memref<32768xf32, #tpu.memory_space<vmem>>, vector<16xf32>,
      %get3A_202 = arith.index_cast %add3A_197 : i32 to index
      %get3A_203 = tpu.vector_load %arg8[%get3A_202] {strides = array<i32>} : memref<32768xf32, #tpu.memory_space<vmem>>, vector<16xf32>,
      %add3A_204 = arith.addf %get3A_199, %get3A_201 : vector<16xf32>
      %mul3A_205 = arith.mulf %add3A_204, %get3A_203 : vector<16xf32>
      %add3A_206 = arith.addf %add3A_191, %mul3A_205 : vector<16xf32>
      %add3A_207 = arith.constant 0 : i32
      %add3A_208 = arith.addi %mul3A_161, %add3A_207 : i32
      %mul3A_209 = arith.constant 64 : i32
      %mul3A_210 = arith.muli %add3A_208, %mul3A_209 : i32
      %add3A_211 = arith.constant 48 : i32
      %add3A_212 = arith.addi %mul3A_210, %add3A_211 : i32
      %get3A_213 = arith.index_cast %add3A_212 : i32 to index
      %get3A_214 = tpu.vector_load %arg6[%get3A_213] {strides = array<i32>} : memref<32768xf32, #tpu.memory_space<vmem>>, vector<16xf32>,
      %get3A_215 = arith.index_cast %add3A_212 : i32 to index
      %get3A_216 = tpu.vector_load %arg7[%get3A_215] {strides = array<i32>} : memref<32768xf32, #tpu.memory_space<vmem>>, vector<16xf32>,
      %get3A_217 = arith.index_cast %add3A_212 : i32 to index
      %get3A_218 = tpu.vector_load %arg8[%get3A_217] {strides = array<i32>} : memref<32768xf32, #tpu.memory_space<vmem>>, vector<16xf32>,
      %add3A_219 = arith.addf %get3A_214, %get3A_216 : vector<16xf32>
      %mul3A_220 = arith.mulf %add3A_219, %get3A_218 : vector<16xf32>
      %add3A_221 = arith.addf %add3A_206, %mul3A_220 : vector<16xf32>
      %swap3A = arith.constant 0 : index
      %swap3A_222 = tpu.vector_load %arg9[%swap3A] {strides = array<i32>} : memref<272xf32, #tpu.memory_space<vmem>>, vector<16xf32>,
      tpu.vector_store %arg9[%swap3A], %add3A_221 {strides = array<i32>} : memref<272xf32, #tpu.memory_space<vmem>>, vector<16xf32>,
      %broadcast_in_dim3A_223 = arith.constant 0.000000e+00 : f32
      %broadcast_in_dim3A_224 = vector.broadcast %broadcast_in_dim3A_223 : f32 to vector<16xf32>
      %add3A_225 = arith.constant 1 : i32
      %add3A_226 = arith.addi %mul3A_161, %add3A_225 : i32
      %mul3A_227 = arith.constant 64 : i32
      %mul3A_228 = arith.muli %add3A_226, %mul3A_227 : i32
      %add3A_229 = arith.constant 0 : i32
      %add3A_230 = arith.addi %mul3A_228, %add3A_229 : i32
      %get3A_231 = arith.index_cast %add3A_230 : i32 to index
      %get3A_232 = tpu.vector_load %arg6[%get3A_231] {strides = array<i32>} : memref<32768xf32, #tpu.memory_space<vmem>>, vector<16xf32>,
      %get3A_233 = arith.index_cast %add3A_230 : i32 to index
      %get3A_234 = tpu.vector_load %arg7[%get3A_233] {strides = array<i32>} : memref<32768xf32, #tpu.memory_space<vmem>>, vector<16xf32>,
      %get3A_235 = arith.index_cast %add3A_230 : i32 to index
      %get3A_236 = tpu.vector_load %arg8[%get3A_235] {strides = array<i32>} : memref<32768xf32, #tpu.memory_space<vmem>>, vector<16xf32>,
      %add3A_237 = arith.addf %get3A_232, %get3A_234 : vector<16xf32>
      %mul3A_238 = arith.mulf %add3A_237, %get3A_236 : vector<16xf32>
      %add3A_239 = arith.addf %broadcast_in_dim3A_224, %mul3A_238 : vector<16xf32>
      %add3A_240 = arith.constant 1 : i32
      %add3A_241 = arith.addi %mul3A_161, %add3A_240 : i32
      %mul3A_242 = arith.constant 64 : i32
      %mul3A_243 = arith.muli %add3A_241, %mul3A_242 : i32
      %add3A_244 = arith.constant 16 : i32
      %add3A_245 = arith.addi %mul3A_243, %add3A_244 : i32
      %get3A_246 = arith.index_cast %add3A_245 : i32 to index
      %get3A_247 = tpu.vector_load %arg6[%get3A_246] {strides = array<i32>} : memref<32768xf32, #tpu.memory_space<vmem>>, vector<16xf32>,
      %get3A_248 = arith.index_cast %add3A_245 : i32 to index
      %get3A_249 = tpu.vector_load %arg7[%get3A_248] {strides = array<i32>} : memref<32768xf32, #tpu.memory_space<vmem>>, vector<16xf32>,
      %get3A_250 = arith.index_cast %add3A_245 : i32 to index
      %get3A_251 = tpu.vector_load %arg8[%get3A_250] {strides = array<i32>} : memref<32768xf32, #tpu.memory_space<vmem>>, vector<16xf32>,
      %add3A_252 = arith.addf %get3A_247, %get3A_249 : vector<16xf32>
      %mul3A_253 = arith.mulf %add3A_252, %get3A_251 : vector<16xf32>
      %add3A_254 = arith.addf %add3A_239, %mul3A_253 : vector<16xf32>
      %add3A_255 = arith.constant 1 : i32
      %add3A_256 = arith.addi %mul3A_161, %add3A_255 : i32
      %mul3A_257 = arith.constant 64 : i32
      %mul3A_258 = arith.muli %add3A_256, %mul3A_257 : i32
      %add3A_259 = arith.constant 32 : i32
      %add3A_260 = arith.addi %mul3A_258, %add3A_259 : i32
      %get3A_261 = arith.index_cast %add3A_260 : i32 to index
      %get3A_262 = tpu.vector_load %arg6[%get3A_261] {strides = array<i32>} : memref<32768xf32, #tpu.memory_space<vmem>>, vector<16xf32>,
      %get3A_263 = arith.index_cast %add3A_260 : i32 to index
      %get3A_264 = tpu.vector_load %arg7[%get3A_263] {strides = array<i32>} : memref<32768xf32, #tpu.memory_space<vmem>>, vector<16xf32>,
      %get3A_265 = arith.index_cast %add3A_260 : i32 to index
      %get3A_266 = tpu.vector_load %arg8[%get3A_265] {strides = array<i32>} : memref<32768xf32, #tpu.memory_space<vmem>>, vector<16xf32>,
      %add3A_267 = arith.addf %get3A_262, %get3A_264 : vector<16xf32>
      %mul3A_268 = arith.mulf %add3A_267, %get3A_266 : vector<16xf32>
      %add3A_269 = arith.addf %add3A_254, %mul3A_268 : vector<16xf32>
      %add3A_270 = arith.constant 1 : i32
      %add3A_271 = arith.addi %mul3A_161, %add3A_270 : i32
      %mul3A_272 = arith.constant 64 : i32
      %mul3A_273 = arith.muli %add3A_271, %mul3A_272 : i32
      %add3A_274 = arith.constant 48 : i32
      %add3A_275 = arith.addi %mul3A_273, %add3A_274 : i32
      %get3A_276 = arith.index_cast %add3A_275 : i32 to index
      %get3A_277 = tpu.vector_load %arg6[%get3A_276] {strides = array<i32>} : memref<32768xf32, #tpu.memory_space<vmem>>, vector<16xf32>,
      %get3A_278 = arith.index_cast %add3A_275 : i32 to index
      %get3A_279 = tpu.vector_load %arg7[%get3A_278] {strides = array<i32>} : memref<32768xf32, #tpu.memory_space<vmem>>, vector<16xf32>,
      %get3A_280 = arith.index_cast %add3A_275 : i32 to index
      %get3A_281 = tpu.vector_load %arg8[%get3A_280] {strides = array<i32>} : memref<32768xf32, #tpu.memory_space<vmem>>, vector<16xf32>,
      %add3A_282 = arith.addf %get3A_277, %get3A_279 : vector<16xf32>
      %mul3A_283 = arith.mulf %add3A_282, %get3A_281 : vector<16xf32>
      %add3A_284 = arith.addf %add3A_269, %mul3A_283 : vector<16xf32>
      %swap3A_285 = arith.constant 17 : index
      %swap3A_286 = tpu.vector_load %arg9[%swap3A_285] {strides = array<i32>} : memref<272xf32, #tpu.memory_space<vmem>>, vector<16xf32>,
      tpu.vector_store %arg9[%swap3A_285], %add3A_284 {strides = array<i32>} : memref<272xf32, #tpu.memory_space<vmem>>, vector<16xf32>,
      %broadcast_in_dim3A_287 = arith.constant 0.000000e+00 : f32
      %broadcast_in_dim3A_288 = vector.broadcast %broadcast_in_dim3A_287 : f32 to vector<16xf32>
      %add3A_289 = arith.constant 2 : i32
      %add3A_290 = arith.addi %mul3A_161, %add3A_289 : i32
      %mul3A_291 = arith.constant 64 : i32
      %mul3A_292 = arith.muli %add3A_290, %mul3A_291 : i32
      %add3A_293 = arith.constant 0 : i32
      %add3A_294 = arith.addi %mul3A_292, %add3A_293 : i32
      %get3A_295 = arith.index_cast %add3A_294 : i32 to index
      %get3A_296 = tpu.vector_load %arg6[%get3A_295] {strides = array<i32>} : memref<32768xf32, #tpu.memory_space<vmem>>, vector<16xf32>,
      %get3A_297 = arith.index_cast %add3A_294 : i32 to index
      %get3A_298 = tpu.vector_load %arg7[%get3A_297] {strides = array<i32>} : memref<32768xf32, #tpu.memory_space<vmem>>, vector<16xf32>,
      %get3A_299 = arith.index_cast %add3A_294 : i32 to index
      %get3A_300 = tpu.vector_load %arg8[%get3A_299] {strides = array<i32>} : memref<32768xf32, #tpu.memory_space<vmem>>, vector<16xf32>,
      %add3A_301 = arith.addf %get3A_296, %get3A_298 : vector<16xf32>
      %mul3A_302 = arith.mulf %add3A_301, %get3A_300 : vector<16xf32>
      %add3A_303 = arith.addf %broadcast_in_dim3A_288, %mul3A_302 : vector<16xf32>
      %add3A_304 = arith.constant 2 : i32
      %add3A_305 = arith.addi %mul3A_161, %add3A_304 : i32
      %mul3A_306 = arith.constant 64 : i32
      %mul3A_307 = arith.muli %add3A_305, %mul3A_306 : i32
      %add3A_308 = arith.constant 16 : i32
      %add3A_309 = arith.addi %mul3A_307, %add3A_308 : i32
      %get3A_310 = arith.index_cast %add3A_309 : i32 to index
      %get3A_311 = tpu.vector_load %arg6[%get3A_310] {strides = array<i32>} : memref<32768xf32, #tpu.memory_space<vmem>>, vector<16xf32>,
      %get3A_312 = arith.index_cast %add3A_309 : i32 to index
      %get3A_313 = tpu.vector_load %arg7[%get3A_312] {strides = array<i32>} : memref<32768xf32, #tpu.memory_space<vmem>>, vector<16xf32>,
      %get3A_314 = arith.index_cast %add3A_309 : i32 to index
      %get3A_315 = tpu.vector_load %arg8[%get3A_314] {strides = array<i32>} : memref<32768xf32, #tpu.memory_space<vmem>>, vector<16xf32>,
      %add3A_316 = arith.addf %get3A_311, %get3A_313 : vector<16xf32>
      %mul3A_317 = arith.mulf %add3A_316, %get3A_315 : vector<16xf32>
      %add3A_318 = arith.addf %add3A_303, %mul3A_317 : vector<16xf32>
      %add3A_319 = arith.constant 2 : i32
      %add3A_320 = arith.addi %mul3A_161, %add3A_319 : i32
      %mul3A_321 = arith.constant 64 : i32
      %mul3A_322 = arith.muli %add3A_320, %mul3A_321 : i32
      %add3A_323 = arith.constant 32 : i32
      %add3A_324 = arith.addi %mul3A_322, %add3A_323 : i32
      %get3A_325 = arith.index_cast %add3A_324 : i32 to index
      %get3A_326 = tpu.vector_load %arg6[%get3A_325] {strides = array<i32>} : memref<32768xf32, #tpu.memory_space<vmem>>, vector<16xf32>,
      %get3A_327 = arith.index_cast %add3A_324 : i32 to index
      %get3A_328 = tpu.vector_load %arg7[%get3A_327] {strides = array<i32>} : memref<32768xf32, #tpu.memory_space<vmem>>, vector<16xf32>,
      %get3A_329 = arith.index_cast %add3A_324 : i32 to index
      %get3A_330 = tpu.vector_load %arg8[%get3A_329] {strides = array<i32>} : memref<32768xf32, #tpu.memory_space<vmem>>, vector<16xf32>,
      %add3A_331 = arith.addf %get3A_326, %get3A_328 : vector<16xf32>
      %mul3A_332 = arith.mulf %add3A_331, %get3A_330 : vector<16xf32>
      %add3A_333 = arith.addf %add3A_318, %mul3A_332 : vector<16xf32>
      %add3A_334 = arith.constant 2 : i32
      %add3A_335 = arith.addi %mul3A_161, %add3A_334 : i32
      %mul3A_336 = arith.constant 64 : i32
      %mul3A_337 = arith.muli %add3A_335, %mul3A_336 : i32
      %add3A_338 = arith.constant 48 : i32
      %add3A_339 = arith.addi %mul3A_337, %add3A_338 : i32
      %get3A_340 = arith.index_cast %add3A_339 : i32 to index
      %get3A_341 = tpu.vector_load %arg6[%get3A_340] {strides = array<i32>} : memref<32768xf32, #tpu.memory_space<vmem>>, vector<16xf32>,
      %get3A_342 = arith.index_cast %add3A_339 : i32 to index
      %get3A_343 = tpu.vector_load %arg7[%get3A_342] {strides = array<i32>} : memref<32768xf32, #tpu.memory_space<vmem>>, vector<16xf32>,
      %get3A_344 = arith.index_cast %add3A_339 : i32 to index
      %get3A_345 = tpu.vector_load %arg8[%get3A_344] {strides = array<i32>} : memref<32768xf32, #tpu.memory_space<vmem>>, vector<16xf32>,
      %add3A_346 = arith.addf %get3A_341, %get3A_343 : vector<16xf32>
      %mul3A_347 = arith.mulf %add3A_346, %get3A_345 : vector<16xf32>
      %add3A_348 = arith.addf %add3A_333, %mul3A_347 : vector<16xf32>
      %swap3A_349 = arith.constant 34 : index
      %swap3A_350 = tpu.vector_load %arg9[%swap3A_349] {strides = array<i32>} : memref<272xf32, #tpu.memory_space<vmem>>, vector<16xf32>,
      tpu.vector_store %arg9[%swap3A_349], %add3A_348 {strides = array<i32>} : memref<272xf32, #tpu.memory_space<vmem>>, vector<16xf32>,
      %broadcast_in_dim3A_351 = arith.constant 0.000000e+00 : f32
      %broadcast_in_dim3A_352 = vector.broadcast %broadcast_in_dim3A_351 : f32 to vector<16xf32>
      %add3A_353 = arith.constant 3 : i32
      %add3A_354 = arith.addi %mul3A_161, %add3A_353 : i32
      %mul3A_355 = arith.constant 64 : i32
      %mul3A_356 = arith.muli %add3A_354, %mul3A_355 : i32
      %add3A_357 = arith.constant 0 : i32
      %add3A_358 = arith.addi %mul3A_356, %add3A_357 : i32
      %get3A_359 = arith.index_cast %add3A_358 : i32 to index
      %get3A_360 = tpu.vector_load %arg6[%get3A_359] {strides = array<i32>} : memref<32768xf32, #tpu.memory_space<vmem>>, vector<16xf32>,
      %get3A_361 = arith.index_cast %add3A_358 : i32 to index
      %get3A_362 = tpu.vector_load %arg7[%get3A_361] {strides = array<i32>} : memref<32768xf32, #tpu.memory_space<vmem>>, vector<16xf32>,
      %get3A_363 = arith.index_cast %add3A_358 : i32 to index
      %get3A_364 = tpu.vector_load %arg8[%get3A_363] {strides = array<i32>} : memref<32768xf32, #tpu.memory_space<vmem>>, vector<16xf32>,
      %add3A_365 = arith.addf %get3A_360, %get3A_362 : vector<16xf32>
      %mul3A_366 = arith.mulf %add3A_365, %get3A_364 : vector<16xf32>
      %add3A_367 = arith.addf %broadcast_in_dim3A_352, %mul3A_366 : vector<16xf32>
      %add3A_368 = arith.constant 3 : i32
      %add3A_369 = arith.addi %mul3A_161, %add3A_368 : i32
      %mul3A_370 = arith.constant 64 : i32
      %mul3A_371 = arith.muli %add3A_369, %mul3A_370 : i32
      %add3A_372 = arith.constant 16 : i32
      %add3A_373 = arith.addi %mul3A_371, %add3A_372 : i32
      %get3A_374 = arith.index_cast %add3A_373 : i32 to index
      %get3A_375 = tpu.vector_load %arg6[%get3A_374] {strides = array<i32>} : memref<32768xf32, #tpu.memory_space<vmem>>, vector<16xf32>,
      %get3A_376 = arith.index_cast %add3A_373 : i32 to index
      %get3A_377 = tpu.vector_load %arg7[%get3A_376] {strides = array<i32>} : memref<32768xf32, #tpu.memory_space<vmem>>, vector<16xf32>,
      %get3A_378 = arith.index_cast %add3A_373 : i32 to index
      %get3A_379 = tpu.vector_load %arg8[%get3A_378] {strides = array<i32>} : memref<32768xf32, #tpu.memory_space<vmem>>, vector<16xf32>,
      %add3A_380 = arith.addf %get3A_375, %get3A_377 : vector<16xf32>
      %mul3A_381 = arith.mulf %add3A_380, %get3A_379 : vector<16xf32>
      %add3A_382 = arith.addf %add3A_367, %mul3A_381 : vector<16xf32>
      %add3A_383 = arith.constant 3 : i32
      %add3A_384 = arith.addi %mul3A_161, %add3A_383 : i32
      %mul3A_385 = arith.constant 64 : i32
      %mul3A_386 = arith.muli %add3A_384, %mul3A_385 : i32
      %add3A_387 = arith.constant 32 : i32
      %add3A_388 = arith.addi %mul3A_386, %add3A_387 : i32
      %get3A_389 = arith.index_cast %add3A_388 : i32 to index
      %get3A_390 = tpu.vector_load %arg6[%get3A_389] {strides = array<i32>} : memref<32768xf32, #tpu.memory_space<vmem>>, vector<16xf32>,
      %get3A_391 = arith.index_cast %add3A_388 : i32 to index
      %get3A_392 = tpu.vector_load %arg7[%get3A_391] {strides = array<i32>} : memref<32768xf32, #tpu.memory_space<vmem>>, vector<16xf32>,
      %get3A_393 = arith.index_cast %add3A_388 : i32 to index
      %get3A_394 = tpu.vector_load %arg8[%get3A_393] {strides = array<i32>} : memref<32768xf32, #tpu.memory_space<vmem>>, vector<16xf32>,
      %add3A_395 = arith.addf %get3A_390, %get3A_392 : vector<16xf32>
      %mul3A_396 = arith.mulf %add3A_395, %get3A_394 : vector<16xf32>
      %add3A_397 = arith.addf %add3A_382, %mul3A_396 : vector<16xf32>
      %add3A_398 = arith.constant 3 : i32
      %add3A_399 = arith.addi %mul3A_161, %add3A_398 : i32
      %mul3A_400 = arith.constant 64 : i32
      %mul3A_401 = arith.muli %add3A_399, %mul3A_400 : i32
      %add3A_402 = arith.constant 48 : i32
      %add3A_403 = arith.addi %mul3A_401, %add3A_402 : i32
      %get3A_404 = arith.index_cast %add3A_403 : i32 to index
      %get3A_405 = tpu.vector_load %arg6[%get3A_404] {strides = array<i32>} : memref<32768xf32, #tpu.memory_space<vmem>>, vector<16xf32>,
      %get3A_406 = arith.index_cast %add3A_403 : i32 to index
      %get3A_407 = tpu.vector_load %arg7[%get3A_406] {strides = array<i32>} : memref<32768xf32, #tpu.memory_space<vmem>>, vector<16xf32>,
      %get3A_408 = arith.index_cast %add3A_403 : i32 to index
      %get3A_409 = tpu.vector_load %arg8[%get3A_408] {strides = array<i32>} : memref<32768xf32, #tpu.memory_space<vmem>>, vector<16xf32>,
      %add3A_410 = arith.addf %get3A_405, %get3A_407 : vector<16xf32>
      %mul3A_411 = arith.mulf %add3A_410, %get3A_409 : vector<16xf32>
      %add3A_412 = arith.addf %add3A_397, %mul3A_411 : vector<16xf32>
      %swap3A_413 = arith.constant 51 : index
      %swap3A_414 = tpu.vector_load %arg9[%swap3A_413] {strides = array<i32>} : memref<272xf32, #tpu.memory_space<vmem>>, vector<16xf32>,
      tpu.vector_store %arg9[%swap3A_413], %add3A_412 {strides = array<i32>} : memref<272xf32, #tpu.memory_space<vmem>>, vector<16xf32>,
      %broadcast_in_dim3A_415 = arith.constant 0.000000e+00 : f32
      %broadcast_in_dim3A_416 = vector.broadcast %broadcast_in_dim3A_415 : f32 to vector<16xf32>
      %add3A_417 = arith.constant 4 : i32
      %add3A_418 = arith.addi %mul3A_161, %add3A_417 : i32
      %mul3A_419 = arith.constant 64 : i32
      %mul3A_420 = arith.muli %add3A_418, %mul3A_419 : i32
      %add3A_421 = arith.constant 0 : i32
      %add3A_422 = arith.addi %mul3A_420, %add3A_421 : i32
      %get3A_423 = arith.index_cast %add3A_422 : i32 to index
      %get3A_424 = tpu.vector_load %arg6[%get3A_423] {strides = array<i32>} : memref<32768xf32, #tpu.memory_space<vmem>>, vector<16xf32>,
      %get3A_425 = arith.index_cast %add3A_422 : i32 to index
      %get3A_426 = tpu.vector_load %arg7[%get3A_425] {strides = array<i32>} : memref<32768xf32, #tpu.memory_space<vmem>>, vector<16xf32>,
      %get3A_427 = arith.index_cast %add3A_422 : i32 to index
      %get3A_428 = tpu.vector_load %arg8[%get3A_427] {strides = array<i32>} : memref<32768xf32, #tpu.memory_space<vmem>>, vector<16xf32>,
      %add3A_429 = arith.addf %get3A_424, %get3A_426 : vector<16xf32>
      %mul3A_430 = arith.mulf %add3A_429, %get3A_428 : vector<16xf32>
      %add3A_431 = arith.addf %broadcast_in_dim3A_416, %mul3A_430 : vector<16xf32>
      %add3A_432 = arith.constant 4 : i32
      %add3A_433 = arith.addi %mul3A_161, %add3A_432 : i32
      %mul3A_434 = arith.constant 64 : i32
      %mul3A_435 = arith.muli %add3A_433, %mul3A_434 : i32
      %add3A_436 = arith.constant 16 : i32
      %add3A_437 = arith.addi %mul3A_435, %add3A_436 : i32
      %get3A_438 = arith.index_cast %add3A_437 : i32 to index
      %get3A_439 = tpu.vector_load %arg6[%get3A_438] {strides = array<i32>} : memref<32768xf32, #tpu.memory_space<vmem>>, vector<16xf32>,
      %get3A_440 = arith.index_cast %add3A_437 : i32 to index
      %get3A_441 = tpu.vector_load %arg7[%get3A_440] {strides = array<i32>} : memref<32768xf32, #tpu.memory_space<vmem>>, vector<16xf32>,
      %get3A_442 = arith.index_cast %add3A_437 : i32 to index
      %get3A_443 = tpu.vector_load %arg8[%get3A_442] {strides = array<i32>} : memref<32768xf32, #tpu.memory_space<vmem>>, vector<16xf32>,
      %add3A_444 = arith.addf %get3A_439, %get3A_441 : vector<16xf32>
      %mul3A_445 = arith.mulf %add3A_444, %get3A_443 : vector<16xf32>
      %add3A_446 = arith.addf %add3A_431, %mul3A_445 : vector<16xf32>
      %add3A_447 = arith.constant 4 : i32
      %add3A_448 = arith.addi %mul3A_161, %add3A_447 : i32
      %mul3A_449 = arith.constant 64 : i32
      %mul3A_450 = arith.muli %add3A_448, %mul3A_449 : i32
      %add3A_451 = arith.constant 32 : i32
      %add3A_452 = arith.addi %mul3A_450, %add3A_451 : i32
      %get3A_453 = arith.index_cast %add3A_452 : i32 to index
      %get3A_454 = tpu.vector_load %arg6[%get3A_453] {strides = array<i32>} : memref<32768xf32, #tpu.memory_space<vmem>>, vector<16xf32>,
      %get3A_455 = arith.index_cast %add3A_452 : i32 to index
      %get3A_456 = tpu.vector_load %arg7[%get3A_455] {strides = array<i32>} : memref<32768xf32, #tpu.memory_space<vmem>>, vector<16xf32>,
      %get3A_457 = arith.index_cast %add3A_452 : i32 to index
      %get3A_458 = tpu.vector_load %arg8[%get3A_457] {strides = array<i32>} : memref<32768xf32, #tpu.memory_space<vmem>>, vector<16xf32>,
      %add3A_459 = arith.addf %get3A_454, %get3A_456 : vector<16xf32>
      %mul3A_460 = arith.mulf %add3A_459, %get3A_458 : vector<16xf32>
      %add3A_461 = arith.addf %add3A_446, %mul3A_460 : vector<16xf32>
      %add3A_462 = arith.constant 4 : i32
      %add3A_463 = arith.addi %mul3A_161, %add3A_462 : i32
      %mul3A_464 = arith.constant 64 : i32
      %mul3A_465 = arith.muli %add3A_463, %mul3A_464 : i32
      %add3A_466 = arith.constant 48 : i32
      %add3A_467 = arith.addi %mul3A_465, %add3A_466 : i32
      %get3A_468 = arith.index_cast %add3A_467 : i32 to index
      %get3A_469 = tpu.vector_load %arg6[%get3A_468] {strides = array<i32>} : memref<32768xf32, #tpu.memory_space<vmem>>, vector<16xf32>,
      %get3A_470 = arith.index_cast %add3A_467 : i32 to index
      %get3A_471 = tpu.vector_load %arg7[%get3A_470] {strides = array<i32>} : memref<32768xf32, #tpu.memory_space<vmem>>, vector<16xf32>,
      %get3A_472 = arith.index_cast %add3A_467 : i32 to index
      %get3A_473 = tpu.vector_load %arg8[%get3A_472] {strides = array<i32>} : memref<32768xf32, #tpu.memory_space<vmem>>, vector<16xf32>,
      %add3A_474 = arith.addf %get3A_469, %get3A_471 : vector<16xf32>
      %mul3A_475 = arith.mulf %add3A_474, %get3A_473 : vector<16xf32>
      %add3A_476 = arith.addf %add3A_461, %mul3A_475 : vector<16xf32>
      %swap3A_477 = arith.constant 68 : index
      %swap3A_478 = tpu.vector_load %arg9[%swap3A_477] {strides = array<i32>} : memref<272xf32, #tpu.memory_space<vmem>>, vector<16xf32>,
      tpu.vector_store %arg9[%swap3A_477], %add3A_476 {strides = array<i32>} : memref<272xf32, #tpu.memory_space<vmem>>, vector<16xf32>,
      %broadcast_in_dim3A_479 = arith.constant 0.000000e+00 : f32
      %broadcast_in_dim3A_480 = vector.broadcast %broadcast_in_dim3A_479 : f32 to vector<16xf32>
      %add3A_481 = arith.constant 5 : i32
      %add3A_482 = arith.addi %mul3A_161, %add3A_481 : i32
      %mul3A_483 = arith.constant 64 : i32
      %mul3A_484 = arith.muli %add3A_482, %mul3A_483 : i32
      %add3A_485 = arith.constant 0 : i32
      %add3A_486 = arith.addi %mul3A_484, %add3A_485 : i32
      %get3A_487 = arith.index_cast %add3A_486 : i32 to index
      %get3A_488 = tpu.vector_load %arg6[%get3A_487] {strides = array<i32>} : memref<32768xf32, #tpu.memory_space<vmem>>, vector<16xf32>,
      %get3A_489 = arith.index_cast %add3A_486 : i32 to index
      %get3A_490 = tpu.vector_load %arg7[%get3A_489] {strides = array<i32>} : memref<32768xf32, #tpu.memory_space<vmem>>, vector<16xf32>,
      %get3A_491 = arith.index_cast %add3A_486 : i32 to index
      %get3A_492 = tpu.vector_load %arg8[%get3A_491] {strides = array<i32>} : memref<32768xf32, #tpu.memory_space<vmem>>, vector<16xf32>,
      %add3A_493 = arith.addf %get3A_488, %get3A_490 : vector<16xf32>
      %mul3A_494 = arith.mulf %add3A_493, %get3A_492 : vector<16xf32>
      %add3A_495 = arith.addf %broadcast_in_dim3A_480, %mul3A_494 : vector<16xf32>
      %add3A_496 = arith.constant 5 : i32
      %add3A_497 = arith.addi %mul3A_161, %add3A_496 : i32
      %mul3A_498 = arith.constant 64 : i32
      %mul3A_499 = arith.muli %add3A_497, %mul3A_498 : i32
      %add3A_500 = arith.constant 16 : i32
      %add3A_501 = arith.addi %mul3A_499, %add3A_500 : i32
      %get3A_502 = arith.index_cast %add3A_501 : i32 to index
      %get3A_503 = tpu.vector_load %arg6[%get3A_502] {strides = array<i32>} : memref<32768xf32, #tpu.memory_space<vmem>>, vector<16xf32>,
      %get3A_504 = arith.index_cast %add3A_501 : i32 to index
      %get3A_505 = tpu.vector_load %arg7[%get3A_504] {strides = array<i32>} : memref<32768xf32, #tpu.memory_space<vmem>>, vector<16xf32>,
      %get3A_506 = arith.index_cast %add3A_501 : i32 to index
      %get3A_507 = tpu.vector_load %arg8[%get3A_506] {strides = array<i32>} : memref<32768xf32, #tpu.memory_space<vmem>>, vector<16xf32>,
      %add3A_508 = arith.addf %get3A_503, %get3A_505 : vector<16xf32>
      %mul3A_509 = arith.mulf %add3A_508, %get3A_507 : vector<16xf32>
      %add3A_510 = arith.addf %add3A_495, %mul3A_509 : vector<16xf32>
      %add3A_511 = arith.constant 5 : i32
      %add3A_512 = arith.addi %mul3A_161, %add3A_511 : i32
      %mul3A_513 = arith.constant 64 : i32
      %mul3A_514 = arith.muli %add3A_512, %mul3A_513 : i32
      %add3A_515 = arith.constant 32 : i32
      %add3A_516 = arith.addi %mul3A_514, %add3A_515 : i32
      %get3A_517 = arith.index_cast %add3A_516 : i32 to index
      %get3A_518 = tpu.vector_load %arg6[%get3A_517] {strides = array<i32>} : memref<32768xf32, #tpu.memory_space<vmem>>, vector<16xf32>,
      %get3A_519 = arith.index_cast %add3A_516 : i32 to index
      %get3A_520 = tpu.vector_load %arg7[%get3A_519] {strides = array<i32>} : memref<32768xf32, #tpu.memory_space<vmem>>, vector<16xf32>,
      %get3A_521 = arith.index_cast %add3A_516 : i32 to index
      %get3A_522 = tpu.vector_load %arg8[%get3A_521] {strides = array<i32>} : memref<32768xf32, #tpu.memory_space<vmem>>, vector<16xf32>,
      %add3A_523 = arith.addf %get3A_518, %get3A_520 : vector<16xf32>
      %mul3A_524 = arith.mulf %add3A_523, %get3A_522 : vector<16xf32>
      %add3A_525 = arith.addf %add3A_510, %mul3A_524 : vector<16xf32>
      %add3A_526 = arith.constant 5 : i32
      %add3A_527 = arith.addi %mul3A_161, %add3A_526 : i32
      %mul3A_528 = arith.constant 64 : i32
      %mul3A_529 = arith.muli %add3A_527, %mul3A_528 : i32
      %add3A_530 = arith.constant 48 : i32
      %add3A_531 = arith.addi %mul3A_529, %add3A_530 : i32
      %get3A_532 = arith.index_cast %add3A_531 : i32 to index
      %get3A_533 = tpu.vector_load %arg6[%get3A_532] {strides = array<i32>} : memref<32768xf32, #tpu.memory_space<vmem>>, vector<16xf32>,
      %get3A_534 = arith.index_cast %add3A_531 : i32 to index
      %get3A_535 = tpu.vector_load %arg7[%get3A_534] {strides = array<i32>} : memref<32768xf32, #tpu.memory_space<vmem>>, vector<16xf32>,
      %get3A_536 = arith.index_cast %add3A_531 : i32 to index
      %get3A_537 = tpu.vector_load %arg8[%get3A_536] {strides = array<i32>} : memref<32768xf32, #tpu.memory_space<vmem>>, vector<16xf32>,
      %add3A_538 = arith.addf %get3A_533, %get3A_535 : vector<16xf32>
      %mul3A_539 = arith.mulf %add3A_538, %get3A_537 : vector<16xf32>
      %add3A_540 = arith.addf %add3A_525, %mul3A_539 : vector<16xf32>
      %swap3A_541 = arith.constant 85 : index
      %swap3A_542 = tpu.vector_load %arg9[%swap3A_541] {strides = array<i32>} : memref<272xf32, #tpu.memory_space<vmem>>, vector<16xf32>,
      tpu.vector_store %arg9[%swap3A_541], %add3A_540 {strides = array<i32>} : memref<272xf32, #tpu.memory_space<vmem>>, vector<16xf32>,
      %broadcast_in_dim3A_543 = arith.constant 0.000000e+00 : f32
      %broadcast_in_dim3A_544 = vector.broadcast %broadcast_in_dim3A_543 : f32 to vector<16xf32>
      %add3A_545 = arith.constant 6 : i32
      %add3A_546 = arith.addi %mul3A_161, %add3A_545 : i32
      %mul3A_547 = arith.constant 64 : i32
      %mul3A_548 = arith.muli %add3A_546, %mul3A_547 : i32
      %add3A_549 = arith.constant 0 : i32
      %add3A_550 = arith.addi %mul3A_548, %add3A_549 : i32
      %get3A_551 = arith.index_cast %add3A_550 : i32 to index
      %get3A_552 = tpu.vector_load %arg6[%get3A_551] {strides = array<i32>} : memref<32768xf32, #tpu.memory_space<vmem>>, vector<16xf32>,
      %get3A_553 = arith.index_cast %add3A_550 : i32 to index
      %get3A_554 = tpu.vector_load %arg7[%get3A_553] {strides = array<i32>} : memref<32768xf32, #tpu.memory_space<vmem>>, vector<16xf32>,
      %get3A_555 = arith.index_cast %add3A_550 : i32 to index
      %get3A_556 = tpu.vector_load %arg8[%get3A_555] {strides = array<i32>} : memref<32768xf32, #tpu.memory_space<vmem>>, vector<16xf32>,
      %add3A_557 = arith.addf %get3A_552, %get3A_554 : vector<16xf32>
      %mul3A_558 = arith.mulf %add3A_557, %get3A_556 : vector<16xf32>
      %add3A_559 = arith.addf %broadcast_in_dim3A_544, %mul3A_558 : vector<16xf32>
      %add3A_560 = arith.constant 6 : i32
      %add3A_561 = arith.addi %mul3A_161, %add3A_560 : i32
      %mul3A_562 = arith.constant 64 : i32
      %mul3A_563 = arith.muli %add3A_561, %mul3A_562 : i32
      %add3A_564 = arith.constant 16 : i32
      %add3A_565 = arith.addi %mul3A_563, %add3A_564 : i32
      %get3A_566 = arith.index_cast %add3A_565 : i32 to index
      %get3A_567 = tpu.vector_load %arg6[%get3A_566] {strides = array<i32>} : memref<32768xf32, #tpu.memory_space<vmem>>, vector<16xf32>,
      %get3A_568 = arith.index_cast %add3A_565 : i32 to index
      %get3A_569 = tpu.vector_load %arg7[%get3A_568] {strides = array<i32>} : memref<32768xf32, #tpu.memory_space<vmem>>, vector<16xf32>,
      %get3A_570 = arith.index_cast %add3A_565 : i32 to index
      %get3A_571 = tpu.vector_load %arg8[%get3A_570] {strides = array<i32>} : memref<32768xf32, #tpu.memory_space<vmem>>, vector<16xf32>,
      %add3A_572 = arith.addf %get3A_567, %get3A_569 : vector<16xf32>
      %mul3A_573 = arith.mulf %add3A_572, %get3A_571 : vector<16xf32>
      %add3A_574 = arith.addf %add3A_559, %mul3A_573 : vector<16xf32>
      %add3A_575 = arith.constant 6 : i32
      %add3A_576 = arith.addi %mul3A_161, %add3A_575 : i32
      %mul3A_577 = arith.constant 64 : i32
      %mul3A_578 = arith.muli %add3A_576, %mul3A_577 : i32
      %add3A_579 = arith.constant 32 : i32
      %add3A_580 = arith.addi %mul3A_578, %add3A_579 : i32
      %get3A_581 = arith.index_cast %add3A_580 : i32 to index
      %get3A_582 = tpu.vector_load %arg6[%get3A_581] {strides = array<i32>} : memref<32768xf32, #tpu.memory_space<vmem>>, vector<16xf32>,
      %get3A_583 = arith.index_cast %add3A_580 : i32 to index
      %get3A_584 = tpu.vector_load %arg7[%get3A_583] {strides = array<i32>} : memref<32768xf32, #tpu.memory_space<vmem>>, vector<16xf32>,
      %get3A_585 = arith.index_cast %add3A_580 : i32 to index
      %get3A_586 = tpu.vector_load %arg8[%get3A_585] {strides = array<i32>} : memref<32768xf32, #tpu.memory_space<vmem>>, vector<16xf32>,
      %add3A_587 = arith.addf %get3A_582, %get3A_584 : vector<16xf32>
      %mul3A_588 = arith.mulf %add3A_587, %get3A_586 : vector<16xf32>
      %add3A_589 = arith.addf %add3A_574, %mul3A_588 : vector<16xf32>
      %add3A_590 = arith.constant 6 : i32
      %add3A_591 = arith.addi %mul3A_161, %add3A_590 : i32
      %mul3A_592 = arith.constant 64 : i32
      %mul3A_593 = arith.muli %add3A_591, %mul3A_592 : i32
      %add3A_594 = arith.constant 48 : i32
      %add3A_595 = arith.addi %mul3A_593, %add3A_594 : i32
      %get3A_596 = arith.index_cast %add3A_595 : i32 to index
      %get3A_597 = tpu.vector_load %arg6[%get3A_596] {strides = array<i32>} : memref<32768xf32, #tpu.memory_space<vmem>>, vector<16xf32>,
      %get3A_598 = arith.index_cast %add3A_595 : i32 to index
      %get3A_599 = tpu.vector_load %arg7[%get3A_598] {strides = array<i32>} : memref<32768xf32, #tpu.memory_space<vmem>>, vector<16xf32>,
      %get3A_600 = arith.index_cast %add3A_595 : i32 to index
      %get3A_601 = tpu.vector_load %arg8[%get3A_600] {strides = array<i32>} : memref<32768xf32, #tpu.memory_space<vmem>>, vector<16xf32>,
      %add3A_602 = arith.addf %get3A_597, %get3A_599 : vector<16xf32>
      %mul3A_603 = arith.mulf %add3A_602, %get3A_601 : vector<16xf32>
      %add3A_604 = arith.addf %add3A_589, %mul3A_603 : vector<16xf32>
      %swap3A_605 = arith.constant 102 : index
      %swap3A_606 = tpu.vector_load %arg9[%swap3A_605] {strides = array<i32>} : memref<272xf32, #tpu.memory_space<vmem>>, vector<16xf32>,
      tpu.vector_store %arg9[%swap3A_605], %add3A_604 {strides = array<i32>} : memref<272xf32, #tpu.memory_space<vmem>>, vector<16xf32>,
      %broadcast_in_dim3A_607 = arith.constant 0.000000e+00 : f32
      %broadcast_in_dim3A_608 = vector.broadcast %broadcast_in_dim3A_607 : f32 to vector<16xf32>
      %add3A_609 = arith.constant 7 : i32
      %add3A_610 = arith.addi %mul3A_161, %add3A_609 : i32
      %mul3A_611 = arith.constant 64 : i32
      %mul3A_612 = arith.muli %add3A_610, %mul3A_611 : i32
      %add3A_613 = arith.constant 0 : i32
      %add3A_614 = arith.addi %mul3A_612, %add3A_613 : i32
      %get3A_615 = arith.index_cast %add3A_614 : i32 to index
      %get3A_616 = tpu.vector_load %arg6[%get3A_615] {strides = array<i32>} : memref<32768xf32, #tpu.memory_space<vmem>>, vector<16xf32>,
      %get3A_617 = arith.index_cast %add3A_614 : i32 to index
      %get3A_618 = tpu.vector_load %arg7[%get3A_617] {strides = array<i32>} : memref<32768xf32, #tpu.memory_space<vmem>>, vector<16xf32>,
      %get3A_619 = arith.index_cast %add3A_614 : i32 to index
      %get3A_620 = tpu.vector_load %arg8[%get3A_619] {strides = array<i32>} : memref<32768xf32, #tpu.memory_space<vmem>>, vector<16xf32>,
      %add3A_621 = arith.addf %get3A_616, %get3A_618 : vector<16xf32>
      %mul3A_622 = arith.mulf %add3A_621, %get3A_620 : vector<16xf32>
      %add3A_623 = arith.addf %broadcast_in_dim3A_608, %mul3A_622 : vector<16xf32>
      %add3A_624 = arith.constant 7 : i32
      %add3A_625 = arith.addi %mul3A_161, %add3A_624 : i32
      %mul3A_626 = arith.constant 64 : i32
      %mul3A_627 = arith.muli %add3A_625, %mul3A_626 : i32
      %add3A_628 = arith.constant 16 : i32
      %add3A_629 = arith.addi %mul3A_627, %add3A_628 : i32
      %get3A_630 = arith.index_cast %add3A_629 : i32 to index
      %get3A_631 = tpu.vector_load %arg6[%get3A_630] {strides = array<i32>} : memref<32768xf32, #tpu.memory_space<vmem>>, vector<16xf32>,
      %get3A_632 = arith.index_cast %add3A_629 : i32 to index
      %get3A_633 = tpu.vector_load %arg7[%get3A_632] {strides = array<i32>} : memref<32768xf32, #tpu.memory_space<vmem>>, vector<16xf32>,
      %get3A_634 = arith.index_cast %add3A_629 : i32 to index
      %get3A_635 = tpu.vector_load %arg8[%get3A_634] {strides = array<i32>} : memref<32768xf32, #tpu.memory_space<vmem>>, vector<16xf32>,
      %add3A_636 = arith.addf %get3A_631, %get3A_633 : vector<16xf32>
      %mul3A_637 = arith.mulf %add3A_636, %get3A_635 : vector<16xf32>
      %add3A_638 = arith.addf %add3A_623, %mul3A_637 : vector<16xf32>
      %add3A_639 = arith.constant 7 : i32
      %add3A_640 = arith.addi %mul3A_161, %add3A_639 : i32
      %mul3A_641 = arith.constant 64 : i32
      %mul3A_642 = arith.muli %add3A_640, %mul3A_641 : i32
      %add3A_643 = arith.constant 32 : i32
      %add3A_644 = arith.addi %mul3A_642, %add3A_643 : i32
      %get3A_645 = arith.index_cast %add3A_644 : i32 to index
      %get3A_646 = tpu.vector_load %arg6[%get3A_645] {strides = array<i32>} : memref<32768xf32, #tpu.memory_space<vmem>>, vector<16xf32>,
      %get3A_647 = arith.index_cast %add3A_644 : i32 to index
      %get3A_648 = tpu.vector_load %arg7[%get3A_647] {strides = array<i32>} : memref<32768xf32, #tpu.memory_space<vmem>>, vector<16xf32>,
      %get3A_649 = arith.index_cast %add3A_644 : i32 to index
      %get3A_650 = tpu.vector_load %arg8[%get3A_649] {strides = array<i32>} : memref<32768xf32, #tpu.memory_space<vmem>>, vector<16xf32>,
      %add3A_651 = arith.addf %get3A_646, %get3A_648 : vector<16xf32>
      %mul3A_652 = arith.mulf %add3A_651, %get3A_650 : vector<16xf32>
      %add3A_653 = arith.addf %add3A_638, %mul3A_652 : vector<16xf32>
      %add3A_654 = arith.constant 7 : i32
      %add3A_655 = arith.addi %mul3A_161, %add3A_654 : i32
      %mul3A_656 = arith.constant 64 : i32
      %mul3A_657 = arith.muli %add3A_655, %mul3A_656 : i32
      %add3A_658 = arith.constant 48 : i32
      %add3A_659 = arith.addi %mul3A_657, %add3A_658 : i32
      %get3A_660 = arith.index_cast %add3A_659 : i32 to index
      %get3A_661 = tpu.vector_load %arg6[%get3A_660] {strides = array<i32>} : memref<32768xf32, #tpu.memory_space<vmem>>, vector<16xf32>,
      %get3A_662 = arith.index_cast %add3A_659 : i32 to index
      %get3A_663 = tpu.vector_load %arg7[%get3A_662] {strides = array<i32>} : memref<32768xf32, #tpu.memory_space<vmem>>, vector<16xf32>,
      %get3A_664 = arith.index_cast %add3A_659 : i32 to index
      %get3A_665 = tpu.vector_load %arg8[%get3A_664] {strides = array<i32>} : memref<32768xf32, #tpu.memory_space<vmem>>, vector<16xf32>,
      %add3A_666 = arith.addf %get3A_661, %get3A_663 : vector<16xf32>
      %mul3A_667 = arith.mulf %add3A_666, %get3A_665 : vector<16xf32>
      %add3A_668 = arith.addf %add3A_653, %mul3A_667 : vector<16xf32>
      %swap3A_669 = arith.constant 119 : index
      %swap3A_670 = tpu.vector_load %arg9[%swap3A_669] {strides = array<i32>} : memref<272xf32, #tpu.memory_space<vmem>>, vector<16xf32>,
      tpu.vector_store %arg9[%swap3A_669], %add3A_668 {strides = array<i32>} : memref<272xf32, #tpu.memory_space<vmem>>, vector<16xf32>,
      %broadcast_in_dim3A_671 = arith.constant 0.000000e+00 : f32
      %broadcast_in_dim3A_672 = vector.broadcast %broadcast_in_dim3A_671 : f32 to vector<16xf32>
      %add3A_673 = arith.constant 8 : i32
      %add3A_674 = arith.addi %mul3A_161, %add3A_673 : i32
      %mul3A_675 = arith.constant 64 : i32
      %mul3A_676 = arith.muli %add3A_674, %mul3A_675 : i32
      %add3A_677 = arith.constant 0 : i32
      %add3A_678 = arith.addi %mul3A_676, %add3A_677 : i32
      %get3A_679 = arith.index_cast %add3A_678 : i32 to index
      %get3A_680 = tpu.vector_load %arg6[%get3A_679] {strides = array<i32>} : memref<32768xf32, #tpu.memory_space<vmem>>, vector<16xf32>,
      %get3A_681 = arith.index_cast %add3A_678 : i32 to index
      %get3A_682 = tpu.vector_load %arg7[%get3A_681] {strides = array<i32>} : memref<32768xf32, #tpu.memory_space<vmem>>, vector<16xf32>,
      %get3A_683 = arith.index_cast %add3A_678 : i32 to index
      %get3A_684 = tpu.vector_load %arg8[%get3A_683] {strides = array<i32>} : memref<32768xf32, #tpu.memory_space<vmem>>, vector<16xf32>,
      %add3A_685 = arith.addf %get3A_680, %get3A_682 : vector<16xf32>
      %mul3A_686 = arith.mulf %add3A_685, %get3A_684 : vector<16xf32>
      %add3A_687 = arith.addf %broadcast_in_dim3A_672, %mul3A_686 : vector<16xf32>
      %add3A_688 = arith.constant 8 : i32
      %add3A_689 = arith.addi %mul3A_161, %add3A_688 : i32
      %mul3A_690 = arith.constant 64 : i32
      %mul3A_691 = arith.muli %add3A_689, %mul3A_690 : i32
      %add3A_692 = arith.constant 16 : i32
      %add3A_693 = arith.addi %mul3A_691, %add3A_692 : i32
      %get3A_694 = arith.index_cast %add3A_693 : i32 to index
      %get3A_695 = tpu.vector_load %arg6[%get3A_694] {strides = array<i32>} : memref<32768xf32, #tpu.memory_space<vmem>>, vector<16xf32>,
      %get3A_696 = arith.index_cast %add3A_693 : i32 to index
      %get3A_697 = tpu.vector_load %arg7[%get3A_696] {strides = array<i32>} : memref<32768xf32, #tpu.memory_space<vmem>>, vector<16xf32>,
      %get3A_698 = arith.index_cast %add3A_693 : i32 to index
      %get3A_699 = tpu.vector_load %arg8[%get3A_698] {strides = array<i32>} : memref<32768xf32, #tpu.memory_space<vmem>>, vector<16xf32>,
      %add3A_700 = arith.addf %get3A_695, %get3A_697 : vector<16xf32>
      %mul3A_701 = arith.mulf %add3A_700, %get3A_699 : vector<16xf32>
      %add3A_702 = arith.addf %add3A_687, %mul3A_701 : vector<16xf32>
      %add3A_703 = arith.constant 8 : i32
      %add3A_704 = arith.addi %mul3A_161, %add3A_703 : i32
      %mul3A_705 = arith.constant 64 : i32
      %mul3A_706 = arith.muli %add3A_704, %mul3A_705 : i32
      %add3A_707 = arith.constant 32 : i32
      %add3A_708 = arith.addi %mul3A_706, %add3A_707 : i32
      %get3A_709 = arith.index_cast %add3A_708 : i32 to index
      %get3A_710 = tpu.vector_load %arg6[%get3A_709] {strides = array<i32>} : memref<32768xf32, #tpu.memory_space<vmem>>, vector<16xf32>,
      %get3A_711 = arith.index_cast %add3A_708 : i32 to index
      %get3A_712 = tpu.vector_load %arg7[%get3A_711] {strides = array<i32>} : memref<32768xf32, #tpu.memory_space<vmem>>, vector<16xf32>,
      %get3A_713 = arith.index_cast %add3A_708 : i32 to index
      %get3A_714 = tpu.vector_load %arg8[%get3A_713] {strides = array<i32>} : memref<32768xf32, #tpu.memory_space<vmem>>, vector<16xf32>,
      %add3A_715 = arith.addf %get3A_710, %get3A_712 : vector<16xf32>
      %mul3A_716 = arith.mulf %add3A_715, %get3A_714 : vector<16xf32>
      %add3A_717 = arith.addf %add3A_702, %mul3A_716 : vector<16xf32>
      %add3A_718 = arith.constant 8 : i32
      %add3A_719 = arith.addi %mul3A_161, %add3A_718 : i32
      %mul3A_720 = arith.constant 64 : i32
      %mul3A_721 = arith.muli %add3A_719, %mul3A_720 : i32
      %add3A_722 = arith.constant 48 : i32
      %add3A_723 = arith.addi %mul3A_721, %add3A_722 : i32
      %get3A_724 = arith.index_cast %add3A_723 : i32 to index
      %get3A_725 = tpu.vector_load %arg6[%get3A_724] {strides = array<i32>} : memref<32768xf32, #tpu.memory_space<vmem>>, vector<16xf32>,
      %get3A_726 = arith.index_cast %add3A_723 : i32 to index
      %get3A_727 = tpu.vector_load %arg7[%get3A_726] {strides = array<i32>} : memref<32768xf32, #tpu.memory_space<vmem>>, vector<16xf32>,
      %get3A_728 = arith.index_cast %add3A_723 : i32 to index
      %get3A_729 = tpu.vector_load %arg8[%get3A_728] {strides = array<i32>} : memref<32768xf32, #tpu.memory_space<vmem>>, vector<16xf32>,
      %add3A_730 = arith.addf %get3A_725, %get3A_727 : vector<16xf32>
      %mul3A_731 = arith.mulf %add3A_730, %get3A_729 : vector<16xf32>
      %add3A_732 = arith.addf %add3A_717, %mul3A_731 : vector<16xf32>
      %swap3A_733 = arith.constant 136 : index
      %swap3A_734 = tpu.vector_load %arg9[%swap3A_733] {strides = array<i32>} : memref<272xf32, #tpu.memory_space<vmem>>, vector<16xf32>,
      tpu.vector_store %arg9[%swap3A_733], %add3A_732 {strides = array<i32>} : memref<272xf32, #tpu.memory_space<vmem>>, vector<16xf32>,
      %broadcast_in_dim3A_735 = arith.constant 0.000000e+00 : f32
      %broadcast_in_dim3A_736 = vector.broadcast %broadcast_in_dim3A_735 : f32 to vector<16xf32>
      %add3A_737 = arith.constant 9 : i32
      %add3A_738 = arith.addi %mul3A_161, %add3A_737 : i32
      %mul3A_739 = arith.constant 64 : i32
      %mul3A_740 = arith.muli %add3A_738, %mul3A_739 : i32
      %add3A_741 = arith.constant 0 : i32
      %add3A_742 = arith.addi %mul3A_740, %add3A_741 : i32
      %get3A_743 = arith.index_cast %add3A_742 : i32 to index
      %get3A_744 = tpu.vector_load %arg6[%get3A_743] {strides = array<i32>} : memref<32768xf32, #tpu.memory_space<vmem>>, vector<16xf32>,
      %get3A_745 = arith.index_cast %add3A_742 : i32 to index
      %get3A_746 = tpu.vector_load %arg7[%get3A_745] {strides = array<i32>} : memref<32768xf32, #tpu.memory_space<vmem>>, vector<16xf32>,
      %get3A_747 = arith.index_cast %add3A_742 : i32 to index
      %get3A_748 = tpu.vector_load %arg8[%get3A_747] {strides = array<i32>} : memref<32768xf32, #tpu.memory_space<vmem>>, vector<16xf32>,
      %add3A_749 = arith.addf %get3A_744, %get3A_746 : vector<16xf32>
      %mul3A_750 = arith.mulf %add3A_749, %get3A_748 : vector<16xf32>
      %add3A_751 = arith.addf %broadcast_in_dim3A_736, %mul3A_750 : vector<16xf32>
      %add3A_752 = arith.constant 9 : i32
      %add3A_753 = arith.addi %mul3A_161, %add3A_752 : i32
      %mul3A_754 = arith.constant 64 : i32
      %mul3A_755 = arith.muli %add3A_753, %mul3A_754 : i32
      %add3A_756 = arith.constant 16 : i32
      %add3A_757 = arith.addi %mul3A_755, %add3A_756 : i32
      %get3A_758 = arith.index_cast %add3A_757 : i32 to index
      %get3A_759 = tpu.vector_load %arg6[%get3A_758] {strides = array<i32>} : memref<32768xf32, #tpu.memory_space<vmem>>, vector<16xf32>,
      %get3A_760 = arith.index_cast %add3A_757 : i32 to index
      %get3A_761 = tpu.vector_load %arg7[%get3A_760] {strides = array<i32>} : memref<32768xf32, #tpu.memory_space<vmem>>, vector<16xf32>,
      %get3A_762 = arith.index_cast %add3A_757 : i32 to index
      %get3A_763 = tpu.vector_load %arg8[%get3A_762] {strides = array<i32>} : memref<32768xf32, #tpu.memory_space<vmem>>, vector<16xf32>,
      %add3A_764 = arith.addf %get3A_759, %get3A_761 : vector<16xf32>
      %mul3A_765 = arith.mulf %add3A_764, %get3A_763 : vector<16xf32>
      %add3A_766 = arith.addf %add3A_751, %mul3A_765 : vector<16xf32>
      %add3A_767 = arith.constant 9 : i32
      %add3A_768 = arith.addi %mul3A_161, %add3A_767 : i32
      %mul3A_769 = arith.constant 64 : i32
      %mul3A_770 = arith.muli %add3A_768, %mul3A_769 : i32
      %add3A_771 = arith.constant 32 : i32
      %add3A_772 = arith.addi %mul3A_770, %add3A_771 : i32
      %get3A_773 = arith.index_cast %add3A_772 : i32 to index
      %get3A_774 = tpu.vector_load %arg6[%get3A_773] {strides = array<i32>} : memref<32768xf32, #tpu.memory_space<vmem>>, vector<16xf32>,
      %get3A_775 = arith.index_cast %add3A_772 : i32 to index
      %get3A_776 = tpu.vector_load %arg7[%get3A_775] {strides = array<i32>} : memref<32768xf32, #tpu.memory_space<vmem>>, vector<16xf32>,
      %get3A_777 = arith.index_cast %add3A_772 : i32 to index
      %get3A_778 = tpu.vector_load %arg8[%get3A_777] {strides = array<i32>} : memref<32768xf32, #tpu.memory_space<vmem>>, vector<16xf32>,
      %add3A_779 = arith.addf %get3A_774, %get3A_776 : vector<16xf32>
      %mul3A_780 = arith.mulf %add3A_779, %get3A_778 : vector<16xf32>
      %add3A_781 = arith.addf %add3A_766, %mul3A_780 : vector<16xf32>
      %add3A_782 = arith.constant 9 : i32
      %add3A_783 = arith.addi %mul3A_161, %add3A_782 : i32
      %mul3A_784 = arith.constant 64 : i32
      %mul3A_785 = arith.muli %add3A_783, %mul3A_784 : i32
      %add3A_786 = arith.constant 48 : i32
      %add3A_787 = arith.addi %mul3A_785, %add3A_786 : i32
      %get3A_788 = arith.index_cast %add3A_787 : i32 to index
      %get3A_789 = tpu.vector_load %arg6[%get3A_788] {strides = array<i32>} : memref<32768xf32, #tpu.memory_space<vmem>>, vector<16xf32>,
      %get3A_790 = arith.index_cast %add3A_787 : i32 to index
      %get3A_791 = tpu.vector_load %arg7[%get3A_790] {strides = array<i32>} : memref<32768xf32, #tpu.memory_space<vmem>>, vector<16xf32>,
      %get3A_792 = arith.index_cast %add3A_787 : i32 to index
      %get3A_793 = tpu.vector_load %arg8[%get3A_792] {strides = array<i32>} : memref<32768xf32, #tpu.memory_space<vmem>>, vector<16xf32>,
      %add3A_794 = arith.addf %get3A_789, %get3A_791 : vector<16xf32>
      %mul3A_795 = arith.mulf %add3A_794, %get3A_793 : vector<16xf32>
      %add3A_796 = arith.addf %add3A_781, %mul3A_795 : vector<16xf32>
      %swap3A_797 = arith.constant 153 : index
      %swap3A_798 = tpu.vector_load %arg9[%swap3A_797] {strides = array<i32>} : memref<272xf32, #tpu.memory_space<vmem>>, vector<16xf32>,
      tpu.vector_store %arg9[%swap3A_797], %add3A_796 {strides = array<i32>} : memref<272xf32, #tpu.memory_space<vmem>>, vector<16xf32>,
      %broadcast_in_dim3A_799 = arith.constant 0.000000e+00 : f32
      %broadcast_in_dim3A_800 = vector.broadcast %broadcast_in_dim3A_799 : f32 to vector<16xf32>
      %add3A_801 = arith.constant 10 : i32
      %add3A_802 = arith.addi %mul3A_161, %add3A_801 : i32
      %mul3A_803 = arith.constant 64 : i32
      %mul3A_804 = arith.muli %add3A_802, %mul3A_803 : i32
      %add3A_805 = arith.constant 0 : i32
      %add3A_806 = arith.addi %mul3A_804, %add3A_805 : i32
      %get3A_807 = arith.index_cast %add3A_806 : i32 to index
      %get3A_808 = tpu.vector_load %arg6[%get3A_807] {strides = array<i32>} : memref<32768xf32, #tpu.memory_space<vmem>>, vector<16xf32>,
      %get3A_809 = arith.index_cast %add3A_806 : i32 to index
      %get3A_810 = tpu.vector_load %arg7[%get3A_809] {strides = array<i32>} : memref<32768xf32, #tpu.memory_space<vmem>>, vector<16xf32>,
      %get3A_811 = arith.index_cast %add3A_806 : i32 to index
      %get3A_812 = tpu.vector_load %arg8[%get3A_811] {strides = array<i32>} : memref<32768xf32, #tpu.memory_space<vmem>>, vector<16xf32>,
      %add3A_813 = arith.addf %get3A_808, %get3A_810 : vector<16xf32>
      %mul3A_814 = arith.mulf %add3A_813, %get3A_812 : vector<16xf32>
      %add3A_815 = arith.addf %broadcast_in_dim3A_800, %mul3A_814 : vector<16xf32>
      %add3A_816 = arith.constant 10 : i32
      %add3A_817 = arith.addi %mul3A_161, %add3A_816 : i32
      %mul3A_818 = arith.constant 64 : i32
      %mul3A_819 = arith.muli %add3A_817, %mul3A_818 : i32
      %add3A_820 = arith.constant 16 : i32
      %add3A_821 = arith.addi %mul3A_819, %add3A_820 : i32
      %get3A_822 = arith.index_cast %add3A_821 : i32 to index
      %get3A_823 = tpu.vector_load %arg6[%get3A_822] {strides = array<i32>} : memref<32768xf32, #tpu.memory_space<vmem>>, vector<16xf32>,
      %get3A_824 = arith.index_cast %add3A_821 : i32 to index
      %get3A_825 = tpu.vector_load %arg7[%get3A_824] {strides = array<i32>} : memref<32768xf32, #tpu.memory_space<vmem>>, vector<16xf32>,
      %get3A_826 = arith.index_cast %add3A_821 : i32 to index
      %get3A_827 = tpu.vector_load %arg8[%get3A_826] {strides = array<i32>} : memref<32768xf32, #tpu.memory_space<vmem>>, vector<16xf32>,
      %add3A_828 = arith.addf %get3A_823, %get3A_825 : vector<16xf32>
      %mul3A_829 = arith.mulf %add3A_828, %get3A_827 : vector<16xf32>
      %add3A_830 = arith.addf %add3A_815, %mul3A_829 : vector<16xf32>
      %add3A_831 = arith.constant 10 : i32
      %add3A_832 = arith.addi %mul3A_161, %add3A_831 : i32
      %mul3A_833 = arith.constant 64 : i32
      %mul3A_834 = arith.muli %add3A_832, %mul3A_833 : i32
      %add3A_835 = arith.constant 32 : i32
      %add3A_836 = arith.addi %mul3A_834, %add3A_835 : i32
      %get3A_837 = arith.index_cast %add3A_836 : i32 to index
      %get3A_838 = tpu.vector_load %arg6[%get3A_837] {strides = array<i32>} : memref<32768xf32, #tpu.memory_space<vmem>>, vector<16xf32>,
      %get3A_839 = arith.index_cast %add3A_836 : i32 to index
      %get3A_840 = tpu.vector_load %arg7[%get3A_839] {strides = array<i32>} : memref<32768xf32, #tpu.memory_space<vmem>>, vector<16xf32>,
      %get3A_841 = arith.index_cast %add3A_836 : i32 to index
      %get3A_842 = tpu.vector_load %arg8[%get3A_841] {strides = array<i32>} : memref<32768xf32, #tpu.memory_space<vmem>>, vector<16xf32>,
      %add3A_843 = arith.addf %get3A_838, %get3A_840 : vector<16xf32>
      %mul3A_844 = arith.mulf %add3A_843, %get3A_842 : vector<16xf32>
      %add3A_845 = arith.addf %add3A_830, %mul3A_844 : vector<16xf32>
      %add3A_846 = arith.constant 10 : i32
      %add3A_847 = arith.addi %mul3A_161, %add3A_846 : i32
      %mul3A_848 = arith.constant 64 : i32
      %mul3A_849 = arith.muli %add3A_847, %mul3A_848 : i32
      %add3A_850 = arith.constant 48 : i32
      %add3A_851 = arith.addi %mul3A_849, %add3A_850 : i32
      %get3A_852 = arith.index_cast %add3A_851 : i32 to index
      %get3A_853 = tpu.vector_load %arg6[%get3A_852] {strides = array<i32>} : memref<32768xf32, #tpu.memory_space<vmem>>, vector<16xf32>,
      %get3A_854 = arith.index_cast %add3A_851 : i32 to index
      %get3A_855 = tpu.vector_load %arg7[%get3A_854] {strides = array<i32>} : memref<32768xf32, #tpu.memory_space<vmem>>, vector<16xf32>,
      %get3A_856 = arith.index_cast %add3A_851 : i32 to index
      %get3A_857 = tpu.vector_load %arg8[%get3A_856] {strides = array<i32>} : memref<32768xf32, #tpu.memory_space<vmem>>, vector<16xf32>,
      %add3A_858 = arith.addf %get3A_853, %get3A_855 : vector<16xf32>
      %mul3A_859 = arith.mulf %add3A_858, %get3A_857 : vector<16xf32>
      %add3A_860 = arith.addf %add3A_845, %mul3A_859 : vector<16xf32>
      %swap3A_861 = arith.constant 170 : index
      %swap3A_862 = tpu.vector_load %arg9[%swap3A_861] {strides = array<i32>} : memref<272xf32, #tpu.memory_space<vmem>>, vector<16xf32>,
      tpu.vector_store %arg9[%swap3A_861], %add3A_860 {strides = array<i32>} : memref<272xf32, #tpu.memory_space<vmem>>, vector<16xf32>,
      %broadcast_in_dim3A_863 = arith.constant 0.000000e+00 : f32
      %broadcast_in_dim3A_864 = vector.broadcast %broadcast_in_dim3A_863 : f32 to vector<16xf32>
      %add3A_865 = arith.constant 11 : i32
      %add3A_866 = arith.addi %mul3A_161, %add3A_865 : i32
      %mul3A_867 = arith.constant 64 : i32
      %mul3A_868 = arith.muli %add3A_866, %mul3A_867 : i32
      %add3A_869 = arith.constant 0 : i32
      %add3A_870 = arith.addi %mul3A_868, %add3A_869 : i32
      %get3A_871 = arith.index_cast %add3A_870 : i32 to index
      %get3A_872 = tpu.vector_load %arg6[%get3A_871] {strides = array<i32>} : memref<32768xf32, #tpu.memory_space<vmem>>, vector<16xf32>,
      %get3A_873 = arith.index_cast %add3A_870 : i32 to index
      %get3A_874 = tpu.vector_load %arg7[%get3A_873] {strides = array<i32>} : memref<32768xf32, #tpu.memory_space<vmem>>, vector<16xf32>,
      %get3A_875 = arith.index_cast %add3A_870 : i32 to index
      %get3A_876 = tpu.vector_load %arg8[%get3A_875] {strides = array<i32>} : memref<32768xf32, #tpu.memory_space<vmem>>, vector<16xf32>,
      %add3A_877 = arith.addf %get3A_872, %get3A_874 : vector<16xf32>
      %mul3A_878 = arith.mulf %add3A_877, %get3A_876 : vector<16xf32>
      %add3A_879 = arith.addf %broadcast_in_dim3A_864, %mul3A_878 : vector<16xf32>
      %add3A_880 = arith.constant 11 : i32
      %add3A_881 = arith.addi %mul3A_161, %add3A_880 : i32
      %mul3A_882 = arith.constant 64 : i32
      %mul3A_883 = arith.muli %add3A_881, %mul3A_882 : i32
      %add3A_884 = arith.constant 16 : i32
      %add3A_885 = arith.addi %mul3A_883, %add3A_884 : i32
      %get3A_886 = arith.index_cast %add3A_885 : i32 to index
      %get3A_887 = tpu.vector_load %arg6[%get3A_886] {strides = array<i32>} : memref<32768xf32, #tpu.memory_space<vmem>>, vector<16xf32>,
      %get3A_888 = arith.index_cast %add3A_885 : i32 to index
      %get3A_889 = tpu.vector_load %arg7[%get3A_888] {strides = array<i32>} : memref<32768xf32, #tpu.memory_space<vmem>>, vector<16xf32>,
      %get3A_890 = arith.index_cast %add3A_885 : i32 to index
      %get3A_891 = tpu.vector_load %arg8[%get3A_890] {strides = array<i32>} : memref<32768xf32, #tpu.memory_space<vmem>>, vector<16xf32>,
      %add3A_892 = arith.addf %get3A_887, %get3A_889 : vector<16xf32>
      %mul3A_893 = arith.mulf %add3A_892, %get3A_891 : vector<16xf32>
      %add3A_894 = arith.addf %add3A_879, %mul3A_893 : vector<16xf32>
      %add3A_895 = arith.constant 11 : i32
      %add3A_896 = arith.addi %mul3A_161, %add3A_895 : i32
      %mul3A_897 = arith.constant 64 : i32
      %mul3A_898 = arith.muli %add3A_896, %mul3A_897 : i32
      %add3A_899 = arith.constant 32 : i32
      %add3A_900 = arith.addi %mul3A_898, %add3A_899 : i32
      %get3A_901 = arith.index_cast %add3A_900 : i32 to index
      %get3A_902 = tpu.vector_load %arg6[%get3A_901] {strides = array<i32>} : memref<32768xf32, #tpu.memory_space<vmem>>, vector<16xf32>,
      %get3A_903 = arith.index_cast %add3A_900 : i32 to index
      %get3A_904 = tpu.vector_load %arg7[%get3A_903] {strides = array<i32>} : memref<32768xf32, #tpu.memory_space<vmem>>, vector<16xf32>,
      %get3A_905 = arith.index_cast %add3A_900 : i32 to index
      %get3A_906 = tpu.vector_load %arg8[%get3A_905] {strides = array<i32>} : memref<32768xf32, #tpu.memory_space<vmem>>, vector<16xf32>,
      %add3A_907 = arith.addf %get3A_902, %get3A_904 : vector<16xf32>
      %mul3A_908 = arith.mulf %add3A_907, %get3A_906 : vector<16xf32>
      %add3A_909 = arith.addf %add3A_894, %mul3A_908 : vector<16xf32>
      %add3A_910 = arith.constant 11 : i32
      %add3A_911 = arith.addi %mul3A_161, %add3A_910 : i32
      %mul3A_912 = arith.constant 64 : i32
      %mul3A_913 = arith.muli %add3A_911, %mul3A_912 : i32
      %add3A_914 = arith.constant 48 : i32
      %add3A_915 = arith.addi %mul3A_913, %add3A_914 : i32
      %get3A_916 = arith.index_cast %add3A_915 : i32 to index
      %get3A_917 = tpu.vector_load %arg6[%get3A_916] {strides = array<i32>} : memref<32768xf32, #tpu.memory_space<vmem>>, vector<16xf32>,
      %get3A_918 = arith.index_cast %add3A_915 : i32 to index
      %get3A_919 = tpu.vector_load %arg7[%get3A_918] {strides = array<i32>} : memref<32768xf32, #tpu.memory_space<vmem>>, vector<16xf32>,
      %get3A_920 = arith.index_cast %add3A_915 : i32 to index
      %get3A_921 = tpu.vector_load %arg8[%get3A_920] {strides = array<i32>} : memref<32768xf32, #tpu.memory_space<vmem>>, vector<16xf32>,
      %add3A_922 = arith.addf %get3A_917, %get3A_919 : vector<16xf32>
      %mul3A_923 = arith.mulf %add3A_922, %get3A_921 : vector<16xf32>
      %add3A_924 = arith.addf %add3A_909, %mul3A_923 : vector<16xf32>
      %swap3A_925 = arith.constant 187 : index
      %swap3A_926 = tpu.vector_load %arg9[%swap3A_925] {strides = array<i32>} : memref<272xf32, #tpu.memory_space<vmem>>, vector<16xf32>,
      tpu.vector_store %arg9[%swap3A_925], %add3A_924 {strides = array<i32>} : memref<272xf32, #tpu.memory_space<vmem>>, vector<16xf32>,
      %broadcast_in_dim3A_927 = arith.constant 0.000000e+00 : f32
      %broadcast_in_dim3A_928 = vector.broadcast %broadcast_in_dim3A_927 : f32 to vector<16xf32>
      %add3A_929 = arith.constant 12 : i32
      %add3A_930 = arith.addi %mul3A_161, %add3A_929 : i32
      %mul3A_931 = arith.constant 64 : i32
      %mul3A_932 = arith.muli %add3A_930, %mul3A_931 : i32
      %add3A_933 = arith.constant 0 : i32
      %add3A_934 = arith.addi %mul3A_932, %add3A_933 : i32
      %get3A_935 = arith.index_cast %add3A_934 : i32 to index
      %get3A_936 = tpu.vector_load %arg6[%get3A_935] {strides = array<i32>} : memref<32768xf32, #tpu.memory_space<vmem>>, vector<16xf32>,
      %get3A_937 = arith.index_cast %add3A_934 : i32 to index
      %get3A_938 = tpu.vector_load %arg7[%get3A_937] {strides = array<i32>} : memref<32768xf32, #tpu.memory_space<vmem>>, vector<16xf32>,
      %get3A_939 = arith.index_cast %add3A_934 : i32 to index
      %get3A_940 = tpu.vector_load %arg8[%get3A_939] {strides = array<i32>} : memref<32768xf32, #tpu.memory_space<vmem>>, vector<16xf32>,
      %add3A_941 = arith.addf %get3A_936, %get3A_938 : vector<16xf32>
      %mul3A_942 = arith.mulf %add3A_941, %get3A_940 : vector<16xf32>
      %add3A_943 = arith.addf %broadcast_in_dim3A_928, %mul3A_942 : vector<16xf32>
      %add3A_944 = arith.constant 12 : i32
      %add3A_945 = arith.addi %mul3A_161, %add3A_944 : i32
      %mul3A_946 = arith.constant 64 : i32
      %mul3A_947 = arith.muli %add3A_945, %mul3A_946 : i32
      %add3A_948 = arith.constant 16 : i32
      %add3A_949 = arith.addi %mul3A_947, %add3A_948 : i32
      %get3A_950 = arith.index_cast %add3A_949 : i32 to index
      %get3A_951 = tpu.vector_load %arg6[%get3A_950] {strides = array<i32>} : memref<32768xf32, #tpu.memory_space<vmem>>, vector<16xf32>,
      %get3A_952 = arith.index_cast %add3A_949 : i32 to index
      %get3A_953 = tpu.vector_load %arg7[%get3A_952] {strides = array<i32>} : memref<32768xf32, #tpu.memory_space<vmem>>, vector<16xf32>,
      %get3A_954 = arith.index_cast %add3A_949 : i32 to index
      %get3A_955 = tpu.vector_load %arg8[%get3A_954] {strides = array<i32>} : memref<32768xf32, #tpu.memory_space<vmem>>, vector<16xf32>,
      %add3A_956 = arith.addf %get3A_951, %get3A_953 : vector<16xf32>
      %mul3A_957 = arith.mulf %add3A_956, %get3A_955 : vector<16xf32>
      %add3A_958 = arith.addf %add3A_943, %mul3A_957 : vector<16xf32>
      %add3A_959 = arith.constant 12 : i32
      %add3A_960 = arith.addi %mul3A_161, %add3A_959 : i32
      %mul3A_961 = arith.constant 64 : i32
      %mul3A_962 = arith.muli %add3A_960, %mul3A_961 : i32
      %add3A_963 = arith.constant 32 : i32
      %add3A_964 = arith.addi %mul3A_962, %add3A_963 : i32
      %get3A_965 = arith.index_cast %add3A_964 : i32 to index
      %get3A_966 = tpu.vector_load %arg6[%get3A_965] {strides = array<i32>} : memref<32768xf32, #tpu.memory_space<vmem>>, vector<16xf32>,
      %get3A_967 = arith.index_cast %add3A_964 : i32 to index
      %get3A_968 = tpu.vector_load %arg7[%get3A_967] {strides = array<i32>} : memref<32768xf32, #tpu.memory_space<vmem>>, vector<16xf32>,
      %get3A_969 = arith.index_cast %add3A_964 : i32 to index
      %get3A_970 = tpu.vector_load %arg8[%get3A_969] {strides = array<i32>} : memref<32768xf32, #tpu.memory_space<vmem>>, vector<16xf32>,
      %add3A_971 = arith.addf %get3A_966, %get3A_968 : vector<16xf32>
      %mul3A_972 = arith.mulf %add3A_971, %get3A_970 : vector<16xf32>
      %add3A_973 = arith.addf %add3A_958, %mul3A_972 : vector<16xf32>
      %add3A_974 = arith.constant 12 : i32
      %add3A_975 = arith.addi %mul3A_161, %add3A_974 : i32
      %mul3A_976 = arith.constant 64 : i32
      %mul3A_977 = arith.muli %add3A_975, %mul3A_976 : i32
      %add3A_978 = arith.constant 48 : i32
      %add3A_979 = arith.addi %mul3A_977, %add3A_978 : i32
      %get3A_980 = arith.index_cast %add3A_979 : i32 to index
      %get3A_981 = tpu.vector_load %arg6[%get3A_980] {strides = array<i32>} : memref<32768xf32, #tpu.memory_space<vmem>>, vector<16xf32>,
      %get3A_982 = arith.index_cast %add3A_979 : i32 to index
      %get3A_983 = tpu.vector_load %arg7[%get3A_982] {strides = array<i32>} : memref<32768xf32, #tpu.memory_space<vmem>>, vector<16xf32>,
      %get3A_984 = arith.index_cast %add3A_979 : i32 to index
      %get3A_985 = tpu.vector_load %arg8[%get3A_984] {strides = array<i32>} : memref<32768xf32, #tpu.memory_space<vmem>>, vector<16xf32>,
      %add3A_986 = arith.addf %get3A_981, %get3A_983 : vector<16xf32>
      %mul3A_987 = arith.mulf %add3A_986, %get3A_985 : vector<16xf32>
      %add3A_988 = arith.addf %add3A_973, %mul3A_987 : vector<16xf32>
      %swap3A_989 = arith.constant 204 : index
      %swap3A_990 = tpu.vector_load %arg9[%swap3A_989] {strides = array<i32>} : memref<272xf32, #tpu.memory_space<vmem>>, vector<16xf32>,
      tpu.vector_store %arg9[%swap3A_989], %add3A_988 {strides = array<i32>} : memref<272xf32, #tpu.memory_space<vmem>>, vector<16xf32>,
      %broadcast_in_dim3A_991 = arith.constant 0.000000e+00 : f32
      %broadcast_in_dim3A_992 = vector.broadcast %broadcast_in_dim3A_991 : f32 to vector<16xf32>
      %add3A_993 = arith.constant 13 : i32
      %add3A_994 = arith.addi %mul3A_161, %add3A_993 : i32
      %mul3A_995 = arith.constant 64 : i32
      %mul3A_996 = arith.muli %add3A_994, %mul3A_995 : i32
      %add3A_997 = arith.constant 0 : i32
      %add3A_998 = arith.addi %mul3A_996, %add3A_997 : i32
      %get3A_999 = arith.index_cast %add3A_998 : i32 to index
      %get3A_1000 = tpu.vector_load %arg6[%get3A_999] {strides = array<i32>} : memref<32768xf32, #tpu.memory_space<vmem>>, vector<16xf32>,
      %get3A_1001 = arith.index_cast %add3A_998 : i32 to index
      %get3A_1002 = tpu.vector_load %arg7[%get3A_1001] {strides = array<i32>} : memref<32768xf32, #tpu.memory_space<vmem>>, vector<16xf32>,
      %get3A_1003 = arith.index_cast %add3A_998 : i32 to index
      %get3A_1004 = tpu.vector_load %arg8[%get3A_1003] {strides = array<i32>} : memref<32768xf32, #tpu.memory_space<vmem>>, vector<16xf32>,
      %add3A_1005 = arith.addf %get3A_1000, %get3A_1002 : vector<16xf32>
      %mul3A_1006 = arith.mulf %add3A_1005, %get3A_1004 : vector<16xf32>
      %add3A_1007 = arith.addf %broadcast_in_dim3A_992, %mul3A_1006 : vector<16xf32>
      %add3A_1008 = arith.constant 13 : i32
      %add3A_1009 = arith.addi %mul3A_161, %add3A_1008 : i32
      %mul3A_1010 = arith.constant 64 : i32
      %mul3A_1011 = arith.muli %add3A_1009, %mul3A_1010 : i32
      %add3A_1012 = arith.constant 16 : i32
      %add3A_1013 = arith.addi %mul3A_1011, %add3A_1012 : i32
      %get3A_1014 = arith.index_cast %add3A_1013 : i32 to index
      %get3A_1015 = tpu.vector_load %arg6[%get3A_1014] {strides = array<i32>} : memref<32768xf32, #tpu.memory_space<vmem>>, vector<16xf32>,
      %get3A_1016 = arith.index_cast %add3A_1013 : i32 to index
      %get3A_1017 = tpu.vector_load %arg7[%get3A_1016] {strides = array<i32>} : memref<32768xf32, #tpu.memory_space<vmem>>, vector<16xf32>,
      %get3A_1018 = arith.index_cast %add3A_1013 : i32 to index
      %get3A_1019 = tpu.vector_load %arg8[%get3A_1018] {strides = array<i32>} : memref<32768xf32, #tpu.memory_space<vmem>>, vector<16xf32>,
      %add3A_1020 = arith.addf %get3A_1015, %get3A_1017 : vector<16xf32>
      %mul3A_1021 = arith.mulf %add3A_1020, %get3A_1019 : vector<16xf32>
      %add3A_1022 = arith.addf %add3A_1007, %mul3A_1021 : vector<16xf32>
      %add3A_1023 = arith.constant 13 : i32
      %add3A_1024 = arith.addi %mul3A_161, %add3A_1023 : i32
      %mul3A_1025 = arith.constant 64 : i32
      %mul3A_1026 = arith.muli %add3A_1024, %mul3A_1025 : i32
      %add3A_1027 = arith.constant 32 : i32
      %add3A_1028 = arith.addi %mul3A_1026, %add3A_1027 : i32
      %get3A_1029 = arith.index_cast %add3A_1028 : i32 to index
      %get3A_1030 = tpu.vector_load %arg6[%get3A_1029] {strides = array<i32>} : memref<32768xf32, #tpu.memory_space<vmem>>, vector<16xf32>,
      %get3A_1031 = arith.index_cast %add3A_1028 : i32 to index
      %get3A_1032 = tpu.vector_load %arg7[%get3A_1031] {strides = array<i32>} : memref<32768xf32, #tpu.memory_space<vmem>>, vector<16xf32>,
      %get3A_1033 = arith.index_cast %add3A_1028 : i32 to index
      %get3A_1034 = tpu.vector_load %arg8[%get3A_1033] {strides = array<i32>} : memref<32768xf32, #tpu.memory_space<vmem>>, vector<16xf32>,
      %add3A_1035 = arith.addf %get3A_1030, %get3A_1032 : vector<16xf32>
      %mul3A_1036 = arith.mulf %add3A_1035, %get3A_1034 : vector<16xf32>
      %add3A_1037 = arith.addf %add3A_1022, %mul3A_1036 : vector<16xf32>
      %add3A_1038 = arith.constant 13 : i32
      %add3A_1039 = arith.addi %mul3A_161, %add3A_1038 : i32
      %mul3A_1040 = arith.constant 64 : i32
      %mul3A_1041 = arith.muli %add3A_1039, %mul3A_1040 : i32
      %add3A_1042 = arith.constant 48 : i32
      %add3A_1043 = arith.addi %mul3A_1041, %add3A_1042 : i32
      %get3A_1044 = arith.index_cast %add3A_1043 : i32 to index
      %get3A_1045 = tpu.vector_load %arg6[%get3A_1044] {strides = array<i32>} : memref<32768xf32, #tpu.memory_space<vmem>>, vector<16xf32>,
      %get3A_1046 = arith.index_cast %add3A_1043 : i32 to index
      %get3A_1047 = tpu.vector_load %arg7[%get3A_1046] {strides = array<i32>} : memref<32768xf32, #tpu.memory_space<vmem>>, vector<16xf32>,
      %get3A_1048 = arith.index_cast %add3A_1043 : i32 to index
      %get3A_1049 = tpu.vector_load %arg8[%get3A_1048] {strides = array<i32>} : memref<32768xf32, #tpu.memory_space<vmem>>, vector<16xf32>,
      %add3A_1050 = arith.addf %get3A_1045, %get3A_1047 : vector<16xf32>
      %mul3A_1051 = arith.mulf %add3A_1050, %get3A_1049 : vector<16xf32>
      %add3A_1052 = arith.addf %add3A_1037, %mul3A_1051 : vector<16xf32>
      %swap3A_1053 = arith.constant 221 : index
      %swap3A_1054 = tpu.vector_load %arg9[%swap3A_1053] {strides = array<i32>} : memref<272xf32, #tpu.memory_space<vmem>>, vector<16xf32>,
      tpu.vector_store %arg9[%swap3A_1053], %add3A_1052 {strides = array<i32>} : memref<272xf32, #tpu.memory_space<vmem>>, vector<16xf32>,
      %broadcast_in_dim3A_1055 = arith.constant 0.000000e+00 : f32
      %broadcast_in_dim3A_1056 = vector.broadcast %broadcast_in_dim3A_1055 : f32 to vector<16xf32>
      %add3A_1057 = arith.constant 14 : i32
      %add3A_1058 = arith.addi %mul3A_161, %add3A_1057 : i32
      %mul3A_1059 = arith.constant 64 : i32
      %mul3A_1060 = arith.muli %add3A_1058, %mul3A_1059 : i32
      %add3A_1061 = arith.constant 0 : i32
      %add3A_1062 = arith.addi %mul3A_1060, %add3A_1061 : i32
      %get3A_1063 = arith.index_cast %add3A_1062 : i32 to index
      %get3A_1064 = tpu.vector_load %arg6[%get3A_1063] {strides = array<i32>} : memref<32768xf32, #tpu.memory_space<vmem>>, vector<16xf32>,
      %get3A_1065 = arith.index_cast %add3A_1062 : i32 to index
      %get3A_1066 = tpu.vector_load %arg7[%get3A_1065] {strides = array<i32>} : memref<32768xf32, #tpu.memory_space<vmem>>, vector<16xf32>,
      %get3A_1067 = arith.index_cast %add3A_1062 : i32 to index
      %get3A_1068 = tpu.vector_load %arg8[%get3A_1067] {strides = array<i32>} : memref<32768xf32, #tpu.memory_space<vmem>>, vector<16xf32>,
      %add3A_1069 = arith.addf %get3A_1064, %get3A_1066 : vector<16xf32>
      %mul3A_1070 = arith.mulf %add3A_1069, %get3A_1068 : vector<16xf32>
      %add3A_1071 = arith.addf %broadcast_in_dim3A_1056, %mul3A_1070 : vector<16xf32>
      %add3A_1072 = arith.constant 14 : i32
      %add3A_1073 = arith.addi %mul3A_161, %add3A_1072 : i32
      %mul3A_1074 = arith.constant 64 : i32
      %mul3A_1075 = arith.muli %add3A_1073, %mul3A_1074 : i32
      %add3A_1076 = arith.constant 16 : i32
      %add3A_1077 = arith.addi %mul3A_1075, %add3A_1076 : i32
      %get3A_1078 = arith.index_cast %add3A_1077 : i32 to index
      %get3A_1079 = tpu.vector_load %arg6[%get3A_1078] {strides = array<i32>} : memref<32768xf32, #tpu.memory_space<vmem>>, vector<16xf32>,
      %get3A_1080 = arith.index_cast %add3A_1077 : i32 to index
      %get3A_1081 = tpu.vector_load %arg7[%get3A_1080] {strides = array<i32>} : memref<32768xf32, #tpu.memory_space<vmem>>, vector<16xf32>,
      %get3A_1082 = arith.index_cast %add3A_1077 : i32 to index
      %get3A_1083 = tpu.vector_load %arg8[%get3A_1082] {strides = array<i32>} : memref<32768xf32, #tpu.memory_space<vmem>>, vector<16xf32>,
      %add3A_1084 = arith.addf %get3A_1079, %get3A_1081 : vector<16xf32>
      %mul3A_1085 = arith.mulf %add3A_1084, %get3A_1083 : vector<16xf32>
      %add3A_1086 = arith.addf %add3A_1071, %mul3A_1085 : vector<16xf32>
      %add3A_1087 = arith.constant 14 : i32
      %add3A_1088 = arith.addi %mul3A_161, %add3A_1087 : i32
      %mul3A_1089 = arith.constant 64 : i32
      %mul3A_1090 = arith.muli %add3A_1088, %mul3A_1089 : i32
      %add3A_1091 = arith.constant 32 : i32
      %add3A_1092 = arith.addi %mul3A_1090, %add3A_1091 : i32
      %get3A_1093 = arith.index_cast %add3A_1092 : i32 to index
      %get3A_1094 = tpu.vector_load %arg6[%get3A_1093] {strides = array<i32>} : memref<32768xf32, #tpu.memory_space<vmem>>, vector<16xf32>,
      %get3A_1095 = arith.index_cast %add3A_1092 : i32 to index
      %get3A_1096 = tpu.vector_load %arg7[%get3A_1095] {strides = array<i32>} : memref<32768xf32, #tpu.memory_space<vmem>>, vector<16xf32>,
      %get3A_1097 = arith.index_cast %add3A_1092 : i32 to index
      %get3A_1098 = tpu.vector_load %arg8[%get3A_1097] {strides = array<i32>} : memref<32768xf32, #tpu.memory_space<vmem>>, vector<16xf32>,
      %add3A_1099 = arith.addf %get3A_1094, %get3A_1096 : vector<16xf32>
      %mul3A_1100 = arith.mulf %add3A_1099, %get3A_1098 : vector<16xf32>
      %add3A_1101 = arith.addf %add3A_1086, %mul3A_1100 : vector<16xf32>
      %add3A_1102 = arith.constant 14 : i32
      %add3A_1103 = arith.addi %mul3A_161, %add3A_1102 : i32
      %mul3A_1104 = arith.constant 64 : i32
      %mul3A_1105 = arith.muli %add3A_1103, %mul3A_1104 : i32
      %add3A_1106 = arith.constant 48 : i32
      %add3A_1107 = arith.addi %mul3A_1105, %add3A_1106 : i32
      %get3A_1108 = arith.index_cast %add3A_1107 : i32 to index
      %get3A_1109 = tpu.vector_load %arg6[%get3A_1108] {strides = array<i32>} : memref<32768xf32, #tpu.memory_space<vmem>>, vector<16xf32>,
      %get3A_1110 = arith.index_cast %add3A_1107 : i32 to index
      %get3A_1111 = tpu.vector_load %arg7[%get3A_1110] {strides = array<i32>} : memref<32768xf32, #tpu.memory_space<vmem>>, vector<16xf32>,
      %get3A_1112 = arith.index_cast %add3A_1107 : i32 to index
      %get3A_1113 = tpu.vector_load %arg8[%get3A_1112] {strides = array<i32>} : memref<32768xf32, #tpu.memory_space<vmem>>, vector<16xf32>,
      %add3A_1114 = arith.addf %get3A_1109, %get3A_1111 : vector<16xf32>
      %mul3A_1115 = arith.mulf %add3A_1114, %get3A_1113 : vector<16xf32>
      %add3A_1116 = arith.addf %add3A_1101, %mul3A_1115 : vector<16xf32>
      %swap3A_1117 = arith.constant 238 : index
      %swap3A_1118 = tpu.vector_load %arg9[%swap3A_1117] {strides = array<i32>} : memref<272xf32, #tpu.memory_space<vmem>>, vector<16xf32>,
      tpu.vector_store %arg9[%swap3A_1117], %add3A_1116 {strides = array<i32>} : memref<272xf32, #tpu.memory_space<vmem>>, vector<16xf32>,
      %broadcast_in_dim3A_1119 = arith.constant 0.000000e+00 : f32
      %broadcast_in_dim3A_1120 = vector.broadcast %broadcast_in_dim3A_1119 : f32 to vector<16xf32>
      %add3A_1121 = arith.constant 15 : i32
      %add3A_1122 = arith.addi %mul3A_161, %add3A_1121 : i32
      %mul3A_1123 = arith.constant 64 : i32
      %mul3A_1124 = arith.muli %add3A_1122, %mul3A_1123 : i32
      %add3A_1125 = arith.constant 0 : i32
      %add3A_1126 = arith.addi %mul3A_1124, %add3A_1125 : i32
      %get3A_1127 = arith.index_cast %add3A_1126 : i32 to index
      %get3A_1128 = tpu.vector_load %arg6[%get3A_1127] {strides = array<i32>} : memref<32768xf32, #tpu.memory_space<vmem>>, vector<16xf32>,
      %get3A_1129 = arith.index_cast %add3A_1126 : i32 to index
      %get3A_1130 = tpu.vector_load %arg7[%get3A_1129] {strides = array<i32>} : memref<32768xf32, #tpu.memory_space<vmem>>, vector<16xf32>,
      %get3A_1131 = arith.index_cast %add3A_1126 : i32 to index
      %get3A_1132 = tpu.vector_load %arg8[%get3A_1131] {strides = array<i32>} : memref<32768xf32, #tpu.memory_space<vmem>>, vector<16xf32>,
      %add3A_1133 = arith.addf %get3A_1128, %get3A_1130 : vector<16xf32>
      %mul3A_1134 = arith.mulf %add3A_1133, %get3A_1132 : vector<16xf32>
      %add3A_1135 = arith.addf %broadcast_in_dim3A_1120, %mul3A_1134 : vector<16xf32>
      %add3A_1136 = arith.constant 15 : i32
      %add3A_1137 = arith.addi %mul3A_161, %add3A_1136 : i32
      %mul3A_1138 = arith.constant 64 : i32
      %mul3A_1139 = arith.muli %add3A_1137, %mul3A_1138 : i32
      %add3A_1140 = arith.constant 16 : i32
      %add3A_1141 = arith.addi %mul3A_1139, %add3A_1140 : i32
      %get3A_1142 = arith.index_cast %add3A_1141 : i32 to index
      %get3A_1143 = tpu.vector_load %arg6[%get3A_1142] {strides = array<i32>} : memref<32768xf32, #tpu.memory_space<vmem>>, vector<16xf32>,
      %get3A_1144 = arith.index_cast %add3A_1141 : i32 to index
      %get3A_1145 = tpu.vector_load %arg7[%get3A_1144] {strides = array<i32>} : memref<32768xf32, #tpu.memory_space<vmem>>, vector<16xf32>,
      %get3A_1146 = arith.index_cast %add3A_1141 : i32 to index
      %get3A_1147 = tpu.vector_load %arg8[%get3A_1146] {strides = array<i32>} : memref<32768xf32, #tpu.memory_space<vmem>>, vector<16xf32>,
      %add3A_1148 = arith.addf %get3A_1143, %get3A_1145 : vector<16xf32>
      %mul3A_1149 = arith.mulf %add3A_1148, %get3A_1147 : vector<16xf32>
      %add3A_1150 = arith.addf %add3A_1135, %mul3A_1149 : vector<16xf32>
      %add3A_1151 = arith.constant 15 : i32
      %add3A_1152 = arith.addi %mul3A_161, %add3A_1151 : i32
      %mul3A_1153 = arith.constant 64 : i32
      %mul3A_1154 = arith.muli %add3A_1152, %mul3A_1153 : i32
      %add3A_1155 = arith.constant 32 : i32
      %add3A_1156 = arith.addi %mul3A_1154, %add3A_1155 : i32
      %get3A_1157 = arith.index_cast %add3A_1156 : i32 to index
      %get3A_1158 = tpu.vector_load %arg6[%get3A_1157] {strides = array<i32>} : memref<32768xf32, #tpu.memory_space<vmem>>, vector<16xf32>,
      %get3A_1159 = arith.index_cast %add3A_1156 : i32 to index
      %get3A_1160 = tpu.vector_load %arg7[%get3A_1159] {strides = array<i32>} : memref<32768xf32, #tpu.memory_space<vmem>>, vector<16xf32>,
      %get3A_1161 = arith.index_cast %add3A_1156 : i32 to index
      %get3A_1162 = tpu.vector_load %arg8[%get3A_1161] {strides = array<i32>} : memref<32768xf32, #tpu.memory_space<vmem>>, vector<16xf32>,
      %add3A_1163 = arith.addf %get3A_1158, %get3A_1160 : vector<16xf32>
      %mul3A_1164 = arith.mulf %add3A_1163, %get3A_1162 : vector<16xf32>
      %add3A_1165 = arith.addf %add3A_1150, %mul3A_1164 : vector<16xf32>
      %add3A_1166 = arith.constant 15 : i32
      %add3A_1167 = arith.addi %mul3A_161, %add3A_1166 : i32
      %mul3A_1168 = arith.constant 64 : i32
      %mul3A_1169 = arith.muli %add3A_1167, %mul3A_1168 : i32
      %add3A_1170 = arith.constant 48 : i32
      %add3A_1171 = arith.addi %mul3A_1169, %add3A_1170 : i32
      %get3A_1172 = arith.index_cast %add3A_1171 : i32 to index
      %get3A_1173 = tpu.vector_load %arg6[%get3A_1172] {strides = array<i32>} : memref<32768xf32, #tpu.memory_space<vmem>>, vector<16xf32>,
      %get3A_1174 = arith.index_cast %add3A_1171 : i32 to index
      %get3A_1175 = tpu.vector_load %arg7[%get3A_1174] {strides = array<i32>} : memref<32768xf32, #tpu.memory_space<vmem>>, vector<16xf32>,
      %get3A_1176 = arith.index_cast %add3A_1171 : i32 to index
      %get3A_1177 = tpu.vector_load %arg8[%get3A_1176] {strides = array<i32>} : memref<32768xf32, #tpu.memory_space<vmem>>, vector<16xf32>,
      %add3A_1178 = arith.addf %get3A_1173, %get3A_1175 : vector<16xf32>
      %mul3A_1179 = arith.mulf %add3A_1178, %get3A_1177 : vector<16xf32>
      %add3A_1180 = arith.addf %add3A_1165, %mul3A_1179 : vector<16xf32>
      %swap3A_1181 = arith.constant 255 : index
      %swap3A_1182 = tpu.vector_load %arg9[%swap3A_1181] {strides = array<i32>} : memref<272xf32, #tpu.memory_space<vmem>>, vector<16xf32>,
      tpu.vector_store %arg9[%swap3A_1181], %add3A_1180 {strides = array<i32>} : memref<272xf32, #tpu.memory_space<vmem>>, vector<16xf32>,
      %broadcast_in_dim3A_1183 = arith.constant 0.000000e+00 : f32
      %broadcast_in_dim3A_1184 = vector.broadcast %broadcast_in_dim3A_1183 : f32 to vector<16xf32>
      %add3A_1185 = arith.constant 0 : i32
      %add3A_1186 = vector.broadcast %add3A_1185 : i32 to vector<16xi32>
      %add3A_1187 = arith.addi %mul3A_7, %add3A_1186 : vector<16xi32>
      %gather3A = tpu.vector_load_idx %arg9[%add3A_1187] : memref<272xf32, #tpu.memory_space<vmem>>[vector<16xi32>], vector<16xf32>,
      %add3A_1188 = arith.addf %broadcast_in_dim3A_1184, %gather3A : vector<16xf32>
      %add3A_1189 = arith.constant 1 : i32
      %add3A_1190 = vector.broadcast %add3A_1189 : i32 to vector<16xi32>
      %add3A_1191 = arith.addi %mul3A_7, %add3A_1190 : vector<16xi32>
      %gather3A_1192 = tpu.vector_load_idx %arg9[%add3A_1191] : memref<272xf32, #tpu.memory_space<vmem>>[vector<16xi32>], vector<16xf32>,
      %add3A_1193 = arith.addf %add3A_1188, %gather3A_1192 : vector<16xf32>
      %add3A_1194 = arith.constant 2 : i32
      %add3A_1195 = vector.broadcast %add3A_1194 : i32 to vector<16xi32>
      %add3A_1196 = arith.addi %mul3A_7, %add3A_1195 : vector<16xi32>
      %gather3A_1197 = tpu.vector_load_idx %arg9[%add3A_1196] : memref<272xf32, #tpu.memory_space<vmem>>[vector<16xi32>], vector<16xf32>,
      %add3A_1198 = arith.addf %add3A_1193, %gather3A_1197 : vector<16xf32>
      %add3A_1199 = arith.constant 3 : i32
      %add3A_1200 = vector.broadcast %add3A_1199 : i32 to vector<16xi32>
      %add3A_1201 = arith.addi %mul3A_7, %add3A_1200 : vector<16xi32>
      %gather3A_1202 = tpu.vector_load_idx %arg9[%add3A_1201] : memref<272xf32, #tpu.memory_space<vmem>>[vector<16xi32>], vector<16xf32>,
      %add3A_1203 = arith.addf %add3A_1198, %gather3A_1202 : vector<16xf32>
      %add3A_1204 = arith.constant 4 : i32
      %add3A_1205 = vector.broadcast %add3A_1204 : i32 to vector<16xi32>
      %add3A_1206 = arith.addi %mul3A_7, %add3A_1205 : vector<16xi32>
      %gather3A_1207 = tpu.vector_load_idx %arg9[%add3A_1206] : memref<272xf32, #tpu.memory_space<vmem>>[vector<16xi32>], vector<16xf32>,
      %add3A_1208 = arith.addf %add3A_1203, %gather3A_1207 : vector<16xf32>
      %add3A_1209 = arith.constant 5 : i32
      %add3A_1210 = vector.broadcast %add3A_1209 : i32 to vector<16xi32>
      %add3A_1211 = arith.addi %mul3A_7, %add3A_1210 : vector<16xi32>
      %gather3A_1212 = tpu.vector_load_idx %arg9[%add3A_1211] : memref<272xf32, #tpu.memory_space<vmem>>[vector<16xi32>], vector<16xf32>,
      %add3A_1213 = arith.addf %add3A_1208, %gather3A_1212 : vector<16xf32>
      %add3A_1214 = arith.constant 6 : i32
      %add3A_1215 = vector.broadcast %add3A_1214 : i32 to vector<16xi32>
      %add3A_1216 = arith.addi %mul3A_7, %add3A_1215 : vector<16xi32>
      %gather3A_1217 = tpu.vector_load_idx %arg9[%add3A_1216] : memref<272xf32, #tpu.memory_space<vmem>>[vector<16xi32>], vector<16xf32>,
      %add3A_1218 = arith.addf %add3A_1213, %gather3A_1217 : vector<16xf32>
      %add3A_1219 = arith.constant 7 : i32
      %add3A_1220 = vector.broadcast %add3A_1219 : i32 to vector<16xi32>
      %add3A_1221 = arith.addi %mul3A_7, %add3A_1220 : vector<16xi32>
      %gather3A_1222 = tpu.vector_load_idx %arg9[%add3A_1221] : memref<272xf32, #tpu.memory_space<vmem>>[vector<16xi32>], vector<16xf32>,
      %add3A_1223 = arith.addf %add3A_1218, %gather3A_1222 : vector<16xf32>
      %add3A_1224 = arith.constant 8 : i32
      %add3A_1225 = vector.broadcast %add3A_1224 : i32 to vector<16xi32>
      %add3A_1226 = arith.addi %mul3A_7, %add3A_1225 : vector<16xi32>
      %gather3A_1227 = tpu.vector_load_idx %arg9[%add3A_1226] : memref<272xf32, #tpu.memory_space<vmem>>[vector<16xi32>], vector<16xf32>,
      %add3A_1228 = arith.addf %add3A_1223, %gather3A_1227 : vector<16xf32>
      %add3A_1229 = arith.constant 9 : i32
      %add3A_1230 = vector.broadcast %add3A_1229 : i32 to vector<16xi32>
      %add3A_1231 = arith.addi %mul3A_7, %add3A_1230 : vector<16xi32>
      %gather3A_1232 = tpu.vector_load_idx %arg9[%add3A_1231] : memref<272xf32, #tpu.memory_space<vmem>>[vector<16xi32>], vector<16xf32>,
      %add3A_1233 = arith.addf %add3A_1228, %gather3A_1232 : vector<16xf32>
      %add3A_1234 = arith.constant 10 : i32
      %add3A_1235 = vector.broadcast %add3A_1234 : i32 to vector<16xi32>
      %add3A_1236 = arith.addi %mul3A_7, %add3A_1235 : vector<16xi32>
      %gather3A_1237 = tpu.vector_load_idx %arg9[%add3A_1236] : memref<272xf32, #tpu.memory_space<vmem>>[vector<16xi32>], vector<16xf32>,
      %add3A_1238 = arith.addf %add3A_1233, %gather3A_1237 : vector<16xf32>
      %add3A_1239 = arith.constant 11 : i32
      %add3A_1240 = vector.broadcast %add3A_1239 : i32 to vector<16xi32>
      %add3A_1241 = arith.addi %mul3A_7, %add3A_1240 : vector<16xi32>
      %gather3A_1242 = tpu.vector_load_idx %arg9[%add3A_1241] : memref<272xf32, #tpu.memory_space<vmem>>[vector<16xi32>], vector<16xf32>,
      %add3A_1243 = arith.addf %add3A_1238, %gather3A_1242 : vector<16xf32>
      %add3A_1244 = arith.constant 12 : i32
      %add3A_1245 = vector.broadcast %add3A_1244 : i32 to vector<16xi32>
      %add3A_1246 = arith.addi %mul3A_7, %add3A_1245 : vector<16xi32>
      %gather3A_1247 = tpu.vector_load_idx %arg9[%add3A_1246] : memref<272xf32, #tpu.memory_space<vmem>>[vector<16xi32>], vector<16xf32>,
      %add3A_1248 = arith.addf %add3A_1243, %gather3A_1247 : vector<16xf32>
      %add3A_1249 = arith.constant 13 : i32
      %add3A_1250 = vector.broadcast %add3A_1249 : i32 to vector<16xi32>
      %add3A_1251 = arith.addi %mul3A_7, %add3A_1250 : vector<16xi32>
      %gather3A_1252 = tpu.vector_load_idx %arg9[%add3A_1251] : memref<272xf32, #tpu.memory_space<vmem>>[vector<16xi32>], vector<16xf32>,
      %add3A_1253 = arith.addf %add3A_1248, %gather3A_1252 : vector<16xf32>
      %add3A_1254 = arith.constant 14 : i32
      %add3A_1255 = vector.broadcast %add3A_1254 : i32 to vector<16xi32>
      %add3A_1256 = arith.addi %mul3A_7, %add3A_1255 : vector<16xi32>
      %gather3A_1257 = tpu.vector_load_idx %arg9[%add3A_1256] : memref<272xf32, #tpu.memory_space<vmem>>[vector<16xi32>], vector<16xf32>,
      %add3A_1258 = arith.addf %add3A_1253, %gather3A_1257 : vector<16xf32>
      %add3A_1259 = arith.constant 15 : i32
      %add3A_1260 = vector.broadcast %add3A_1259 : i32 to vector<16xi32>
      %add3A_1261 = arith.addi %mul3A_7, %add3A_1260 : vector<16xi32>
      %gather3A_1262 = tpu.vector_load_idx %arg9[%add3A_1261] : memref<272xf32, #tpu.memory_space<vmem>>[vector<16xi32>], vector<16xf32>,
      %add3A_1263 = arith.addf %add3A_1258, %gather3A_1262 : vector<16xf32>
      %mul3A_1264 = arith.constant 5.000000e-01 : f32
      %mul3A_1265 = vector.broadcast %mul3A_1264 : f32 to vector<16xf32>
      %mul3A_1266 = arith.mulf %add3A_1263, %mul3A_1265 : vector<16xf32>
      %swap3A_1267 = arith.index_cast %mul3A_161 : i32 to index
      %swap3A_1268 = tpu.vector_load %arg10[%swap3A_1267] {strides = array<i32>} : memref<512xf32, #tpu.memory_space<vmem>>, vector<16xf32>,
      tpu.vector_store %arg10[%swap3A_1267], %mul3A_1266 {strides = array<i32>} : memref<512xf32, #tpu.memory_space<vmem>>, vector<16xf32>,
      %scan3A_1269 = arith.constant 0 : i32
      scf.yield %scan3A_1269 : i32
    }
    %scan3A_126 = arith.constant 8 : i32
    %dma_wait3A_127 = arith.constant 24576 : i32
    %dma_wait3A_128 = tpu.memref_slice %arg6[%dma_wait3A_127] : memref<32768xf32, #tpu.memory_space<vmem>> -> memref<8192xf32, #tpu.memory_space<vmem>>
    %dma_wait3A_129 = arith.constant 0 : i32
    %dma_wait3A_130 = tpu.memref_slice %arg3[%dma_wait3A_129] : memref<12800000xf32, #tpu.memory_space<hbm>> -> memref<8192xf32, #tpu.memory_space<hbm>>
    %dma_wait3A_131 = arith.constant 24576 : i32
    %dma_wait3A_132 = tpu.memref_slice %arg6[%dma_wait3A_131] : memref<32768xf32, #tpu.memory_space<vmem>> -> memref<8192xf32, #tpu.memory_space<vmem>>
    %dma_wait3A_133 = arith.constant 0 : i32
    %dma_wait3A_134 = tpu.memref_slice %arg3[%dma_wait3A_133] : memref<12800000xf32, #tpu.memory_space<hbm>> -> memref<8192xf32, #tpu.memory_space<hbm>>
    tpu.wait_dma2 semaphore(%arg11 : memref<!tpu.dma_semaphore, #tpu.memory_space<semaphore_mem>>) src(%dma_wait3A_134 : memref<8192xf32, #tpu.memory_space<hbm>>) dst(%dma_wait3A_132 : memref<8192xf32, #tpu.memory_space<vmem>>)
    %dma_wait3A_135 = arith.constant 24576 : i32
    %dma_wait3A_136 = tpu.memref_slice %arg7[%dma_wait3A_135] : memref<32768xf32, #tpu.memory_space<vmem>> -> memref<8192xf32, #tpu.memory_space<vmem>>
    %dma_wait3A_137 = arith.constant 0 : i32
    %dma_wait3A_138 = tpu.memref_slice %arg3[%dma_wait3A_137] : memref<12800000xf32, #tpu.memory_space<hbm>> -> memref<8192xf32, #tpu.memory_space<hbm>>
    %dma_wait3A_139 = arith.constant 24576 : i32
    %dma_wait3A_140 = tpu.memref_slice %arg7[%dma_wait3A_139] : memref<32768xf32, #tpu.memory_space<vmem>> -> memref<8192xf32, #tpu.memory_space<vmem>>
    %dma_wait3A_141 = arith.constant 0 : i32
    %dma_wait3A_142 = tpu.memref_slice %arg3[%dma_wait3A_141] : memref<12800000xf32, #tpu.memory_space<hbm>> -> memref<8192xf32, #tpu.memory_space<hbm>>
    tpu.wait_dma2 semaphore(%arg11 : memref<!tpu.dma_semaphore, #tpu.memory_space<semaphore_mem>>) src(%dma_wait3A_142 : memref<8192xf32, #tpu.memory_space<hbm>>) dst(%dma_wait3A_140 : memref<8192xf32, #tpu.memory_space<vmem>>)
    %dma_wait3A_143 = arith.constant 24576 : i32
    %dma_wait3A_144 = tpu.memref_slice %arg8[%dma_wait3A_143] : memref<32768xf32, #tpu.memory_space<vmem>> -> memref<8192xf32, #tpu.memory_space<vmem>>
    %dma_wait3A_145 = arith.constant 0 : i32
    %dma_wait3A_146 = tpu.memref_slice %arg3[%dma_wait3A_145] : memref<12800000xf32, #tpu.memory_space<hbm>> -> memref<8192xf32, #tpu.memory_space<hbm>>
    %dma_wait3A_147 = arith.constant 24576 : i32
    %dma_wait3A_148 = tpu.memref_slice %arg8[%dma_wait3A_147] : memref<32768xf32, #tpu.memory_space<vmem>> -> memref<8192xf32, #tpu.memory_space<vmem>>
    %dma_wait3A_149 = arith.constant 0 : i32
    %dma_wait3A_150 = tpu.memref_slice %arg3[%dma_wait3A_149] : memref<12800000xf32, #tpu.memory_space<hbm>> -> memref<8192xf32, #tpu.memory_space<hbm>>
    tpu.wait_dma2 semaphore(%arg11 : memref<!tpu.dma_semaphore, #tpu.memory_space<semaphore_mem>>) src(%dma_wait3A_150 : memref<8192xf32, #tpu.memory_space<hbm>>) dst(%dma_wait3A_148 : memref<8192xf32, #tpu.memory_space<vmem>>)
    %scan3A_151 = arith.constant 0 : i32
    %scan3A_152 = arith.constant 24 : i32
    %scan3A_153 = arith.constant 8 : i32
    %scan3A_154 = arith.addi %scan3A_152, %scan3A_153 : i32
    %scan3A_155 = arith.constant 1 : i32
    %scan3A_156 = scf.for %scan3A_158 = %scan3A_152 to %scan3A_154 step %scan3A_155 iter_args(%scan3A_159 = %scan3A_151) -> (i32)  : i32 {
      %mul3A_160 = arith.constant 16 : i32
      %mul3A_161 = arith.muli %scan3A_158, %mul3A_160 : i32
      %broadcast_in_dim3A = arith.constant 0.000000e+00 : f32
      %broadcast_in_dim3A_162 = vector.broadcast %broadcast_in_dim3A : f32 to vector<16xf32>
      %add3A_163 = arith.constant 0 : i32
      %add3A_164 = arith.addi %mul3A_161, %add3A_163 : i32
      %mul3A_165 = arith.constant 64 : i32
      %mul3A_166 = arith.muli %add3A_164, %mul3A_165 : i32
      %add3A_167 = arith.constant 0 : i32
      %add3A_168 = arith.addi %mul3A_166, %add3A_167 : i32
      %get3A = arith.index_cast %add3A_168 : i32 to index
      %get3A_169 = tpu.vector_load %arg6[%get3A] {strides = array<i32>} : memref<32768xf32, #tpu.memory_space<vmem>>, vector<16xf32>,
      %get3A_170 = arith.index_cast %add3A_168 : i32 to index
      %get3A_171 = tpu.vector_load %arg7[%get3A_170] {strides = array<i32>} : memref<32768xf32, #tpu.memory_space<vmem>>, vector<16xf32>,
      %get3A_172 = arith.index_cast %add3A_168 : i32 to index
      %get3A_173 = tpu.vector_load %arg8[%get3A_172] {strides = array<i32>} : memref<32768xf32, #tpu.memory_space<vmem>>, vector<16xf32>,
      %add3A_174 = arith.addf %get3A_169, %get3A_171 : vector<16xf32>
      %mul3A_175 = arith.mulf %add3A_174, %get3A_173 : vector<16xf32>
      %add3A_176 = arith.addf %broadcast_in_dim3A_162, %mul3A_175 : vector<16xf32>
      %add3A_177 = arith.constant 0 : i32
      %add3A_178 = arith.addi %mul3A_161, %add3A_177 : i32
      %mul3A_179 = arith.constant 64 : i32
      %mul3A_180 = arith.muli %add3A_178, %mul3A_179 : i32
      %add3A_181 = arith.constant 16 : i32
      %add3A_182 = arith.addi %mul3A_180, %add3A_181 : i32
      %get3A_183 = arith.index_cast %add3A_182 : i32 to index
      %get3A_184 = tpu.vector_load %arg6[%get3A_183] {strides = array<i32>} : memref<32768xf32, #tpu.memory_space<vmem>>, vector<16xf32>,
      %get3A_185 = arith.index_cast %add3A_182 : i32 to index
      %get3A_186 = tpu.vector_load %arg7[%get3A_185] {strides = array<i32>} : memref<32768xf32, #tpu.memory_space<vmem>>, vector<16xf32>,
      %get3A_187 = arith.index_cast %add3A_182 : i32 to index
      %get3A_188 = tpu.vector_load %arg8[%get3A_187] {strides = array<i32>} : memref<32768xf32, #tpu.memory_space<vmem>>, vector<16xf32>,
      %add3A_189 = arith.addf %get3A_184, %get3A_186 : vector<16xf32>
      %mul3A_190 = arith.mulf %add3A_189, %get3A_188 : vector<16xf32>
      %add3A_191 = arith.addf %add3A_176, %mul3A_190 : vector<16xf32>
      %add3A_192 = arith.constant 0 : i32
      %add3A_193 = arith.addi %mul3A_161, %add3A_192 : i32
      %mul3A_194 = arith.constant 64 : i32
      %mul3A_195 = arith.muli %add3A_193, %mul3A_194 : i32
      %add3A_196 = arith.constant 32 : i32
      %add3A_197 = arith.addi %mul3A_195, %add3A_196 : i32
      %get3A_198 = arith.index_cast %add3A_197 : i32 to index
      %get3A_199 = tpu.vector_load %arg6[%get3A_198] {strides = array<i32>} : memref<32768xf32, #tpu.memory_space<vmem>>, vector<16xf32>,
      %get3A_200 = arith.index_cast %add3A_197 : i32 to index
      %get3A_201 = tpu.vector_load %arg7[%get3A_200] {strides = array<i32>} : memref<32768xf32, #tpu.memory_space<vmem>>, vector<16xf32>,
      %get3A_202 = arith.index_cast %add3A_197 : i32 to index
      %get3A_203 = tpu.vector_load %arg8[%get3A_202] {strides = array<i32>} : memref<32768xf32, #tpu.memory_space<vmem>>, vector<16xf32>,
      %add3A_204 = arith.addf %get3A_199, %get3A_201 : vector<16xf32>
      %mul3A_205 = arith.mulf %add3A_204, %get3A_203 : vector<16xf32>
      %add3A_206 = arith.addf %add3A_191, %mul3A_205 : vector<16xf32>
      %add3A_207 = arith.constant 0 : i32
      %add3A_208 = arith.addi %mul3A_161, %add3A_207 : i32
      %mul3A_209 = arith.constant 64 : i32
      %mul3A_210 = arith.muli %add3A_208, %mul3A_209 : i32
      %add3A_211 = arith.constant 48 : i32
      %add3A_212 = arith.addi %mul3A_210, %add3A_211 : i32
      %get3A_213 = arith.index_cast %add3A_212 : i32 to index
      %get3A_214 = tpu.vector_load %arg6[%get3A_213] {strides = array<i32>} : memref<32768xf32, #tpu.memory_space<vmem>>, vector<16xf32>,
      %get3A_215 = arith.index_cast %add3A_212 : i32 to index
      %get3A_216 = tpu.vector_load %arg7[%get3A_215] {strides = array<i32>} : memref<32768xf32, #tpu.memory_space<vmem>>, vector<16xf32>,
      %get3A_217 = arith.index_cast %add3A_212 : i32 to index
      %get3A_218 = tpu.vector_load %arg8[%get3A_217] {strides = array<i32>} : memref<32768xf32, #tpu.memory_space<vmem>>, vector<16xf32>,
      %add3A_219 = arith.addf %get3A_214, %get3A_216 : vector<16xf32>
      %mul3A_220 = arith.mulf %add3A_219, %get3A_218 : vector<16xf32>
      %add3A_221 = arith.addf %add3A_206, %mul3A_220 : vector<16xf32>
      %swap3A = arith.constant 0 : index
      %swap3A_222 = tpu.vector_load %arg9[%swap3A] {strides = array<i32>} : memref<272xf32, #tpu.memory_space<vmem>>, vector<16xf32>,
      tpu.vector_store %arg9[%swap3A], %add3A_221 {strides = array<i32>} : memref<272xf32, #tpu.memory_space<vmem>>, vector<16xf32>,
      %broadcast_in_dim3A_223 = arith.constant 0.000000e+00 : f32
      %broadcast_in_dim3A_224 = vector.broadcast %broadcast_in_dim3A_223 : f32 to vector<16xf32>
      %add3A_225 = arith.constant 1 : i32
      %add3A_226 = arith.addi %mul3A_161, %add3A_225 : i32
      %mul3A_227 = arith.constant 64 : i32
      %mul3A_228 = arith.muli %add3A_226, %mul3A_227 : i32
      %add3A_229 = arith.constant 0 : i32
      %add3A_230 = arith.addi %mul3A_228, %add3A_229 : i32
      %get3A_231 = arith.index_cast %add3A_230 : i32 to index
      %get3A_232 = tpu.vector_load %arg6[%get3A_231] {strides = array<i32>} : memref<32768xf32, #tpu.memory_space<vmem>>, vector<16xf32>,
      %get3A_233 = arith.index_cast %add3A_230 : i32 to index
      %get3A_234 = tpu.vector_load %arg7[%get3A_233] {strides = array<i32>} : memref<32768xf32, #tpu.memory_space<vmem>>, vector<16xf32>,
      %get3A_235 = arith.index_cast %add3A_230 : i32 to index
      %get3A_236 = tpu.vector_load %arg8[%get3A_235] {strides = array<i32>} : memref<32768xf32, #tpu.memory_space<vmem>>, vector<16xf32>,
      %add3A_237 = arith.addf %get3A_232, %get3A_234 : vector<16xf32>
      %mul3A_238 = arith.mulf %add3A_237, %get3A_236 : vector<16xf32>
      %add3A_239 = arith.addf %broadcast_in_dim3A_224, %mul3A_238 : vector<16xf32>
      %add3A_240 = arith.constant 1 : i32
      %add3A_241 = arith.addi %mul3A_161, %add3A_240 : i32
      %mul3A_242 = arith.constant 64 : i32
      %mul3A_243 = arith.muli %add3A_241, %mul3A_242 : i32
      %add3A_244 = arith.constant 16 : i32
      %add3A_245 = arith.addi %mul3A_243, %add3A_244 : i32
      %get3A_246 = arith.index_cast %add3A_245 : i32 to index
      %get3A_247 = tpu.vector_load %arg6[%get3A_246] {strides = array<i32>} : memref<32768xf32, #tpu.memory_space<vmem>>, vector<16xf32>,
      %get3A_248 = arith.index_cast %add3A_245 : i32 to index
      %get3A_249 = tpu.vector_load %arg7[%get3A_248] {strides = array<i32>} : memref<32768xf32, #tpu.memory_space<vmem>>, vector<16xf32>,
      %get3A_250 = arith.index_cast %add3A_245 : i32 to index
      %get3A_251 = tpu.vector_load %arg8[%get3A_250] {strides = array<i32>} : memref<32768xf32, #tpu.memory_space<vmem>>, vector<16xf32>,
      %add3A_252 = arith.addf %get3A_247, %get3A_249 : vector<16xf32>
      %mul3A_253 = arith.mulf %add3A_252, %get3A_251 : vector<16xf32>
      %add3A_254 = arith.addf %add3A_239, %mul3A_253 : vector<16xf32>
      %add3A_255 = arith.constant 1 : i32
      %add3A_256 = arith.addi %mul3A_161, %add3A_255 : i32
      %mul3A_257 = arith.constant 64 : i32
      %mul3A_258 = arith.muli %add3A_256, %mul3A_257 : i32
      %add3A_259 = arith.constant 32 : i32
      %add3A_260 = arith.addi %mul3A_258, %add3A_259 : i32
      %get3A_261 = arith.index_cast %add3A_260 : i32 to index
      %get3A_262 = tpu.vector_load %arg6[%get3A_261] {strides = array<i32>} : memref<32768xf32, #tpu.memory_space<vmem>>, vector<16xf32>,
      %get3A_263 = arith.index_cast %add3A_260 : i32 to index
      %get3A_264 = tpu.vector_load %arg7[%get3A_263] {strides = array<i32>} : memref<32768xf32, #tpu.memory_space<vmem>>, vector<16xf32>,
      %get3A_265 = arith.index_cast %add3A_260 : i32 to index
      %get3A_266 = tpu.vector_load %arg8[%get3A_265] {strides = array<i32>} : memref<32768xf32, #tpu.memory_space<vmem>>, vector<16xf32>,
      %add3A_267 = arith.addf %get3A_262, %get3A_264 : vector<16xf32>
      %mul3A_268 = arith.mulf %add3A_267, %get3A_266 : vector<16xf32>
      %add3A_269 = arith.addf %add3A_254, %mul3A_268 : vector<16xf32>
      %add3A_270 = arith.constant 1 : i32
      %add3A_271 = arith.addi %mul3A_161, %add3A_270 : i32
      %mul3A_272 = arith.constant 64 : i32
      %mul3A_273 = arith.muli %add3A_271, %mul3A_272 : i32
      %add3A_274 = arith.constant 48 : i32
      %add3A_275 = arith.addi %mul3A_273, %add3A_274 : i32
      %get3A_276 = arith.index_cast %add3A_275 : i32 to index
      %get3A_277 = tpu.vector_load %arg6[%get3A_276] {strides = array<i32>} : memref<32768xf32, #tpu.memory_space<vmem>>, vector<16xf32>,
      %get3A_278 = arith.index_cast %add3A_275 : i32 to index
      %get3A_279 = tpu.vector_load %arg7[%get3A_278] {strides = array<i32>} : memref<32768xf32, #tpu.memory_space<vmem>>, vector<16xf32>,
      %get3A_280 = arith.index_cast %add3A_275 : i32 to index
      %get3A_281 = tpu.vector_load %arg8[%get3A_280] {strides = array<i32>} : memref<32768xf32, #tpu.memory_space<vmem>>, vector<16xf32>,
      %add3A_282 = arith.addf %get3A_277, %get3A_279 : vector<16xf32>
      %mul3A_283 = arith.mulf %add3A_282, %get3A_281 : vector<16xf32>
      %add3A_284 = arith.addf %add3A_269, %mul3A_283 : vector<16xf32>
      %swap3A_285 = arith.constant 17 : index
      %swap3A_286 = tpu.vector_load %arg9[%swap3A_285] {strides = array<i32>} : memref<272xf32, #tpu.memory_space<vmem>>, vector<16xf32>,
      tpu.vector_store %arg9[%swap3A_285], %add3A_284 {strides = array<i32>} : memref<272xf32, #tpu.memory_space<vmem>>, vector<16xf32>,
      %broadcast_in_dim3A_287 = arith.constant 0.000000e+00 : f32
      %broadcast_in_dim3A_288 = vector.broadcast %broadcast_in_dim3A_287 : f32 to vector<16xf32>
      %add3A_289 = arith.constant 2 : i32
      %add3A_290 = arith.addi %mul3A_161, %add3A_289 : i32
      %mul3A_291 = arith.constant 64 : i32
      %mul3A_292 = arith.muli %add3A_290, %mul3A_291 : i32
      %add3A_293 = arith.constant 0 : i32
      %add3A_294 = arith.addi %mul3A_292, %add3A_293 : i32
      %get3A_295 = arith.index_cast %add3A_294 : i32 to index
      %get3A_296 = tpu.vector_load %arg6[%get3A_295] {strides = array<i32>} : memref<32768xf32, #tpu.memory_space<vmem>>, vector<16xf32>,
      %get3A_297 = arith.index_cast %add3A_294 : i32 to index
      %get3A_298 = tpu.vector_load %arg7[%get3A_297] {strides = array<i32>} : memref<32768xf32, #tpu.memory_space<vmem>>, vector<16xf32>,
      %get3A_299 = arith.index_cast %add3A_294 : i32 to index
      %get3A_300 = tpu.vector_load %arg8[%get3A_299] {strides = array<i32>} : memref<32768xf32, #tpu.memory_space<vmem>>, vector<16xf32>,
      %add3A_301 = arith.addf %get3A_296, %get3A_298 : vector<16xf32>
      %mul3A_302 = arith.mulf %add3A_301, %get3A_300 : vector<16xf32>
      %add3A_303 = arith.addf %broadcast_in_dim3A_288, %mul3A_302 : vector<16xf32>
      %add3A_304 = arith.constant 2 : i32
      %add3A_305 = arith.addi %mul3A_161, %add3A_304 : i32
      %mul3A_306 = arith.constant 64 : i32
      %mul3A_307 = arith.muli %add3A_305, %mul3A_306 : i32
      %add3A_308 = arith.constant 16 : i32
      %add3A_309 = arith.addi %mul3A_307, %add3A_308 : i32
      %get3A_310 = arith.index_cast %add3A_309 : i32 to index
      %get3A_311 = tpu.vector_load %arg6[%get3A_310] {strides = array<i32>} : memref<32768xf32, #tpu.memory_space<vmem>>, vector<16xf32>,
      %get3A_312 = arith.index_cast %add3A_309 : i32 to index
      %get3A_313 = tpu.vector_load %arg7[%get3A_312] {strides = array<i32>} : memref<32768xf32, #tpu.memory_space<vmem>>, vector<16xf32>,
      %get3A_314 = arith.index_cast %add3A_309 : i32 to index
      %get3A_315 = tpu.vector_load %arg8[%get3A_314] {strides = array<i32>} : memref<32768xf32, #tpu.memory_space<vmem>>, vector<16xf32>,
      %add3A_316 = arith.addf %get3A_311, %get3A_313 : vector<16xf32>
      %mul3A_317 = arith.mulf %add3A_316, %get3A_315 : vector<16xf32>
      %add3A_318 = arith.addf %add3A_303, %mul3A_317 : vector<16xf32>
      %add3A_319 = arith.constant 2 : i32
      %add3A_320 = arith.addi %mul3A_161, %add3A_319 : i32
      %mul3A_321 = arith.constant 64 : i32
      %mul3A_322 = arith.muli %add3A_320, %mul3A_321 : i32
      %add3A_323 = arith.constant 32 : i32
      %add3A_324 = arith.addi %mul3A_322, %add3A_323 : i32
      %get3A_325 = arith.index_cast %add3A_324 : i32 to index
      %get3A_326 = tpu.vector_load %arg6[%get3A_325] {strides = array<i32>} : memref<32768xf32, #tpu.memory_space<vmem>>, vector<16xf32>,
      %get3A_327 = arith.index_cast %add3A_324 : i32 to index
      %get3A_328 = tpu.vector_load %arg7[%get3A_327] {strides = array<i32>} : memref<32768xf32, #tpu.memory_space<vmem>>, vector<16xf32>,
      %get3A_329 = arith.index_cast %add3A_324 : i32 to index
      %get3A_330 = tpu.vector_load %arg8[%get3A_329] {strides = array<i32>} : memref<32768xf32, #tpu.memory_space<vmem>>, vector<16xf32>,
      %add3A_331 = arith.addf %get3A_326, %get3A_328 : vector<16xf32>
      %mul3A_332 = arith.mulf %add3A_331, %get3A_330 : vector<16xf32>
      %add3A_333 = arith.addf %add3A_318, %mul3A_332 : vector<16xf32>
      %add3A_334 = arith.constant 2 : i32
      %add3A_335 = arith.addi %mul3A_161, %add3A_334 : i32
      %mul3A_336 = arith.constant 64 : i32
      %mul3A_337 = arith.muli %add3A_335, %mul3A_336 : i32
      %add3A_338 = arith.constant 48 : i32
      %add3A_339 = arith.addi %mul3A_337, %add3A_338 : i32
      %get3A_340 = arith.index_cast %add3A_339 : i32 to index
      %get3A_341 = tpu.vector_load %arg6[%get3A_340] {strides = array<i32>} : memref<32768xf32, #tpu.memory_space<vmem>>, vector<16xf32>,
      %get3A_342 = arith.index_cast %add3A_339 : i32 to index
      %get3A_343 = tpu.vector_load %arg7[%get3A_342] {strides = array<i32>} : memref<32768xf32, #tpu.memory_space<vmem>>, vector<16xf32>,
      %get3A_344 = arith.index_cast %add3A_339 : i32 to index
      %get3A_345 = tpu.vector_load %arg8[%get3A_344] {strides = array<i32>} : memref<32768xf32, #tpu.memory_space<vmem>>, vector<16xf32>,
      %add3A_346 = arith.addf %get3A_341, %get3A_343 : vector<16xf32>
      %mul3A_347 = arith.mulf %add3A_346, %get3A_345 : vector<16xf32>
      %add3A_348 = arith.addf %add3A_333, %mul3A_347 : vector<16xf32>
      %swap3A_349 = arith.constant 34 : index
      %swap3A_350 = tpu.vector_load %arg9[%swap3A_349] {strides = array<i32>} : memref<272xf32, #tpu.memory_space<vmem>>, vector<16xf32>,
      tpu.vector_store %arg9[%swap3A_349], %add3A_348 {strides = array<i32>} : memref<272xf32, #tpu.memory_space<vmem>>, vector<16xf32>,
      %broadcast_in_dim3A_351 = arith.constant 0.000000e+00 : f32
      %broadcast_in_dim3A_352 = vector.broadcast %broadcast_in_dim3A_351 : f32 to vector<16xf32>
      %add3A_353 = arith.constant 3 : i32
      %add3A_354 = arith.addi %mul3A_161, %add3A_353 : i32
      %mul3A_355 = arith.constant 64 : i32
      %mul3A_356 = arith.muli %add3A_354, %mul3A_355 : i32
      %add3A_357 = arith.constant 0 : i32
      %add3A_358 = arith.addi %mul3A_356, %add3A_357 : i32
      %get3A_359 = arith.index_cast %add3A_358 : i32 to index
      %get3A_360 = tpu.vector_load %arg6[%get3A_359] {strides = array<i32>} : memref<32768xf32, #tpu.memory_space<vmem>>, vector<16xf32>,
      %get3A_361 = arith.index_cast %add3A_358 : i32 to index
      %get3A_362 = tpu.vector_load %arg7[%get3A_361] {strides = array<i32>} : memref<32768xf32, #tpu.memory_space<vmem>>, vector<16xf32>,
      %get3A_363 = arith.index_cast %add3A_358 : i32 to index
      %get3A_364 = tpu.vector_load %arg8[%get3A_363] {strides = array<i32>} : memref<32768xf32, #tpu.memory_space<vmem>>, vector<16xf32>,
      %add3A_365 = arith.addf %get3A_360, %get3A_362 : vector<16xf32>
      %mul3A_366 = arith.mulf %add3A_365, %get3A_364 : vector<16xf32>
      %add3A_367 = arith.addf %broadcast_in_dim3A_352, %mul3A_366 : vector<16xf32>
      %add3A_368 = arith.constant 3 : i32
      %add3A_369 = arith.addi %mul3A_161, %add3A_368 : i32
      %mul3A_370 = arith.constant 64 : i32
      %mul3A_371 = arith.muli %add3A_369, %mul3A_370 : i32
      %add3A_372 = arith.constant 16 : i32
      %add3A_373 = arith.addi %mul3A_371, %add3A_372 : i32
      %get3A_374 = arith.index_cast %add3A_373 : i32 to index
      %get3A_375 = tpu.vector_load %arg6[%get3A_374] {strides = array<i32>} : memref<32768xf32, #tpu.memory_space<vmem>>, vector<16xf32>,
      %get3A_376 = arith.index_cast %add3A_373 : i32 to index
      %get3A_377 = tpu.vector_load %arg7[%get3A_376] {strides = array<i32>} : memref<32768xf32, #tpu.memory_space<vmem>>, vector<16xf32>,
      %get3A_378 = arith.index_cast %add3A_373 : i32 to index
      %get3A_379 = tpu.vector_load %arg8[%get3A_378] {strides = array<i32>} : memref<32768xf32, #tpu.memory_space<vmem>>, vector<16xf32>,
      %add3A_380 = arith.addf %get3A_375, %get3A_377 : vector<16xf32>
      %mul3A_381 = arith.mulf %add3A_380, %get3A_379 : vector<16xf32>
      %add3A_382 = arith.addf %add3A_367, %mul3A_381 : vector<16xf32>
      %add3A_383 = arith.constant 3 : i32
      %add3A_384 = arith.addi %mul3A_161, %add3A_383 : i32
      %mul3A_385 = arith.constant 64 : i32
      %mul3A_386 = arith.muli %add3A_384, %mul3A_385 : i32
      %add3A_387 = arith.constant 32 : i32
      %add3A_388 = arith.addi %mul3A_386, %add3A_387 : i32
      %get3A_389 = arith.index_cast %add3A_388 : i32 to index
      %get3A_390 = tpu.vector_load %arg6[%get3A_389] {strides = array<i32>} : memref<32768xf32, #tpu.memory_space<vmem>>, vector<16xf32>,
      %get3A_391 = arith.index_cast %add3A_388 : i32 to index
      %get3A_392 = tpu.vector_load %arg7[%get3A_391] {strides = array<i32>} : memref<32768xf32, #tpu.memory_space<vmem>>, vector<16xf32>,
      %get3A_393 = arith.index_cast %add3A_388 : i32 to index
      %get3A_394 = tpu.vector_load %arg8[%get3A_393] {strides = array<i32>} : memref<32768xf32, #tpu.memory_space<vmem>>, vector<16xf32>,
      %add3A_395 = arith.addf %get3A_390, %get3A_392 : vector<16xf32>
      %mul3A_396 = arith.mulf %add3A_395, %get3A_394 : vector<16xf32>
      %add3A_397 = arith.addf %add3A_382, %mul3A_396 : vector<16xf32>
      %add3A_398 = arith.constant 3 : i32
      %add3A_399 = arith.addi %mul3A_161, %add3A_398 : i32
      %mul3A_400 = arith.constant 64 : i32
      %mul3A_401 = arith.muli %add3A_399, %mul3A_400 : i32
      %add3A_402 = arith.constant 48 : i32
      %add3A_403 = arith.addi %mul3A_401, %add3A_402 : i32
      %get3A_404 = arith.index_cast %add3A_403 : i32 to index
      %get3A_405 = tpu.vector_load %arg6[%get3A_404] {strides = array<i32>} : memref<32768xf32, #tpu.memory_space<vmem>>, vector<16xf32>,
      %get3A_406 = arith.index_cast %add3A_403 : i32 to index
      %get3A_407 = tpu.vector_load %arg7[%get3A_406] {strides = array<i32>} : memref<32768xf32, #tpu.memory_space<vmem>>, vector<16xf32>,
      %get3A_408 = arith.index_cast %add3A_403 : i32 to index
      %get3A_409 = tpu.vector_load %arg8[%get3A_408] {strides = array<i32>} : memref<32768xf32, #tpu.memory_space<vmem>>, vector<16xf32>,
      %add3A_410 = arith.addf %get3A_405, %get3A_407 : vector<16xf32>
      %mul3A_411 = arith.mulf %add3A_410, %get3A_409 : vector<16xf32>
      %add3A_412 = arith.addf %add3A_397, %mul3A_411 : vector<16xf32>
      %swap3A_413 = arith.constant 51 : index
      %swap3A_414 = tpu.vector_load %arg9[%swap3A_413] {strides = array<i32>} : memref<272xf32, #tpu.memory_space<vmem>>, vector<16xf32>,
      tpu.vector_store %arg9[%swap3A_413], %add3A_412 {strides = array<i32>} : memref<272xf32, #tpu.memory_space<vmem>>, vector<16xf32>,
      %broadcast_in_dim3A_415 = arith.constant 0.000000e+00 : f32
      %broadcast_in_dim3A_416 = vector.broadcast %broadcast_in_dim3A_415 : f32 to vector<16xf32>
      %add3A_417 = arith.constant 4 : i32
      %add3A_418 = arith.addi %mul3A_161, %add3A_417 : i32
      %mul3A_419 = arith.constant 64 : i32
      %mul3A_420 = arith.muli %add3A_418, %mul3A_419 : i32
      %add3A_421 = arith.constant 0 : i32
      %add3A_422 = arith.addi %mul3A_420, %add3A_421 : i32
      %get3A_423 = arith.index_cast %add3A_422 : i32 to index
      %get3A_424 = tpu.vector_load %arg6[%get3A_423] {strides = array<i32>} : memref<32768xf32, #tpu.memory_space<vmem>>, vector<16xf32>,
      %get3A_425 = arith.index_cast %add3A_422 : i32 to index
      %get3A_426 = tpu.vector_load %arg7[%get3A_425] {strides = array<i32>} : memref<32768xf32, #tpu.memory_space<vmem>>, vector<16xf32>,
      %get3A_427 = arith.index_cast %add3A_422 : i32 to index
      %get3A_428 = tpu.vector_load %arg8[%get3A_427] {strides = array<i32>} : memref<32768xf32, #tpu.memory_space<vmem>>, vector<16xf32>,
      %add3A_429 = arith.addf %get3A_424, %get3A_426 : vector<16xf32>
      %mul3A_430 = arith.mulf %add3A_429, %get3A_428 : vector<16xf32>
      %add3A_431 = arith.addf %broadcast_in_dim3A_416, %mul3A_430 : vector<16xf32>
      %add3A_432 = arith.constant 4 : i32
      %add3A_433 = arith.addi %mul3A_161, %add3A_432 : i32
      %mul3A_434 = arith.constant 64 : i32
      %mul3A_435 = arith.muli %add3A_433, %mul3A_434 : i32
      %add3A_436 = arith.constant 16 : i32
      %add3A_437 = arith.addi %mul3A_435, %add3A_436 : i32
      %get3A_438 = arith.index_cast %add3A_437 : i32 to index
      %get3A_439 = tpu.vector_load %arg6[%get3A_438] {strides = array<i32>} : memref<32768xf32, #tpu.memory_space<vmem>>, vector<16xf32>,
      %get3A_440 = arith.index_cast %add3A_437 : i32 to index
      %get3A_441 = tpu.vector_load %arg7[%get3A_440] {strides = array<i32>} : memref<32768xf32, #tpu.memory_space<vmem>>, vector<16xf32>,
      %get3A_442 = arith.index_cast %add3A_437 : i32 to index
      %get3A_443 = tpu.vector_load %arg8[%get3A_442] {strides = array<i32>} : memref<32768xf32, #tpu.memory_space<vmem>>, vector<16xf32>,
      %add3A_444 = arith.addf %get3A_439, %get3A_441 : vector<16xf32>
      %mul3A_445 = arith.mulf %add3A_444, %get3A_443 : vector<16xf32>
      %add3A_446 = arith.addf %add3A_431, %mul3A_445 : vector<16xf32>
      %add3A_447 = arith.constant 4 : i32
      %add3A_448 = arith.addi %mul3A_161, %add3A_447 : i32
      %mul3A_449 = arith.constant 64 : i32
      %mul3A_450 = arith.muli %add3A_448, %mul3A_449 : i32
      %add3A_451 = arith.constant 32 : i32
      %add3A_452 = arith.addi %mul3A_450, %add3A_451 : i32
      %get3A_453 = arith.index_cast %add3A_452 : i32 to index
      %get3A_454 = tpu.vector_load %arg6[%get3A_453] {strides = array<i32>} : memref<32768xf32, #tpu.memory_space<vmem>>, vector<16xf32>,
      %get3A_455 = arith.index_cast %add3A_452 : i32 to index
      %get3A_456 = tpu.vector_load %arg7[%get3A_455] {strides = array<i32>} : memref<32768xf32, #tpu.memory_space<vmem>>, vector<16xf32>,
      %get3A_457 = arith.index_cast %add3A_452 : i32 to index
      %get3A_458 = tpu.vector_load %arg8[%get3A_457] {strides = array<i32>} : memref<32768xf32, #tpu.memory_space<vmem>>, vector<16xf32>,
      %add3A_459 = arith.addf %get3A_454, %get3A_456 : vector<16xf32>
      %mul3A_460 = arith.mulf %add3A_459, %get3A_458 : vector<16xf32>
      %add3A_461 = arith.addf %add3A_446, %mul3A_460 : vector<16xf32>
      %add3A_462 = arith.constant 4 : i32
      %add3A_463 = arith.addi %mul3A_161, %add3A_462 : i32
      %mul3A_464 = arith.constant 64 : i32
      %mul3A_465 = arith.muli %add3A_463, %mul3A_464 : i32
      %add3A_466 = arith.constant 48 : i32
      %add3A_467 = arith.addi %mul3A_465, %add3A_466 : i32
      %get3A_468 = arith.index_cast %add3A_467 : i32 to index
      %get3A_469 = tpu.vector_load %arg6[%get3A_468] {strides = array<i32>} : memref<32768xf32, #tpu.memory_space<vmem>>, vector<16xf32>,
      %get3A_470 = arith.index_cast %add3A_467 : i32 to index
      %get3A_471 = tpu.vector_load %arg7[%get3A_470] {strides = array<i32>} : memref<32768xf32, #tpu.memory_space<vmem>>, vector<16xf32>,
      %get3A_472 = arith.index_cast %add3A_467 : i32 to index
      %get3A_473 = tpu.vector_load %arg8[%get3A_472] {strides = array<i32>} : memref<32768xf32, #tpu.memory_space<vmem>>, vector<16xf32>,
      %add3A_474 = arith.addf %get3A_469, %get3A_471 : vector<16xf32>
      %mul3A_475 = arith.mulf %add3A_474, %get3A_473 : vector<16xf32>
      %add3A_476 = arith.addf %add3A_461, %mul3A_475 : vector<16xf32>
      %swap3A_477 = arith.constant 68 : index
      %swap3A_478 = tpu.vector_load %arg9[%swap3A_477] {strides = array<i32>} : memref<272xf32, #tpu.memory_space<vmem>>, vector<16xf32>,
      tpu.vector_store %arg9[%swap3A_477], %add3A_476 {strides = array<i32>} : memref<272xf32, #tpu.memory_space<vmem>>, vector<16xf32>,
      %broadcast_in_dim3A_479 = arith.constant 0.000000e+00 : f32
      %broadcast_in_dim3A_480 = vector.broadcast %broadcast_in_dim3A_479 : f32 to vector<16xf32>
      %add3A_481 = arith.constant 5 : i32
      %add3A_482 = arith.addi %mul3A_161, %add3A_481 : i32
      %mul3A_483 = arith.constant 64 : i32
      %mul3A_484 = arith.muli %add3A_482, %mul3A_483 : i32
      %add3A_485 = arith.constant 0 : i32
      %add3A_486 = arith.addi %mul3A_484, %add3A_485 : i32
      %get3A_487 = arith.index_cast %add3A_486 : i32 to index
      %get3A_488 = tpu.vector_load %arg6[%get3A_487] {strides = array<i32>} : memref<32768xf32, #tpu.memory_space<vmem>>, vector<16xf32>,
      %get3A_489 = arith.index_cast %add3A_486 : i32 to index
      %get3A_490 = tpu.vector_load %arg7[%get3A_489] {strides = array<i32>} : memref<32768xf32, #tpu.memory_space<vmem>>, vector<16xf32>,
      %get3A_491 = arith.index_cast %add3A_486 : i32 to index
      %get3A_492 = tpu.vector_load %arg8[%get3A_491] {strides = array<i32>} : memref<32768xf32, #tpu.memory_space<vmem>>, vector<16xf32>,
      %add3A_493 = arith.addf %get3A_488, %get3A_490 : vector<16xf32>
      %mul3A_494 = arith.mulf %add3A_493, %get3A_492 : vector<16xf32>
      %add3A_495 = arith.addf %broadcast_in_dim3A_480, %mul3A_494 : vector<16xf32>
      %add3A_496 = arith.constant 5 : i32
      %add3A_497 = arith.addi %mul3A_161, %add3A_496 : i32
      %mul3A_498 = arith.constant 64 : i32
      %mul3A_499 = arith.muli %add3A_497, %mul3A_498 : i32
      %add3A_500 = arith.constant 16 : i32
      %add3A_501 = arith.addi %mul3A_499, %add3A_500 : i32
      %get3A_502 = arith.index_cast %add3A_501 : i32 to index
      %get3A_503 = tpu.vector_load %arg6[%get3A_502] {strides = array<i32>} : memref<32768xf32, #tpu.memory_space<vmem>>, vector<16xf32>,
      %get3A_504 = arith.index_cast %add3A_501 : i32 to index
      %get3A_505 = tpu.vector_load %arg7[%get3A_504] {strides = array<i32>} : memref<32768xf32, #tpu.memory_space<vmem>>, vector<16xf32>,
      %get3A_506 = arith.index_cast %add3A_501 : i32 to index
      %get3A_507 = tpu.vector_load %arg8[%get3A_506] {strides = array<i32>} : memref<32768xf32, #tpu.memory_space<vmem>>, vector<16xf32>,
      %add3A_508 = arith.addf %get3A_503, %get3A_505 : vector<16xf32>
      %mul3A_509 = arith.mulf %add3A_508, %get3A_507 : vector<16xf32>
      %add3A_510 = arith.addf %add3A_495, %mul3A_509 : vector<16xf32>
      %add3A_511 = arith.constant 5 : i32
      %add3A_512 = arith.addi %mul3A_161, %add3A_511 : i32
      %mul3A_513 = arith.constant 64 : i32
      %mul3A_514 = arith.muli %add3A_512, %mul3A_513 : i32
      %add3A_515 = arith.constant 32 : i32
      %add3A_516 = arith.addi %mul3A_514, %add3A_515 : i32
      %get3A_517 = arith.index_cast %add3A_516 : i32 to index
      %get3A_518 = tpu.vector_load %arg6[%get3A_517] {strides = array<i32>} : memref<32768xf32, #tpu.memory_space<vmem>>, vector<16xf32>,
      %get3A_519 = arith.index_cast %add3A_516 : i32 to index
      %get3A_520 = tpu.vector_load %arg7[%get3A_519] {strides = array<i32>} : memref<32768xf32, #tpu.memory_space<vmem>>, vector<16xf32>,
      %get3A_521 = arith.index_cast %add3A_516 : i32 to index
      %get3A_522 = tpu.vector_load %arg8[%get3A_521] {strides = array<i32>} : memref<32768xf32, #tpu.memory_space<vmem>>, vector<16xf32>,
      %add3A_523 = arith.addf %get3A_518, %get3A_520 : vector<16xf32>
      %mul3A_524 = arith.mulf %add3A_523, %get3A_522 : vector<16xf32>
      %add3A_525 = arith.addf %add3A_510, %mul3A_524 : vector<16xf32>
      %add3A_526 = arith.constant 5 : i32
      %add3A_527 = arith.addi %mul3A_161, %add3A_526 : i32
      %mul3A_528 = arith.constant 64 : i32
      %mul3A_529 = arith.muli %add3A_527, %mul3A_528 : i32
      %add3A_530 = arith.constant 48 : i32
      %add3A_531 = arith.addi %mul3A_529, %add3A_530 : i32
      %get3A_532 = arith.index_cast %add3A_531 : i32 to index
      %get3A_533 = tpu.vector_load %arg6[%get3A_532] {strides = array<i32>} : memref<32768xf32, #tpu.memory_space<vmem>>, vector<16xf32>,
      %get3A_534 = arith.index_cast %add3A_531 : i32 to index
      %get3A_535 = tpu.vector_load %arg7[%get3A_534] {strides = array<i32>} : memref<32768xf32, #tpu.memory_space<vmem>>, vector<16xf32>,
      %get3A_536 = arith.index_cast %add3A_531 : i32 to index
      %get3A_537 = tpu.vector_load %arg8[%get3A_536] {strides = array<i32>} : memref<32768xf32, #tpu.memory_space<vmem>>, vector<16xf32>,
      %add3A_538 = arith.addf %get3A_533, %get3A_535 : vector<16xf32>
      %mul3A_539 = arith.mulf %add3A_538, %get3A_537 : vector<16xf32>
      %add3A_540 = arith.addf %add3A_525, %mul3A_539 : vector<16xf32>
      %swap3A_541 = arith.constant 85 : index
      %swap3A_542 = tpu.vector_load %arg9[%swap3A_541] {strides = array<i32>} : memref<272xf32, #tpu.memory_space<vmem>>, vector<16xf32>,
      tpu.vector_store %arg9[%swap3A_541], %add3A_540 {strides = array<i32>} : memref<272xf32, #tpu.memory_space<vmem>>, vector<16xf32>,
      %broadcast_in_dim3A_543 = arith.constant 0.000000e+00 : f32
      %broadcast_in_dim3A_544 = vector.broadcast %broadcast_in_dim3A_543 : f32 to vector<16xf32>
      %add3A_545 = arith.constant 6 : i32
      %add3A_546 = arith.addi %mul3A_161, %add3A_545 : i32
      %mul3A_547 = arith.constant 64 : i32
      %mul3A_548 = arith.muli %add3A_546, %mul3A_547 : i32
      %add3A_549 = arith.constant 0 : i32
      %add3A_550 = arith.addi %mul3A_548, %add3A_549 : i32
      %get3A_551 = arith.index_cast %add3A_550 : i32 to index
      %get3A_552 = tpu.vector_load %arg6[%get3A_551] {strides = array<i32>} : memref<32768xf32, #tpu.memory_space<vmem>>, vector<16xf32>,
      %get3A_553 = arith.index_cast %add3A_550 : i32 to index
      %get3A_554 = tpu.vector_load %arg7[%get3A_553] {strides = array<i32>} : memref<32768xf32, #tpu.memory_space<vmem>>, vector<16xf32>,
      %get3A_555 = arith.index_cast %add3A_550 : i32 to index
      %get3A_556 = tpu.vector_load %arg8[%get3A_555] {strides = array<i32>} : memref<32768xf32, #tpu.memory_space<vmem>>, vector<16xf32>,
      %add3A_557 = arith.addf %get3A_552, %get3A_554 : vector<16xf32>
      %mul3A_558 = arith.mulf %add3A_557, %get3A_556 : vector<16xf32>
      %add3A_559 = arith.addf %broadcast_in_dim3A_544, %mul3A_558 : vector<16xf32>
      %add3A_560 = arith.constant 6 : i32
      %add3A_561 = arith.addi %mul3A_161, %add3A_560 : i32
      %mul3A_562 = arith.constant 64 : i32
      %mul3A_563 = arith.muli %add3A_561, %mul3A_562 : i32
      %add3A_564 = arith.constant 16 : i32
      %add3A_565 = arith.addi %mul3A_563, %add3A_564 : i32
      %get3A_566 = arith.index_cast %add3A_565 : i32 to index
      %get3A_567 = tpu.vector_load %arg6[%get3A_566] {strides = array<i32>} : memref<32768xf32, #tpu.memory_space<vmem>>, vector<16xf32>,
      %get3A_568 = arith.index_cast %add3A_565 : i32 to index
      %get3A_569 = tpu.vector_load %arg7[%get3A_568] {strides = array<i32>} : memref<32768xf32, #tpu.memory_space<vmem>>, vector<16xf32>,
      %get3A_570 = arith.index_cast %add3A_565 : i32 to index
      %get3A_571 = tpu.vector_load %arg8[%get3A_570] {strides = array<i32>} : memref<32768xf32, #tpu.memory_space<vmem>>, vector<16xf32>,
      %add3A_572 = arith.addf %get3A_567, %get3A_569 : vector<16xf32>
      %mul3A_573 = arith.mulf %add3A_572, %get3A_571 : vector<16xf32>
      %add3A_574 = arith.addf %add3A_559, %mul3A_573 : vector<16xf32>
      %add3A_575 = arith.constant 6 : i32
      %add3A_576 = arith.addi %mul3A_161, %add3A_575 : i32
      %mul3A_577 = arith.constant 64 : i32
      %mul3A_578 = arith.muli %add3A_576, %mul3A_577 : i32
      %add3A_579 = arith.constant 32 : i32
      %add3A_580 = arith.addi %mul3A_578, %add3A_579 : i32
      %get3A_581 = arith.index_cast %add3A_580 : i32 to index
      %get3A_582 = tpu.vector_load %arg6[%get3A_581] {strides = array<i32>} : memref<32768xf32, #tpu.memory_space<vmem>>, vector<16xf32>,
      %get3A_583 = arith.index_cast %add3A_580 : i32 to index
      %get3A_584 = tpu.vector_load %arg7[%get3A_583] {strides = array<i32>} : memref<32768xf32, #tpu.memory_space<vmem>>, vector<16xf32>,
      %get3A_585 = arith.index_cast %add3A_580 : i32 to index
      %get3A_586 = tpu.vector_load %arg8[%get3A_585] {strides = array<i32>} : memref<32768xf32, #tpu.memory_space<vmem>>, vector<16xf32>,
      %add3A_587 = arith.addf %get3A_582, %get3A_584 : vector<16xf32>
      %mul3A_588 = arith.mulf %add3A_587, %get3A_586 : vector<16xf32>
      %add3A_589 = arith.addf %add3A_574, %mul3A_588 : vector<16xf32>
      %add3A_590 = arith.constant 6 : i32
      %add3A_591 = arith.addi %mul3A_161, %add3A_590 : i32
      %mul3A_592 = arith.constant 64 : i32
      %mul3A_593 = arith.muli %add3A_591, %mul3A_592 : i32
      %add3A_594 = arith.constant 48 : i32
      %add3A_595 = arith.addi %mul3A_593, %add3A_594 : i32
      %get3A_596 = arith.index_cast %add3A_595 : i32 to index
      %get3A_597 = tpu.vector_load %arg6[%get3A_596] {strides = array<i32>} : memref<32768xf32, #tpu.memory_space<vmem>>, vector<16xf32>,
      %get3A_598 = arith.index_cast %add3A_595 : i32 to index
      %get3A_599 = tpu.vector_load %arg7[%get3A_598] {strides = array<i32>} : memref<32768xf32, #tpu.memory_space<vmem>>, vector<16xf32>,
      %get3A_600 = arith.index_cast %add3A_595 : i32 to index
      %get3A_601 = tpu.vector_load %arg8[%get3A_600] {strides = array<i32>} : memref<32768xf32, #tpu.memory_space<vmem>>, vector<16xf32>,
      %add3A_602 = arith.addf %get3A_597, %get3A_599 : vector<16xf32>
      %mul3A_603 = arith.mulf %add3A_602, %get3A_601 : vector<16xf32>
      %add3A_604 = arith.addf %add3A_589, %mul3A_603 : vector<16xf32>
      %swap3A_605 = arith.constant 102 : index
      %swap3A_606 = tpu.vector_load %arg9[%swap3A_605] {strides = array<i32>} : memref<272xf32, #tpu.memory_space<vmem>>, vector<16xf32>,
      tpu.vector_store %arg9[%swap3A_605], %add3A_604 {strides = array<i32>} : memref<272xf32, #tpu.memory_space<vmem>>, vector<16xf32>,
      %broadcast_in_dim3A_607 = arith.constant 0.000000e+00 : f32
      %broadcast_in_dim3A_608 = vector.broadcast %broadcast_in_dim3A_607 : f32 to vector<16xf32>
      %add3A_609 = arith.constant 7 : i32
      %add3A_610 = arith.addi %mul3A_161, %add3A_609 : i32
      %mul3A_611 = arith.constant 64 : i32
      %mul3A_612 = arith.muli %add3A_610, %mul3A_611 : i32
      %add3A_613 = arith.constant 0 : i32
      %add3A_614 = arith.addi %mul3A_612, %add3A_613 : i32
      %get3A_615 = arith.index_cast %add3A_614 : i32 to index
      %get3A_616 = tpu.vector_load %arg6[%get3A_615] {strides = array<i32>} : memref<32768xf32, #tpu.memory_space<vmem>>, vector<16xf32>,
      %get3A_617 = arith.index_cast %add3A_614 : i32 to index
      %get3A_618 = tpu.vector_load %arg7[%get3A_617] {strides = array<i32>} : memref<32768xf32, #tpu.memory_space<vmem>>, vector<16xf32>,
      %get3A_619 = arith.index_cast %add3A_614 : i32 to index
      %get3A_620 = tpu.vector_load %arg8[%get3A_619] {strides = array<i32>} : memref<32768xf32, #tpu.memory_space<vmem>>, vector<16xf32>,
      %add3A_621 = arith.addf %get3A_616, %get3A_618 : vector<16xf32>
      %mul3A_622 = arith.mulf %add3A_621, %get3A_620 : vector<16xf32>
      %add3A_623 = arith.addf %broadcast_in_dim3A_608, %mul3A_622 : vector<16xf32>
      %add3A_624 = arith.constant 7 : i32
      %add3A_625 = arith.addi %mul3A_161, %add3A_624 : i32
      %mul3A_626 = arith.constant 64 : i32
      %mul3A_627 = arith.muli %add3A_625, %mul3A_626 : i32
      %add3A_628 = arith.constant 16 : i32
      %add3A_629 = arith.addi %mul3A_627, %add3A_628 : i32
      %get3A_630 = arith.index_cast %add3A_629 : i32 to index
      %get3A_631 = tpu.vector_load %arg6[%get3A_630] {strides = array<i32>} : memref<32768xf32, #tpu.memory_space<vmem>>, vector<16xf32>,
      %get3A_632 = arith.index_cast %add3A_629 : i32 to index
      %get3A_633 = tpu.vector_load %arg7[%get3A_632] {strides = array<i32>} : memref<32768xf32, #tpu.memory_space<vmem>>, vector<16xf32>,
      %get3A_634 = arith.index_cast %add3A_629 : i32 to index
      %get3A_635 = tpu.vector_load %arg8[%get3A_634] {strides = array<i32>} : memref<32768xf32, #tpu.memory_space<vmem>>, vector<16xf32>,
      %add3A_636 = arith.addf %get3A_631, %get3A_633 : vector<16xf32>
      %mul3A_637 = arith.mulf %add3A_636, %get3A_635 : vector<16xf32>
      %add3A_638 = arith.addf %add3A_623, %mul3A_637 : vector<16xf32>
      %add3A_639 = arith.constant 7 : i32
      %add3A_640 = arith.addi %mul3A_161, %add3A_639 : i32
      %mul3A_641 = arith.constant 64 : i32
      %mul3A_642 = arith.muli %add3A_640, %mul3A_641 : i32
      %add3A_643 = arith.constant 32 : i32
      %add3A_644 = arith.addi %mul3A_642, %add3A_643 : i32
      %get3A_645 = arith.index_cast %add3A_644 : i32 to index
      %get3A_646 = tpu.vector_load %arg6[%get3A_645] {strides = array<i32>} : memref<32768xf32, #tpu.memory_space<vmem>>, vector<16xf32>,
      %get3A_647 = arith.index_cast %add3A_644 : i32 to index
      %get3A_648 = tpu.vector_load %arg7[%get3A_647] {strides = array<i32>} : memref<32768xf32, #tpu.memory_space<vmem>>, vector<16xf32>,
      %get3A_649 = arith.index_cast %add3A_644 : i32 to index
      %get3A_650 = tpu.vector_load %arg8[%get3A_649] {strides = array<i32>} : memref<32768xf32, #tpu.memory_space<vmem>>, vector<16xf32>,
      %add3A_651 = arith.addf %get3A_646, %get3A_648 : vector<16xf32>
      %mul3A_652 = arith.mulf %add3A_651, %get3A_650 : vector<16xf32>
      %add3A_653 = arith.addf %add3A_638, %mul3A_652 : vector<16xf32>
      %add3A_654 = arith.constant 7 : i32
      %add3A_655 = arith.addi %mul3A_161, %add3A_654 : i32
      %mul3A_656 = arith.constant 64 : i32
      %mul3A_657 = arith.muli %add3A_655, %mul3A_656 : i32
      %add3A_658 = arith.constant 48 : i32
      %add3A_659 = arith.addi %mul3A_657, %add3A_658 : i32
      %get3A_660 = arith.index_cast %add3A_659 : i32 to index
      %get3A_661 = tpu.vector_load %arg6[%get3A_660] {strides = array<i32>} : memref<32768xf32, #tpu.memory_space<vmem>>, vector<16xf32>,
      %get3A_662 = arith.index_cast %add3A_659 : i32 to index
      %get3A_663 = tpu.vector_load %arg7[%get3A_662] {strides = array<i32>} : memref<32768xf32, #tpu.memory_space<vmem>>, vector<16xf32>,
      %get3A_664 = arith.index_cast %add3A_659 : i32 to index
      %get3A_665 = tpu.vector_load %arg8[%get3A_664] {strides = array<i32>} : memref<32768xf32, #tpu.memory_space<vmem>>, vector<16xf32>,
      %add3A_666 = arith.addf %get3A_661, %get3A_663 : vector<16xf32>
      %mul3A_667 = arith.mulf %add3A_666, %get3A_665 : vector<16xf32>
      %add3A_668 = arith.addf %add3A_653, %mul3A_667 : vector<16xf32>
      %swap3A_669 = arith.constant 119 : index
      %swap3A_670 = tpu.vector_load %arg9[%swap3A_669] {strides = array<i32>} : memref<272xf32, #tpu.memory_space<vmem>>, vector<16xf32>,
      tpu.vector_store %arg9[%swap3A_669], %add3A_668 {strides = array<i32>} : memref<272xf32, #tpu.memory_space<vmem>>, vector<16xf32>,
      %broadcast_in_dim3A_671 = arith.constant 0.000000e+00 : f32
      %broadcast_in_dim3A_672 = vector.broadcast %broadcast_in_dim3A_671 : f32 to vector<16xf32>
      %add3A_673 = arith.constant 8 : i32
      %add3A_674 = arith.addi %mul3A_161, %add3A_673 : i32
      %mul3A_675 = arith.constant 64 : i32
      %mul3A_676 = arith.muli %add3A_674, %mul3A_675 : i32
      %add3A_677 = arith.constant 0 : i32
      %add3A_678 = arith.addi %mul3A_676, %add3A_677 : i32
      %get3A_679 = arith.index_cast %add3A_678 : i32 to index
      %get3A_680 = tpu.vector_load %arg6[%get3A_679] {strides = array<i32>} : memref<32768xf32, #tpu.memory_space<vmem>>, vector<16xf32>,
      %get3A_681 = arith.index_cast %add3A_678 : i32 to index
      %get3A_682 = tpu.vector_load %arg7[%get3A_681] {strides = array<i32>} : memref<32768xf32, #tpu.memory_space<vmem>>, vector<16xf32>,
      %get3A_683 = arith.index_cast %add3A_678 : i32 to index
      %get3A_684 = tpu.vector_load %arg8[%get3A_683] {strides = array<i32>} : memref<32768xf32, #tpu.memory_space<vmem>>, vector<16xf32>,
      %add3A_685 = arith.addf %get3A_680, %get3A_682 : vector<16xf32>
      %mul3A_686 = arith.mulf %add3A_685, %get3A_684 : vector<16xf32>
      %add3A_687 = arith.addf %broadcast_in_dim3A_672, %mul3A_686 : vector<16xf32>
      %add3A_688 = arith.constant 8 : i32
      %add3A_689 = arith.addi %mul3A_161, %add3A_688 : i32
      %mul3A_690 = arith.constant 64 : i32
      %mul3A_691 = arith.muli %add3A_689, %mul3A_690 : i32
      %add3A_692 = arith.constant 16 : i32
      %add3A_693 = arith.addi %mul3A_691, %add3A_692 : i32
      %get3A_694 = arith.index_cast %add3A_693 : i32 to index
      %get3A_695 = tpu.vector_load %arg6[%get3A_694] {strides = array<i32>} : memref<32768xf32, #tpu.memory_space<vmem>>, vector<16xf32>,
      %get3A_696 = arith.index_cast %add3A_693 : i32 to index
      %get3A_697 = tpu.vector_load %arg7[%get3A_696] {strides = array<i32>} : memref<32768xf32, #tpu.memory_space<vmem>>, vector<16xf32>,
      %get3A_698 = arith.index_cast %add3A_693 : i32 to index
      %get3A_699 = tpu.vector_load %arg8[%get3A_698] {strides = array<i32>} : memref<32768xf32, #tpu.memory_space<vmem>>, vector<16xf32>,
      %add3A_700 = arith.addf %get3A_695, %get3A_697 : vector<16xf32>
      %mul3A_701 = arith.mulf %add3A_700, %get3A_699 : vector<16xf32>
      %add3A_702 = arith.addf %add3A_687, %mul3A_701 : vector<16xf32>
      %add3A_703 = arith.constant 8 : i32
      %add3A_704 = arith.addi %mul3A_161, %add3A_703 : i32
      %mul3A_705 = arith.constant 64 : i32
      %mul3A_706 = arith.muli %add3A_704, %mul3A_705 : i32
      %add3A_707 = arith.constant 32 : i32
      %add3A_708 = arith.addi %mul3A_706, %add3A_707 : i32
      %get3A_709 = arith.index_cast %add3A_708 : i32 to index
      %get3A_710 = tpu.vector_load %arg6[%get3A_709] {strides = array<i32>} : memref<32768xf32, #tpu.memory_space<vmem>>, vector<16xf32>,
      %get3A_711 = arith.index_cast %add3A_708 : i32 to index
      %get3A_712 = tpu.vector_load %arg7[%get3A_711] {strides = array<i32>} : memref<32768xf32, #tpu.memory_space<vmem>>, vector<16xf32>,
      %get3A_713 = arith.index_cast %add3A_708 : i32 to index
      %get3A_714 = tpu.vector_load %arg8[%get3A_713] {strides = array<i32>} : memref<32768xf32, #tpu.memory_space<vmem>>, vector<16xf32>,
      %add3A_715 = arith.addf %get3A_710, %get3A_712 : vector<16xf32>
      %mul3A_716 = arith.mulf %add3A_715, %get3A_714 : vector<16xf32>
      %add3A_717 = arith.addf %add3A_702, %mul3A_716 : vector<16xf32>
      %add3A_718 = arith.constant 8 : i32
      %add3A_719 = arith.addi %mul3A_161, %add3A_718 : i32
      %mul3A_720 = arith.constant 64 : i32
      %mul3A_721 = arith.muli %add3A_719, %mul3A_720 : i32
      %add3A_722 = arith.constant 48 : i32
      %add3A_723 = arith.addi %mul3A_721, %add3A_722 : i32
      %get3A_724 = arith.index_cast %add3A_723 : i32 to index
      %get3A_725 = tpu.vector_load %arg6[%get3A_724] {strides = array<i32>} : memref<32768xf32, #tpu.memory_space<vmem>>, vector<16xf32>,
      %get3A_726 = arith.index_cast %add3A_723 : i32 to index
      %get3A_727 = tpu.vector_load %arg7[%get3A_726] {strides = array<i32>} : memref<32768xf32, #tpu.memory_space<vmem>>, vector<16xf32>,
      %get3A_728 = arith.index_cast %add3A_723 : i32 to index
      %get3A_729 = tpu.vector_load %arg8[%get3A_728] {strides = array<i32>} : memref<32768xf32, #tpu.memory_space<vmem>>, vector<16xf32>,
      %add3A_730 = arith.addf %get3A_725, %get3A_727 : vector<16xf32>
      %mul3A_731 = arith.mulf %add3A_730, %get3A_729 : vector<16xf32>
      %add3A_732 = arith.addf %add3A_717, %mul3A_731 : vector<16xf32>
      %swap3A_733 = arith.constant 136 : index
      %swap3A_734 = tpu.vector_load %arg9[%swap3A_733] {strides = array<i32>} : memref<272xf32, #tpu.memory_space<vmem>>, vector<16xf32>,
      tpu.vector_store %arg9[%swap3A_733], %add3A_732 {strides = array<i32>} : memref<272xf32, #tpu.memory_space<vmem>>, vector<16xf32>,
      %broadcast_in_dim3A_735 = arith.constant 0.000000e+00 : f32
      %broadcast_in_dim3A_736 = vector.broadcast %broadcast_in_dim3A_735 : f32 to vector<16xf32>
      %add3A_737 = arith.constant 9 : i32
      %add3A_738 = arith.addi %mul3A_161, %add3A_737 : i32
      %mul3A_739 = arith.constant 64 : i32
      %mul3A_740 = arith.muli %add3A_738, %mul3A_739 : i32
      %add3A_741 = arith.constant 0 : i32
      %add3A_742 = arith.addi %mul3A_740, %add3A_741 : i32
      %get3A_743 = arith.index_cast %add3A_742 : i32 to index
      %get3A_744 = tpu.vector_load %arg6[%get3A_743] {strides = array<i32>} : memref<32768xf32, #tpu.memory_space<vmem>>, vector<16xf32>,
      %get3A_745 = arith.index_cast %add3A_742 : i32 to index
      %get3A_746 = tpu.vector_load %arg7[%get3A_745] {strides = array<i32>} : memref<32768xf32, #tpu.memory_space<vmem>>, vector<16xf32>,
      %get3A_747 = arith.index_cast %add3A_742 : i32 to index
      %get3A_748 = tpu.vector_load %arg8[%get3A_747] {strides = array<i32>} : memref<32768xf32, #tpu.memory_space<vmem>>, vector<16xf32>,
      %add3A_749 = arith.addf %get3A_744, %get3A_746 : vector<16xf32>
      %mul3A_750 = arith.mulf %add3A_749, %get3A_748 : vector<16xf32>
      %add3A_751 = arith.addf %broadcast_in_dim3A_736, %mul3A_750 : vector<16xf32>
      %add3A_752 = arith.constant 9 : i32
      %add3A_753 = arith.addi %mul3A_161, %add3A_752 : i32
      %mul3A_754 = arith.constant 64 : i32
      %mul3A_755 = arith.muli %add3A_753, %mul3A_754 : i32
      %add3A_756 = arith.constant 16 : i32
      %add3A_757 = arith.addi %mul3A_755, %add3A_756 : i32
      %get3A_758 = arith.index_cast %add3A_757 : i32 to index
      %get3A_759 = tpu.vector_load %arg6[%get3A_758] {strides = array<i32>} : memref<32768xf32, #tpu.memory_space<vmem>>, vector<16xf32>,
      %get3A_760 = arith.index_cast %add3A_757 : i32 to index
      %get3A_761 = tpu.vector_load %arg7[%get3A_760] {strides = array<i32>} : memref<32768xf32, #tpu.memory_space<vmem>>, vector<16xf32>,
      %get3A_762 = arith.index_cast %add3A_757 : i32 to index
      %get3A_763 = tpu.vector_load %arg8[%get3A_762] {strides = array<i32>} : memref<32768xf32, #tpu.memory_space<vmem>>, vector<16xf32>,
      %add3A_764 = arith.addf %get3A_759, %get3A_761 : vector<16xf32>
      %mul3A_765 = arith.mulf %add3A_764, %get3A_763 : vector<16xf32>
      %add3A_766 = arith.addf %add3A_751, %mul3A_765 : vector<16xf32>
      %add3A_767 = arith.constant 9 : i32
      %add3A_768 = arith.addi %mul3A_161, %add3A_767 : i32
      %mul3A_769 = arith.constant 64 : i32
      %mul3A_770 = arith.muli %add3A_768, %mul3A_769 : i32
      %add3A_771 = arith.constant 32 : i32
      %add3A_772 = arith.addi %mul3A_770, %add3A_771 : i32
      %get3A_773 = arith.index_cast %add3A_772 : i32 to index
      %get3A_774 = tpu.vector_load %arg6[%get3A_773] {strides = array<i32>} : memref<32768xf32, #tpu.memory_space<vmem>>, vector<16xf32>,
      %get3A_775 = arith.index_cast %add3A_772 : i32 to index
      %get3A_776 = tpu.vector_load %arg7[%get3A_775] {strides = array<i32>} : memref<32768xf32, #tpu.memory_space<vmem>>, vector<16xf32>,
      %get3A_777 = arith.index_cast %add3A_772 : i32 to index
      %get3A_778 = tpu.vector_load %arg8[%get3A_777] {strides = array<i32>} : memref<32768xf32, #tpu.memory_space<vmem>>, vector<16xf32>,
      %add3A_779 = arith.addf %get3A_774, %get3A_776 : vector<16xf32>
      %mul3A_780 = arith.mulf %add3A_779, %get3A_778 : vector<16xf32>
      %add3A_781 = arith.addf %add3A_766, %mul3A_780 : vector<16xf32>
      %add3A_782 = arith.constant 9 : i32
      %add3A_783 = arith.addi %mul3A_161, %add3A_782 : i32
      %mul3A_784 = arith.constant 64 : i32
      %mul3A_785 = arith.muli %add3A_783, %mul3A_784 : i32
      %add3A_786 = arith.constant 48 : i32
      %add3A_787 = arith.addi %mul3A_785, %add3A_786 : i32
      %get3A_788 = arith.index_cast %add3A_787 : i32 to index
      %get3A_789 = tpu.vector_load %arg6[%get3A_788] {strides = array<i32>} : memref<32768xf32, #tpu.memory_space<vmem>>, vector<16xf32>,
      %get3A_790 = arith.index_cast %add3A_787 : i32 to index
      %get3A_791 = tpu.vector_load %arg7[%get3A_790] {strides = array<i32>} : memref<32768xf32, #tpu.memory_space<vmem>>, vector<16xf32>,
      %get3A_792 = arith.index_cast %add3A_787 : i32 to index
      %get3A_793 = tpu.vector_load %arg8[%get3A_792] {strides = array<i32>} : memref<32768xf32, #tpu.memory_space<vmem>>, vector<16xf32>,
      %add3A_794 = arith.addf %get3A_789, %get3A_791 : vector<16xf32>
      %mul3A_795 = arith.mulf %add3A_794, %get3A_793 : vector<16xf32>
      %add3A_796 = arith.addf %add3A_781, %mul3A_795 : vector<16xf32>
      %swap3A_797 = arith.constant 153 : index
      %swap3A_798 = tpu.vector_load %arg9[%swap3A_797] {strides = array<i32>} : memref<272xf32, #tpu.memory_space<vmem>>, vector<16xf32>,
      tpu.vector_store %arg9[%swap3A_797], %add3A_796 {strides = array<i32>} : memref<272xf32, #tpu.memory_space<vmem>>, vector<16xf32>,
      %broadcast_in_dim3A_799 = arith.constant 0.000000e+00 : f32
      %broadcast_in_dim3A_800 = vector.broadcast %broadcast_in_dim3A_799 : f32 to vector<16xf32>
      %add3A_801 = arith.constant 10 : i32
      %add3A_802 = arith.addi %mul3A_161, %add3A_801 : i32
      %mul3A_803 = arith.constant 64 : i32
      %mul3A_804 = arith.muli %add3A_802, %mul3A_803 : i32
      %add3A_805 = arith.constant 0 : i32
      %add3A_806 = arith.addi %mul3A_804, %add3A_805 : i32
      %get3A_807 = arith.index_cast %add3A_806 : i32 to index
      %get3A_808 = tpu.vector_load %arg6[%get3A_807] {strides = array<i32>} : memref<32768xf32, #tpu.memory_space<vmem>>, vector<16xf32>,
      %get3A_809 = arith.index_cast %add3A_806 : i32 to index
      %get3A_810 = tpu.vector_load %arg7[%get3A_809] {strides = array<i32>} : memref<32768xf32, #tpu.memory_space<vmem>>, vector<16xf32>,
      %get3A_811 = arith.index_cast %add3A_806 : i32 to index
      %get3A_812 = tpu.vector_load %arg8[%get3A_811] {strides = array<i32>} : memref<32768xf32, #tpu.memory_space<vmem>>, vector<16xf32>,
      %add3A_813 = arith.addf %get3A_808, %get3A_810 : vector<16xf32>
      %mul3A_814 = arith.mulf %add3A_813, %get3A_812 : vector<16xf32>
      %add3A_815 = arith.addf %broadcast_in_dim3A_800, %mul3A_814 : vector<16xf32>
      %add3A_816 = arith.constant 10 : i32
      %add3A_817 = arith.addi %mul3A_161, %add3A_816 : i32
      %mul3A_818 = arith.constant 64 : i32
      %mul3A_819 = arith.muli %add3A_817, %mul3A_818 : i32
      %add3A_820 = arith.constant 16 : i32
      %add3A_821 = arith.addi %mul3A_819, %add3A_820 : i32
      %get3A_822 = arith.index_cast %add3A_821 : i32 to index
      %get3A_823 = tpu.vector_load %arg6[%get3A_822] {strides = array<i32>} : memref<32768xf32, #tpu.memory_space<vmem>>, vector<16xf32>,
      %get3A_824 = arith.index_cast %add3A_821 : i32 to index
      %get3A_825 = tpu.vector_load %arg7[%get3A_824] {strides = array<i32>} : memref<32768xf32, #tpu.memory_space<vmem>>, vector<16xf32>,
      %get3A_826 = arith.index_cast %add3A_821 : i32 to index
      %get3A_827 = tpu.vector_load %arg8[%get3A_826] {strides = array<i32>} : memref<32768xf32, #tpu.memory_space<vmem>>, vector<16xf32>,
      %add3A_828 = arith.addf %get3A_823, %get3A_825 : vector<16xf32>
      %mul3A_829 = arith.mulf %add3A_828, %get3A_827 : vector<16xf32>
      %add3A_830 = arith.addf %add3A_815, %mul3A_829 : vector<16xf32>
      %add3A_831 = arith.constant 10 : i32
      %add3A_832 = arith.addi %mul3A_161, %add3A_831 : i32
      %mul3A_833 = arith.constant 64 : i32
      %mul3A_834 = arith.muli %add3A_832, %mul3A_833 : i32
      %add3A_835 = arith.constant 32 : i32
      %add3A_836 = arith.addi %mul3A_834, %add3A_835 : i32
      %get3A_837 = arith.index_cast %add3A_836 : i32 to index
      %get3A_838 = tpu.vector_load %arg6[%get3A_837] {strides = array<i32>} : memref<32768xf32, #tpu.memory_space<vmem>>, vector<16xf32>,
      %get3A_839 = arith.index_cast %add3A_836 : i32 to index
      %get3A_840 = tpu.vector_load %arg7[%get3A_839] {strides = array<i32>} : memref<32768xf32, #tpu.memory_space<vmem>>, vector<16xf32>,
      %get3A_841 = arith.index_cast %add3A_836 : i32 to index
      %get3A_842 = tpu.vector_load %arg8[%get3A_841] {strides = array<i32>} : memref<32768xf32, #tpu.memory_space<vmem>>, vector<16xf32>,
      %add3A_843 = arith.addf %get3A_838, %get3A_840 : vector<16xf32>
      %mul3A_844 = arith.mulf %add3A_843, %get3A_842 : vector<16xf32>
      %add3A_845 = arith.addf %add3A_830, %mul3A_844 : vector<16xf32>
      %add3A_846 = arith.constant 10 : i32
      %add3A_847 = arith.addi %mul3A_161, %add3A_846 : i32
      %mul3A_848 = arith.constant 64 : i32
      %mul3A_849 = arith.muli %add3A_847, %mul3A_848 : i32
      %add3A_850 = arith.constant 48 : i32
      %add3A_851 = arith.addi %mul3A_849, %add3A_850 : i32
      %get3A_852 = arith.index_cast %add3A_851 : i32 to index
      %get3A_853 = tpu.vector_load %arg6[%get3A_852] {strides = array<i32>} : memref<32768xf32, #tpu.memory_space<vmem>>, vector<16xf32>,
      %get3A_854 = arith.index_cast %add3A_851 : i32 to index
      %get3A_855 = tpu.vector_load %arg7[%get3A_854] {strides = array<i32>} : memref<32768xf32, #tpu.memory_space<vmem>>, vector<16xf32>,
      %get3A_856 = arith.index_cast %add3A_851 : i32 to index
      %get3A_857 = tpu.vector_load %arg8[%get3A_856] {strides = array<i32>} : memref<32768xf32, #tpu.memory_space<vmem>>, vector<16xf32>,
      %add3A_858 = arith.addf %get3A_853, %get3A_855 : vector<16xf32>
      %mul3A_859 = arith.mulf %add3A_858, %get3A_857 : vector<16xf32>
      %add3A_860 = arith.addf %add3A_845, %mul3A_859 : vector<16xf32>
      %swap3A_861 = arith.constant 170 : index
      %swap3A_862 = tpu.vector_load %arg9[%swap3A_861] {strides = array<i32>} : memref<272xf32, #tpu.memory_space<vmem>>, vector<16xf32>,
      tpu.vector_store %arg9[%swap3A_861], %add3A_860 {strides = array<i32>} : memref<272xf32, #tpu.memory_space<vmem>>, vector<16xf32>,
      %broadcast_in_dim3A_863 = arith.constant 0.000000e+00 : f32
      %broadcast_in_dim3A_864 = vector.broadcast %broadcast_in_dim3A_863 : f32 to vector<16xf32>
      %add3A_865 = arith.constant 11 : i32
      %add3A_866 = arith.addi %mul3A_161, %add3A_865 : i32
      %mul3A_867 = arith.constant 64 : i32
      %mul3A_868 = arith.muli %add3A_866, %mul3A_867 : i32
      %add3A_869 = arith.constant 0 : i32
      %add3A_870 = arith.addi %mul3A_868, %add3A_869 : i32
      %get3A_871 = arith.index_cast %add3A_870 : i32 to index
      %get3A_872 = tpu.vector_load %arg6[%get3A_871] {strides = array<i32>} : memref<32768xf32, #tpu.memory_space<vmem>>, vector<16xf32>,
      %get3A_873 = arith.index_cast %add3A_870 : i32 to index
      %get3A_874 = tpu.vector_load %arg7[%get3A_873] {strides = array<i32>} : memref<32768xf32, #tpu.memory_space<vmem>>, vector<16xf32>,
      %get3A_875 = arith.index_cast %add3A_870 : i32 to index
      %get3A_876 = tpu.vector_load %arg8[%get3A_875] {strides = array<i32>} : memref<32768xf32, #tpu.memory_space<vmem>>, vector<16xf32>,
      %add3A_877 = arith.addf %get3A_872, %get3A_874 : vector<16xf32>
      %mul3A_878 = arith.mulf %add3A_877, %get3A_876 : vector<16xf32>
      %add3A_879 = arith.addf %broadcast_in_dim3A_864, %mul3A_878 : vector<16xf32>
      %add3A_880 = arith.constant 11 : i32
      %add3A_881 = arith.addi %mul3A_161, %add3A_880 : i32
      %mul3A_882 = arith.constant 64 : i32
      %mul3A_883 = arith.muli %add3A_881, %mul3A_882 : i32
      %add3A_884 = arith.constant 16 : i32
      %add3A_885 = arith.addi %mul3A_883, %add3A_884 : i32
      %get3A_886 = arith.index_cast %add3A_885 : i32 to index
      %get3A_887 = tpu.vector_load %arg6[%get3A_886] {strides = array<i32>} : memref<32768xf32, #tpu.memory_space<vmem>>, vector<16xf32>,
      %get3A_888 = arith.index_cast %add3A_885 : i32 to index
      %get3A_889 = tpu.vector_load %arg7[%get3A_888] {strides = array<i32>} : memref<32768xf32, #tpu.memory_space<vmem>>, vector<16xf32>,
      %get3A_890 = arith.index_cast %add3A_885 : i32 to index
      %get3A_891 = tpu.vector_load %arg8[%get3A_890] {strides = array<i32>} : memref<32768xf32, #tpu.memory_space<vmem>>, vector<16xf32>,
      %add3A_892 = arith.addf %get3A_887, %get3A_889 : vector<16xf32>
      %mul3A_893 = arith.mulf %add3A_892, %get3A_891 : vector<16xf32>
      %add3A_894 = arith.addf %add3A_879, %mul3A_893 : vector<16xf32>
      %add3A_895 = arith.constant 11 : i32
      %add3A_896 = arith.addi %mul3A_161, %add3A_895 : i32
      %mul3A_897 = arith.constant 64 : i32
      %mul3A_898 = arith.muli %add3A_896, %mul3A_897 : i32
      %add3A_899 = arith.constant 32 : i32
      %add3A_900 = arith.addi %mul3A_898, %add3A_899 : i32
      %get3A_901 = arith.index_cast %add3A_900 : i32 to index
      %get3A_902 = tpu.vector_load %arg6[%get3A_901] {strides = array<i32>} : memref<32768xf32, #tpu.memory_space<vmem>>, vector<16xf32>,
      %get3A_903 = arith.index_cast %add3A_900 : i32 to index
      %get3A_904 = tpu.vector_load %arg7[%get3A_903] {strides = array<i32>} : memref<32768xf32, #tpu.memory_space<vmem>>, vector<16xf32>,
      %get3A_905 = arith.index_cast %add3A_900 : i32 to index
      %get3A_906 = tpu.vector_load %arg8[%get3A_905] {strides = array<i32>} : memref<32768xf32, #tpu.memory_space<vmem>>, vector<16xf32>,
      %add3A_907 = arith.addf %get3A_902, %get3A_904 : vector<16xf32>
      %mul3A_908 = arith.mulf %add3A_907, %get3A_906 : vector<16xf32>
      %add3A_909 = arith.addf %add3A_894, %mul3A_908 : vector<16xf32>
      %add3A_910 = arith.constant 11 : i32
      %add3A_911 = arith.addi %mul3A_161, %add3A_910 : i32
      %mul3A_912 = arith.constant 64 : i32
      %mul3A_913 = arith.muli %add3A_911, %mul3A_912 : i32
      %add3A_914 = arith.constant 48 : i32
      %add3A_915 = arith.addi %mul3A_913, %add3A_914 : i32
      %get3A_916 = arith.index_cast %add3A_915 : i32 to index
      %get3A_917 = tpu.vector_load %arg6[%get3A_916] {strides = array<i32>} : memref<32768xf32, #tpu.memory_space<vmem>>, vector<16xf32>,
      %get3A_918 = arith.index_cast %add3A_915 : i32 to index
      %get3A_919 = tpu.vector_load %arg7[%get3A_918] {strides = array<i32>} : memref<32768xf32, #tpu.memory_space<vmem>>, vector<16xf32>,
      %get3A_920 = arith.index_cast %add3A_915 : i32 to index
      %get3A_921 = tpu.vector_load %arg8[%get3A_920] {strides = array<i32>} : memref<32768xf32, #tpu.memory_space<vmem>>, vector<16xf32>,
      %add3A_922 = arith.addf %get3A_917, %get3A_919 : vector<16xf32>
      %mul3A_923 = arith.mulf %add3A_922, %get3A_921 : vector<16xf32>
      %add3A_924 = arith.addf %add3A_909, %mul3A_923 : vector<16xf32>
      %swap3A_925 = arith.constant 187 : index
      %swap3A_926 = tpu.vector_load %arg9[%swap3A_925] {strides = array<i32>} : memref<272xf32, #tpu.memory_space<vmem>>, vector<16xf32>,
      tpu.vector_store %arg9[%swap3A_925], %add3A_924 {strides = array<i32>} : memref<272xf32, #tpu.memory_space<vmem>>, vector<16xf32>,
      %broadcast_in_dim3A_927 = arith.constant 0.000000e+00 : f32
      %broadcast_in_dim3A_928 = vector.broadcast %broadcast_in_dim3A_927 : f32 to vector<16xf32>
      %add3A_929 = arith.constant 12 : i32
      %add3A_930 = arith.addi %mul3A_161, %add3A_929 : i32
      %mul3A_931 = arith.constant 64 : i32
      %mul3A_932 = arith.muli %add3A_930, %mul3A_931 : i32
      %add3A_933 = arith.constant 0 : i32
      %add3A_934 = arith.addi %mul3A_932, %add3A_933 : i32
      %get3A_935 = arith.index_cast %add3A_934 : i32 to index
      %get3A_936 = tpu.vector_load %arg6[%get3A_935] {strides = array<i32>} : memref<32768xf32, #tpu.memory_space<vmem>>, vector<16xf32>,
      %get3A_937 = arith.index_cast %add3A_934 : i32 to index
      %get3A_938 = tpu.vector_load %arg7[%get3A_937] {strides = array<i32>} : memref<32768xf32, #tpu.memory_space<vmem>>, vector<16xf32>,
      %get3A_939 = arith.index_cast %add3A_934 : i32 to index
      %get3A_940 = tpu.vector_load %arg8[%get3A_939] {strides = array<i32>} : memref<32768xf32, #tpu.memory_space<vmem>>, vector<16xf32>,
      %add3A_941 = arith.addf %get3A_936, %get3A_938 : vector<16xf32>
      %mul3A_942 = arith.mulf %add3A_941, %get3A_940 : vector<16xf32>
      %add3A_943 = arith.addf %broadcast_in_dim3A_928, %mul3A_942 : vector<16xf32>
      %add3A_944 = arith.constant 12 : i32
      %add3A_945 = arith.addi %mul3A_161, %add3A_944 : i32
      %mul3A_946 = arith.constant 64 : i32
      %mul3A_947 = arith.muli %add3A_945, %mul3A_946 : i32
      %add3A_948 = arith.constant 16 : i32
      %add3A_949 = arith.addi %mul3A_947, %add3A_948 : i32
      %get3A_950 = arith.index_cast %add3A_949 : i32 to index
      %get3A_951 = tpu.vector_load %arg6[%get3A_950] {strides = array<i32>} : memref<32768xf32, #tpu.memory_space<vmem>>, vector<16xf32>,
      %get3A_952 = arith.index_cast %add3A_949 : i32 to index
      %get3A_953 = tpu.vector_load %arg7[%get3A_952] {strides = array<i32>} : memref<32768xf32, #tpu.memory_space<vmem>>, vector<16xf32>,
      %get3A_954 = arith.index_cast %add3A_949 : i32 to index
      %get3A_955 = tpu.vector_load %arg8[%get3A_954] {strides = array<i32>} : memref<32768xf32, #tpu.memory_space<vmem>>, vector<16xf32>,
      %add3A_956 = arith.addf %get3A_951, %get3A_953 : vector<16xf32>
      %mul3A_957 = arith.mulf %add3A_956, %get3A_955 : vector<16xf32>
      %add3A_958 = arith.addf %add3A_943, %mul3A_957 : vector<16xf32>
      %add3A_959 = arith.constant 12 : i32
      %add3A_960 = arith.addi %mul3A_161, %add3A_959 : i32
      %mul3A_961 = arith.constant 64 : i32
      %mul3A_962 = arith.muli %add3A_960, %mul3A_961 : i32
      %add3A_963 = arith.constant 32 : i32
      %add3A_964 = arith.addi %mul3A_962, %add3A_963 : i32
      %get3A_965 = arith.index_cast %add3A_964 : i32 to index
      %get3A_966 = tpu.vector_load %arg6[%get3A_965] {strides = array<i32>} : memref<32768xf32, #tpu.memory_space<vmem>>, vector<16xf32>,
      %get3A_967 = arith.index_cast %add3A_964 : i32 to index
      %get3A_968 = tpu.vector_load %arg7[%get3A_967] {strides = array<i32>} : memref<32768xf32, #tpu.memory_space<vmem>>, vector<16xf32>,
      %get3A_969 = arith.index_cast %add3A_964 : i32 to index
      %get3A_970 = tpu.vector_load %arg8[%get3A_969] {strides = array<i32>} : memref<32768xf32, #tpu.memory_space<vmem>>, vector<16xf32>,
      %add3A_971 = arith.addf %get3A_966, %get3A_968 : vector<16xf32>
      %mul3A_972 = arith.mulf %add3A_971, %get3A_970 : vector<16xf32>
      %add3A_973 = arith.addf %add3A_958, %mul3A_972 : vector<16xf32>
      %add3A_974 = arith.constant 12 : i32
      %add3A_975 = arith.addi %mul3A_161, %add3A_974 : i32
      %mul3A_976 = arith.constant 64 : i32
      %mul3A_977 = arith.muli %add3A_975, %mul3A_976 : i32
      %add3A_978 = arith.constant 48 : i32
      %add3A_979 = arith.addi %mul3A_977, %add3A_978 : i32
      %get3A_980 = arith.index_cast %add3A_979 : i32 to index
      %get3A_981 = tpu.vector_load %arg6[%get3A_980] {strides = array<i32>} : memref<32768xf32, #tpu.memory_space<vmem>>, vector<16xf32>,
      %get3A_982 = arith.index_cast %add3A_979 : i32 to index
      %get3A_983 = tpu.vector_load %arg7[%get3A_982] {strides = array<i32>} : memref<32768xf32, #tpu.memory_space<vmem>>, vector<16xf32>,
      %get3A_984 = arith.index_cast %add3A_979 : i32 to index
      %get3A_985 = tpu.vector_load %arg8[%get3A_984] {strides = array<i32>} : memref<32768xf32, #tpu.memory_space<vmem>>, vector<16xf32>,
      %add3A_986 = arith.addf %get3A_981, %get3A_983 : vector<16xf32>
      %mul3A_987 = arith.mulf %add3A_986, %get3A_985 : vector<16xf32>
      %add3A_988 = arith.addf %add3A_973, %mul3A_987 : vector<16xf32>
      %swap3A_989 = arith.constant 204 : index
      %swap3A_990 = tpu.vector_load %arg9[%swap3A_989] {strides = array<i32>} : memref<272xf32, #tpu.memory_space<vmem>>, vector<16xf32>,
      tpu.vector_store %arg9[%swap3A_989], %add3A_988 {strides = array<i32>} : memref<272xf32, #tpu.memory_space<vmem>>, vector<16xf32>,
      %broadcast_in_dim3A_991 = arith.constant 0.000000e+00 : f32
      %broadcast_in_dim3A_992 = vector.broadcast %broadcast_in_dim3A_991 : f32 to vector<16xf32>
      %add3A_993 = arith.constant 13 : i32
      %add3A_994 = arith.addi %mul3A_161, %add3A_993 : i32
      %mul3A_995 = arith.constant 64 : i32
      %mul3A_996 = arith.muli %add3A_994, %mul3A_995 : i32
      %add3A_997 = arith.constant 0 : i32
      %add3A_998 = arith.addi %mul3A_996, %add3A_997 : i32
      %get3A_999 = arith.index_cast %add3A_998 : i32 to index
      %get3A_1000 = tpu.vector_load %arg6[%get3A_999] {strides = array<i32>} : memref<32768xf32, #tpu.memory_space<vmem>>, vector<16xf32>,
      %get3A_1001 = arith.index_cast %add3A_998 : i32 to index
      %get3A_1002 = tpu.vector_load %arg7[%get3A_1001] {strides = array<i32>} : memref<32768xf32, #tpu.memory_space<vmem>>, vector<16xf32>,
      %get3A_1003 = arith.index_cast %add3A_998 : i32 to index
      %get3A_1004 = tpu.vector_load %arg8[%get3A_1003] {strides = array<i32>} : memref<32768xf32, #tpu.memory_space<vmem>>, vector<16xf32>,
      %add3A_1005 = arith.addf %get3A_1000, %get3A_1002 : vector<16xf32>
      %mul3A_1006 = arith.mulf %add3A_1005, %get3A_1004 : vector<16xf32>
      %add3A_1007 = arith.addf %broadcast_in_dim3A_992, %mul3A_1006 : vector<16xf32>
      %add3A_1008 = arith.constant 13 : i32
      %add3A_1009 = arith.addi %mul3A_161, %add3A_1008 : i32
      %mul3A_1010 = arith.constant 64 : i32
      %mul3A_1011 = arith.muli %add3A_1009, %mul3A_1010 : i32
      %add3A_1012 = arith.constant 16 : i32
      %add3A_1013 = arith.addi %mul3A_1011, %add3A_1012 : i32
      %get3A_1014 = arith.index_cast %add3A_1013 : i32 to index
      %get3A_1015 = tpu.vector_load %arg6[%get3A_1014] {strides = array<i32>} : memref<32768xf32, #tpu.memory_space<vmem>>, vector<16xf32>,
      %get3A_1016 = arith.index_cast %add3A_1013 : i32 to index
      %get3A_1017 = tpu.vector_load %arg7[%get3A_1016] {strides = array<i32>} : memref<32768xf32, #tpu.memory_space<vmem>>, vector<16xf32>,
      %get3A_1018 = arith.index_cast %add3A_1013 : i32 to index
      %get3A_1019 = tpu.vector_load %arg8[%get3A_1018] {strides = array<i32>} : memref<32768xf32, #tpu.memory_space<vmem>>, vector<16xf32>,
      %add3A_1020 = arith.addf %get3A_1015, %get3A_1017 : vector<16xf32>
      %mul3A_1021 = arith.mulf %add3A_1020, %get3A_1019 : vector<16xf32>
      %add3A_1022 = arith.addf %add3A_1007, %mul3A_1021 : vector<16xf32>
      %add3A_1023 = arith.constant 13 : i32
      %add3A_1024 = arith.addi %mul3A_161, %add3A_1023 : i32
      %mul3A_1025 = arith.constant 64 : i32
      %mul3A_1026 = arith.muli %add3A_1024, %mul3A_1025 : i32
      %add3A_1027 = arith.constant 32 : i32
      %add3A_1028 = arith.addi %mul3A_1026, %add3A_1027 : i32
      %get3A_1029 = arith.index_cast %add3A_1028 : i32 to index
      %get3A_1030 = tpu.vector_load %arg6[%get3A_1029] {strides = array<i32>} : memref<32768xf32, #tpu.memory_space<vmem>>, vector<16xf32>,
      %get3A_1031 = arith.index_cast %add3A_1028 : i32 to index
      %get3A_1032 = tpu.vector_load %arg7[%get3A_1031] {strides = array<i32>} : memref<32768xf32, #tpu.memory_space<vmem>>, vector<16xf32>,
      %get3A_1033 = arith.index_cast %add3A_1028 : i32 to index
      %get3A_1034 = tpu.vector_load %arg8[%get3A_1033] {strides = array<i32>} : memref<32768xf32, #tpu.memory_space<vmem>>, vector<16xf32>,
      %add3A_1035 = arith.addf %get3A_1030, %get3A_1032 : vector<16xf32>
      %mul3A_1036 = arith.mulf %add3A_1035, %get3A_1034 : vector<16xf32>
      %add3A_1037 = arith.addf %add3A_1022, %mul3A_1036 : vector<16xf32>
      %add3A_1038 = arith.constant 13 : i32
      %add3A_1039 = arith.addi %mul3A_161, %add3A_1038 : i32
      %mul3A_1040 = arith.constant 64 : i32
      %mul3A_1041 = arith.muli %add3A_1039, %mul3A_1040 : i32
      %add3A_1042 = arith.constant 48 : i32
      %add3A_1043 = arith.addi %mul3A_1041, %add3A_1042 : i32
      %get3A_1044 = arith.index_cast %add3A_1043 : i32 to index
      %get3A_1045 = tpu.vector_load %arg6[%get3A_1044] {strides = array<i32>} : memref<32768xf32, #tpu.memory_space<vmem>>, vector<16xf32>,
      %get3A_1046 = arith.index_cast %add3A_1043 : i32 to index
      %get3A_1047 = tpu.vector_load %arg7[%get3A_1046] {strides = array<i32>} : memref<32768xf32, #tpu.memory_space<vmem>>, vector<16xf32>,
      %get3A_1048 = arith.index_cast %add3A_1043 : i32 to index
      %get3A_1049 = tpu.vector_load %arg8[%get3A_1048] {strides = array<i32>} : memref<32768xf32, #tpu.memory_space<vmem>>, vector<16xf32>,
      %add3A_1050 = arith.addf %get3A_1045, %get3A_1047 : vector<16xf32>
      %mul3A_1051 = arith.mulf %add3A_1050, %get3A_1049 : vector<16xf32>
      %add3A_1052 = arith.addf %add3A_1037, %mul3A_1051 : vector<16xf32>
      %swap3A_1053 = arith.constant 221 : index
      %swap3A_1054 = tpu.vector_load %arg9[%swap3A_1053] {strides = array<i32>} : memref<272xf32, #tpu.memory_space<vmem>>, vector<16xf32>,
      tpu.vector_store %arg9[%swap3A_1053], %add3A_1052 {strides = array<i32>} : memref<272xf32, #tpu.memory_space<vmem>>, vector<16xf32>,
      %broadcast_in_dim3A_1055 = arith.constant 0.000000e+00 : f32
      %broadcast_in_dim3A_1056 = vector.broadcast %broadcast_in_dim3A_1055 : f32 to vector<16xf32>
      %add3A_1057 = arith.constant 14 : i32
      %add3A_1058 = arith.addi %mul3A_161, %add3A_1057 : i32
      %mul3A_1059 = arith.constant 64 : i32
      %mul3A_1060 = arith.muli %add3A_1058, %mul3A_1059 : i32
      %add3A_1061 = arith.constant 0 : i32
      %add3A_1062 = arith.addi %mul3A_1060, %add3A_1061 : i32
      %get3A_1063 = arith.index_cast %add3A_1062 : i32 to index
      %get3A_1064 = tpu.vector_load %arg6[%get3A_1063] {strides = array<i32>} : memref<32768xf32, #tpu.memory_space<vmem>>, vector<16xf32>,
      %get3A_1065 = arith.index_cast %add3A_1062 : i32 to index
      %get3A_1066 = tpu.vector_load %arg7[%get3A_1065] {strides = array<i32>} : memref<32768xf32, #tpu.memory_space<vmem>>, vector<16xf32>,
      %get3A_1067 = arith.index_cast %add3A_1062 : i32 to index
      %get3A_1068 = tpu.vector_load %arg8[%get3A_1067] {strides = array<i32>} : memref<32768xf32, #tpu.memory_space<vmem>>, vector<16xf32>,
      %add3A_1069 = arith.addf %get3A_1064, %get3A_1066 : vector<16xf32>
      %mul3A_1070 = arith.mulf %add3A_1069, %get3A_1068 : vector<16xf32>
      %add3A_1071 = arith.addf %broadcast_in_dim3A_1056, %mul3A_1070 : vector<16xf32>
      %add3A_1072 = arith.constant 14 : i32
      %add3A_1073 = arith.addi %mul3A_161, %add3A_1072 : i32
      %mul3A_1074 = arith.constant 64 : i32
      %mul3A_1075 = arith.muli %add3A_1073, %mul3A_1074 : i32
      %add3A_1076 = arith.constant 16 : i32
      %add3A_1077 = arith.addi %mul3A_1075, %add3A_1076 : i32
      %get3A_1078 = arith.index_cast %add3A_1077 : i32 to index
      %get3A_1079 = tpu.vector_load %arg6[%get3A_1078] {strides = array<i32>} : memref<32768xf32, #tpu.memory_space<vmem>>, vector<16xf32>,
      %get3A_1080 = arith.index_cast %add3A_1077 : i32 to index
      %get3A_1081 = tpu.vector_load %arg7[%get3A_1080] {strides = array<i32>} : memref<32768xf32, #tpu.memory_space<vmem>>, vector<16xf32>,
      %get3A_1082 = arith.index_cast %add3A_1077 : i32 to index
      %get3A_1083 = tpu.vector_load %arg8[%get3A_1082] {strides = array<i32>} : memref<32768xf32, #tpu.memory_space<vmem>>, vector<16xf32>,
      %add3A_1084 = arith.addf %get3A_1079, %get3A_1081 : vector<16xf32>
      %mul3A_1085 = arith.mulf %add3A_1084, %get3A_1083 : vector<16xf32>
      %add3A_1086 = arith.addf %add3A_1071, %mul3A_1085 : vector<16xf32>
      %add3A_1087 = arith.constant 14 : i32
      %add3A_1088 = arith.addi %mul3A_161, %add3A_1087 : i32
      %mul3A_1089 = arith.constant 64 : i32
      %mul3A_1090 = arith.muli %add3A_1088, %mul3A_1089 : i32
      %add3A_1091 = arith.constant 32 : i32
      %add3A_1092 = arith.addi %mul3A_1090, %add3A_1091 : i32
      %get3A_1093 = arith.index_cast %add3A_1092 : i32 to index
      %get3A_1094 = tpu.vector_load %arg6[%get3A_1093] {strides = array<i32>} : memref<32768xf32, #tpu.memory_space<vmem>>, vector<16xf32>,
      %get3A_1095 = arith.index_cast %add3A_1092 : i32 to index
      %get3A_1096 = tpu.vector_load %arg7[%get3A_1095] {strides = array<i32>} : memref<32768xf32, #tpu.memory_space<vmem>>, vector<16xf32>,
      %get3A_1097 = arith.index_cast %add3A_1092 : i32 to index
      %get3A_1098 = tpu.vector_load %arg8[%get3A_1097] {strides = array<i32>} : memref<32768xf32, #tpu.memory_space<vmem>>, vector<16xf32>,
      %add3A_1099 = arith.addf %get3A_1094, %get3A_1096 : vector<16xf32>
      %mul3A_1100 = arith.mulf %add3A_1099, %get3A_1098 : vector<16xf32>
      %add3A_1101 = arith.addf %add3A_1086, %mul3A_1100 : vector<16xf32>
      %add3A_1102 = arith.constant 14 : i32
      %add3A_1103 = arith.addi %mul3A_161, %add3A_1102 : i32
      %mul3A_1104 = arith.constant 64 : i32
      %mul3A_1105 = arith.muli %add3A_1103, %mul3A_1104 : i32
      %add3A_1106 = arith.constant 48 : i32
      %add3A_1107 = arith.addi %mul3A_1105, %add3A_1106 : i32
      %get3A_1108 = arith.index_cast %add3A_1107 : i32 to index
      %get3A_1109 = tpu.vector_load %arg6[%get3A_1108] {strides = array<i32>} : memref<32768xf32, #tpu.memory_space<vmem>>, vector<16xf32>,
      %get3A_1110 = arith.index_cast %add3A_1107 : i32 to index
      %get3A_1111 = tpu.vector_load %arg7[%get3A_1110] {strides = array<i32>} : memref<32768xf32, #tpu.memory_space<vmem>>, vector<16xf32>,
      %get3A_1112 = arith.index_cast %add3A_1107 : i32 to index
      %get3A_1113 = tpu.vector_load %arg8[%get3A_1112] {strides = array<i32>} : memref<32768xf32, #tpu.memory_space<vmem>>, vector<16xf32>,
      %add3A_1114 = arith.addf %get3A_1109, %get3A_1111 : vector<16xf32>
      %mul3A_1115 = arith.mulf %add3A_1114, %get3A_1113 : vector<16xf32>
      %add3A_1116 = arith.addf %add3A_1101, %mul3A_1115 : vector<16xf32>
      %swap3A_1117 = arith.constant 238 : index
      %swap3A_1118 = tpu.vector_load %arg9[%swap3A_1117] {strides = array<i32>} : memref<272xf32, #tpu.memory_space<vmem>>, vector<16xf32>,
      tpu.vector_store %arg9[%swap3A_1117], %add3A_1116 {strides = array<i32>} : memref<272xf32, #tpu.memory_space<vmem>>, vector<16xf32>,
      %broadcast_in_dim3A_1119 = arith.constant 0.000000e+00 : f32
      %broadcast_in_dim3A_1120 = vector.broadcast %broadcast_in_dim3A_1119 : f32 to vector<16xf32>
      %add3A_1121 = arith.constant 15 : i32
      %add3A_1122 = arith.addi %mul3A_161, %add3A_1121 : i32
      %mul3A_1123 = arith.constant 64 : i32
      %mul3A_1124 = arith.muli %add3A_1122, %mul3A_1123 : i32
      %add3A_1125 = arith.constant 0 : i32
      %add3A_1126 = arith.addi %mul3A_1124, %add3A_1125 : i32
      %get3A_1127 = arith.index_cast %add3A_1126 : i32 to index
      %get3A_1128 = tpu.vector_load %arg6[%get3A_1127] {strides = array<i32>} : memref<32768xf32, #tpu.memory_space<vmem>>, vector<16xf32>,
      %get3A_1129 = arith.index_cast %add3A_1126 : i32 to index
      %get3A_1130 = tpu.vector_load %arg7[%get3A_1129] {strides = array<i32>} : memref<32768xf32, #tpu.memory_space<vmem>>, vector<16xf32>,
      %get3A_1131 = arith.index_cast %add3A_1126 : i32 to index
      %get3A_1132 = tpu.vector_load %arg8[%get3A_1131] {strides = array<i32>} : memref<32768xf32, #tpu.memory_space<vmem>>, vector<16xf32>,
      %add3A_1133 = arith.addf %get3A_1128, %get3A_1130 : vector<16xf32>
      %mul3A_1134 = arith.mulf %add3A_1133, %get3A_1132 : vector<16xf32>
      %add3A_1135 = arith.addf %broadcast_in_dim3A_1120, %mul3A_1134 : vector<16xf32>
      %add3A_1136 = arith.constant 15 : i32
      %add3A_1137 = arith.addi %mul3A_161, %add3A_1136 : i32
      %mul3A_1138 = arith.constant 64 : i32
      %mul3A_1139 = arith.muli %add3A_1137, %mul3A_1138 : i32
      %add3A_1140 = arith.constant 16 : i32
      %add3A_1141 = arith.addi %mul3A_1139, %add3A_1140 : i32
      %get3A_1142 = arith.index_cast %add3A_1141 : i32 to index
      %get3A_1143 = tpu.vector_load %arg6[%get3A_1142] {strides = array<i32>} : memref<32768xf32, #tpu.memory_space<vmem>>, vector<16xf32>,
      %get3A_1144 = arith.index_cast %add3A_1141 : i32 to index
      %get3A_1145 = tpu.vector_load %arg7[%get3A_1144] {strides = array<i32>} : memref<32768xf32, #tpu.memory_space<vmem>>, vector<16xf32>,
      %get3A_1146 = arith.index_cast %add3A_1141 : i32 to index
      %get3A_1147 = tpu.vector_load %arg8[%get3A_1146] {strides = array<i32>} : memref<32768xf32, #tpu.memory_space<vmem>>, vector<16xf32>,
      %add3A_1148 = arith.addf %get3A_1143, %get3A_1145 : vector<16xf32>
      %mul3A_1149 = arith.mulf %add3A_1148, %get3A_1147 : vector<16xf32>
      %add3A_1150 = arith.addf %add3A_1135, %mul3A_1149 : vector<16xf32>
      %add3A_1151 = arith.constant 15 : i32
      %add3A_1152 = arith.addi %mul3A_161, %add3A_1151 : i32
      %mul3A_1153 = arith.constant 64 : i32
      %mul3A_1154 = arith.muli %add3A_1152, %mul3A_1153 : i32
      %add3A_1155 = arith.constant 32 : i32
      %add3A_1156 = arith.addi %mul3A_1154, %add3A_1155 : i32
      %get3A_1157 = arith.index_cast %add3A_1156 : i32 to index
      %get3A_1158 = tpu.vector_load %arg6[%get3A_1157] {strides = array<i32>} : memref<32768xf32, #tpu.memory_space<vmem>>, vector<16xf32>,
      %get3A_1159 = arith.index_cast %add3A_1156 : i32 to index
      %get3A_1160 = tpu.vector_load %arg7[%get3A_1159] {strides = array<i32>} : memref<32768xf32, #tpu.memory_space<vmem>>, vector<16xf32>,
      %get3A_1161 = arith.index_cast %add3A_1156 : i32 to index
      %get3A_1162 = tpu.vector_load %arg8[%get3A_1161] {strides = array<i32>} : memref<32768xf32, #tpu.memory_space<vmem>>, vector<16xf32>,
      %add3A_1163 = arith.addf %get3A_1158, %get3A_1160 : vector<16xf32>
      %mul3A_1164 = arith.mulf %add3A_1163, %get3A_1162 : vector<16xf32>
      %add3A_1165 = arith.addf %add3A_1150, %mul3A_1164 : vector<16xf32>
      %add3A_1166 = arith.constant 15 : i32
      %add3A_1167 = arith.addi %mul3A_161, %add3A_1166 : i32
      %mul3A_1168 = arith.constant 64 : i32
      %mul3A_1169 = arith.muli %add3A_1167, %mul3A_1168 : i32
      %add3A_1170 = arith.constant 48 : i32
      %add3A_1171 = arith.addi %mul3A_1169, %add3A_1170 : i32
      %get3A_1172 = arith.index_cast %add3A_1171 : i32 to index
      %get3A_1173 = tpu.vector_load %arg6[%get3A_1172] {strides = array<i32>} : memref<32768xf32, #tpu.memory_space<vmem>>, vector<16xf32>,
      %get3A_1174 = arith.index_cast %add3A_1171 : i32 to index
      %get3A_1175 = tpu.vector_load %arg7[%get3A_1174] {strides = array<i32>} : memref<32768xf32, #tpu.memory_space<vmem>>, vector<16xf32>,
      %get3A_1176 = arith.index_cast %add3A_1171 : i32 to index
      %get3A_1177 = tpu.vector_load %arg8[%get3A_1176] {strides = array<i32>} : memref<32768xf32, #tpu.memory_space<vmem>>, vector<16xf32>,
      %add3A_1178 = arith.addf %get3A_1173, %get3A_1175 : vector<16xf32>
      %mul3A_1179 = arith.mulf %add3A_1178, %get3A_1177 : vector<16xf32>
      %add3A_1180 = arith.addf %add3A_1165, %mul3A_1179 : vector<16xf32>
      %swap3A_1181 = arith.constant 255 : index
      %swap3A_1182 = tpu.vector_load %arg9[%swap3A_1181] {strides = array<i32>} : memref<272xf32, #tpu.memory_space<vmem>>, vector<16xf32>,
      tpu.vector_store %arg9[%swap3A_1181], %add3A_1180 {strides = array<i32>} : memref<272xf32, #tpu.memory_space<vmem>>, vector<16xf32>,
      %broadcast_in_dim3A_1183 = arith.constant 0.000000e+00 : f32
      %broadcast_in_dim3A_1184 = vector.broadcast %broadcast_in_dim3A_1183 : f32 to vector<16xf32>
      %add3A_1185 = arith.constant 0 : i32
      %add3A_1186 = vector.broadcast %add3A_1185 : i32 to vector<16xi32>
      %add3A_1187 = arith.addi %mul3A_7, %add3A_1186 : vector<16xi32>
      %gather3A = tpu.vector_load_idx %arg9[%add3A_1187] : memref<272xf32, #tpu.memory_space<vmem>>[vector<16xi32>], vector<16xf32>,
      %add3A_1188 = arith.addf %broadcast_in_dim3A_1184, %gather3A : vector<16xf32>
      %add3A_1189 = arith.constant 1 : i32
      %add3A_1190 = vector.broadcast %add3A_1189 : i32 to vector<16xi32>
      %add3A_1191 = arith.addi %mul3A_7, %add3A_1190 : vector<16xi32>
      %gather3A_1192 = tpu.vector_load_idx %arg9[%add3A_1191] : memref<272xf32, #tpu.memory_space<vmem>>[vector<16xi32>], vector<16xf32>,
      %add3A_1193 = arith.addf %add3A_1188, %gather3A_1192 : vector<16xf32>
      %add3A_1194 = arith.constant 2 : i32
      %add3A_1195 = vector.broadcast %add3A_1194 : i32 to vector<16xi32>
      %add3A_1196 = arith.addi %mul3A_7, %add3A_1195 : vector<16xi32>
      %gather3A_1197 = tpu.vector_load_idx %arg9[%add3A_1196] : memref<272xf32, #tpu.memory_space<vmem>>[vector<16xi32>], vector<16xf32>,
      %add3A_1198 = arith.addf %add3A_1193, %gather3A_1197 : vector<16xf32>
      %add3A_1199 = arith.constant 3 : i32
      %add3A_1200 = vector.broadcast %add3A_1199 : i32 to vector<16xi32>
      %add3A_1201 = arith.addi %mul3A_7, %add3A_1200 : vector<16xi32>
      %gather3A_1202 = tpu.vector_load_idx %arg9[%add3A_1201] : memref<272xf32, #tpu.memory_space<vmem>>[vector<16xi32>], vector<16xf32>,
      %add3A_1203 = arith.addf %add3A_1198, %gather3A_1202 : vector<16xf32>
      %add3A_1204 = arith.constant 4 : i32
      %add3A_1205 = vector.broadcast %add3A_1204 : i32 to vector<16xi32>
      %add3A_1206 = arith.addi %mul3A_7, %add3A_1205 : vector<16xi32>
      %gather3A_1207 = tpu.vector_load_idx %arg9[%add3A_1206] : memref<272xf32, #tpu.memory_space<vmem>>[vector<16xi32>], vector<16xf32>,
      %add3A_1208 = arith.addf %add3A_1203, %gather3A_1207 : vector<16xf32>
      %add3A_1209 = arith.constant 5 : i32
      %add3A_1210 = vector.broadcast %add3A_1209 : i32 to vector<16xi32>
      %add3A_1211 = arith.addi %mul3A_7, %add3A_1210 : vector<16xi32>
      %gather3A_1212 = tpu.vector_load_idx %arg9[%add3A_1211] : memref<272xf32, #tpu.memory_space<vmem>>[vector<16xi32>], vector<16xf32>,
      %add3A_1213 = arith.addf %add3A_1208, %gather3A_1212 : vector<16xf32>
      %add3A_1214 = arith.constant 6 : i32
      %add3A_1215 = vector.broadcast %add3A_1214 : i32 to vector<16xi32>
      %add3A_1216 = arith.addi %mul3A_7, %add3A_1215 : vector<16xi32>
      %gather3A_1217 = tpu.vector_load_idx %arg9[%add3A_1216] : memref<272xf32, #tpu.memory_space<vmem>>[vector<16xi32>], vector<16xf32>,
      %add3A_1218 = arith.addf %add3A_1213, %gather3A_1217 : vector<16xf32>
      %add3A_1219 = arith.constant 7 : i32
      %add3A_1220 = vector.broadcast %add3A_1219 : i32 to vector<16xi32>
      %add3A_1221 = arith.addi %mul3A_7, %add3A_1220 : vector<16xi32>
      %gather3A_1222 = tpu.vector_load_idx %arg9[%add3A_1221] : memref<272xf32, #tpu.memory_space<vmem>>[vector<16xi32>], vector<16xf32>,
      %add3A_1223 = arith.addf %add3A_1218, %gather3A_1222 : vector<16xf32>
      %add3A_1224 = arith.constant 8 : i32
      %add3A_1225 = vector.broadcast %add3A_1224 : i32 to vector<16xi32>
      %add3A_1226 = arith.addi %mul3A_7, %add3A_1225 : vector<16xi32>
      %gather3A_1227 = tpu.vector_load_idx %arg9[%add3A_1226] : memref<272xf32, #tpu.memory_space<vmem>>[vector<16xi32>], vector<16xf32>,
      %add3A_1228 = arith.addf %add3A_1223, %gather3A_1227 : vector<16xf32>
      %add3A_1229 = arith.constant 9 : i32
      %add3A_1230 = vector.broadcast %add3A_1229 : i32 to vector<16xi32>
      %add3A_1231 = arith.addi %mul3A_7, %add3A_1230 : vector<16xi32>
      %gather3A_1232 = tpu.vector_load_idx %arg9[%add3A_1231] : memref<272xf32, #tpu.memory_space<vmem>>[vector<16xi32>], vector<16xf32>,
      %add3A_1233 = arith.addf %add3A_1228, %gather3A_1232 : vector<16xf32>
      %add3A_1234 = arith.constant 10 : i32
      %add3A_1235 = vector.broadcast %add3A_1234 : i32 to vector<16xi32>
      %add3A_1236 = arith.addi %mul3A_7, %add3A_1235 : vector<16xi32>
      %gather3A_1237 = tpu.vector_load_idx %arg9[%add3A_1236] : memref<272xf32, #tpu.memory_space<vmem>>[vector<16xi32>], vector<16xf32>,
      %add3A_1238 = arith.addf %add3A_1233, %gather3A_1237 : vector<16xf32>
      %add3A_1239 = arith.constant 11 : i32
      %add3A_1240 = vector.broadcast %add3A_1239 : i32 to vector<16xi32>
      %add3A_1241 = arith.addi %mul3A_7, %add3A_1240 : vector<16xi32>
      %gather3A_1242 = tpu.vector_load_idx %arg9[%add3A_1241] : memref<272xf32, #tpu.memory_space<vmem>>[vector<16xi32>], vector<16xf32>,
      %add3A_1243 = arith.addf %add3A_1238, %gather3A_1242 : vector<16xf32>
      %add3A_1244 = arith.constant 12 : i32
      %add3A_1245 = vector.broadcast %add3A_1244 : i32 to vector<16xi32>
      %add3A_1246 = arith.addi %mul3A_7, %add3A_1245 : vector<16xi32>
      %gather3A_1247 = tpu.vector_load_idx %arg9[%add3A_1246] : memref<272xf32, #tpu.memory_space<vmem>>[vector<16xi32>], vector<16xf32>,
      %add3A_1248 = arith.addf %add3A_1243, %gather3A_1247 : vector<16xf32>
      %add3A_1249 = arith.constant 13 : i32
      %add3A_1250 = vector.broadcast %add3A_1249 : i32 to vector<16xi32>
      %add3A_1251 = arith.addi %mul3A_7, %add3A_1250 : vector<16xi32>
      %gather3A_1252 = tpu.vector_load_idx %arg9[%add3A_1251] : memref<272xf32, #tpu.memory_space<vmem>>[vector<16xi32>], vector<16xf32>,
      %add3A_1253 = arith.addf %add3A_1248, %gather3A_1252 : vector<16xf32>
      %add3A_1254 = arith.constant 14 : i32
      %add3A_1255 = vector.broadcast %add3A_1254 : i32 to vector<16xi32>
      %add3A_1256 = arith.addi %mul3A_7, %add3A_1255 : vector<16xi32>
      %gather3A_1257 = tpu.vector_load_idx %arg9[%add3A_1256] : memref<272xf32, #tpu.memory_space<vmem>>[vector<16xi32>], vector<16xf32>,
      %add3A_1258 = arith.addf %add3A_1253, %gather3A_1257 : vector<16xf32>
      %add3A_1259 = arith.constant 15 : i32
      %add3A_1260 = vector.broadcast %add3A_1259 : i32 to vector<16xi32>
      %add3A_1261 = arith.addi %mul3A_7, %add3A_1260 : vector<16xi32>
      %gather3A_1262 = tpu.vector_load_idx %arg9[%add3A_1261] : memref<272xf32, #tpu.memory_space<vmem>>[vector<16xi32>], vector<16xf32>,
      %add3A_1263 = arith.addf %add3A_1258, %gather3A_1262 : vector<16xf32>
      %mul3A_1264 = arith.constant 5.000000e-01 : f32
      %mul3A_1265 = vector.broadcast %mul3A_1264 : f32 to vector<16xf32>
      %mul3A_1266 = arith.mulf %add3A_1263, %mul3A_1265 : vector<16xf32>
      %swap3A_1267 = arith.index_cast %mul3A_161 : i32 to index
      %swap3A_1268 = tpu.vector_load %arg10[%swap3A_1267] {strides = array<i32>} : memref<512xf32, #tpu.memory_space<vmem>>, vector<16xf32>,
      tpu.vector_store %arg10[%swap3A_1267], %mul3A_1266 {strides = array<i32>} : memref<512xf32, #tpu.memory_space<vmem>>, vector<16xf32>,
      %scan3A_1269 = arith.constant 0 : i32
      scf.yield %scan3A_1269 : i32
    }
    %scan3A_157 = arith.constant 8 : i32
    "tpu.region"() ({
      %run_scoped3A = tpu.sem_alloc : memref<!tpu.dma_semaphore, #tpu.memory_space<semaphore_mem>>
      %dma_start3A = tpu.memref_slice %arg4[%mul3A_2] : memref<16384xf32, #tpu.memory_space<hbm>> -> memref<512xf32, #tpu.memory_space<hbm>>
      %dma_start3A_158 = tpu.memref_slice %arg4[%mul3A_2] : memref<16384xf32, #tpu.memory_space<hbm>> -> memref<512xf32, #tpu.memory_space<hbm>>
      tpu.enqueue_dma source(%arg10 : memref<512xf32, #tpu.memory_space<vmem>>) target(%dma_start3A_158 : memref<512xf32, #tpu.memory_space<hbm>>) target_semaphore(%run_scoped3A : memref<!tpu.dma_semaphore, #tpu.memory_space<semaphore_mem>>)
      %dma_wait3A_159 = tpu.memref_slice %arg4[%mul3A_2] : memref<16384xf32, #tpu.memory_space<hbm>> -> memref<512xf32, #tpu.memory_space<hbm>>
      %dma_wait3A_160 = tpu.memref_slice %arg4[%mul3A_2] : memref<16384xf32, #tpu.memory_space<hbm>> -> memref<512xf32, #tpu.memory_space<hbm>>
      tpu.wait_dma2 semaphore(%run_scoped3A : memref<!tpu.dma_semaphore, #tpu.memory_space<semaphore_mem>>) src(%arg10 : memref<512xf32, #tpu.memory_space<vmem>>) dst(%dma_wait3A_160 : memref<512xf32, #tpu.memory_space<hbm>>)
      tpu.yield
    }) : () -> ()
    return
  }
}

</mosaic_0001>

<sc_bundles>
// kernel: _cbow.3.cloned.1.call-start
scs
__scs_entry_jumppad:
0x0: {  	(pc) =	sbr.rel $0x88, $3  }
0x1: {  	(tag) =	ssettag $0x0;
	lr =	simm.s32 $0x1  }
0x2: {  	[smem:$0x3F9E] =	sst lr;
	_ =	strace $0xD0000000  }
0x3: {  	_ = 	snop  }
0x4: {  	_ = 	snop  }
0x5: {  	_ = 	snop  }
0x6: {  	_ = 	snop  }
0x7: {  	_ = 	snop  }
__scs_overlays_trampoline_lowered:
0x8: {  	[smem:$0x3FAD] =	sst s0  }
0x9: {  	[smem:$0x3FAE] =	sst s1  }
0xa: {  	[smem:$0x3FAF] =	sst s2  }
0xb: {  	[smem:$0x3FB0] =	sst s3  }
0xc: {  	[smem:$0x3FB1] =	sst s4  }
0xd: {  	[smem:$0x3FB2] =	sst s5  }
0xe: {  	[smem:$0x3FB3] =	sst s6  }
0xf: {  	[smem:$0x3FB4] =	sst s7  }
0x10: {  	[smem:$0x3FB5] =	sst s8  }
0x11: {  	[smem:$0x3FB6] =	sst s9;
	s0 =	simm.s32 @!p0 $0x0  }
0x12: {  	s1 =	sld [smem:$0x3F9C];
	s0 =	simm.s32 @p0 $0x1  }
0x13: {  	[smem:$0x3FB7] =	sst s0;
	s0 =	simm.s32 @!p1 $0x0  }
0x14: {  	s2 =	sld [smem:$0x3F9B];
	s0 =	simm.s32 @p1 $0x1  }
0x15: {  	[smem:$0x3FB8] =	sst s0;
	s0 =	simm.s32 @!p2 $0x0  }
0x16: {  	s3 =	sld [smem:$0x3FDB];
	s0 =	simm.s32 @p2 $0x1  }
0x17: {  	s4 =	simm.s32 $0x1BF5;
	[smem:$0x3FBA] =	sst s0  }
0x18: {  	s0 =	sld [smem:$0x3F9D];
	_ =	swait.ge [sflag:s4], $0x0  }
0x19: {  	s7 =	sld [smem:$0x3F9E]  }
0x1a: {  	s8 =	sadd.s32 $0xFFFFE003, lr  }
0x1b: {  	s9 =	sadd.s32 $0xFFFFFEF7, lr;
	s5 =	simm.s32 $0xFFFFFFFF;
	p2 =	slt.u32 s8, $0xFFFFF086  }
0x1c: {  	p1 =	slt.u32 s9, $0xF7A;
	s5 =	simm.s32 @!p2 $0x0  }
0x1d: {  	s5 =	simm.s32 @p1 $0x1;
	p0 =	seq.s32 s7, s2  }
0x1e: {  	s7 =	smul.u32 @!p0 $0xF7A, s2;
	p2 =	seq.s32 @!p0 s5, $0x0  }
0x1f: {  	s9 =	smul.u32 $0xF7A, s1;
	s8 =	simm.s32 @!p0 $0x1BF5;
	p2 =	por !p2, p0  }
0x20: {  	[sflag:s8] =	ssyncset.s32 @!p0 $0xFFFFF086;
	s6 =	sadd.s32 @!p0 s3, s7;
	s7 =	simm.s32 @!p0 $0x108  }
0x21: {  	s3 =	sadd.s32 s3, s9;
	s6 =	sadd.s32 @!p0 $0x88, s6;
	s7 =	simm.s32 @p2 $0x1082  }
0x22: {  	[simem:s7], [sflag:s8] =	dma.local @!p0 [hbm:s6], $0xF7A  }
0x23: {  	s9 =	sor.u32 $0xD0000000, s2;
	s6 =	simm.s32 $0x108;
	_ =	swait.ge @!p0 [sflag:s8], $0x0  }
0x24: {  	s3 =	sadd.s32 $0x88, s3;
	s6 =	simm.s32 @!p1 $0x1082;
	[sflag:s4] =	ssyncset.s32 $0xFFFFF086  }
0x25: {  	[simem:s6], [sflag:s4] =	dma.local [hbm:s3], $0xF7A  }
0x26: {  	[smem:$0x3F9E] =	sst s1;
	(tag) =	ssettag s2;
	_ =	strace s9  }
0x27: {  	s1 =	sld [smem:$0x3FAE]  }
0x28: {  	s2 =	sld [smem:$0x3FAF]  }
0x29: {  	s4 =	sld [smem:$0x3FB1]  }
0x2a: {  	p0 =	seq.s32 s5, $0x0;
	s5 =	sld [smem:$0x3FB2]  }
0x2b: {  	s6 =	sld [smem:$0x3FB3]  }
0x2c: {  	s7 =	sld [smem:$0x3FB4]  }
0x2d: {  	s3 =	simm.s32 $0x108;
	s8 =	sld [smem:$0x3FB5]  }
0x2e: {  	s3 =	simm.s32 @!p0 $0x1082;
	s9 =	sld [smem:$0x3FB6]  }
0x2f: {  	lr =	sadd.s32 s0, s3;
	s0 =	sld [smem:$0x3FAD]  }
0x30: {  	s3 =	sld [smem:$0x3FB0]  }
0x31: {  	[smem:$0x3FB9] =	sst s10  }
0x32: {  	s10 =	sld [smem:$0x3FB7];
	_ =	sdelay $0x3  }
0x33: {  	p0 =	seq.s32 s10, $0x1;
	s10 =	sld [smem:$0x3FB9];
	_ =	sdelay $0x3  }
0x34: {  	[smem:$0x3FB9] =	sst s10  }
0x35: {  	s10 =	sld [smem:$0x3FB8];
	_ =	sdelay $0x3  }
0x36: {  	p1 =	seq.s32 s10, $0x1;
	s10 =	sld [smem:$0x3FB9];
	_ =	sdelay $0x3  }
0x37: {  	[smem:$0x3FB9] =	sst s10  }
0x38: {  	s10 =	sld [smem:$0x3FBA]  }
0x39: {  	_ = 	snop;
	(pc) =	sbr.ind lr, $3  }
0x3a: {  	_ = 	snop  }
0x3b: {  	_ = 	snop  }
0x3c: {  	p2 =	seq.s32 s10, $0x1;
	s10 =	sld [smem:$0x3FB9]  }
0x3d: {  	_ =	shalt  }
0x3e: {  	_ =	shalt  }
0x3f: {  	_ =	shalt  }
0x40: {  	_ =	shalt  }
0x41: {  	_ =	shalt  }
0x42: {  	_ =	shalt  }
0x43: {  	_ =	shalt  }
0x44: {  	_ =	shalt  }
0x45: {  	_ =	shalt  }
0x46: {  	_ =	shalt  }
0x47: {  	_ =	shalt  }
0x48: {  	_ =	shalt  }
0x49: {  	_ =	shalt  }
0x4a: {  	_ =	shalt  }
0x4b: {  	_ =	shalt  }
0x4c: {  	_ =	shalt  }
0x4d: {  	_ =	shalt  }
0x4e: {  	_ =	shalt  }
0x4f: {  	_ =	shalt  }
0x50: {  	_ =	shalt  }
0x51: {  	_ =	shalt  }
0x52: {  	_ =	shalt  }
0x53: {  	_ =	shalt  }
0x54: {  	_ =	shalt  }
0x55: {  	_ =	shalt  }
0x56: {  	_ =	shalt  }
0x57: {  	_ =	shalt  }
0x58: {  	_ =	shalt  }
0x59: {  	_ =	shalt  }
0x5a: {  	_ =	shalt  }
0x5b: {  	_ =	shalt  }
0x5c: {  	_ =	shalt  }
0x5d: {  	_ =	shalt  }
0x5e: {  	_ =	shalt  }
0x5f: {  	_ =	shalt  }
0x60: {  	_ =	shalt  }
0x61: {  	_ =	shalt  }
0x62: {  	_ =	shalt  }
0x63: {  	_ =	shalt  }
0x64: {  	_ =	shalt  }
0x65: {  	_ =	shalt  }
0x66: {  	_ =	shalt  }
0x67: {  	_ =	shalt  }
0x68: {  	_ =	shalt  }
0x69: {  	_ =	shalt  }
0x6a: {  	_ =	shalt  }
0x6b: {  	_ =	shalt  }
0x6c: {  	_ =	shalt  }
0x6d: {  	_ =	shalt  }
0x6e: {  	_ =	shalt  }
0x6f: {  	_ =	shalt  }
0x70: {  	_ =	shalt  }
0x71: {  	_ =	shalt  }
0x72: {  	_ =	shalt  }
0x73: {  	_ =	shalt  }
0x74: {  	_ =	shalt  }
0x75: {  	_ =	shalt  }
0x76: {  	_ =	shalt  }
0x77: {  	_ =	shalt  }
0x78: {  	_ =	shalt  }
0x79: {  	_ =	shalt  }
0x7a: {  	_ =	shalt  }
0x7b: {  	_ =	shalt  }
0x7c: {  	_ =	shalt  }
0x7d: {  	_ =	shalt  }
0x7e: {  	_ =	shalt  }
0x7f: {  	_ =	shalt  }
0x80: {  	_ =	shalt  }
0x81: {  	_ =	shalt  }
0x82: {  	_ =	shalt  }
0x83: {  	_ =	shalt  }
0x84: {  	_ =	shalt  }
0x85: {  	_ =	shalt  }
0x86: {  	_ =	shalt  }
0x87: {  	_ =	shalt  }
.Lfunc_end0:
.L_simem_size_0:
called_computation.1_lowered:
.L_overlay_start_0:
0x88: {  	s2 =	sld [smem:$0x3FD9]  }
0x89: {  	s3 =	sld [smem:$0x3FFE];
	_ =	sdelay $0x1  }
0x8a: {  	s1 =	srdreg.scid  }
0x8b: {  	s0 =	sand.u32 $0x1, s1  }
0x8c: {  	s17 =	sshll.u32 s0, $0xA;
	s2 =	sadd.s32 s3, s2  }
0x8d: {  	s2 =	sadd.s32 s2, s17  }
0x8e: {  	[smem:$0x3FC5] =	sst s2  }
0x8f: {  	_ = 	snop  }
0x90: {  	s2 =	sld [smem:$0x3FC9]  }
0x91: {  	s18 =	sld [smem:$0x3FD0];
	(tm) =	ssettm $0x1  }
0x92: {  	s4 =	sld [smem:$0x3FFB];
	_ =	sdelay $0x3  }
0x93: {  	_ =	strace s4  }
0x94: {  	s4 =	sld [smem:$0x3FFC];
	_ =	sdelay $0x3  }
0x95: {  	_ =	strace s4  }
0x96: {  	s4 =	sld [smem:$0x3FFD];
	_ =	sdelay $0x3  }
0x97: {  	_ =	strace s4  }
0x98: {  	_ =	strace $0x8FFFFFFF  }
0x99: {  	s19 =	sld [smem:$0x3FDB];
	_ =	sdelay $0x1  }
0x9a: {  	s5 =	simm.s32 $_scs_section_size  }
0x9b: {  	s6 =	simm.s32 $_size__tile_overlayer_lowered;
	s7 =	simm.s32 $_tile_overlayer_lowered  }
0x9c: {  	s22 =	simm.s32 $0x1BFF;
	s21 =	sshll.u32 s7, $0x1;
	s4 =	sadd.s32 s5, s19  }
0x9d: {  	s8 =	simm.s32 $0x0;
	s20 =	sshll.u32 s6, $0x1;
	s6 =	sadd.s32 s21, s4  }
0x9e: {  	[timem:s8], [sflag:s22] =	dma.local [hbm:s6], s20  }
0x9f: {  	_ =	swait.ge [sflag:s22], s20  }
0xa0: {  	s5 =	ssub.s32 $0x0, s20;
	[sflag:s22] =	ssyncset.done $0x0  }
0xa1: {  	[sflag:s22] =	ssyncadd.s32 s5;
	_ =	sdelay $0x1  }
0xa2: {  	s23 =	simm.s32 $0x1B8B  }
0xa3: {  	_ =	swait.ge [sflag:s23], $0x1  }
0xa4: {  	[sflag:s23] =	ssyncset.done $0x0  }
0xa5: {  	s25 =	simm.s32 $0x1B8E;
	s24 =	sld [smem:$0x3FFE];
	[sflag:s23] =	ssyncadd.s32 $0xFFFFFFFF  }
0xa6: {  	s26 =	simm.s32 $execute0_lowered;
	[smem:$0x3FD2] =	sst s25  }
0xa7: {  	s6 =	sshll.u32 s26, $0x1;
	_ =	strace $0x80000049;
	[dreg:$0x1] =	wrdreg $0xFFFFFFFF  }
0xa8: {  	s28 =	simm.s32 $_size_execute0_lowered;
	s4 =	sadd.s32 s4, s6;
	[dreg:$0x0] =	wrdreg $0x0  }
0xa9: {  	s6 =	sshll.u32 s28, $0x1;
	[dreg:$0x2] =	wrdreg s4  }
0xaa: {  	[dreg:$0x3] =	wrdreg s6  }
0xab: {  	[dreg:$0x4] =	wrdreg $0xC0  }
0xac: {  	_ =	task [dreg:s8], $0x5FFFF  }
0xad: {  	[dreg:$0x1] =	wrdreg $0xFFFFFFFF  }
0xae: {  	[dreg:$0x0] =	wrdreg $0x60  }
0xaf: {  	[dreg:$0x2] =	wrdreg s2  }
0xb0: {  	[dreg:$0x3] =	wrdreg s24  }
0xb1: {  	[dreg:$0x4] =	wrdreg s18  }
0xb2: {  	[dreg:$0x5] =	wrdreg $0x9  }
0xb3: {  	_ =	task.clear_ibuf [dreg:s8], $0x6FFFF;
	_ =	strace $0x90000049  }
0xb4: {  	s29 =	simm.s32 $0x9;
	_ =	strace $0x8000004B  }
0xb5: {  	_ =	swait.ge [sflag:s29], $0x1  }
0xb6: {  	[sflag:s29] =	ssyncadd.s32 $0xFFFFFFFF  }
0xb7: {  	_ =	strace $0x9000004B  }
0xb8: {  	_ =	sfence  }
0xb9: {  	s30 =	sld [smem:$0x0];
	_ =	sdelay $0x2  }
0xba: {  	s31 =	sshll.u32 s1, $0xD;
	s1 =	sshrl.u32 s1, $0x2  }
0xbb: {  	s3 =	sand.u32 $0x4000, s31;
	s1 =	sadd.s32 s1, s30  }
0xbc: {  	s0 =	sor.u32 s3, s0;
	s1 =	sshll.u32 s1, $0x11  }
0xbd: {  	s0 =	sor.u32 s1, s0  }
0xbe: {  	s0 =	sadd.s32 $0x8F2B, s0  }
0xbf: {  	[sflag:s0] =	ssyncadd.remote.s32 $0x1  }
0xc0: {  	_ =	sfence.sel $0xFFFF  }
0xc1: {  	[dreg:$0x0] =	wrdreg $0xFFFFFFFF;
	(pc) =	sbr.abs _section_cstart, $3  }
0xc2: {  	[dreg:$0x1] =	wrdreg $0xFFFFFFFF  }
0xc3: {  	_ =	task.clear_ibuf [dreg:s8], $0x2FFFF;
	_ =	strace $0x9FFFFFFF  }
0xc4: {  	(tm) =	ssettm $0x7FFFFFFF  }
0xc5: {  	_ =	shalt  }
tec
execute0_lowered:
.L_overlay_start_1:
0x0: {  	(tag) =	ssettag $0x1  }
0x1: {  	s4 =	rddreg [dreg:$0x0]  }
0x2: {  	s5 =	rddreg [dreg:$0x1]  }
0x3: {  	s6 =	rddreg [dreg:$0x2]  }
0x4: {  	s0 =	rddreg [dreg:$0x3]  }
0x5: {  	s3 =	srdreg.scid;
	s1 =	stileid.u32;
	v0 =	vlaneseq.u32  }
0x6: {  	s2 =	simm.s32 $0x0;
	s11 =	simm.s32 $0x18720;
	s12 =	simm.s32 $0x0;
	v0 =	vmul.u32 $0x11, v0  }
0x7: {  	s3 =	sand.u32 $0x1, s3;
	s7 =	sshll.u32 s1, $0x1;
	[smem:$0x7FF] =	sst s2  }
0x8: {  	s8 =	ssub.s32 $0x2, s3;
	s7 =	sor.u32 s3, s7;
	_ =	strace $0x8000004A;
	v1 =	vadd.s32 $0x1, v0;
	v2 =	vadd.s32 $0x2, v0;
	v3 =	vadd.s32 $0x3, v0  }
0x9: {  	s3 =	sadd.s32 $0x800, s5;
	s9 =	sshrl.u32 s8, $0x1;
	s10 =	smul.u32 $0xC0, s7;
	v4 =	vadd.s32 $0x4, v0;
	v5 =	vadd.s32 $0x5, v0;
	v6 =	vadd.s32 $0x6, v0  }
0xa: {  	s5 =	sadd.s32 $0x808, s5;
	s7 =	sshll.u32 s7, $0x6;
	v7 =	vadd.s32 $0x7, v0;
	v8 =	vadd.s32 $0x8, v0;
	v9 =	vadd.s32 $0x9, v0;
	s8 =	ssub.s32 s8, s9  }
0xb: {  	v10 =	vadd.s32 $0xA, v0;
	v11 =	vadd.s32 $0xB, v0;
	v12 =	vadd.s32 $0xC, v0;
	s6 =	sadd.s32 s6, s7;
	s9 =	simm.s32 $0x1;
	s4 =	sadd.s32 s4, s10  }
0xc: {  	v13 =	vadd.s32 $0xD, v0;
	v14 =	vadd.s32 $0xE, v0;
	v15 =	vadd.s32 $0xF, v0;
	s7 =	smax.u32 s8, $0x1;
	s8 =	simm.s32 $0x2;
	s10 =	simm.s32 $0x18610  }
.LBB2_1:
0xd: {  	[tilespmem:s2], [sflag:$0x2] =	stream.linear.gather [hbm4b:s4+s2], $0x600, $0x38;
	[tilespmem:$0x18920] =	vst v63  }
0xe: {  	_ =	swait.ge [sflag:s8], $0x600  }
0xf: {  	[sflag:s8] =	ssyncset.done $0x0  }
0x10: {  	[sflag:s8] =	ssyncadd.s32 $0xFFFFFA00  }
0x11: {  	s14 =	simm.s32 $0x100;
	s13 =	simm.s32 $0x0;
	s15 =	simm.s32 $0x0;
	v16 =	vld [tilespmem:s2+$0x0]  }
.LBB2_2:
0x12: {  	p0 =	sne.s32 s14, $0x7F00;
	_ =	sdelay $0x3  }
0x13: {  	v16 =	vshll.u32 v16, $0x4  }
0x14: {  	(v2sf) =	vpush v16, $0x0  }
0x15: {  	(v2sf) =	vpush v16, $0x1  }
0x16: {  	(v2sf) =	vpush v16, $0x2;
	_ =	sdelay $0xc  }
0x17: {  	s16 =	sshra.s32 s13, $0x2;
	s13 =	smov.u32 s14;
	s17 =	spop (v2sf)  }
0x18: {  	s18 =	sadd.s32 $0x610, s16;
	s17 =	sand.u32 $0x1FFFFFF0, s17;
	s19 =	spop (v2sf)  }
0x19: {  	s17 =	sadd.s32 s3, s17;
	s19 =	sand.u32 $0x1FFFFFF0, s19;
	s20 =	spop (v2sf)  }
0x1a: {  	[tilespmem:s18], [sflag:$0x1] =	stream.linear.gather [hbm4b:s17+s2], $0x40, $0x38;
	[tilespmem:$0x18920] =	vst v63  }
0x1b: {  	s17 =	sadd.s32 $0x8610, s16  }
.Ltmp0:
0x1c: {  	s18 =	sadd.s32 s3, s19;
	s19 =	sand.u32 $0x1FFFFFF0, s20;
	(pc) =	sbr.rel @p0 .LBB2_2-.Ltmp0, $4  }
0x1d: {  	[tilespmem:s17], [sflag:$0x1] =	stream.linear.gather [hbm4b:s18+s2], $0x40, $0x38;
	[tilespmem:$0x18920] =	vst v63  }
0x1e: {  	s15 =	sadd.s32 $0x3, s15;
	s16 =	sadd.s32 $0x10610, s16;
	s17 =	sadd.s32 s19, s5  }
0x1f: {  	[tilespmem:s16], [sflag:$0x1] =	stream.linear.gather [hbm4b:s17+s2], $0x40, $0x38;
	[tilespmem:$0x18920] =	vst v63  }
0x20: {  	s14 =	sadd.s32 $0x100, s14;
	v16 =	vld [tilespmem:s15+$0x0]  }
0x21: {  	_ =	sdelay $0x3  }
0x22: {  	v16 =	vshll.u32 v16, $0x4  }
0x23: {  	(v2sf) =	vpush v16, $0x0  }
0x24: {  	(v2sf) =	vpush v16, $0x1  }
0x25: {  	(v2sf) =	vpush v16, $0x2;
	_ =	sdelay $0xc  }
0x26: {  	s13 =	sshra.s32 s13, $0x2;
	s14 =	spop (v2sf)  }
0x27: {  	s15 =	sadd.s32 $0x610, s13;
	s14 =	sand.u32 $0x1FFFFFF0, s14;
	s16 =	spop (v2sf)  }
0x28: {  	s14 =	sadd.s32 s3, s14;
	s16 =	sand.u32 $0x1FFFFFF0, s16;
	s17 =	spop (v2sf)  }
0x29: {  	[tilespmem:s15], [sflag:$0x1] =	stream.linear.gather [hbm4b:s14+s2], $0x40, $0x38;
	[tilespmem:$0x18920] =	vst v63  }
0x2a: {  	s28 =	sadd.s32 $0x8610, s13;
	s29 =	sadd.s32 s3, s16;
	s30 =	sand.u32 $0x1FFFFFF0, s17  }
0x2b: {  	[tilespmem:s28], [sflag:$0x1] =	stream.linear.gather [hbm4b:s29+s2], $0x40, $0x38;
	[tilespmem:$0x18920] =	vst v63  }
0x2c: {  	s13 =	sadd.s32 $0x10610, s13;
	s31 =	sadd.s32 s30, s5  }
0x2d: {  	[tilespmem:s13], [sflag:$0x1] =	stream.linear.gather [hbm4b:s31+s2], $0x40, $0x38;
	[tilespmem:$0x18920] =	vst v63  }
0x2e: {  	_ =	swait.ge [sflag:s9], $0x2000  }
0x2f: {  	[sflag:s9] =	ssyncset.done $0x0  }
0x30: {  	[sflag:s9] =	ssyncadd.s32 $0xFFFFE000  }
0x31: {  	_ =	swait.ge [sflag:s9], $0x2000  }
0x32: {  	[sflag:s9] =	ssyncset.done $0x0  }
0x33: {  	[sflag:s9] =	ssyncadd.s32 $0xFFFFE000  }
0x34: {  	_ =	swait.ge [sflag:s9], $0x2000  }
0x35: {  	[sflag:s9] =	ssyncset.done $0x0  }
0x36: {  	s14 =	simm.s32 $0x180;
	[sflag:s9] =	ssyncadd.s32 $0xFFFFE000  }
0x37: {  	s16 =	simm.s32 $0x100;
	s15 =	simm.s32 $0x0;
	s13 =	simm.s32 $0x0;
	v16 =	vld [tilespmem:s14+$0x0]  }
.LBB2_4:
0x38: {  	p0 =	sne.s32 s16, $0x7F00;
	_ =	sdelay $0x3  }
0x39: {  	v16 =	vshll.u32 v16, $0x4  }
0x3a: {  	(v2sf) =	vpush v16, $0x0  }
0x3b: {  	(v2sf) =	vpush v16, $0x1  }
0x3c: {  	(v2sf) =	vpush v16, $0x2;
	_ =	sdelay $0xc  }
0x3d: {  	s17 =	sshra.s32 s15, $0x2;
	s15 =	smov.u32 s16;
	s18 =	spop (v2sf)  }
0x3e: {  	s19 =	sadd.s32 $0x2610, s17;
	s18 =	sand.u32 $0x1FFFFFF0, s18;
	s20 =	spop (v2sf)  }
0x3f: {  	s18 =	sadd.s32 s3, s18;
	s20 =	sand.u32 $0x1FFFFFF0, s20;
	s21 =	spop (v2sf)  }
0x40: {  	[tilespmem:s19], [sflag:$0x1] =	stream.linear.gather [hbm4b:s18+s13], $0x40, $0x38;
	[tilespmem:$0x18920] =	vst v63  }
0x41: {  	s18 =	sadd.s32 $0xA610, s17  }
.Ltmp1:
0x42: {  	s19 =	sadd.s32 s3, s20;
	s20 =	sand.u32 $0x1FFFFFF0, s21;
	(pc) =	sbr.rel @p0 .LBB2_4-.Ltmp1, $4  }
0x43: {  	[tilespmem:s18], [sflag:$0x1] =	stream.linear.gather [hbm4b:s19+s13], $0x40, $0x38;
	[tilespmem:$0x18920] =	vst v63  }
0x44: {  	s14 =	sadd.s32 $0x3, s14;
	s17 =	sadd.s32 $0x12610, s17;
	s18 =	sadd.s32 s20, s5  }
0x45: {  	[tilespmem:s17], [sflag:$0x1] =	stream.linear.gather [hbm4b:s18+s13], $0x40, $0x38;
	[tilespmem:$0x18920] =	vst v63  }
0x46: {  	s16 =	sadd.s32 $0x100, s16;
	v16 =	vld [tilespmem:s14+$0x0]  }
0x47: {  	_ =	sdelay $0x3  }
0x48: {  	v16 =	vshll.u32 v16, $0x4  }
0x49: {  	(v2sf) =	vpush v16, $0x0  }
0x4a: {  	(v2sf) =	vpush v16, $0x1  }
0x4b: {  	(v2sf) =	vpush v16, $0x2;
	_ =	sdelay $0xc  }
0x4c: {  	s14 =	sshra.s32 s15, $0x2;
	s26 =	spop (v2sf)  }
0x4d: {  	s16 =	sadd.s32 $0x2610, s14;
	s15 =	sand.u32 $0x1FFFFFF0, s26;
	s17 =	spop (v2sf)  }
0x4e: {  	s15 =	sadd.s32 s3, s15;
	s17 =	sand.u32 $0x1FFFFFF0, s17;
	s18 =	spop (v2sf)  }
0x4f: {  	[tilespmem:s16], [sflag:$0x1] =	stream.linear.gather [hbm4b:s15+s13], $0x40, $0x38;
	[tilespmem:$0x18920] =	vst v63  }
0x50: {  	s28 =	sadd.s32 $0xA610, s14;
	s29 =	sadd.s32 s3, s17;
	s30 =	sand.u32 $0x1FFFFFF0, s18  }
0x51: {  	[tilespmem:s28], [sflag:$0x1] =	stream.linear.gather [hbm4b:s29+s13], $0x40, $0x38;
	[tilespmem:$0x18920] =	vst v63  }
0x52: {  	s14 =	sadd.s32 $0x12610, s14;
	s31 =	sadd.s32 s30, s5  }
0x53: {  	[tilespmem:s14], [sflag:$0x1] =	stream.linear.gather [hbm4b:s31+s13], $0x40, $0x38;
	[tilespmem:$0x18920] =	vst v63  }
0x54: {  	s14 =	simm.s32 $0x18720  }
.LBB2_6:
0x55: {  	s15 =	sshra.s32 s13, $0x2  }
0x56: {  	v16 =	vld [tilespmem:s15+$0x610]  }
0x57: {  	v17 =	vld [tilespmem:s15+$0x8610]  }
0x58: {  	v18 =	vld [tilespmem:s15+$0x10610]  }
0x59: {  	v19 =	vld [tilespmem:s15+$0x620]  }
0x5a: {  	v20 =	vld [tilespmem:s15+$0x8620]  }
0x5b: {  	v21 =	vld [tilespmem:s15+$0x10620]  }
0x5c: {  	v22 =	vld [tilespmem:s15+$0x630]  }
0x5d: {  	v23 =	vld [tilespmem:s15+$0x8630]  }
0x5e: {  	v24 =	vld [tilespmem:s15+$0x10630]  }
0x5f: {  	v25 =	vld [tilespmem:s15+$0x8640];
	v16 =	vadd.f32 v17, v16  }
0x60: {  	v17 =	vld [tilespmem:s15+$0x640]  }
0x61: {  	v52 =	vadd.f32 v20, v19;
	v16 =	vmul.f32 v18, v16  }
0x62: {  	v53 =	vld [tilespmem:s15+$0x10640]  }
0x63: {  	v54 =	vadd.f32 v23, v22;
	v18 =	vmul.f32 v21, v52;
	v16 =	vadd.f32 $0.0e+00, v16;
	_ =	sdelay $0x1  }
0x64: {  	v55 =	vmul.f32 v24, v54;
	v17 =	vadd.f32 v25, v17;
	v16 =	vadd.f32 v18, v16;
	_ =	sdelay $0x1  }
0x65: {  	v17 =	vmul.f32 v53, v17;
	v16 =	vadd.f32 v55, v16;
	_ =	sdelay $0x1  }
0x66: {  	v16 =	vadd.f32 v17, v16;
	_ =	sdelay $0x1  }
0x67: {  	[tilespmem:$0x18610] =	vst v16  }
0x68: {  	v16 =	vld [tilespmem:s15+$0x650]  }
0x69: {  	v17 =	vld [tilespmem:s15+$0x8650]  }
0x6a: {  	v56 =	vld [tilespmem:s15+$0x10650]  }
0x6b: {  	v57 =	vld [tilespmem:s15+$0x660]  }
0x6c: {  	v58 =	vld [tilespmem:s15+$0x8660]  }
0x6d: {  	v59 =	vld [tilespmem:s15+$0x10660]  }
0x6e: {  	v60 =	vld [tilespmem:s15+$0x670]  }
0x6f: {  	v61 =	vld [tilespmem:s15+$0x8670]  }
0x70: {  	v62 =	vld [tilespmem:s15+$0x10670]  }
0x71: {  	v63 =	vld [tilespmem:s15+$0x8680];
	v16 =	vadd.f32 v17, v16  }
0x72: {  	v17 =	vld [tilespmem:s15+$0x680]  }
0x73: {  	v28 =	vadd.f32 v58, v57;
	v16 =	vmul.f32 v56, v16  }
0x74: {  	v29 =	vld [tilespmem:s15+$0x10680]  }
0x75: {  	v30 =	vadd.f32 v61, v60;
	v18 =	vmul.f32 v59, v28;
	v16 =	vadd.f32 $0.0e+00, v16;
	_ =	sdelay $0x1  }
0x76: {  	v31 =	vmul.f32 v62, v30;
	v17 =	vadd.f32 v63, v17;
	v16 =	vadd.f32 v18, v16;
	_ =	sdelay $0x1  }
0x77: {  	v17 =	vmul.f32 v29, v17;
	v16 =	vadd.f32 v31, v16;
	_ =	sdelay $0x1  }
0x78: {  	v16 =	vadd.f32 v17, v16;
	_ =	sdelay $0x1  }
0x79: {  	[tilespmem:$0x18621] =	vst v16  }
0x7a: {  	v16 =	vld [tilespmem:s15+$0x690]  }
0x7b: {  	v17 =	vld [tilespmem:s15+$0x8690]  }
0x7c: {  	v32 =	vld [tilespmem:s15+$0x10690]  }
0x7d: {  	v33 =	vld [tilespmem:s15+$0x6A0]  }
0x7e: {  	v34 =	vld [tilespmem:s15+$0x86A0]  }
0x7f: {  	v35 =	vld [tilespmem:s15+$0x106A0]  }
0x80: {  	v36 =	vld [tilespmem:s15+$0x6B0]  }
0x81: {  	v37 =	vld [tilespmem:s15+$0x86B0]  }
0x82: {  	v38 =	vld [tilespmem:s15+$0x106B0]  }
0x83: {  	v39 =	vld [tilespmem:s15+$0x86C0];
	v16 =	vadd.f32 v17, v16  }
0x84: {  	v17 =	vld [tilespmem:s15+$0x6C0]  }
0x85: {  	v40 =	vadd.f32 v34, v33;
	v16 =	vmul.f32 v32, v16  }
0x86: {  	v41 =	vld [tilespmem:s15+$0x106C0]  }
0x87: {  	v42 =	vadd.f32 v37, v36;
	v18 =	vmul.f32 v35, v40;
	v16 =	vadd.f32 $0.0e+00, v16;
	_ =	sdelay $0x1  }
0x88: {  	v43 =	vmul.f32 v38, v42;
	v17 =	vadd.f32 v39, v17;
	v16 =	vadd.f32 v18, v16;
	_ =	sdelay $0x1  }
0x89: {  	v17 =	vmul.f32 v41, v17;
	v16 =	vadd.f32 v43, v16;
	_ =	sdelay $0x1  }
0x8a: {  	v16 =	vadd.f32 v17, v16;
	_ =	sdelay $0x1  }
0x8b: {  	[tilespmem:$0x18632] =	vst v16  }
0x8c: {  	v16 =	vld [tilespmem:s15+$0x6D0]  }
0x8d: {  	v17 =	vld [tilespmem:s15+$0x86D0]  }
0x8e: {  	v44 =	vld [tilespmem:s15+$0x106D0]  }
0x8f: {  	v45 =	vld [tilespmem:s15+$0x6E0]  }
0x90: {  	v46 =	vld [tilespmem:s15+$0x86E0]  }
0x91: {  	v47 =	vld [tilespmem:s15+$0x106E0]  }
0x92: {  	v48 =	vld [tilespmem:s15+$0x6F0]  }
0x93: {  	v49 =	vld [tilespmem:s15+$0x86F0]  }
0x94: {  	v50 =	vld [tilespmem:s15+$0x106F0]  }
0x95: {  	v51 =	vld [tilespmem:s15+$0x8700];
	v16 =	vadd.f32 v17, v16  }
0x96: {  	v17 =	vld [tilespmem:s15+$0x700]  }
0x97: {  	v52 =	vadd.f32 v46, v45;
	v16 =	vmul.f32 v44, v16  }
0x98: {  	v53 =	vld [tilespmem:s15+$0x10700]  }
0x99: {  	v54 =	vadd.f32 v49, v48;
	v18 =	vmul.f32 v47, v52;
	v16 =	vadd.f32 $0.0e+00, v16;
	_ =	sdelay $0x1  }
0x9a: {  	v55 =	vmul.f32 v50, v54;
	v17 =	vadd.f32 v51, v17;
	v16 =	vadd.f32 v18, v16;
	_ =	sdelay $0x1  }
0x9b: {  	v17 =	vmul.f32 v53, v17;
	v16 =	vadd.f32 v55, v16;
	_ =	sdelay $0x1  }
0x9c: {  	v16 =	vadd.f32 v17, v16;
	_ =	sdelay $0x1  }
0x9d: {  	[tilespmem:$0x18643] =	vst v16  }
0x9e: {  	v16 =	vld [tilespmem:s15+$0x710]  }
0x9f: {  	v17 =	vld [tilespmem:s15+$0x8710]  }
0xa0: {  	v56 =	vld [tilespmem:s15+$0x10710]  }
0xa1: {  	v57 =	vld [tilespmem:s15+$0x720]  }
0xa2: {  	v58 =	vld [tilespmem:s15+$0x8720]  }
0xa3: {  	v59 =	vld [tilespmem:s15+$0x10720]  }
0xa4: {  	v60 =	vld [tilespmem:s15+$0x730]  }
0xa5: {  	v61 =	vld [tilespmem:s15+$0x8730]  }
0xa6: {  	v62 =	vld [tilespmem:s15+$0x10730]  }
0xa7: {  	v63 =	vld [tilespmem:s15+$0x8740];
	v16 =	vadd.f32 v17, v16  }
0xa8: {  	v17 =	vld [tilespmem:s15+$0x740]  }
0xa9: {  	v28 =	vadd.f32 v58, v57;
	v16 =	vmul.f32 v56, v16  }
0xaa: {  	v29 =	vld [tilespmem:s15+$0x10740]  }
0xab: {  	v30 =	vadd.f32 v61, v60;
	v18 =	vmul.f32 v59, v28;
	v16 =	vadd.f32 $0.0e+00, v16;
	_ =	sdelay $0x1  }
0xac: {  	v31 =	vmul.f32 v62, v30;
	v17 =	vadd.f32 v63, v17;
	v16 =	vadd.f32 v18, v16;
	_ =	sdelay $0x1  }
0xad: {  	v17 =	vmul.f32 v29, v17;
	v16 =	vadd.f32 v31, v16;
	_ =	sdelay $0x1  }
0xae: {  	v16 =	vadd.f32 v17, v16;
	_ =	sdelay $0x1  }
0xaf: {  	[tilespmem:$0x18654] =	vst v16  }
0xb0: {  	v16 =	vld [tilespmem:s15+$0x750]  }
0xb1: {  	v17 =	vld [tilespmem:s15+$0x8750]  }
0xb2: {  	v32 =	vld [tilespmem:s15+$0x10750]  }
0xb3: {  	v33 =	vld [tilespmem:s15+$0x760]  }
0xb4: {  	v34 =	vld [tilespmem:s15+$0x8760]  }
0xb5: {  	v35 =	vld [tilespmem:s15+$0x10760]  }
0xb6: {  	v36 =	vld [tilespmem:s15+$0x770]  }
0xb7: {  	v37 =	vld [tilespmem:s15+$0x8770]  }
0xb8: {  	v38 =	vld [tilespmem:s15+$0x10770]  }
0xb9: {  	v39 =	vld [tilespmem:s15+$0x8780];
	v16 =	vadd.f32 v17, v16  }
0xba: {  	v17 =	vld [tilespmem:s15+$0x780]  }
0xbb: {  	v40 =	vadd.f32 v34, v33;
	v16 =	vmul.f32 v32, v16  }
0xbc: {  	v41 =	vld [tilespmem:s15+$0x10780]  }
0xbd: {  	v42 =	vadd.f32 v37, v36;
	v18 =	vmul.f32 v35, v40;
	v16 =	vadd.f32 $0.0e+00, v16;
	_ =	sdelay $0x1  }
0xbe: {  	v43 =	vmul.f32 v38, v42;
	v17 =	vadd.f32 v39, v17;
	v16 =	vadd.f32 v18, v16;
	_ =	sdelay $0x1  }
0xbf: {  	v17 =	vmul.f32 v41, v17;
	v16 =	vadd.f32 v43, v16;
	_ =	sdelay $0x1  }
0xc0: {  	v16 =	vadd.f32 v17, v16;
	_ =	sdelay $0x1  }
0xc1: {  	[tilespmem:$0x18665] =	vst v16  }
0xc2: {  	v16 =	vld [tilespmem:s15+$0x790]  }
0xc3: {  	v17 =	vld [tilespmem:s15+$0x8790]  }
0xc4: {  	v44 =	vld [tilespmem:s15+$0x10790]  }
0xc5: {  	v45 =	vld [tilespmem:s15+$0x7A0]  }
0xc6: {  	v46 =	vld [tilespmem:s15+$0x87A0]  }
0xc7: {  	v47 =	vld [tilespmem:s15+$0x107A0]  }
0xc8: {  	v48 =	vld [tilespmem:s15+$0x7B0]  }
0xc9: {  	v49 =	vld [tilespmem:s15+$0x87B0]  }
0xca: {  	v50 =	vld [tilespmem:s15+$0x107B0]  }
0xcb: {  	v51 =	vld [tilespmem:s15+$0x87C0];
	v16 =	vadd.f32 v17, v16  }
0xcc: {  	v17 =	vld [tilespmem:s15+$0x7C0]  }
0xcd: {  	v52 =	vadd.f32 v46, v45;
	v16 =	vmul.f32 v44, v16  }
0xce: {  	v53 =	vld [tilespmem:s15+$0x107C0]  }
0xcf: {  	v54 =	vadd.f32 v49, v48;
	v18 =	vmul.f32 v47, v52;
	v16 =	vadd.f32 $0.0e+00, v16;
	_ =	sdelay $0x1  }
0xd0: {  	v55 =	vmul.f32 v50, v54;
	v17 =	vadd.f32 v51, v17;
	v16 =	vadd.f32 v18, v16;
	_ =	sdelay $0x1  }
0xd1: {  	v17 =	vmul.f32 v53, v17;
	v16 =	vadd.f32 v55, v16;
	_ =	sdelay $0x1  }
0xd2: {  	v16 =	vadd.f32 v17, v16;
	_ =	sdelay $0x1  }
0xd3: {  	[tilespmem:$0x18676] =	vst v16  }
0xd4: {  	v16 =	vld [tilespmem:s15+$0x7D0]  }
0xd5: {  	v17 =	vld [tilespmem:s15+$0x87D0]  }
0xd6: {  	v56 =	vld [tilespmem:s15+$0x107D0]  }
0xd7: {  	v57 =	vld [tilespmem:s15+$0x7E0]  }
0xd8: {  	v58 =	vld [tilespmem:s15+$0x87E0]  }
0xd9: {  	v59 =	vld [tilespmem:s15+$0x107E0]  }
0xda: {  	v60 =	vld [tilespmem:s15+$0x7F0]  }
0xdb: {  	v61 =	vld [tilespmem:s15+$0x87F0]  }
0xdc: {  	v62 =	vld [tilespmem:s15+$0x107F0]  }
0xdd: {  	v63 =	vld [tilespmem:s15+$0x8800];
	v16 =	vadd.f32 v17, v16  }
0xde: {  	v17 =	vld [tilespmem:s15+$0x800]  }
0xdf: {  	v28 =	vadd.f32 v58, v57;
	v16 =	vmul.f32 v56, v16  }
0xe0: {  	v29 =	vld [tilespmem:s15+$0x10800]  }
0xe1: {  	v30 =	vadd.f32 v61, v60;
	v18 =	vmul.f32 v59, v28;
	v16 =	vadd.f32 $0.0e+00, v16;
	_ =	sdelay $0x1  }
0xe2: {  	v31 =	vmul.f32 v62, v30;
	v17 =	vadd.f32 v63, v17;
	v16 =	vadd.f32 v18, v16;
	_ =	sdelay $0x1  }
0xe3: {  	v17 =	vmul.f32 v29, v17;
	v16 =	vadd.f32 v31, v16;
	_ =	sdelay $0x1  }
0xe4: {  	v16 =	vadd.f32 v17, v16;
	_ =	sdelay $0x1  }
0xe5: {  	[tilespmem:$0x18687] =	vst v16  }
0xe6: {  	v16 =	vld [tilespmem:s15+$0x810]  }
0xe7: {  	v17 =	vld [tilespmem:s15+$0x8810]  }
0xe8: {  	v32 =	vld [tilespmem:s15+$0x10810]  }
0xe9: {  	v33 =	vld [tilespmem:s15+$0x820]  }
0xea: {  	v34 =	vld [tilespmem:s15+$0x8820]  }
0xeb: {  	v35 =	vld [tilespmem:s15+$0x10820]  }
0xec: {  	v36 =	vld [tilespmem:s15+$0x830]  }
0xed: {  	v37 =	vld [tilespmem:s15+$0x8830]  }
0xee: {  	v38 =	vld [tilespmem:s15+$0x10830]  }
0xef: {  	v39 =	vld [tilespmem:s15+$0x8840];
	v16 =	vadd.f32 v17, v16  }
0xf0: {  	v17 =	vld [tilespmem:s15+$0x840]  }
0xf1: {  	v40 =	vadd.f32 v34, v33;
	v16 =	vmul.f32 v32, v16  }
0xf2: {  	v41 =	vld [tilespmem:s15+$0x10840]  }
0xf3: {  	v42 =	vadd.f32 v37, v36;
	v18 =	vmul.f32 v35, v40;
	v16 =	vadd.f32 $0.0e+00, v16;
	_ =	sdelay $0x1  }
0xf4: {  	v43 =	vmul.f32 v38, v42;
	v17 =	vadd.f32 v39, v17;
	v16 =	vadd.f32 v18, v16;
	_ =	sdelay $0x1  }
0xf5: {  	v17 =	vmul.f32 v41, v17;
	v16 =	vadd.f32 v43, v16;
	_ =	sdelay $0x1  }
0xf6: {  	v16 =	vadd.f32 v17, v16;
	_ =	sdelay $0x1  }
0xf7: {  	[tilespmem:$0x18698] =	vst v16  }
0xf8: {  	v16 =	vld [tilespmem:s15+$0x850]  }
0xf9: {  	v17 =	vld [tilespmem:s15+$0x8850]  }
0xfa: {  	v44 =	vld [tilespmem:s15+$0x10850]  }
0xfb: {  	v45 =	vld [tilespmem:s15+$0x860]  }
0xfc: {  	v46 =	vld [tilespmem:s15+$0x8860]  }
0xfd: {  	v47 =	vld [tilespmem:s15+$0x10860]  }
0xfe: {  	v48 =	vld [tilespmem:s15+$0x870]  }
0xff: {  	v49 =	vld [tilespmem:s15+$0x8870]  }
0x100: {  	v50 =	vld [tilespmem:s15+$0x10870]  }
0x101: {  	v51 =	vld [tilespmem:s15+$0x8880];
	v16 =	vadd.f32 v17, v16  }
0x102: {  	v17 =	vld [tilespmem:s15+$0x880]  }
0x103: {  	v52 =	vadd.f32 v46, v45;
	v16 =	vmul.f32 v44, v16  }
0x104: {  	v53 =	vld [tilespmem:s15+$0x10880]  }
0x105: {  	v54 =	vadd.f32 v49, v48;
	v18 =	vmul.f32 v47, v52;
	v16 =	vadd.f32 $0.0e+00, v16;
	_ =	sdelay $0x1  }
0x106: {  	v55 =	vmul.f32 v50, v54;
	v17 =	vadd.f32 v51, v17;
	v16 =	vadd.f32 v18, v16;
	_ =	sdelay $0x1  }
0x107: {  	v17 =	vmul.f32 v53, v17;
	v16 =	vadd.f32 v55, v16;
	_ =	sdelay $0x1  }
0x108: {  	v16 =	vadd.f32 v17, v16;
	_ =	sdelay $0x1  }
0x109: {  	[tilespmem:$0x186A9] =	vst v16  }
0x10a: {  	v16 =	vld [tilespmem:s15+$0x890]  }
0x10b: {  	v17 =	vld [tilespmem:s15+$0x8890]  }
0x10c: {  	v56 =	vld [tilespmem:s15+$0x10890]  }
0x10d: {  	v57 =	vld [tilespmem:s15+$0x8A0]  }
0x10e: {  	v58 =	vld [tilespmem:s15+$0x88A0]  }
0x10f: {  	v59 =	vld [tilespmem:s15+$0x108A0]  }
0x110: {  	v60 =	vld [tilespmem:s15+$0x8B0]  }
0x111: {  	v61 =	vld [tilespmem:s15+$0x88B0]  }
0x112: {  	v62 =	vld [tilespmem:s15+$0x108B0]  }
0x113: {  	v63 =	vld [tilespmem:s15+$0x88C0];
	v16 =	vadd.f32 v17, v16  }
0x114: {  	v17 =	vld [tilespmem:s15+$0x8C0]  }
0x115: {  	v28 =	vadd.f32 v58, v57;
	v16 =	vmul.f32 v56, v16  }
0x116: {  	v29 =	vld [tilespmem:s15+$0x108C0]  }
0x117: {  	v30 =	vadd.f32 v61, v60;
	v18 =	vmul.f32 v59, v28;
	v16 =	vadd.f32 $0.0e+00, v16;
	_ =	sdelay $0x1  }
0x118: {  	v31 =	vmul.f32 v62, v30;
	v17 =	vadd.f32 v63, v17;
	v16 =	vadd.f32 v18, v16;
	_ =	sdelay $0x1  }
0x119: {  	v17 =	vmul.f32 v29, v17;
	v16 =	vadd.f32 v31, v16;
	_ =	sdelay $0x1  }
0x11a: {  	v16 =	vadd.f32 v17, v16;
	_ =	sdelay $0x1  }
0x11b: {  	[tilespmem:$0x186BA] =	vst v16  }
0x11c: {  	v16 =	vld [tilespmem:s15+$0x8D0]  }
0x11d: {  	v17 =	vld [tilespmem:s15+$0x88D0]  }
0x11e: {  	v32 =	vld [tilespmem:s15+$0x108D0]  }
0x11f: {  	v33 =	vld [tilespmem:s15+$0x8E0]  }
0x120: {  	v34 =	vld [tilespmem:s15+$0x88E0]  }
0x121: {  	v35 =	vld [tilespmem:s15+$0x108E0]  }
0x122: {  	v36 =	vld [tilespmem:s15+$0x8F0]  }
0x123: {  	v37 =	vld [tilespmem:s15+$0x88F0]  }
0x124: {  	v38 =	vld [tilespmem:s15+$0x108F0]  }
0x125: {  	v39 =	vld [tilespmem:s15+$0x8900];
	v16 =	vadd.f32 v17, v16  }
0x126: {  	v17 =	vld [tilespmem:s15+$0x900]  }
0x127: {  	v40 =	vadd.f32 v34, v33;
	v16 =	vmul.f32 v32, v16  }
0x128: {  	v41 =	vld [tilespmem:s15+$0x10900]  }
0x129: {  	v42 =	vadd.f32 v37, v36;
	v18 =	vmul.f32 v35, v40;
	v16 =	vadd.f32 $0.0e+00, v16;
	_ =	sdelay $0x1  }
0x12a: {  	v43 =	vmul.f32 v38, v42;
	v17 =	vadd.f32 v39, v17;
	v16 =	vadd.f32 v18, v16;
	_ =	sdelay $0x1  }
0x12b: {  	v17 =	vmul.f32 v41, v17;
	v16 =	vadd.f32 v43, v16;
	_ =	sdelay $0x1  }
0x12c: {  	v16 =	vadd.f32 v17, v16;
	_ =	sdelay $0x1  }
0x12d: {  	[tilespmem:$0x186CB] =	vst v16  }
0x12e: {  	v16 =	vld [tilespmem:s15+$0x910]  }
0x12f: {  	v17 =	vld [tilespmem:s15+$0x8910]  }
0x130: {  	v44 =	vld [tilespmem:s15+$0x10910]  }
0x131: {  	v45 =	vld [tilespmem:s15+$0x920]  }
0x132: {  	v46 =	vld [tilespmem:s15+$0x8920]  }
0x133: {  	v47 =	vld [tilespmem:s15+$0x10920]  }
0x134: {  	v48 =	vld [tilespmem:s15+$0x930]  }
0x135: {  	v49 =	vld [tilespmem:s15+$0x8930]  }
0x136: {  	v50 =	vld [tilespmem:s15+$0x10930]  }
0x137: {  	v51 =	vld [tilespmem:s15+$0x8940];
	v16 =	vadd.f32 v17, v16  }
0x138: {  	v17 =	vld [tilespmem:s15+$0x940]  }
0x139: {  	v52 =	vadd.f32 v46, v45;
	v16 =	vmul.f32 v44, v16  }
0x13a: {  	v53 =	vld [tilespmem:s15+$0x10940]  }
0x13b: {  	v54 =	vadd.f32 v49, v48;
	v18 =	vmul.f32 v47, v52;
	v16 =	vadd.f32 $0.0e+00, v16;
	_ =	sdelay $0x1  }
0x13c: {  	v55 =	vmul.f32 v50, v54;
	v17 =	vadd.f32 v51, v17;
	v16 =	vadd.f32 v18, v16;
	_ =	sdelay $0x1  }
0x13d: {  	v17 =	vmul.f32 v53, v17;
	v16 =	vadd.f32 v55, v16;
	_ =	sdelay $0x1  }
0x13e: {  	v16 =	vadd.f32 v17, v16;
	_ =	sdelay $0x1  }
0x13f: {  	[tilespmem:$0x186DC] =	vst v16  }
0x140: {  	v16 =	vld [tilespmem:s15+$0x950]  }
0x141: {  	v17 =	vld [tilespmem:s15+$0x8950]  }
0x142: {  	v56 =	vld [tilespmem:s15+$0x10950]  }
0x143: {  	v57 =	vld [tilespmem:s15+$0x960]  }
0x144: {  	v58 =	vld [tilespmem:s15+$0x8960]  }
0x145: {  	v59 =	vld [tilespmem:s15+$0x10960]  }
0x146: {  	v60 =	vld [tilespmem:s15+$0x970]  }
0x147: {  	v61 =	vld [tilespmem:s15+$0x8970]  }
0x148: {  	v62 =	vld [tilespmem:s15+$0x10970]  }
0x149: {  	v63 =	vld [tilespmem:s15+$0x8980];
	v16 =	vadd.f32 v17, v16  }
0x14a: {  	v17 =	vld [tilespmem:s15+$0x980]  }
0x14b: {  	v26 =	vadd.f32 v58, v57;
	v16 =	vmul.f32 v56, v16  }
0x14c: {  	v27 =	vld [tilespmem:s15+$0x10980]  }
0x14d: {  	v28 =	vadd.f32 v61, v60;
	v18 =	vmul.f32 v59, v26;
	v16 =	vadd.f32 $0.0e+00, v16;
	_ =	sdelay $0x1  }
0x14e: {  	v29 =	vmul.f32 v62, v28;
	v17 =	vadd.f32 v63, v17;
	v16 =	vadd.f32 v18, v16;
	_ =	sdelay $0x1  }
0x14f: {  	v17 =	vmul.f32 v27, v17;
	v16 =	vadd.f32 v29, v16;
	_ =	sdelay $0x1  }
0x150: {  	v16 =	vadd.f32 v17, v16;
	_ =	sdelay $0x1  }
0x151: {  	[tilespmem:$0x186ED] =	vst v16  }
0x152: {  	v16 =	vld [tilespmem:s15+$0x990]  }
0x153: {  	v17 =	vld [tilespmem:s15+$0x8990]  }
0x154: {  	v30 =	vld [tilespmem:s15+$0x10990]  }
0x155: {  	v31 =	vld [tilespmem:s15+$0x9A0]  }
0x156: {  	v32 =	vld [tilespmem:s15+$0x89A0]  }
0x157: {  	v33 =	vld [tilespmem:s15+$0x109A0]  }
0x158: {  	v34 =	vld [tilespmem:s15+$0x9B0]  }
0x159: {  	v35 =	vld [tilespmem:s15+$0x89B0]  }
0x15a: {  	v36 =	vld [tilespmem:s15+$0x109B0]  }
0x15b: {  	v37 =	vld [tilespmem:s15+$0x89C0];
	v16 =	vadd.f32 v17, v16  }
0x15c: {  	v17 =	vld [tilespmem:s15+$0x9C0]  }
0x15d: {  	v38 =	vadd.f32 v32, v31;
	v16 =	vmul.f32 v30, v16  }
0x15e: {  	v39 =	vld [tilespmem:s15+$0x109C0]  }
0x15f: {  	v40 =	vadd.f32 v35, v34;
	v18 =	vmul.f32 v33, v38;
	v16 =	vadd.f32 $0.0e+00, v16;
	_ =	sdelay $0x1  }
0x160: {  	v41 =	vmul.f32 v36, v40;
	v17 =	vadd.f32 v37, v17;
	v16 =	vadd.f32 v18, v16;
	_ =	sdelay $0x1  }
0x161: {  	v17 =	vmul.f32 v39, v17;
	v16 =	vadd.f32 v41, v16;
	_ =	sdelay $0x1  }
0x162: {  	v16 =	vadd.f32 v17, v16;
	_ =	sdelay $0x1  }
0x163: {  	[tilespmem:$0x186FE] =	vst v16  }
0x164: {  	v16 =	vld [tilespmem:s15+$0x9D0]  }
0x165: {  	v17 =	vld [tilespmem:s15+$0x89D0]  }
0x166: {  	v42 =	vld [tilespmem:s15+$0x109D0]  }
0x167: {  	v43 =	vld [tilespmem:s15+$0x9E0]  }
0x168: {  	v44 =	vld [tilespmem:s15+$0x89E0]  }
0x169: {  	v45 =	vld [tilespmem:s15+$0x109E0]  }
0x16a: {  	v46 =	vld [tilespmem:s15+$0x9F0]  }
0x16b: {  	v47 =	vld [tilespmem:s15+$0x89F0]  }
0x16c: {  	v48 =	vld [tilespmem:s15+$0x109F0]  }
0x16d: {  	v49 =	vld [tilespmem:s15+$0x8A00];
	v16 =	vadd.f32 v17, v16  }
0x16e: {  	v17 =	vld [tilespmem:s15+$0xA00]  }
0x16f: {  	v50 =	vadd.f32 v44, v43;
	v16 =	vmul.f32 v42, v16  }
0x170: {  	v51 =	vld [tilespmem:s15+$0x10A00]  }
0x171: {  	v52 =	vadd.f32 v47, v46;
	v18 =	vmul.f32 v45, v50;
	v16 =	vadd.f32 $0.0e+00, v16;
	_ =	sdelay $0x1  }
0x172: {  	v53 =	vmul.f32 v48, v52;
	v17 =	vadd.f32 v49, v17;
	v16 =	vadd.f32 v18, v16;
	_ =	sdelay $0x1  }
0x173: {  	v17 =	vmul.f32 v51, v17;
	v16 =	vadd.f32 v53, v16;
	_ =	sdelay $0x1  }
0x174: {  	v16 =	vadd.f32 v17, v16;
	_ =	sdelay $0x1  }
0x175: {  	[tilespmem:$0x1870F] =	vst v16  }
0x176: {  	v16 =	vld.idx.msk [tilespmem:v0+s10+$0x0], $0xffff;
	_ =	sdelay $0x1  }
0x177: {  	v17 =	vld.idx.msk [tilespmem:v1+s10+$0x0], $0xffff;
	_ =	sdelay $0x1  }
0x178: {  	v54 =	vld.idx.msk [tilespmem:v2+s10+$0x0], $0xffff  }
0x179: {  	v16 =	vadd.f32 $0.0e+00, v16  }
0x17a: {  	v55 =	vld.idx.msk [tilespmem:v3+s10+$0x0], $0xffff  }
0x17b: {  	v16 =	vadd.f32 v17, v16  }
0x17c: {  	v17 =	vld.idx.msk [tilespmem:v4+s10+$0x0], $0xffff  }
0x17d: {  	v16 =	vadd.f32 v54, v16  }
0x17e: {  	v56 =	vld.idx.msk [tilespmem:v5+s10+$0x0], $0xffff  }
0x17f: {  	v16 =	vadd.f32 v55, v16  }
0x180: {  	v57 =	vld.idx.msk [tilespmem:v6+s10+$0x0], $0xffff  }
0x181: {  	v16 =	vadd.f32 v17, v16  }
0x182: {  	v17 =	vld.idx.msk [tilespmem:v7+s10+$0x0], $0xffff  }
0x183: {  	v16 =	vadd.f32 v56, v16  }
0x184: {  	v58 =	vld.idx.msk [tilespmem:v8+s10+$0x0], $0xffff  }
0x185: {  	v16 =	vadd.f32 v57, v16  }
0x186: {  	v59 =	vld.idx.msk [tilespmem:v9+s10+$0x0], $0xffff  }
0x187: {  	v16 =	vadd.f32 v17, v16  }
0x188: {  	v17 =	vld.idx.msk [tilespmem:v10+s10+$0x0], $0xffff  }
0x189: {  	v16 =	vadd.f32 v58, v16  }
0x18a: {  	v60 =	vld.idx.msk [tilespmem:v11+s10+$0x0], $0xffff  }
0x18b: {  	v16 =	vadd.f32 v59, v16  }
0x18c: {  	v61 =	vld.idx.msk [tilespmem:v12+s10+$0x0], $0xffff  }
0x18d: {  	v16 =	vadd.f32 v17, v16  }
0x18e: {  	v17 =	vld.idx.msk [tilespmem:v13+s10+$0x0], $0xffff  }
0x18f: {  	v16 =	vadd.f32 v60, v16  }
0x190: {  	v62 =	vld.idx.msk [tilespmem:v14+s10+$0x0], $0xffff  }
0x191: {  	v16 =	vadd.f32 v61, v16  }
0x192: {  	v63 =	vld.idx.msk [tilespmem:v15+s10+$0x0], $0xffff  }
0x193: {  	v16 =	vadd.f32 v17, v16;
	_ =	sdelay $0x1  }
0x194: {  	v16 =	vadd.f32 v62, v16  }
0x195: {  	p0 =	sne.s32 s13, $0x7000  }
.Ltmp2:
0x196: {  	v16 =	vadd.f32 v63, v16;
	(pc) =	sbr.rel @p0 .LBB2_6-.Ltmp2, $3  }
0x197: {  	_ = 	snop  }
0x198: {  	v16 =	vmul.f32 $5.000000000e-01, v16;
	_ =	sdelay $0x1  }
0x199: {  	s13 =	sadd.s32 $0x1000, s13;
	[tilespmem:s14+$0x0] =	vst v16;
	s14 =	sadd.s32 $0x10, s14  }
0x19a: {  	_ =	swait.ge [sflag:s9], $0x2000  }
0x19b: {  	[sflag:s9] =	ssyncset.done $0x0  }
0x19c: {  	[sflag:s9] =	ssyncadd.s32 $0xFFFFE000  }
0x19d: {  	_ =	swait.ge [sflag:s9], $0x2000  }
0x19e: {  	[sflag:s9] =	ssyncset.done $0x0  }
0x19f: {  	[sflag:s9] =	ssyncadd.s32 $0xFFFFE000  }
0x1a0: {  	_ =	swait.ge [sflag:s9], $0x2000  }
0x1a1: {  	[sflag:s9] =	ssyncset.done $0x0  }
0x1a2: {  	s14 =	simm.s32 $0x300;
	[sflag:s9] =	ssyncadd.s32 $0xFFFFE000  }
0x1a3: {  	s13 =	simm.s32 $0x0;
	s16 =	simm.s32 $0x100;
	s15 =	simm.s32 $0x0;
	v16 =	vld [tilespmem:s14+$0x0]  }
.LBB2_8:
0x1a4: {  	p0 =	sne.s32 s16, $0x7F00;
	_ =	sdelay $0x3  }
0x1a5: {  	v16 =	vshll.u32 v16, $0x4  }
0x1a6: {  	(v2sf) =	vpush v16, $0x0  }
0x1a7: {  	(v2sf) =	vpush v16, $0x1  }
0x1a8: {  	(v2sf) =	vpush v16, $0x2;
	_ =	sdelay $0xc  }
0x1a9: {  	s17 =	sshra.s32 s15, $0x2;
	s15 =	smov.u32 s16;
	s18 =	spop (v2sf)  }
0x1aa: {  	s19 =	sadd.s32 $0x4610, s17;
	s18 =	sand.u32 $0x1FFFFFF0, s18;
	s20 =	spop (v2sf)  }
0x1ab: {  	s18 =	sadd.s32 s3, s18;
	s20 =	sand.u32 $0x1FFFFFF0, s20;
	s21 =	spop (v2sf)  }
0x1ac: {  	[tilespmem:s19], [sflag:$0x1] =	stream.linear.gather [hbm4b:s18+s13], $0x40, $0x38;
	[tilespmem:$0x18920] =	vst v63  }
0x1ad: {  	s18 =	sadd.s32 $0xC610, s17  }
.Ltmp3:
0x1ae: {  	s19 =	sadd.s32 s3, s20;
	s20 =	sand.u32 $0x1FFFFFF0, s21;
	(pc) =	sbr.rel @p0 .LBB2_8-.Ltmp3, $4  }
0x1af: {  	[tilespmem:s18], [sflag:$0x1] =	stream.linear.gather [hbm4b:s19+s13], $0x40, $0x38;
	[tilespmem:$0x18920] =	vst v63  }
0x1b0: {  	s14 =	sadd.s32 $0x3, s14;
	s17 =	sadd.s32 $0x14610, s17;
	s18 =	sadd.s32 s20, s5  }
0x1b1: {  	[tilespmem:s17], [sflag:$0x1] =	stream.linear.gather [hbm4b:s18+s13], $0x40, $0x38;
	[tilespmem:$0x18920] =	vst v63  }
0x1b2: {  	s16 =	sadd.s32 $0x100, s16;
	v16 =	vld [tilespmem:s14+$0x0]  }
0x1b3: {  	_ =	sdelay $0x3  }
0x1b4: {  	v16 =	vshll.u32 v16, $0x4  }
0x1b5: {  	(v2sf) =	vpush v16, $0x0  }
0x1b6: {  	(v2sf) =	vpush v16, $0x1  }
0x1b7: {  	(v2sf) =	vpush v16, $0x2;
	_ =	sdelay $0xc  }
0x1b8: {  	s14 =	sshra.s32 s15, $0x2;
	s26 =	spop (v2sf)  }
0x1b9: {  	s16 =	sadd.s32 $0x4610, s14;
	s15 =	sand.u32 $0x1FFFFFF0, s26;
	s17 =	spop (v2sf)  }
0x1ba: {  	s15 =	sadd.s32 s3, s15;
	s17 =	sand.u32 $0x1FFFFFF0, s17;
	s18 =	spop (v2sf)  }
0x1bb: {  	[tilespmem:s16], [sflag:$0x1] =	stream.linear.gather [hbm4b:s15+s13], $0x40, $0x38;
	[tilespmem:$0x18920] =	vst v63  }
0x1bc: {  	s28 =	sadd.s32 $0xC610, s14;
	s29 =	sadd.s32 s3, s17;
	s30 =	sand.u32 $0x1FFFFFF0, s18  }
0x1bd: {  	[tilespmem:s28], [sflag:$0x1] =	stream.linear.gather [hbm4b:s29+s13], $0x40, $0x38;
	[tilespmem:$0x18920] =	vst v63  }
0x1be: {  	s14 =	sadd.s32 $0x14610, s14;
	s31 =	sadd.s32 s30, s5  }
0x1bf: {  	[tilespmem:s14], [sflag:$0x1] =	stream.linear.gather [hbm4b:s31+s13], $0x40, $0x38;
	[tilespmem:$0x18920] =	vst v63  }
0x1c0: {  	s14 =	simm.s32 $0x187A0  }
.LBB2_10:
0x1c1: {  	s15 =	sshra.s32 s13, $0x2  }
0x1c2: {  	v16 =	vld [tilespmem:s15+$0x2610]  }
0x1c3: {  	v17 =	vld [tilespmem:s15+$0xA610]  }
0x1c4: {  	v18 =	vld [tilespmem:s15+$0x12610]  }
0x1c5: {  	v19 =	vld [tilespmem:s15+$0x2620]  }
0x1c6: {  	v20 =	vld [tilespmem:s15+$0xA620]  }
0x1c7: {  	v21 =	vld [tilespmem:s15+$0x12620]  }
0x1c8: {  	v22 =	vld [tilespmem:s15+$0x2630]  }
0x1c9: {  	v23 =	vld [tilespmem:s15+$0xA630]  }
0x1ca: {  	v24 =	vld [tilespmem:s15+$0x12630]  }
0x1cb: {  	v25 =	vld [tilespmem:s15+$0xA640];
	v16 =	vadd.f32 v17, v16  }
0x1cc: {  	v17 =	vld [tilespmem:s15+$0x2640]  }
0x1cd: {  	v52 =	vadd.f32 v20, v19;
	v16 =	vmul.f32 v18, v16  }
0x1ce: {  	v53 =	vld [tilespmem:s15+$0x12640]  }
0x1cf: {  	v54 =	vadd.f32 v23, v22;
	v18 =	vmul.f32 v21, v52;
	v16 =	vadd.f32 $0.0e+00, v16;
	_ =	sdelay $0x1  }
0x1d0: {  	v55 =	vmul.f32 v24, v54;
	v17 =	vadd.f32 v25, v17;
	v16 =	vadd.f32 v18, v16;
	_ =	sdelay $0x1  }
0x1d1: {  	v17 =	vmul.f32 v53, v17;
	v16 =	vadd.f32 v55, v16;
	_ =	sdelay $0x1  }
0x1d2: {  	v16 =	vadd.f32 v17, v16;
	_ =	sdelay $0x1  }
0x1d3: {  	[tilespmem:$0x18610] =	vst v16  }
0x1d4: {  	v16 =	vld [tilespmem:s15+$0x2650]  }
0x1d5: {  	v17 =	vld [tilespmem:s15+$0xA650]  }
0x1d6: {  	v56 =	vld [tilespmem:s15+$0x12650]  }
0x1d7: {  	v57 =	vld [tilespmem:s15+$0x2660]  }
0x1d8: {  	v58 =	vld [tilespmem:s15+$0xA660]  }
0x1d9: {  	v59 =	vld [tilespmem:s15+$0x12660]  }
0x1da: {  	v60 =	vld [tilespmem:s15+$0x2670]  }
0x1db: {  	v61 =	vld [tilespmem:s15+$0xA670]  }
0x1dc: {  	v62 =	vld [tilespmem:s15+$0x12670]  }
0x1dd: {  	v63 =	vld [tilespmem:s15+$0xA680];
	v16 =	vadd.f32 v17, v16  }
0x1de: {  	v17 =	vld [tilespmem:s15+$0x2680]  }
0x1df: {  	v28 =	vadd.f32 v58, v57;
	v16 =	vmul.f32 v56, v16  }
0x1e0: {  	v29 =	vld [tilespmem:s15+$0x12680]  }
0x1e1: {  	v30 =	vadd.f32 v61, v60;
	v18 =	vmul.f32 v59, v28;
	v16 =	vadd.f32 $0.0e+00, v16;
	_ =	sdelay $0x1  }
0x1e2: {  	v31 =	vmul.f32 v62, v30;
	v17 =	vadd.f32 v63, v17;
	v16 =	vadd.f32 v18, v16;
	_ =	sdelay $0x1  }
0x1e3: {  	v17 =	vmul.f32 v29, v17;
	v16 =	vadd.f32 v31, v16;
	_ =	sdelay $0x1  }
0x1e4: {  	v16 =	vadd.f32 v17, v16;
	_ =	sdelay $0x1  }
0x1e5: {  	[tilespmem:$0x18621] =	vst v16  }
0x1e6: {  	v16 =	vld [tilespmem:s15+$0x2690]  }
0x1e7: {  	v17 =	vld [tilespmem:s15+$0xA690]  }
0x1e8: {  	v32 =	vld [tilespmem:s15+$0x12690]  }
0x1e9: {  	v33 =	vld [tilespmem:s15+$0x26A0]  }
0x1ea: {  	v34 =	vld [tilespmem:s15+$0xA6A0]  }
0x1eb: {  	v35 =	vld [tilespmem:s15+$0x126A0]  }
0x1ec: {  	v36 =	vld [tilespmem:s15+$0x26B0]  }
0x1ed: {  	v37 =	vld [tilespmem:s15+$0xA6B0]  }
0x1ee: {  	v38 =	vld [tilespmem:s15+$0x126B0]  }
0x1ef: {  	v39 =	vld [tilespmem:s15+$0xA6C0];
	v16 =	vadd.f32 v17, v16  }
0x1f0: {  	v17 =	vld [tilespmem:s15+$0x26C0]  }
0x1f1: {  	v40 =	vadd.f32 v34, v33;
	v16 =	vmul.f32 v32, v16  }
0x1f2: {  	v41 =	vld [tilespmem:s15+$0x126C0]  }
0x1f3: {  	v42 =	vadd.f32 v37, v36;
	v18 =	vmul.f32 v35, v40;
	v16 =	vadd.f32 $0.0e+00, v16;
	_ =	sdelay $0x1  }
0x1f4: {  	v43 =	vmul.f32 v38, v42;
	v17 =	vadd.f32 v39, v17;
	v16 =	vadd.f32 v18, v16;
	_ =	sdelay $0x1  }
0x1f5: {  	v17 =	vmul.f32 v41, v17;
	v16 =	vadd.f32 v43, v16;
	_ =	sdelay $0x1  }
0x1f6: {  	v16 =	vadd.f32 v17, v16;
	_ =	sdelay $0x1  }
0x1f7: {  	[tilespmem:$0x18632] =	vst v16  }
0x1f8: {  	v16 =	vld [tilespmem:s15+$0x26D0]  }
0x1f9: {  	v17 =	vld [tilespmem:s15+$0xA6D0]  }
0x1fa: {  	v44 =	vld [tilespmem:s15+$0x126D0]  }
0x1fb: {  	v45 =	vld [tilespmem:s15+$0x26E0]  }
0x1fc: {  	v46 =	vld [tilespmem:s15+$0xA6E0]  }
0x1fd: {  	v47 =	vld [tilespmem:s15+$0x126E0]  }
0x1fe: {  	v48 =	vld [tilespmem:s15+$0x26F0]  }
0x1ff: {  	v49 =	vld [tilespmem:s15+$0xA6F0]  }
0x200: {  	v50 =	vld [tilespmem:s15+$0x126F0]  }
0x201: {  	v51 =	vld [tilespmem:s15+$0xA700];
	v16 =	vadd.f32 v17, v16  }
0x202: {  	v17 =	vld [tilespmem:s15+$0x2700]  }
0x203: {  	v52 =	vadd.f32 v46, v45;
	v16 =	vmul.f32 v44, v16  }
0x204: {  	v53 =	vld [tilespmem:s15+$0x12700]  }
0x205: {  	v54 =	vadd.f32 v49, v48;
	v18 =	vmul.f32 v47, v52;
	v16 =	vadd.f32 $0.0e+00, v16;
	_ =	sdelay $0x1  }
0x206: {  	v55 =	vmul.f32 v50, v54;
	v17 =	vadd.f32 v51, v17;
	v16 =	vadd.f32 v18, v16;
	_ =	sdelay $0x1  }
0x207: {  	v17 =	vmul.f32 v53, v17;
	v16 =	vadd.f32 v55, v16;
	_ =	sdelay $0x1  }
0x208: {  	v16 =	vadd.f32 v17, v16;
	_ =	sdelay $0x1  }
0x209: {  	[tilespmem:$0x18643] =	vst v16  }
0x20a: {  	v16 =	vld [tilespmem:s15+$0x2710]  }
0x20b: {  	v17 =	vld [tilespmem:s15+$0xA710]  }
0x20c: {  	v56 =	vld [tilespmem:s15+$0x12710]  }
0x20d: {  	v57 =	vld [tilespmem:s15+$0x2720]  }
0x20e: {  	v58 =	vld [tilespmem:s15+$0xA720]  }
0x20f: {  	v59 =	vld [tilespmem:s15+$0x12720]  }
0x210: {  	v60 =	vld [tilespmem:s15+$0x2730]  }
0x211: {  	v61 =	vld [tilespmem:s15+$0xA730]  }
0x212: {  	v62 =	vld [tilespmem:s15+$0x12730]  }
0x213: {  	v63 =	vld [tilespmem:s15+$0xA740];
	v16 =	vadd.f32 v17, v16  }
0x214: {  	v17 =	vld [tilespmem:s15+$0x2740]  }
0x215: {  	v28 =	vadd.f32 v58, v57;
	v16 =	vmul.f32 v56, v16  }
0x216: {  	v29 =	vld [tilespmem:s15+$0x12740]  }
0x217: {  	v30 =	vadd.f32 v61, v60;
	v18 =	vmul.f32 v59, v28;
	v16 =	vadd.f32 $0.0e+00, v16;
	_ =	sdelay $0x1  }
0x218: {  	v31 =	vmul.f32 v62, v30;
	v17 =	vadd.f32 v63, v17;
	v16 =	vadd.f32 v18, v16;
	_ =	sdelay $0x1  }
0x219: {  	v17 =	vmul.f32 v29, v17;
	v16 =	vadd.f32 v31, v16;
	_ =	sdelay $0x1  }
0x21a: {  	v16 =	vadd.f32 v17, v16;
	_ =	sdelay $0x1  }
0x21b: {  	[tilespmem:$0x18654] =	vst v16  }
0x21c: {  	v16 =	vld [tilespmem:s15+$0x2750]  }
0x21d: {  	v17 =	vld [tilespmem:s15+$0xA750]  }
0x21e: {  	v32 =	vld [tilespmem:s15+$0x12750]  }
0x21f: {  	v33 =	vld [tilespmem:s15+$0x2760]  }
0x220: {  	v34 =	vld [tilespmem:s15+$0xA760]  }
0x221: {  	v35 =	vld [tilespmem:s15+$0x12760]  }
0x222: {  	v36 =	vld [tilespmem:s15+$0x2770]  }
0x223: {  	v37 =	vld [tilespmem:s15+$0xA770]  }
0x224: {  	v38 =	vld [tilespmem:s15+$0x12770]  }
0x225: {  	v39 =	vld [tilespmem:s15+$0xA780];
	v16 =	vadd.f32 v17, v16  }
0x226: {  	v17 =	vld [tilespmem:s15+$0x2780]  }
0x227: {  	v40 =	vadd.f32 v34, v33;
	v16 =	vmul.f32 v32, v16  }
0x228: {  	v41 =	vld [tilespmem:s15+$0x12780]  }
0x229: {  	v42 =	vadd.f32 v37, v36;
	v18 =	vmul.f32 v35, v40;
	v16 =	vadd.f32 $0.0e+00, v16;
	_ =	sdelay $0x1  }
0x22a: {  	v43 =	vmul.f32 v38, v42;
	v17 =	vadd.f32 v39, v17;
	v16 =	vadd.f32 v18, v16;
	_ =	sdelay $0x1  }
0x22b: {  	v17 =	vmul.f32 v41, v17;
	v16 =	vadd.f32 v43, v16;
	_ =	sdelay $0x1  }
0x22c: {  	v16 =	vadd.f32 v17, v16;
	_ =	sdelay $0x1  }
0x22d: {  	[tilespmem:$0x18665] =	vst v16  }
0x22e: {  	v16 =	vld [tilespmem:s15+$0x2790]  }
0x22f: {  	v17 =	vld [tilespmem:s15+$0xA790]  }
0x230: {  	v44 =	vld [tilespmem:s15+$0x12790]  }
0x231: {  	v45 =	vld [tilespmem:s15+$0x27A0]  }
0x232: {  	v46 =	vld [tilespmem:s15+$0xA7A0]  }
0x233: {  	v47 =	vld [tilespmem:s15+$0x127A0]  }
0x234: {  	v48 =	vld [tilespmem:s15+$0x27B0]  }
0x235: {  	v49 =	vld [tilespmem:s15+$0xA7B0]  }
0x236: {  	v50 =	vld [tilespmem:s15+$0x127B0]  }
0x237: {  	v51 =	vld [tilespmem:s15+$0xA7C0];
	v16 =	vadd.f32 v17, v16  }
0x238: {  	v17 =	vld [tilespmem:s15+$0x27C0]  }
0x239: {  	v52 =	vadd.f32 v46, v45;
	v16 =	vmul.f32 v44, v16  }
0x23a: {  	v53 =	vld [tilespmem:s15+$0x127C0]  }
0x23b: {  	v54 =	vadd.f32 v49, v48;
	v18 =	vmul.f32 v47, v52;
	v16 =	vadd.f32 $0.0e+00, v16;
	_ =	sdelay $0x1  }
0x23c: {  	v55 =	vmul.f32 v50, v54;
	v17 =	vadd.f32 v51, v17;
	v16 =	vadd.f32 v18, v16;
	_ =	sdelay $0x1  }
0x23d: {  	v17 =	vmul.f32 v53, v17;
	v16 =	vadd.f32 v55, v16;
	_ =	sdelay $0x1  }
0x23e: {  	v16 =	vadd.f32 v17, v16;
	_ =	sdelay $0x1  }
0x23f: {  	[tilespmem:$0x18676] =	vst v16  }
0x240: {  	v16 =	vld [tilespmem:s15+$0x27D0]  }
0x241: {  	v17 =	vld [tilespmem:s15+$0xA7D0]  }
0x242: {  	v56 =	vld [tilespmem:s15+$0x127D0]  }
0x243: {  	v57 =	vld [tilespmem:s15+$0x27E0]  }
0x244: {  	v58 =	vld [tilespmem:s15+$0xA7E0]  }
0x245: {  	v59 =	vld [tilespmem:s15+$0x127E0]  }
0x246: {  	v60 =	vld [tilespmem:s15+$0x27F0]  }
0x247: {  	v61 =	vld [tilespmem:s15+$0xA7F0]  }
0x248: {  	v62 =	vld [tilespmem:s15+$0x127F0]  }
0x249: {  	v63 =	vld [tilespmem:s15+$0xA800];
	v16 =	vadd.f32 v17, v16  }
0x24a: {  	v17 =	vld [tilespmem:s15+$0x2800]  }
0x24b: {  	v28 =	vadd.f32 v58, v57;
	v16 =	vmul.f32 v56, v16  }
0x24c: {  	v29 =	vld [tilespmem:s15+$0x12800]  }
0x24d: {  	v30 =	vadd.f32 v61, v60;
	v18 =	vmul.f32 v59, v28;
	v16 =	vadd.f32 $0.0e+00, v16;
	_ =	sdelay $0x1  }
0x24e: {  	v31 =	vmul.f32 v62, v30;
	v17 =	vadd.f32 v63, v17;
	v16 =	vadd.f32 v18, v16;
	_ =	sdelay $0x1  }
0x24f: {  	v17 =	vmul.f32 v29, v17;
	v16 =	vadd.f32 v31, v16;
	_ =	sdelay $0x1  }
0x250: {  	v16 =	vadd.f32 v17, v16;
	_ =	sdelay $0x1  }
0x251: {  	[tilespmem:$0x18687] =	vst v16  }
0x252: {  	v16 =	vld [tilespmem:s15+$0x2810]  }
0x253: {  	v17 =	vld [tilespmem:s15+$0xA810]  }
0x254: {  	v32 =	vld [tilespmem:s15+$0x12810]  }
0x255: {  	v33 =	vld [tilespmem:s15+$0x2820]  }
0x256: {  	v34 =	vld [tilespmem:s15+$0xA820]  }
0x257: {  	v35 =	vld [tilespmem:s15+$0x12820]  }
0x258: {  	v36 =	vld [tilespmem:s15+$0x2830]  }
0x259: {  	v37 =	vld [tilespmem:s15+$0xA830]  }
0x25a: {  	v38 =	vld [tilespmem:s15+$0x12830]  }
0x25b: {  	v39 =	vld [tilespmem:s15+$0xA840];
	v16 =	vadd.f32 v17, v16  }
0x25c: {  	v17 =	vld [tilespmem:s15+$0x2840]  }
0x25d: {  	v40 =	vadd.f32 v34, v33;
	v16 =	vmul.f32 v32, v16  }
0x25e: {  	v41 =	vld [tilespmem:s15+$0x12840]  }
0x25f: {  	v42 =	vadd.f32 v37, v36;
	v18 =	vmul.f32 v35, v40;
	v16 =	vadd.f32 $0.0e+00, v16;
	_ =	sdelay $0x1  }
0x260: {  	v43 =	vmul.f32 v38, v42;
	v17 =	vadd.f32 v39, v17;
	v16 =	vadd.f32 v18, v16;
	_ =	sdelay $0x1  }
0x261: {  	v17 =	vmul.f32 v41, v17;
	v16 =	vadd.f32 v43, v16;
	_ =	sdelay $0x1  }
0x262: {  	v16 =	vadd.f32 v17, v16;
	_ =	sdelay $0x1  }
0x263: {  	[tilespmem:$0x18698] =	vst v16  }
0x264: {  	v16 =	vld [tilespmem:s15+$0x2850]  }
0x265: {  	v17 =	vld [tilespmem:s15+$0xA850]  }
0x266: {  	v44 =	vld [tilespmem:s15+$0x12850]  }
0x267: {  	v45 =	vld [tilespmem:s15+$0x2860]  }
0x268: {  	v46 =	vld [tilespmem:s15+$0xA860]  }
0x269: {  	v47 =	vld [tilespmem:s15+$0x12860]  }
0x26a: {  	v48 =	vld [tilespmem:s15+$0x2870]  }
0x26b: {  	v49 =	vld [tilespmem:s15+$0xA870]  }
0x26c: {  	v50 =	vld [tilespmem:s15+$0x12870]  }
0x26d: {  	v51 =	vld [tilespmem:s15+$0xA880];
	v16 =	vadd.f32 v17, v16  }
0x26e: {  	v17 =	vld [tilespmem:s15+$0x2880]  }
0x26f: {  	v52 =	vadd.f32 v46, v45;
	v16 =	vmul.f32 v44, v16  }
0x270: {  	v53 =	vld [tilespmem:s15+$0x12880]  }
0x271: {  	v54 =	vadd.f32 v49, v48;
	v18 =	vmul.f32 v47, v52;
	v16 =	vadd.f32 $0.0e+00, v16;
	_ =	sdelay $0x1  }
0x272: {  	v55 =	vmul.f32 v50, v54;
	v17 =	vadd.f32 v51, v17;
	v16 =	vadd.f32 v18, v16;
	_ =	sdelay $0x1  }
0x273: {  	v17 =	vmul.f32 v53, v17;
	v16 =	vadd.f32 v55, v16;
	_ =	sdelay $0x1  }
0x274: {  	v16 =	vadd.f32 v17, v16;
	_ =	sdelay $0x1  }
0x275: {  	[tilespmem:$0x186A9] =	vst v16  }
0x276: {  	v16 =	vld [tilespmem:s15+$0x2890]  }
0x277: {  	v17 =	vld [tilespmem:s15+$0xA890]  }
0x278: {  	v56 =	vld [tilespmem:s15+$0x12890]  }
0x279: {  	v57 =	vld [tilespmem:s15+$0x28A0]  }
0x27a: {  	v58 =	vld [tilespmem:s15+$0xA8A0]  }
0x27b: {  	v59 =	vld [tilespmem:s15+$0x128A0]  }
0x27c: {  	v60 =	vld [tilespmem:s15+$0x28B0]  }
0x27d: {  	v61 =	vld [tilespmem:s15+$0xA8B0]  }
0x27e: {  	v62 =	vld [tilespmem:s15+$0x128B0]  }
0x27f: {  	v63 =	vld [tilespmem:s15+$0xA8C0];
	v16 =	vadd.f32 v17, v16  }
0x280: {  	v17 =	vld [tilespmem:s15+$0x28C0]  }
0x281: {  	v28 =	vadd.f32 v58, v57;
	v16 =	vmul.f32 v56, v16  }
0x282: {  	v29 =	vld [tilespmem:s15+$0x128C0]  }
0x283: {  	v30 =	vadd.f32 v61, v60;
	v18 =	vmul.f32 v59, v28;
	v16 =	vadd.f32 $0.0e+00, v16;
	_ =	sdelay $0x1  }
0x284: {  	v31 =	vmul.f32 v62, v30;
	v17 =	vadd.f32 v63, v17;
	v16 =	vadd.f32 v18, v16;
	_ =	sdelay $0x1  }
0x285: {  	v17 =	vmul.f32 v29, v17;
	v16 =	vadd.f32 v31, v16;
	_ =	sdelay $0x1  }
0x286: {  	v16 =	vadd.f32 v17, v16;
	_ =	sdelay $0x1  }
0x287: {  	[tilespmem:$0x186BA] =	vst v16  }
0x288: {  	v16 =	vld [tilespmem:s15+$0x28D0]  }
0x289: {  	v17 =	vld [tilespmem:s15+$0xA8D0]  }
0x28a: {  	v32 =	vld [tilespmem:s15+$0x128D0]  }
0x28b: {  	v33 =	vld [tilespmem:s15+$0x28E0]  }
0x28c: {  	v34 =	vld [tilespmem:s15+$0xA8E0]  }
0x28d: {  	v35 =	vld [tilespmem:s15+$0x128E0]  }
0x28e: {  	v36 =	vld [tilespmem:s15+$0x28F0]  }
0x28f: {  	v37 =	vld [tilespmem:s15+$0xA8F0]  }
0x290: {  	v38 =	vld [tilespmem:s15+$0x128F0]  }
0x291: {  	v39 =	vld [tilespmem:s15+$0xA900];
	v16 =	vadd.f32 v17, v16  }
0x292: {  	v17 =	vld [tilespmem:s15+$0x2900]  }
0x293: {  	v40 =	vadd.f32 v34, v33;
	v16 =	vmul.f32 v32, v16  }
0x294: {  	v41 =	vld [tilespmem:s15+$0x12900]  }
0x295: {  	v42 =	vadd.f32 v37, v36;
	v18 =	vmul.f32 v35, v40;
	v16 =	vadd.f32 $0.0e+00, v16;
	_ =	sdelay $0x1  }
0x296: {  	v43 =	vmul.f32 v38, v42;
	v17 =	vadd.f32 v39, v17;
	v16 =	vadd.f32 v18, v16;
	_ =	sdelay $0x1  }
0x297: {  	v17 =	vmul.f32 v41, v17;
	v16 =	vadd.f32 v43, v16;
	_ =	sdelay $0x1  }
0x298: {  	v16 =	vadd.f32 v17, v16;
	_ =	sdelay $0x1  }
0x299: {  	[tilespmem:$0x186CB] =	vst v16  }
0x29a: {  	v16 =	vld [tilespmem:s15+$0x2910]  }
0x29b: {  	v17 =	vld [tilespmem:s15+$0xA910]  }
0x29c: {  	v44 =	vld [tilespmem:s15+$0x12910]  }
0x29d: {  	v45 =	vld [tilespmem:s15+$0x2920]  }
0x29e: {  	v46 =	vld [tilespmem:s15+$0xA920]  }
0x29f: {  	v47 =	vld [tilespmem:s15+$0x12920]  }
0x2a0: {  	v48 =	vld [tilespmem:s15+$0x2930]  }
0x2a1: {  	v49 =	vld [tilespmem:s15+$0xA930]  }
0x2a2: {  	v50 =	vld [tilespmem:s15+$0x12930]  }
0x2a3: {  	v51 =	vld [tilespmem:s15+$0xA940];
	v16 =	vadd.f32 v17, v16  }
0x2a4: {  	v17 =	vld [tilespmem:s15+$0x2940]  }
0x2a5: {  	v52 =	vadd.f32 v46, v45;
	v16 =	vmul.f32 v44, v16  }
0x2a6: {  	v53 =	vld [tilespmem:s15+$0x12940]  }
0x2a7: {  	v54 =	vadd.f32 v49, v48;
	v18 =	vmul.f32 v47, v52;
	v16 =	vadd.f32 $0.0e+00, v16;
	_ =	sdelay $0x1  }
0x2a8: {  	v55 =	vmul.f32 v50, v54;
	v17 =	vadd.f32 v51, v17;
	v16 =	vadd.f32 v18, v16;
	_ =	sdelay $0x1  }
0x2a9: {  	v17 =	vmul.f32 v53, v17;
	v16 =	vadd.f32 v55, v16;
	_ =	sdelay $0x1  }
0x2aa: {  	v16 =	vadd.f32 v17, v16;
	_ =	sdelay $0x1  }
0x2ab: {  	[tilespmem:$0x186DC] =	vst v16  }
0x2ac: {  	v16 =	vld [tilespmem:s15+$0x2950]  }
0x2ad: {  	v17 =	vld [tilespmem:s15+$0xA950]  }
0x2ae: {  	v56 =	vld [tilespmem:s15+$0x12950]  }
0x2af: {  	v57 =	vld [tilespmem:s15+$0x2960]  }
0x2b0: {  	v58 =	vld [tilespmem:s15+$0xA960]  }
0x2b1: {  	v59 =	vld [tilespmem:s15+$0x12960]  }
0x2b2: {  	v60 =	vld [tilespmem:s15+$0x2970]  }
0x2b3: {  	v61 =	vld [tilespmem:s15+$0xA970]  }
0x2b4: {  	v62 =	vld [tilespmem:s15+$0x12970]  }
0x2b5: {  	v63 =	vld [tilespmem:s15+$0xA980];
	v16 =	vadd.f32 v17, v16  }
0x2b6: {  	v17 =	vld [tilespmem:s15+$0x2980]  }
0x2b7: {  	v26 =	vadd.f32 v58, v57;
	v16 =	vmul.f32 v56, v16  }
0x2b8: {  	v27 =	vld [tilespmem:s15+$0x12980]  }
0x2b9: {  	v28 =	vadd.f32 v61, v60;
	v18 =	vmul.f32 v59, v26;
	v16 =	vadd.f32 $0.0e+00, v16;
	_ =	sdelay $0x1  }
0x2ba: {  	v29 =	vmul.f32 v62, v28;
	v17 =	vadd.f32 v63, v17;
	v16 =	vadd.f32 v18, v16;
	_ =	sdelay $0x1  }
0x2bb: {  	v17 =	vmul.f32 v27, v17;
	v16 =	vadd.f32 v29, v16;
	_ =	sdelay $0x1  }
0x2bc: {  	v16 =	vadd.f32 v17, v16;
	_ =	sdelay $0x1  }
0x2bd: {  	[tilespmem:$0x186ED] =	vst v16  }
0x2be: {  	v16 =	vld [tilespmem:s15+$0x2990]  }
0x2bf: {  	v17 =	vld [tilespmem:s15+$0xA990]  }
0x2c0: {  	v30 =	vld [tilespmem:s15+$0x12990]  }
0x2c1: {  	v31 =	vld [tilespmem:s15+$0x29A0]  }
0x2c2: {  	v32 =	vld [tilespmem:s15+$0xA9A0]  }
0x2c3: {  	v33 =	vld [tilespmem:s15+$0x129A0]  }
0x2c4: {  	v34 =	vld [tilespmem:s15+$0x29B0]  }
0x2c5: {  	v35 =	vld [tilespmem:s15+$0xA9B0]  }
0x2c6: {  	v36 =	vld [tilespmem:s15+$0x129B0]  }
0x2c7: {  	v37 =	vld [tilespmem:s15+$0xA9C0];
	v16 =	vadd.f32 v17, v16  }
0x2c8: {  	v17 =	vld [tilespmem:s15+$0x29C0]  }
0x2c9: {  	v38 =	vadd.f32 v32, v31;
	v16 =	vmul.f32 v30, v16  }
0x2ca: {  	v39 =	vld [tilespmem:s15+$0x129C0]  }
0x2cb: {  	v40 =	vadd.f32 v35, v34;
	v18 =	vmul.f32 v33, v38;
	v16 =	vadd.f32 $0.0e+00, v16;
	_ =	sdelay $0x1  }
0x2cc: {  	v41 =	vmul.f32 v36, v40;
	v17 =	vadd.f32 v37, v17;
	v16 =	vadd.f32 v18, v16;
	_ =	sdelay $0x1  }
0x2cd: {  	v17 =	vmul.f32 v39, v17;
	v16 =	vadd.f32 v41, v16;
	_ =	sdelay $0x1  }
0x2ce: {  	v16 =	vadd.f32 v17, v16;
	_ =	sdelay $0x1  }
0x2cf: {  	[tilespmem:$0x186FE] =	vst v16  }
0x2d0: {  	v16 =	vld [tilespmem:s15+$0x29D0]  }
0x2d1: {  	v17 =	vld [tilespmem:s15+$0xA9D0]  }
0x2d2: {  	v42 =	vld [tilespmem:s15+$0x129D0]  }
0x2d3: {  	v43 =	vld [tilespmem:s15+$0x29E0]  }
0x2d4: {  	v44 =	vld [tilespmem:s15+$0xA9E0]  }
0x2d5: {  	v45 =	vld [tilespmem:s15+$0x129E0]  }
0x2d6: {  	v46 =	vld [tilespmem:s15+$0x29F0]  }
0x2d7: {  	v47 =	vld [tilespmem:s15+$0xA9F0]  }
0x2d8: {  	v48 =	vld [tilespmem:s15+$0x129F0]  }
0x2d9: {  	v49 =	vld [tilespmem:s15+$0xAA00];
	v16 =	vadd.f32 v17, v16  }
0x2da: {  	v17 =	vld [tilespmem:s15+$0x2A00]  }
0x2db: {  	v50 =	vadd.f32 v44, v43;
	v16 =	vmul.f32 v42, v16  }
0x2dc: {  	v51 =	vld [tilespmem:s15+$0x12A00]  }
0x2dd: {  	v52 =	vadd.f32 v47, v46;
	v18 =	vmul.f32 v45, v50;
	v16 =	vadd.f32 $0.0e+00, v16;
	_ =	sdelay $0x1  }
0x2de: {  	v53 =	vmul.f32 v48, v52;
	v17 =	vadd.f32 v49, v17;
	v16 =	vadd.f32 v18, v16;
	_ =	sdelay $0x1  }
0x2df: {  	v17 =	vmul.f32 v51, v17;
	v16 =	vadd.f32 v53, v16;
	_ =	sdelay $0x1  }
0x2e0: {  	v16 =	vadd.f32 v17, v16;
	_ =	sdelay $0x1  }
0x2e1: {  	[tilespmem:$0x1870F] =	vst v16  }
0x2e2: {  	v16 =	vld.idx.msk [tilespmem:v0+s10+$0x0], $0xffff;
	_ =	sdelay $0x1  }
0x2e3: {  	v17 =	vld.idx.msk [tilespmem:v1+s10+$0x0], $0xffff;
	_ =	sdelay $0x1  }
0x2e4: {  	v54 =	vld.idx.msk [tilespmem:v2+s10+$0x0], $0xffff  }
0x2e5: {  	v16 =	vadd.f32 $0.0e+00, v16  }
0x2e6: {  	v55 =	vld.idx.msk [tilespmem:v3+s10+$0x0], $0xffff  }
0x2e7: {  	v16 =	vadd.f32 v17, v16  }
0x2e8: {  	v17 =	vld.idx.msk [tilespmem:v4+s10+$0x0], $0xffff  }
0x2e9: {  	v16 =	vadd.f32 v54, v16  }
0x2ea: {  	v56 =	vld.idx.msk [tilespmem:v5+s10+$0x0], $0xffff  }
0x2eb: {  	v16 =	vadd.f32 v55, v16  }
0x2ec: {  	v57 =	vld.idx.msk [tilespmem:v6+s10+$0x0], $0xffff  }
0x2ed: {  	v16 =	vadd.f32 v17, v16  }
0x2ee: {  	v17 =	vld.idx.msk [tilespmem:v7+s10+$0x0], $0xffff  }
0x2ef: {  	v16 =	vadd.f32 v56, v16  }
0x2f0: {  	v58 =	vld.idx.msk [tilespmem:v8+s10+$0x0], $0xffff  }
0x2f1: {  	v16 =	vadd.f32 v57, v16  }
0x2f2: {  	v59 =	vld.idx.msk [tilespmem:v9+s10+$0x0], $0xffff  }
0x2f3: {  	v16 =	vadd.f32 v17, v16  }
0x2f4: {  	v17 =	vld.idx.msk [tilespmem:v10+s10+$0x0], $0xffff  }
0x2f5: {  	v16 =	vadd.f32 v58, v16  }
0x2f6: {  	v60 =	vld.idx.msk [tilespmem:v11+s10+$0x0], $0xffff  }
0x2f7: {  	v16 =	vadd.f32 v59, v16  }
0x2f8: {  	v61 =	vld.idx.msk [tilespmem:v12+s10+$0x0], $0xffff  }
0x2f9: {  	v16 =	vadd.f32 v17, v16  }
0x2fa: {  	v17 =	vld.idx.msk [tilespmem:v13+s10+$0x0], $0xffff  }
0x2fb: {  	v16 =	vadd.f32 v60, v16  }
0x2fc: {  	v62 =	vld.idx.msk [tilespmem:v14+s10+$0x0], $0xffff  }
0x2fd: {  	v16 =	vadd.f32 v61, v16  }
0x2fe: {  	v63 =	vld.idx.msk [tilespmem:v15+s10+$0x0], $0xffff  }
0x2ff: {  	v16 =	vadd.f32 v17, v16;
	_ =	sdelay $0x1  }
0x300: {  	v16 =	vadd.f32 v62, v16  }
0x301: {  	p0 =	sne.s32 s13, $0x7000  }
.Ltmp4:
0x302: {  	v16 =	vadd.f32 v63, v16;
	(pc) =	sbr.rel @p0 .LBB2_10-.Ltmp4, $3  }
0x303: {  	_ = 	snop  }
0x304: {  	v16 =	vmul.f32 $5.000000000e-01, v16;
	_ =	sdelay $0x1  }
0x305: {  	s13 =	sadd.s32 $0x1000, s13;
	[tilespmem:s14+$0x0] =	vst v16;
	s14 =	sadd.s32 $0x10, s14  }
0x306: {  	_ =	swait.ge [sflag:s9], $0x2000  }
0x307: {  	[sflag:s9] =	ssyncset.done $0x0  }
0x308: {  	[sflag:s9] =	ssyncadd.s32 $0xFFFFE000  }
0x309: {  	_ =	swait.ge [sflag:s9], $0x2000  }
0x30a: {  	[sflag:s9] =	ssyncset.done $0x0  }
0x30b: {  	[sflag:s9] =	ssyncadd.s32 $0xFFFFE000  }
0x30c: {  	_ =	swait.ge [sflag:s9], $0x2000  }
0x30d: {  	[sflag:s9] =	ssyncset.done $0x0  }
0x30e: {  	s14 =	simm.s32 $0x480;
	[sflag:s9] =	ssyncadd.s32 $0xFFFFE000  }
0x30f: {  	s13 =	simm.s32 $0x0;
	s16 =	simm.s32 $0x100;
	s15 =	simm.s32 $0x0;
	v16 =	vld [tilespmem:s14+$0x0]  }
.LBB2_12:
0x310: {  	p0 =	sne.s32 s16, $0x7F00;
	_ =	sdelay $0x3  }
0x311: {  	v16 =	vshll.u32 v16, $0x4  }
0x312: {  	(v2sf) =	vpush v16, $0x0  }
0x313: {  	(v2sf) =	vpush v16, $0x1  }
0x314: {  	(v2sf) =	vpush v16, $0x2;
	_ =	sdelay $0xc  }
0x315: {  	s17 =	sshra.s32 s15, $0x2;
	s15 =	smov.u32 s16;
	s18 =	spop (v2sf)  }
0x316: {  	s19 =	sadd.s32 $0x6610, s17;
	s18 =	sand.u32 $0x1FFFFFF0, s18;
	s20 =	spop (v2sf)  }
0x317: {  	s18 =	sadd.s32 s3, s18;
	s20 =	sand.u32 $0x1FFFFFF0, s20;
	s21 =	spop (v2sf)  }
0x318: {  	[tilespmem:s19], [sflag:$0x1] =	stream.linear.gather [hbm4b:s18+s13], $0x40, $0x38;
	[tilespmem:$0x18920] =	vst v63  }
0x319: {  	s18 =	sadd.s32 $0xE610, s17  }
.Ltmp5:
0x31a: {  	s19 =	sadd.s32 s3, s20;
	s20 =	sand.u32 $0x1FFFFFF0, s21;
	(pc) =	sbr.rel @p0 .LBB2_12-.Ltmp5, $4  }
0x31b: {  	[tilespmem:s18], [sflag:$0x1] =	stream.linear.gather [hbm4b:s19+s13], $0x40, $0x38;
	[tilespmem:$0x18920] =	vst v63  }
0x31c: {  	s14 =	sadd.s32 $0x3, s14;
	s17 =	sadd.s32 $0x16610, s17;
	s18 =	sadd.s32 s20, s5  }
0x31d: {  	[tilespmem:s17], [sflag:$0x1] =	stream.linear.gather [hbm4b:s18+s13], $0x40, $0x38;
	[tilespmem:$0x18920] =	vst v63  }
0x31e: {  	s16 =	sadd.s32 $0x100, s16;
	v16 =	vld [tilespmem:s14+$0x0]  }
0x31f: {  	_ =	sdelay $0x3  }
0x320: {  	v16 =	vshll.u32 v16, $0x4  }
0x321: {  	(v2sf) =	vpush v16, $0x0  }
0x322: {  	(v2sf) =	vpush v16, $0x1  }
0x323: {  	(v2sf) =	vpush v16, $0x2;
	_ =	sdelay $0xc  }
0x324: {  	s14 =	sshra.s32 s15, $0x2;
	s26 =	spop (v2sf)  }
0x325: {  	s16 =	sadd.s32 $0x6610, s14;
	s15 =	sand.u32 $0x1FFFFFF0, s26;
	s17 =	spop (v2sf)  }
0x326: {  	s15 =	sadd.s32 s3, s15;
	s17 =	sand.u32 $0x1FFFFFF0, s17;
	s18 =	spop (v2sf)  }
0x327: {  	[tilespmem:s16], [sflag:$0x1] =	stream.linear.gather [hbm4b:s15+s13], $0x40, $0x38;
	[tilespmem:$0x18920] =	vst v63  }
0x328: {  	s28 =	sadd.s32 $0xE610, s14;
	s29 =	sadd.s32 s3, s17;
	s30 =	sand.u32 $0x1FFFFFF0, s18  }
0x329: {  	[tilespmem:s28], [sflag:$0x1] =	stream.linear.gather [hbm4b:s29+s13], $0x40, $0x38;
	[tilespmem:$0x18920] =	vst v63  }
0x32a: {  	s14 =	sadd.s32 $0x16610, s14;
	s31 =	sadd.s32 s30, s5  }
0x32b: {  	[tilespmem:s14], [sflag:$0x1] =	stream.linear.gather [hbm4b:s31+s13], $0x40, $0x38;
	[tilespmem:$0x18920] =	vst v63  }
0x32c: {  	s14 =	simm.s32 $0x18820  }
.LBB2_14:
0x32d: {  	s15 =	sshra.s32 s13, $0x2  }
0x32e: {  	v16 =	vld [tilespmem:s15+$0x4610]  }
0x32f: {  	v17 =	vld [tilespmem:s15+$0xC610]  }
0x330: {  	v18 =	vld [tilespmem:s15+$0x14610]  }
0x331: {  	v19 =	vld [tilespmem:s15+$0x4620]  }
0x332: {  	v20 =	vld [tilespmem:s15+$0xC620]  }
0x333: {  	v21 =	vld [tilespmem:s15+$0x14620]  }
0x334: {  	v22 =	vld [tilespmem:s15+$0x4630]  }
0x335: {  	v23 =	vld [tilespmem:s15+$0xC630]  }
0x336: {  	v24 =	vld [tilespmem:s15+$0x14630]  }
0x337: {  	v25 =	vld [tilespmem:s15+$0xC640];
	v16 =	vadd.f32 v17, v16  }
0x338: {  	v17 =	vld [tilespmem:s15+$0x4640]  }
0x339: {  	v52 =	vadd.f32 v20, v19;
	v16 =	vmul.f32 v18, v16  }
0x33a: {  	v53 =	vld [tilespmem:s15+$0x14640]  }
0x33b: {  	v54 =	vadd.f32 v23, v22;
	v18 =	vmul.f32 v21, v52;
	v16 =	vadd.f32 $0.0e+00, v16;
	_ =	sdelay $0x1  }
0x33c: {  	v55 =	vmul.f32 v24, v54;
	v17 =	vadd.f32 v25, v17;
	v16 =	vadd.f32 v18, v16;
	_ =	sdelay $0x1  }
0x33d: {  	v17 =	vmul.f32 v53, v17;
	v16 =	vadd.f32 v55, v16;
	_ =	sdelay $0x1  }
0x33e: {  	v16 =	vadd.f32 v17, v16;
	_ =	sdelay $0x1  }
0x33f: {  	[tilespmem:$0x18610] =	vst v16  }
0x340: {  	v16 =	vld [tilespmem:s15+$0x4650]  }
0x341: {  	v17 =	vld [tilespmem:s15+$0xC650]  }
0x342: {  	v56 =	vld [tilespmem:s15+$0x14650]  }
0x343: {  	v57 =	vld [tilespmem:s15+$0x4660]  }
0x344: {  	v58 =	vld [tilespmem:s15+$0xC660]  }
0x345: {  	v59 =	vld [tilespmem:s15+$0x14660]  }
0x346: {  	v60 =	vld [tilespmem:s15+$0x4670]  }
0x347: {  	v61 =	vld [tilespmem:s15+$0xC670]  }
0x348: {  	v62 =	vld [tilespmem:s15+$0x14670]  }
0x349: {  	v63 =	vld [tilespmem:s15+$0xC680];
	v16 =	vadd.f32 v17, v16  }
0x34a: {  	v17 =	vld [tilespmem:s15+$0x4680]  }
0x34b: {  	v28 =	vadd.f32 v58, v57;
	v16 =	vmul.f32 v56, v16  }
0x34c: {  	v29 =	vld [tilespmem:s15+$0x14680]  }
0x34d: {  	v30 =	vadd.f32 v61, v60;
	v18 =	vmul.f32 v59, v28;
	v16 =	vadd.f32 $0.0e+00, v16;
	_ =	sdelay $0x1  }
0x34e: {  	v31 =	vmul.f32 v62, v30;
	v17 =	vadd.f32 v63, v17;
	v16 =	vadd.f32 v18, v16;
	_ =	sdelay $0x1  }
0x34f: {  	v17 =	vmul.f32 v29, v17;
	v16 =	vadd.f32 v31, v16;
	_ =	sdelay $0x1  }
0x350: {  	v16 =	vadd.f32 v17, v16;
	_ =	sdelay $0x1  }
0x351: {  	[tilespmem:$0x18621] =	vst v16  }
0x352: {  	v16 =	vld [tilespmem:s15+$0x4690]  }
0x353: {  	v17 =	vld [tilespmem:s15+$0xC690]  }
0x354: {  	v32 =	vld [tilespmem:s15+$0x14690]  }
0x355: {  	v33 =	vld [tilespmem:s15+$0x46A0]  }
0x356: {  	v34 =	vld [tilespmem:s15+$0xC6A0]  }
0x357: {  	v35 =	vld [tilespmem:s15+$0x146A0]  }
0x358: {  	v36 =	vld [tilespmem:s15+$0x46B0]  }
0x359: {  	v37 =	vld [tilespmem:s15+$0xC6B0]  }
0x35a: {  	v38 =	vld [tilespmem:s15+$0x146B0]  }
0x35b: {  	v39 =	vld [tilespmem:s15+$0xC6C0];
	v16 =	vadd.f32 v17, v16  }
0x35c: {  	v17 =	vld [tilespmem:s15+$0x46C0]  }
0x35d: {  	v40 =	vadd.f32 v34, v33;
	v16 =	vmul.f32 v32, v16  }
0x35e: {  	v41 =	vld [tilespmem:s15+$0x146C0]  }
0x35f: {  	v42 =	vadd.f32 v37, v36;
	v18 =	vmul.f32 v35, v40;
	v16 =	vadd.f32 $0.0e+00, v16;
	_ =	sdelay $0x1  }
0x360: {  	v43 =	vmul.f32 v38, v42;
	v17 =	vadd.f32 v39, v17;
	v16 =	vadd.f32 v18, v16;
	_ =	sdelay $0x1  }
0x361: {  	v17 =	vmul.f32 v41, v17;
	v16 =	vadd.f32 v43, v16;
	_ =	sdelay $0x1  }
0x362: {  	v16 =	vadd.f32 v17, v16;
	_ =	sdelay $0x1  }
0x363: {  	[tilespmem:$0x18632] =	vst v16  }
0x364: {  	v16 =	vld [tilespmem:s15+$0x46D0]  }
0x365: {  	v17 =	vld [tilespmem:s15+$0xC6D0]  }
0x366: {  	v44 =	vld [tilespmem:s15+$0x146D0]  }
0x367: {  	v45 =	vld [tilespmem:s15+$0x46E0]  }
0x368: {  	v46 =	vld [tilespmem:s15+$0xC6E0]  }
0x369: {  	v47 =	vld [tilespmem:s15+$0x146E0]  }
0x36a: {  	v48 =	vld [tilespmem:s15+$0x46F0]  }
0x36b: {  	v49 =	vld [tilespmem:s15+$0xC6F0]  }
0x36c: {  	v50 =	vld [tilespmem:s15+$0x146F0]  }
0x36d: {  	v51 =	vld [tilespmem:s15+$0xC700];
	v16 =	vadd.f32 v17, v16  }
0x36e: {  	v17 =	vld [tilespmem:s15+$0x4700]  }
0x36f: {  	v52 =	vadd.f32 v46, v45;
	v16 =	vmul.f32 v44, v16  }
0x370: {  	v53 =	vld [tilespmem:s15+$0x14700]  }
0x371: {  	v54 =	vadd.f32 v49, v48;
	v18 =	vmul.f32 v47, v52;
	v16 =	vadd.f32 $0.0e+00, v16;
	_ =	sdelay $0x1  }
0x372: {  	v55 =	vmul.f32 v50, v54;
	v17 =	vadd.f32 v51, v17;
	v16 =	vadd.f32 v18, v16;
	_ =	sdelay $0x1  }
0x373: {  	v17 =	vmul.f32 v53, v17;
	v16 =	vadd.f32 v55, v16;
	_ =	sdelay $0x1  }
0x374: {  	v16 =	vadd.f32 v17, v16;
	_ =	sdelay $0x1  }
0x375: {  	[tilespmem:$0x18643] =	vst v16  }
0x376: {  	v16 =	vld [tilespmem:s15+$0x4710]  }
0x377: {  	v17 =	vld [tilespmem:s15+$0xC710]  }
0x378: {  	v56 =	vld [tilespmem:s15+$0x14710]  }
0x379: {  	v57 =	vld [tilespmem:s15+$0x4720]  }
0x37a: {  	v58 =	vld [tilespmem:s15+$0xC720]  }
0x37b: {  	v59 =	vld [tilespmem:s15+$0x14720]  }
0x37c: {  	v60 =	vld [tilespmem:s15+$0x4730]  }
0x37d: {  	v61 =	vld [tilespmem:s15+$0xC730]  }
0x37e: {  	v62 =	vld [tilespmem:s15+$0x14730]  }
0x37f: {  	v63 =	vld [tilespmem:s15+$0xC740];
	v16 =	vadd.f32 v17, v16  }
0x380: {  	v17 =	vld [tilespmem:s15+$0x4740]  }
0x381: {  	v28 =	vadd.f32 v58, v57;
	v16 =	vmul.f32 v56, v16  }
0x382: {  	v29 =	vld [tilespmem:s15+$0x14740]  }
0x383: {  	v30 =	vadd.f32 v61, v60;
	v18 =	vmul.f32 v59, v28;
	v16 =	vadd.f32 $0.0e+00, v16;
	_ =	sdelay $0x1  }
0x384: {  	v31 =	vmul.f32 v62, v30;
	v17 =	vadd.f32 v63, v17;
	v16 =	vadd.f32 v18, v16;
	_ =	sdelay $0x1  }
0x385: {  	v17 =	vmul.f32 v29, v17;
	v16 =	vadd.f32 v31, v16;
	_ =	sdelay $0x1  }
0x386: {  	v16 =	vadd.f32 v17, v16;
	_ =	sdelay $0x1  }
0x387: {  	[tilespmem:$0x18654] =	vst v16  }
0x388: {  	v16 =	vld [tilespmem:s15+$0x4750]  }
0x389: {  	v17 =	vld [tilespmem:s15+$0xC750]  }
0x38a: {  	v32 =	vld [tilespmem:s15+$0x14750]  }
0x38b: {  	v33 =	vld [tilespmem:s15+$0x4760]  }
0x38c: {  	v34 =	vld [tilespmem:s15+$0xC760]  }
0x38d: {  	v35 =	vld [tilespmem:s15+$0x14760]  }
0x38e: {  	v36 =	vld [tilespmem:s15+$0x4770]  }
0x38f: {  	v37 =	vld [tilespmem:s15+$0xC770]  }
0x390: {  	v38 =	vld [tilespmem:s15+$0x14770]  }
0x391: {  	v39 =	vld [tilespmem:s15+$0xC780];
	v16 =	vadd.f32 v17, v16  }
0x392: {  	v17 =	vld [tilespmem:s15+$0x4780]  }
0x393: {  	v40 =	vadd.f32 v34, v33;
	v16 =	vmul.f32 v32, v16  }
0x394: {  	v41 =	vld [tilespmem:s15+$0x14780]  }
0x395: {  	v42 =	vadd.f32 v37, v36;
	v18 =	vmul.f32 v35, v40;
	v16 =	vadd.f32 $0.0e+00, v16;
	_ =	sdelay $0x1  }
0x396: {  	v43 =	vmul.f32 v38, v42;
	v17 =	vadd.f32 v39, v17;
	v16 =	vadd.f32 v18, v16;
	_ =	sdelay $0x1  }
0x397: {  	v17 =	vmul.f32 v41, v17;
	v16 =	vadd.f32 v43, v16;
	_ =	sdelay $0x1  }
0x398: {  	v16 =	vadd.f32 v17, v16;
	_ =	sdelay $0x1  }
0x399: {  	[tilespmem:$0x18665] =	vst v16  }
0x39a: {  	v16 =	vld [tilespmem:s15+$0x4790]  }
0x39b: {  	v17 =	vld [tilespmem:s15+$0xC790]  }
0x39c: {  	v44 =	vld [tilespmem:s15+$0x14790]  }
0x39d: {  	v45 =	vld [tilespmem:s15+$0x47A0]  }
0x39e: {  	v46 =	vld [tilespmem:s15+$0xC7A0]  }
0x39f: {  	v47 =	vld [tilespmem:s15+$0x147A0]  }
0x3a0: {  	v48 =	vld [tilespmem:s15+$0x47B0]  }
0x3a1: {  	v49 =	vld [tilespmem:s15+$0xC7B0]  }
0x3a2: {  	v50 =	vld [tilespmem:s15+$0x147B0]  }
0x3a3: {  	v51 =	vld [tilespmem:s15+$0xC7C0];
	v16 =	vadd.f32 v17, v16  }
0x3a4: {  	v17 =	vld [tilespmem:s15+$0x47C0]  }
0x3a5: {  	v52 =	vadd.f32 v46, v45;
	v16 =	vmul.f32 v44, v16  }
0x3a6: {  	v53 =	vld [tilespmem:s15+$0x147C0]  }
0x3a7: {  	v54 =	vadd.f32 v49, v48;
	v18 =	vmul.f32 v47, v52;
	v16 =	vadd.f32 $0.0e+00, v16;
	_ =	sdelay $0x1  }
0x3a8: {  	v55 =	vmul.f32 v50, v54;
	v17 =	vadd.f32 v51, v17;
	v16 =	vadd.f32 v18, v16;
	_ =	sdelay $0x1  }
0x3a9: {  	v17 =	vmul.f32 v53, v17;
	v16 =	vadd.f32 v55, v16;
	_ =	sdelay $0x1  }
0x3aa: {  	v16 =	vadd.f32 v17, v16;
	_ =	sdelay $0x1  }
0x3ab: {  	[tilespmem:$0x18676] =	vst v16  }
0x3ac: {  	v16 =	vld [tilespmem:s15+$0x47D0]  }
0x3ad: {  	v17 =	vld [tilespmem:s15+$0xC7D0]  }
0x3ae: {  	v56 =	vld [tilespmem:s15+$0x147D0]  }
0x3af: {  	v57 =	vld [tilespmem:s15+$0x47E0]  }
0x3b0: {  	v58 =	vld [tilespmem:s15+$0xC7E0]  }
0x3b1: {  	v59 =	vld [tilespmem:s15+$0x147E0]  }
0x3b2: {  	v60 =	vld [tilespmem:s15+$0x47F0]  }
0x3b3: {  	v61 =	vld [tilespmem:s15+$0xC7F0]  }
0x3b4: {  	v62 =	vld [tilespmem:s15+$0x147F0]  }
0x3b5: {  	v63 =	vld [tilespmem:s15+$0xC800];
	v16 =	vadd.f32 v17, v16  }
0x3b6: {  	v17 =	vld [tilespmem:s15+$0x4800]  }
0x3b7: {  	v28 =	vadd.f32 v58, v57;
	v16 =	vmul.f32 v56, v16  }
0x3b8: {  	v29 =	vld [tilespmem:s15+$0x14800]  }
0x3b9: {  	v30 =	vadd.f32 v61, v60;
	v18 =	vmul.f32 v59, v28;
	v16 =	vadd.f32 $0.0e+00, v16;
	_ =	sdelay $0x1  }
0x3ba: {  	v31 =	vmul.f32 v62, v30;
	v17 =	vadd.f32 v63, v17;
	v16 =	vadd.f32 v18, v16;
	_ =	sdelay $0x1  }
0x3bb: {  	v17 =	vmul.f32 v29, v17;
	v16 =	vadd.f32 v31, v16;
	_ =	sdelay $0x1  }
0x3bc: {  	v16 =	vadd.f32 v17, v16;
	_ =	sdelay $0x1  }
0x3bd: {  	[tilespmem:$0x18687] =	vst v16  }
0x3be: {  	v16 =	vld [tilespmem:s15+$0x4810]  }
0x3bf: {  	v17 =	vld [tilespmem:s15+$0xC810]  }
0x3c0: {  	v32 =	vld [tilespmem:s15+$0x14810]  }
0x3c1: {  	v33 =	vld [tilespmem:s15+$0x4820]  }
0x3c2: {  	v34 =	vld [tilespmem:s15+$0xC820]  }
0x3c3: {  	v35 =	vld [tilespmem:s15+$0x14820]  }
0x3c4: {  	v36 =	vld [tilespmem:s15+$0x4830]  }
0x3c5: {  	v37 =	vld [tilespmem:s15+$0xC830]  }
0x3c6: {  	v38 =	vld [tilespmem:s15+$0x14830]  }
0x3c7: {  	v39 =	vld [tilespmem:s15+$0xC840];
	v16 =	vadd.f32 v17, v16  }
0x3c8: {  	v17 =	vld [tilespmem:s15+$0x4840]  }
0x3c9: {  	v40 =	vadd.f32 v34, v33;
	v16 =	vmul.f32 v32, v16  }
0x3ca: {  	v41 =	vld [tilespmem:s15+$0x14840]  }
0x3cb: {  	v42 =	vadd.f32 v37, v36;
	v18 =	vmul.f32 v35, v40;
	v16 =	vadd.f32 $0.0e+00, v16;
	_ =	sdelay $0x1  }
0x3cc: {  	v43 =	vmul.f32 v38, v42;
	v17 =	vadd.f32 v39, v17;
	v16 =	vadd.f32 v18, v16;
	_ =	sdelay $0x1  }
0x3cd: {  	v17 =	vmul.f32 v41, v17;
	v16 =	vadd.f32 v43, v16;
	_ =	sdelay $0x1  }
0x3ce: {  	v16 =	vadd.f32 v17, v16;
	_ =	sdelay $0x1  }
0x3cf: {  	[tilespmem:$0x18698] =	vst v16  }
0x3d0: {  	v16 =	vld [tilespmem:s15+$0x4850]  }
0x3d1: {  	v17 =	vld [tilespmem:s15+$0xC850]  }
0x3d2: {  	v44 =	vld [tilespmem:s15+$0x14850]  }
0x3d3: {  	v45 =	vld [tilespmem:s15+$0x4860]  }
0x3d4: {  	v46 =	vld [tilespmem:s15+$0xC860]  }
0x3d5: {  	v47 =	vld [tilespmem:s15+$0x14860]  }
0x3d6: {  	v48 =	vld [tilespmem:s15+$0x4870]  }
0x3d7: {  	v49 =	vld [tilespmem:s15+$0xC870]  }
0x3d8: {  	v50 =	vld [tilespmem:s15+$0x14870]  }
0x3d9: {  	v51 =	vld [tilespmem:s15+$0xC880];
	v16 =	vadd.f32 v17, v16  }
0x3da: {  	v17 =	vld [tilespmem:s15+$0x4880]  }
0x3db: {  	v52 =	vadd.f32 v46, v45;
	v16 =	vmul.f32 v44, v16  }
0x3dc: {  	v53 =	vld [tilespmem:s15+$0x14880]  }
0x3dd: {  	v54 =	vadd.f32 v49, v48;
	v18 =	vmul.f32 v47, v52;
	v16 =	vadd.f32 $0.0e+00, v16;
	_ =	sdelay $0x1  }
0x3de: {  	v55 =	vmul.f32 v50, v54;
	v17 =	vadd.f32 v51, v17;
	v16 =	vadd.f32 v18, v16;
	_ =	sdelay $0x1  }
0x3df: {  	v17 =	vmul.f32 v53, v17;
	v16 =	vadd.f32 v55, v16;
	_ =	sdelay $0x1  }
0x3e0: {  	v16 =	vadd.f32 v17, v16;
	_ =	sdelay $0x1  }
0x3e1: {  	[tilespmem:$0x186A9] =	vst v16  }
0x3e2: {  	v16 =	vld [tilespmem:s15+$0x4890]  }
0x3e3: {  	v17 =	vld [tilespmem:s15+$0xC890]  }
0x3e4: {  	v56 =	vld [tilespmem:s15+$0x14890]  }
0x3e5: {  	v57 =	vld [tilespmem:s15+$0x48A0]  }
0x3e6: {  	v58 =	vld [tilespmem:s15+$0xC8A0]  }
0x3e7: {  	v59 =	vld [tilespmem:s15+$0x148A0]  }
0x3e8: {  	v60 =	vld [tilespmem:s15+$0x48B0]  }
0x3e9: {  	v61 =	vld [tilespmem:s15+$0xC8B0]  }
0x3ea: {  	v62 =	vld [tilespmem:s15+$0x148B0]  }
0x3eb: {  	v63 =	vld [tilespmem:s15+$0xC8C0];
	v16 =	vadd.f32 v17, v16  }
0x3ec: {  	v17 =	vld [tilespmem:s15+$0x48C0]  }
0x3ed: {  	v28 =	vadd.f32 v58, v57;
	v16 =	vmul.f32 v56, v16  }
0x3ee: {  	v29 =	vld [tilespmem:s15+$0x148C0]  }
0x3ef: {  	v30 =	vadd.f32 v61, v60;
	v18 =	vmul.f32 v59, v28;
	v16 =	vadd.f32 $0.0e+00, v16;
	_ =	sdelay $0x1  }
0x3f0: {  	v31 =	vmul.f32 v62, v30;
	v17 =	vadd.f32 v63, v17;
	v16 =	vadd.f32 v18, v16;
	_ =	sdelay $0x1  }
0x3f1: {  	v17 =	vmul.f32 v29, v17;
	v16 =	vadd.f32 v31, v16;
	_ =	sdelay $0x1  }
0x3f2: {  	v16 =	vadd.f32 v17, v16;
	_ =	sdelay $0x1  }
0x3f3: {  	[tilespmem:$0x186BA] =	vst v16  }
0x3f4: {  	v16 =	vld [tilespmem:s15+$0x48D0]  }
0x3f5: {  	v17 =	vld [tilespmem:s15+$0xC8D0]  }
0x3f6: {  	v32 =	vld [tilespmem:s15+$0x148D0]  }
0x3f7: {  	v33 =	vld [tilespmem:s15+$0x48E0]  }
0x3f8: {  	v34 =	vld [tilespmem:s15+$0xC8E0]  }
0x3f9: {  	v35 =	vld [tilespmem:s15+$0x148E0]  }
0x3fa: {  	v36 =	vld [tilespmem:s15+$0x48F0]  }
0x3fb: {  	v37 =	vld [tilespmem:s15+$0xC8F0]  }
0x3fc: {  	v38 =	vld [tilespmem:s15+$0x148F0]  }
0x3fd: {  	v39 =	vld [tilespmem:s15+$0xC900];
	v16 =	vadd.f32 v17, v16  }
0x3fe: {  	v17 =	vld [tilespmem:s15+$0x4900]  }
0x3ff: {  	v40 =	vadd.f32 v34, v33;
	v16 =	vmul.f32 v32, v16  }
0x400: {  	v41 =	vld [tilespmem:s15+$0x14900]  }
0x401: {  	v42 =	vadd.f32 v37, v36;
	v18 =	vmul.f32 v35, v40;
	v16 =	vadd.f32 $0.0e+00, v16;
	_ =	sdelay $0x1  }
0x402: {  	v43 =	vmul.f32 v38, v42;
	v17 =	vadd.f32 v39, v17;
	v16 =	vadd.f32 v18, v16;
	_ =	sdelay $0x1  }
0x403: {  	v17 =	vmul.f32 v41, v17;
	v16 =	vadd.f32 v43, v16;
	_ =	sdelay $0x1  }
0x404: {  	v16 =	vadd.f32 v17, v16;
	_ =	sdelay $0x1  }
0x405: {  	[tilespmem:$0x186CB] =	vst v16  }
0x406: {  	v16 =	vld [tilespmem:s15+$0x4910]  }
0x407: {  	v17 =	vld [tilespmem:s15+$0xC910]  }
0x408: {  	v44 =	vld [tilespmem:s15+$0x14910]  }
0x409: {  	v45 =	vld [tilespmem:s15+$0x4920]  }
0x40a: {  	v46 =	vld [tilespmem:s15+$0xC920]  }
0x40b: {  	v47 =	vld [tilespmem:s15+$0x14920]  }
0x40c: {  	v48 =	vld [tilespmem:s15+$0x4930]  }
0x40d: {  	v49 =	vld [tilespmem:s15+$0xC930]  }
0x40e: {  	v50 =	vld [tilespmem:s15+$0x14930]  }
0x40f: {  	v51 =	vld [tilespmem:s15+$0xC940];
	v16 =	vadd.f32 v17, v16  }
0x410: {  	v17 =	vld [tilespmem:s15+$0x4940]  }
0x411: {  	v52 =	vadd.f32 v46, v45;
	v16 =	vmul.f32 v44, v16  }
0x412: {  	v53 =	vld [tilespmem:s15+$0x14940]  }
0x413: {  	v54 =	vadd.f32 v49, v48;
	v18 =	vmul.f32 v47, v52;
	v16 =	vadd.f32 $0.0e+00, v16;
	_ =	sdelay $0x1  }
0x414: {  	v55 =	vmul.f32 v50, v54;
	v17 =	vadd.f32 v51, v17;
	v16 =	vadd.f32 v18, v16;
	_ =	sdelay $0x1  }
0x415: {  	v17 =	vmul.f32 v53, v17;
	v16 =	vadd.f32 v55, v16;
	_ =	sdelay $0x1  }
0x416: {  	v16 =	vadd.f32 v17, v16;
	_ =	sdelay $0x1  }
0x417: {  	[tilespmem:$0x186DC] =	vst v16  }
0x418: {  	v16 =	vld [tilespmem:s15+$0x4950]  }
0x419: {  	v17 =	vld [tilespmem:s15+$0xC950]  }
0x41a: {  	v56 =	vld [tilespmem:s15+$0x14950]  }
0x41b: {  	v57 =	vld [tilespmem:s15+$0x4960]  }
0x41c: {  	v58 =	vld [tilespmem:s15+$0xC960]  }
0x41d: {  	v59 =	vld [tilespmem:s15+$0x14960]  }
0x41e: {  	v60 =	vld [tilespmem:s15+$0x4970]  }
0x41f: {  	v61 =	vld [tilespmem:s15+$0xC970]  }
0x420: {  	v62 =	vld [tilespmem:s15+$0x14970]  }
0x421: {  	v63 =	vld [tilespmem:s15+$0xC980];
	v16 =	vadd.f32 v17, v16  }
0x422: {  	v17 =	vld [tilespmem:s15+$0x4980]  }
0x423: {  	v26 =	vadd.f32 v58, v57;
	v16 =	vmul.f32 v56, v16  }
0x424: {  	v27 =	vld [tilespmem:s15+$0x14980]  }
0x425: {  	v28 =	vadd.f32 v61, v60;
	v18 =	vmul.f32 v59, v26;
	v16 =	vadd.f32 $0.0e+00, v16;
	_ =	sdelay $0x1  }
0x426: {  	v29 =	vmul.f32 v62, v28;
	v17 =	vadd.f32 v63, v17;
	v16 =	vadd.f32 v18, v16;
	_ =	sdelay $0x1  }
0x427: {  	v17 =	vmul.f32 v27, v17;
	v16 =	vadd.f32 v29, v16;
	_ =	sdelay $0x1  }
0x428: {  	v16 =	vadd.f32 v17, v16;
	_ =	sdelay $0x1  }
0x429: {  	[tilespmem:$0x186ED] =	vst v16  }
0x42a: {  	v16 =	vld [tilespmem:s15+$0x4990]  }
0x42b: {  	v17 =	vld [tilespmem:s15+$0xC990]  }
0x42c: {  	v30 =	vld [tilespmem:s15+$0x14990]  }
0x42d: {  	v31 =	vld [tilespmem:s15+$0x49A0]  }
0x42e: {  	v32 =	vld [tilespmem:s15+$0xC9A0]  }
0x42f: {  	v33 =	vld [tilespmem:s15+$0x149A0]  }
0x430: {  	v34 =	vld [tilespmem:s15+$0x49B0]  }
0x431: {  	v35 =	vld [tilespmem:s15+$0xC9B0]  }
0x432: {  	v36 =	vld [tilespmem:s15+$0x149B0]  }
0x433: {  	v37 =	vld [tilespmem:s15+$0xC9C0];
	v16 =	vadd.f32 v17, v16  }
0x434: {  	v17 =	vld [tilespmem:s15+$0x49C0]  }
0x435: {  	v38 =	vadd.f32 v32, v31;
	v16 =	vmul.f32 v30, v16  }
0x436: {  	v39 =	vld [tilespmem:s15+$0x149C0]  }
0x437: {  	v40 =	vadd.f32 v35, v34;
	v18 =	vmul.f32 v33, v38;
	v16 =	vadd.f32 $0.0e+00, v16;
	_ =	sdelay $0x1  }
0x438: {  	v41 =	vmul.f32 v36, v40;
	v17 =	vadd.f32 v37, v17;
	v16 =	vadd.f32 v18, v16;
	_ =	sdelay $0x1  }
0x439: {  	v17 =	vmul.f32 v39, v17;
	v16 =	vadd.f32 v41, v16;
	_ =	sdelay $0x1  }
0x43a: {  	v16 =	vadd.f32 v17, v16;
	_ =	sdelay $0x1  }
0x43b: {  	[tilespmem:$0x186FE] =	vst v16  }
0x43c: {  	v16 =	vld [tilespmem:s15+$0x49D0]  }
0x43d: {  	v17 =	vld [tilespmem:s15+$0xC9D0]  }
0x43e: {  	v42 =	vld [tilespmem:s15+$0x149D0]  }
0x43f: {  	v43 =	vld [tilespmem:s15+$0x49E0]  }
0x440: {  	v44 =	vld [tilespmem:s15+$0xC9E0]  }
0x441: {  	v45 =	vld [tilespmem:s15+$0x149E0]  }
0x442: {  	v46 =	vld [tilespmem:s15+$0x49F0]  }
0x443: {  	v47 =	vld [tilespmem:s15+$0xC9F0]  }
0x444: {  	v48 =	vld [tilespmem:s15+$0x149F0]  }
0x445: {  	v49 =	vld [tilespmem:s15+$0xCA00];
	v16 =	vadd.f32 v17, v16  }
0x446: {  	v17 =	vld [tilespmem:s15+$0x4A00]  }
0x447: {  	v50 =	vadd.f32 v44, v43;
	v16 =	vmul.f32 v42, v16  }
0x448: {  	v51 =	vld [tilespmem:s15+$0x14A00]  }
0x449: {  	v52 =	vadd.f32 v47, v46;
	v18 =	vmul.f32 v45, v50;
	v16 =	vadd.f32 $0.0e+00, v16;
	_ =	sdelay $0x1  }
0x44a: {  	v53 =	vmul.f32 v48, v52;
	v17 =	vadd.f32 v49, v17;
	v16 =	vadd.f32 v18, v16;
	_ =	sdelay $0x1  }
0x44b: {  	v17 =	vmul.f32 v51, v17;
	v16 =	vadd.f32 v53, v16;
	_ =	sdelay $0x1  }
0x44c: {  	v16 =	vadd.f32 v17, v16;
	_ =	sdelay $0x1  }
0x44d: {  	[tilespmem:$0x1870F] =	vst v16  }
0x44e: {  	v16 =	vld.idx.msk [tilespmem:v0+s10+$0x0], $0xffff;
	_ =	sdelay $0x1  }
0x44f: {  	v17 =	vld.idx.msk [tilespmem:v1+s10+$0x0], $0xffff;
	_ =	sdelay $0x1  }
0x450: {  	v54 =	vld.idx.msk [tilespmem:v2+s10+$0x0], $0xffff  }
0x451: {  	v16 =	vadd.f32 $0.0e+00, v16  }
0x452: {  	v55 =	vld.idx.msk [tilespmem:v3+s10+$0x0], $0xffff  }
0x453: {  	v16 =	vadd.f32 v17, v16  }
0x454: {  	v17 =	vld.idx.msk [tilespmem:v4+s10+$0x0], $0xffff  }
0x455: {  	v16 =	vadd.f32 v54, v16  }
0x456: {  	v56 =	vld.idx.msk [tilespmem:v5+s10+$0x0], $0xffff  }
0x457: {  	v16 =	vadd.f32 v55, v16  }
0x458: {  	v57 =	vld.idx.msk [tilespmem:v6+s10+$0x0], $0xffff  }
0x459: {  	v16 =	vadd.f32 v17, v16  }
0x45a: {  	v17 =	vld.idx.msk [tilespmem:v7+s10+$0x0], $0xffff  }
0x45b: {  	v16 =	vadd.f32 v56, v16  }
0x45c: {  	v58 =	vld.idx.msk [tilespmem:v8+s10+$0x0], $0xffff  }
0x45d: {  	v16 =	vadd.f32 v57, v16  }
0x45e: {  	v59 =	vld.idx.msk [tilespmem:v9+s10+$0x0], $0xffff  }
0x45f: {  	v16 =	vadd.f32 v17, v16  }
0x460: {  	v17 =	vld.idx.msk [tilespmem:v10+s10+$0x0], $0xffff  }
0x461: {  	v16 =	vadd.f32 v58, v16  }
0x462: {  	v60 =	vld.idx.msk [tilespmem:v11+s10+$0x0], $0xffff  }
0x463: {  	v16 =	vadd.f32 v59, v16  }
0x464: {  	v61 =	vld.idx.msk [tilespmem:v12+s10+$0x0], $0xffff  }
0x465: {  	v16 =	vadd.f32 v17, v16  }
0x466: {  	v17 =	vld.idx.msk [tilespmem:v13+s10+$0x0], $0xffff  }
0x467: {  	v16 =	vadd.f32 v60, v16  }
0x468: {  	v62 =	vld.idx.msk [tilespmem:v14+s10+$0x0], $0xffff  }
0x469: {  	v16 =	vadd.f32 v61, v16  }
0x46a: {  	v63 =	vld.idx.msk [tilespmem:v15+s10+$0x0], $0xffff  }
0x46b: {  	v16 =	vadd.f32 v17, v16;
	_ =	sdelay $0x1  }
0x46c: {  	v16 =	vadd.f32 v62, v16  }
0x46d: {  	p0 =	sne.s32 s13, $0x7000  }
.Ltmp6:
0x46e: {  	v16 =	vadd.f32 v63, v16;
	(pc) =	sbr.rel @p0 .LBB2_14-.Ltmp6, $3  }
0x46f: {  	_ = 	snop  }
0x470: {  	v16 =	vmul.f32 $5.000000000e-01, v16;
	_ =	sdelay $0x1  }
0x471: {  	s13 =	sadd.s32 $0x1000, s13;
	[tilespmem:s14+$0x0] =	vst v16;
	s14 =	sadd.s32 $0x10, s14  }
0x472: {  	_ =	swait.ge [sflag:s9], $0x2000  }
0x473: {  	[sflag:s9] =	ssyncset.done $0x0  }
0x474: {  	[sflag:s9] =	ssyncadd.s32 $0xFFFFE000  }
0x475: {  	_ =	swait.ge [sflag:s9], $0x2000  }
0x476: {  	[sflag:s9] =	ssyncset.done $0x0  }
0x477: {  	[sflag:s9] =	ssyncadd.s32 $0xFFFFE000  }
0x478: {  	_ =	swait.ge [sflag:s9], $0x2000  }
0x479: {  	[sflag:s9] =	ssyncset.done $0x0  }
0x47a: {  	s13 =	simm.s32 $0x0;
	s14 =	simm.s32 $0x188A0;
	[sflag:s9] =	ssyncadd.s32 $0xFFFFE000  }
.LBB2_16:
0x47b: {  	s15 =	sshra.s32 s13, $0x2  }
0x47c: {  	v16 =	vld [tilespmem:s15+$0x6610]  }
0x47d: {  	v17 =	vld [tilespmem:s15+$0xE610]  }
0x47e: {  	v18 =	vld [tilespmem:s15+$0x16610]  }
0x47f: {  	v19 =	vld [tilespmem:s15+$0x6620]  }
0x480: {  	v20 =	vld [tilespmem:s15+$0xE620]  }
0x481: {  	v21 =	vld [tilespmem:s15+$0x16620]  }
0x482: {  	v22 =	vld [tilespmem:s15+$0x6630]  }
0x483: {  	v23 =	vld [tilespmem:s15+$0xE630]  }
0x484: {  	v24 =	vld [tilespmem:s15+$0x16630]  }
0x485: {  	v25 =	vld [tilespmem:s15+$0xE640];
	v16 =	vadd.f32 v17, v16  }
0x486: {  	v17 =	vld [tilespmem:s15+$0x6640]  }
0x487: {  	v52 =	vadd.f32 v20, v19;
	v16 =	vmul.f32 v18, v16  }
0x488: {  	v53 =	vld [tilespmem:s15+$0x16640]  }
0x489: {  	v54 =	vadd.f32 v23, v22;
	v18 =	vmul.f32 v21, v52;
	v16 =	vadd.f32 $0.0e+00, v16;
	_ =	sdelay $0x1  }
0x48a: {  	v55 =	vmul.f32 v24, v54;
	v17 =	vadd.f32 v25, v17;
	v16 =	vadd.f32 v18, v16;
	_ =	sdelay $0x1  }
0x48b: {  	v17 =	vmul.f32 v53, v17;
	v16 =	vadd.f32 v55, v16;
	_ =	sdelay $0x1  }
0x48c: {  	v16 =	vadd.f32 v17, v16;
	_ =	sdelay $0x1  }
0x48d: {  	[tilespmem:$0x18610] =	vst v16  }
0x48e: {  	v16 =	vld [tilespmem:s15+$0x6650]  }
0x48f: {  	v17 =	vld [tilespmem:s15+$0xE650]  }
0x490: {  	v56 =	vld [tilespmem:s15+$0x16650]  }
0x491: {  	v57 =	vld [tilespmem:s15+$0x6660]  }
0x492: {  	v58 =	vld [tilespmem:s15+$0xE660]  }
0x493: {  	v59 =	vld [tilespmem:s15+$0x16660]  }
0x494: {  	v60 =	vld [tilespmem:s15+$0x6670]  }
0x495: {  	v61 =	vld [tilespmem:s15+$0xE670]  }
0x496: {  	v62 =	vld [tilespmem:s15+$0x16670]  }
0x497: {  	v63 =	vld [tilespmem:s15+$0xE680];
	v16 =	vadd.f32 v17, v16  }
0x498: {  	v17 =	vld [tilespmem:s15+$0x6680]  }
0x499: {  	v28 =	vadd.f32 v58, v57;
	v16 =	vmul.f32 v56, v16  }
0x49a: {  	v29 =	vld [tilespmem:s15+$0x16680]  }
0x49b: {  	v30 =	vadd.f32 v61, v60;
	v18 =	vmul.f32 v59, v28;
	v16 =	vadd.f32 $0.0e+00, v16;
	_ =	sdelay $0x1  }
0x49c: {  	v31 =	vmul.f32 v62, v30;
	v17 =	vadd.f32 v63, v17;
	v16 =	vadd.f32 v18, v16;
	_ =	sdelay $0x1  }
0x49d: {  	v17 =	vmul.f32 v29, v17;
	v16 =	vadd.f32 v31, v16;
	_ =	sdelay $0x1  }
0x49e: {  	v16 =	vadd.f32 v17, v16;
	_ =	sdelay $0x1  }
0x49f: {  	[tilespmem:$0x18621] =	vst v16  }
0x4a0: {  	v16 =	vld [tilespmem:s15+$0x6690]  }
0x4a1: {  	v17 =	vld [tilespmem:s15+$0xE690]  }
0x4a2: {  	v32 =	vld [tilespmem:s15+$0x16690]  }
0x4a3: {  	v33 =	vld [tilespmem:s15+$0x66A0]  }
0x4a4: {  	v34 =	vld [tilespmem:s15+$0xE6A0]  }
0x4a5: {  	v35 =	vld [tilespmem:s15+$0x166A0]  }
0x4a6: {  	v36 =	vld [tilespmem:s15+$0x66B0]  }
0x4a7: {  	v37 =	vld [tilespmem:s15+$0xE6B0]  }
0x4a8: {  	v38 =	vld [tilespmem:s15+$0x166B0]  }
0x4a9: {  	v39 =	vld [tilespmem:s15+$0xE6C0];
	v16 =	vadd.f32 v17, v16  }
0x4aa: {  	v17 =	vld [tilespmem:s15+$0x66C0]  }
0x4ab: {  	v40 =	vadd.f32 v34, v33;
	v16 =	vmul.f32 v32, v16  }
0x4ac: {  	v41 =	vld [tilespmem:s15+$0x166C0]  }
0x4ad: {  	v42 =	vadd.f32 v37, v36;
	v18 =	vmul.f32 v35, v40;
	v16 =	vadd.f32 $0.0e+00, v16;
	_ =	sdelay $0x1  }
0x4ae: {  	v43 =	vmul.f32 v38, v42;
	v17 =	vadd.f32 v39, v17;
	v16 =	vadd.f32 v18, v16;
	_ =	sdelay $0x1  }
0x4af: {  	v17 =	vmul.f32 v41, v17;
	v16 =	vadd.f32 v43, v16;
	_ =	sdelay $0x1  }
0x4b0: {  	v16 =	vadd.f32 v17, v16;
	_ =	sdelay $0x1  }
0x4b1: {  	[tilespmem:$0x18632] =	vst v16  }
0x4b2: {  	v16 =	vld [tilespmem:s15+$0x66D0]  }
0x4b3: {  	v17 =	vld [tilespmem:s15+$0xE6D0]  }
0x4b4: {  	v44 =	vld [tilespmem:s15+$0x166D0]  }
0x4b5: {  	v45 =	vld [tilespmem:s15+$0x66E0]  }
0x4b6: {  	v46 =	vld [tilespmem:s15+$0xE6E0]  }
0x4b7: {  	v47 =	vld [tilespmem:s15+$0x166E0]  }
0x4b8: {  	v48 =	vld [tilespmem:s15+$0x66F0]  }
0x4b9: {  	v49 =	vld [tilespmem:s15+$0xE6F0]  }
0x4ba: {  	v50 =	vld [tilespmem:s15+$0x166F0]  }
0x4bb: {  	v51 =	vld [tilespmem:s15+$0xE700];
	v16 =	vadd.f32 v17, v16  }
0x4bc: {  	v17 =	vld [tilespmem:s15+$0x6700]  }
0x4bd: {  	v52 =	vadd.f32 v46, v45;
	v16 =	vmul.f32 v44, v16  }
0x4be: {  	v53 =	vld [tilespmem:s15+$0x16700]  }
0x4bf: {  	v54 =	vadd.f32 v49, v48;
	v18 =	vmul.f32 v47, v52;
	v16 =	vadd.f32 $0.0e+00, v16;
	_ =	sdelay $0x1  }
0x4c0: {  	v55 =	vmul.f32 v50, v54;
	v17 =	vadd.f32 v51, v17;
	v16 =	vadd.f32 v18, v16;
	_ =	sdelay $0x1  }
0x4c1: {  	v17 =	vmul.f32 v53, v17;
	v16 =	vadd.f32 v55, v16;
	_ =	sdelay $0x1  }
0x4c2: {  	v16 =	vadd.f32 v17, v16;
	_ =	sdelay $0x1  }
0x4c3: {  	[tilespmem:$0x18643] =	vst v16  }
0x4c4: {  	v16 =	vld [tilespmem:s15+$0x6710]  }
0x4c5: {  	v17 =	vld [tilespmem:s15+$0xE710]  }
0x4c6: {  	v56 =	vld [tilespmem:s15+$0x16710]  }
0x4c7: {  	v57 =	vld [tilespmem:s15+$0x6720]  }
0x4c8: {  	v58 =	vld [tilespmem:s15+$0xE720]  }
0x4c9: {  	v59 =	vld [tilespmem:s15+$0x16720]  }
0x4ca: {  	v60 =	vld [tilespmem:s15+$0x6730]  }
0x4cb: {  	v61 =	vld [tilespmem:s15+$0xE730]  }
0x4cc: {  	v62 =	vld [tilespmem:s15+$0x16730]  }
0x4cd: {  	v63 =	vld [tilespmem:s15+$0xE740];
	v16 =	vadd.f32 v17, v16  }
0x4ce: {  	v17 =	vld [tilespmem:s15+$0x6740]  }
0x4cf: {  	v28 =	vadd.f32 v58, v57;
	v16 =	vmul.f32 v56, v16  }
0x4d0: {  	v29 =	vld [tilespmem:s15+$0x16740]  }
0x4d1: {  	v30 =	vadd.f32 v61, v60;
	v18 =	vmul.f32 v59, v28;
	v16 =	vadd.f32 $0.0e+00, v16;
	_ =	sdelay $0x1  }
0x4d2: {  	v31 =	vmul.f32 v62, v30;
	v17 =	vadd.f32 v63, v17;
	v16 =	vadd.f32 v18, v16;
	_ =	sdelay $0x1  }
0x4d3: {  	v17 =	vmul.f32 v29, v17;
	v16 =	vadd.f32 v31, v16;
	_ =	sdelay $0x1  }
0x4d4: {  	v16 =	vadd.f32 v17, v16;
	_ =	sdelay $0x1  }
0x4d5: {  	[tilespmem:$0x18654] =	vst v16  }
0x4d6: {  	v16 =	vld [tilespmem:s15+$0x6750]  }
0x4d7: {  	v17 =	vld [tilespmem:s15+$0xE750]  }
0x4d8: {  	v32 =	vld [tilespmem:s15+$0x16750]  }
0x4d9: {  	v33 =	vld [tilespmem:s15+$0x6760]  }
0x4da: {  	v34 =	vld [tilespmem:s15+$0xE760]  }
0x4db: {  	v35 =	vld [tilespmem:s15+$0x16760]  }
0x4dc: {  	v36 =	vld [tilespmem:s15+$0x6770]  }
0x4dd: {  	v37 =	vld [tilespmem:s15+$0xE770]  }
0x4de: {  	v38 =	vld [tilespmem:s15+$0x16770]  }
0x4df: {  	v39 =	vld [tilespmem:s15+$0xE780];
	v16 =	vadd.f32 v17, v16  }
0x4e0: {  	v17 =	vld [tilespmem:s15+$0x6780]  }
0x4e1: {  	v40 =	vadd.f32 v34, v33;
	v16 =	vmul.f32 v32, v16  }
0x4e2: {  	v41 =	vld [tilespmem:s15+$0x16780]  }
0x4e3: {  	v42 =	vadd.f32 v37, v36;
	v18 =	vmul.f32 v35, v40;
	v16 =	vadd.f32 $0.0e+00, v16;
	_ =	sdelay $0x1  }
0x4e4: {  	v43 =	vmul.f32 v38, v42;
	v17 =	vadd.f32 v39, v17;
	v16 =	vadd.f32 v18, v16;
	_ =	sdelay $0x1  }
0x4e5: {  	v17 =	vmul.f32 v41, v17;
	v16 =	vadd.f32 v43, v16;
	_ =	sdelay $0x1  }
0x4e6: {  	v16 =	vadd.f32 v17, v16;
	_ =	sdelay $0x1  }
0x4e7: {  	[tilespmem:$0x18665] =	vst v16  }
0x4e8: {  	v16 =	vld [tilespmem:s15+$0x6790]  }
0x4e9: {  	v17 =	vld [tilespmem:s15+$0xE790]  }
0x4ea: {  	v44 =	vld [tilespmem:s15+$0x16790]  }
0x4eb: {  	v45 =	vld [tilespmem:s15+$0x67A0]  }
0x4ec: {  	v46 =	vld [tilespmem:s15+$0xE7A0]  }
0x4ed: {  	v47 =	vld [tilespmem:s15+$0x167A0]  }
0x4ee: {  	v48 =	vld [tilespmem:s15+$0x67B0]  }
0x4ef: {  	v49 =	vld [tilespmem:s15+$0xE7B0]  }
0x4f0: {  	v50 =	vld [tilespmem:s15+$0x167B0]  }
0x4f1: {  	v51 =	vld [tilespmem:s15+$0xE7C0];
	v16 =	vadd.f32 v17, v16  }
0x4f2: {  	v17 =	vld [tilespmem:s15+$0x67C0]  }
0x4f3: {  	v52 =	vadd.f32 v46, v45;
	v16 =	vmul.f32 v44, v16  }
0x4f4: {  	v53 =	vld [tilespmem:s15+$0x167C0]  }
0x4f5: {  	v54 =	vadd.f32 v49, v48;
	v18 =	vmul.f32 v47, v52;
	v16 =	vadd.f32 $0.0e+00, v16;
	_ =	sdelay $0x1  }
0x4f6: {  	v55 =	vmul.f32 v50, v54;
	v17 =	vadd.f32 v51, v17;
	v16 =	vadd.f32 v18, v16;
	_ =	sdelay $0x1  }
0x4f7: {  	v17 =	vmul.f32 v53, v17;
	v16 =	vadd.f32 v55, v16;
	_ =	sdelay $0x1  }
0x4f8: {  	v16 =	vadd.f32 v17, v16;
	_ =	sdelay $0x1  }
0x4f9: {  	[tilespmem:$0x18676] =	vst v16  }
0x4fa: {  	v16 =	vld [tilespmem:s15+$0x67D0]  }
0x4fb: {  	v17 =	vld [tilespmem:s15+$0xE7D0]  }
0x4fc: {  	v56 =	vld [tilespmem:s15+$0x167D0]  }
0x4fd: {  	v57 =	vld [tilespmem:s15+$0x67E0]  }
0x4fe: {  	v58 =	vld [tilespmem:s15+$0xE7E0]  }
0x4ff: {  	v59 =	vld [tilespmem:s15+$0x167E0]  }
0x500: {  	v60 =	vld [tilespmem:s15+$0x67F0]  }
0x501: {  	v61 =	vld [tilespmem:s15+$0xE7F0]  }
0x502: {  	v62 =	vld [tilespmem:s15+$0x167F0]  }
0x503: {  	v63 =	vld [tilespmem:s15+$0xE800];
	v16 =	vadd.f32 v17, v16  }
0x504: {  	v17 =	vld [tilespmem:s15+$0x6800]  }
0x505: {  	v28 =	vadd.f32 v58, v57;
	v16 =	vmul.f32 v56, v16  }
0x506: {  	v29 =	vld [tilespmem:s15+$0x16800]  }
0x507: {  	v30 =	vadd.f32 v61, v60;
	v18 =	vmul.f32 v59, v28;
	v16 =	vadd.f32 $0.0e+00, v16;
	_ =	sdelay $0x1  }
0x508: {  	v31 =	vmul.f32 v62, v30;
	v17 =	vadd.f32 v63, v17;
	v16 =	vadd.f32 v18, v16;
	_ =	sdelay $0x1  }
0x509: {  	v17 =	vmul.f32 v29, v17;
	v16 =	vadd.f32 v31, v16;
	_ =	sdelay $0x1  }
0x50a: {  	v16 =	vadd.f32 v17, v16;
	_ =	sdelay $0x1  }
0x50b: {  	[tilespmem:$0x18687] =	vst v16  }
0x50c: {  	v16 =	vld [tilespmem:s15+$0x6810]  }
0x50d: {  	v17 =	vld [tilespmem:s15+$0xE810]  }
0x50e: {  	v32 =	vld [tilespmem:s15+$0x16810]  }
0x50f: {  	v33 =	vld [tilespmem:s15+$0x6820]  }
0x510: {  	v34 =	vld [tilespmem:s15+$0xE820]  }
0x511: {  	v35 =	vld [tilespmem:s15+$0x16820]  }
0x512: {  	v36 =	vld [tilespmem:s15+$0x6830]  }
0x513: {  	v37 =	vld [tilespmem:s15+$0xE830]  }
0x514: {  	v38 =	vld [tilespmem:s15+$0x16830]  }
0x515: {  	v39 =	vld [tilespmem:s15+$0xE840];
	v16 =	vadd.f32 v17, v16  }
0x516: {  	v17 =	vld [tilespmem:s15+$0x6840]  }
0x517: {  	v40 =	vadd.f32 v34, v33;
	v16 =	vmul.f32 v32, v16  }
0x518: {  	v41 =	vld [tilespmem:s15+$0x16840]  }
0x519: {  	v42 =	vadd.f32 v37, v36;
	v18 =	vmul.f32 v35, v40;
	v16 =	vadd.f32 $0.0e+00, v16;
	_ =	sdelay $0x1  }
0x51a: {  	v43 =	vmul.f32 v38, v42;
	v17 =	vadd.f32 v39, v17;
	v16 =	vadd.f32 v18, v16;
	_ =	sdelay $0x1  }
0x51b: {  	v17 =	vmul.f32 v41, v17;
	v16 =	vadd.f32 v43, v16;
	_ =	sdelay $0x1  }
0x51c: {  	v16 =	vadd.f32 v17, v16;
	_ =	sdelay $0x1  }
0x51d: {  	[tilespmem:$0x18698] =	vst v16  }
0x51e: {  	v16 =	vld [tilespmem:s15+$0x6850]  }
0x51f: {  	v17 =	vld [tilespmem:s15+$0xE850]  }
0x520: {  	v44 =	vld [tilespmem:s15+$0x16850]  }
0x521: {  	v45 =	vld [tilespmem:s15+$0x6860]  }
0x522: {  	v46 =	vld [tilespmem:s15+$0xE860]  }
0x523: {  	v47 =	vld [tilespmem:s15+$0x16860]  }
0x524: {  	v48 =	vld [tilespmem:s15+$0x6870]  }
0x525: {  	v49 =	vld [tilespmem:s15+$0xE870]  }
0x526: {  	v50 =	vld [tilespmem:s15+$0x16870]  }
0x527: {  	v51 =	vld [tilespmem:s15+$0xE880];
	v16 =	vadd.f32 v17, v16  }
0x528: {  	v17 =	vld [tilespmem:s15+$0x6880]  }
0x529: {  	v52 =	vadd.f32 v46, v45;
	v16 =	vmul.f32 v44, v16  }
0x52a: {  	v53 =	vld [tilespmem:s15+$0x16880]  }
0x52b: {  	v54 =	vadd.f32 v49, v48;
	v18 =	vmul.f32 v47, v52;
	v16 =	vadd.f32 $0.0e+00, v16;
	_ =	sdelay $0x1  }
0x52c: {  	v55 =	vmul.f32 v50, v54;
	v17 =	vadd.f32 v51, v17;
	v16 =	vadd.f32 v18, v16;
	_ =	sdelay $0x1  }
0x52d: {  	v17 =	vmul.f32 v53, v17;
	v16 =	vadd.f32 v55, v16;
	_ =	sdelay $0x1  }
0x52e: {  	v16 =	vadd.f32 v17, v16;
	_ =	sdelay $0x1  }
0x52f: {  	[tilespmem:$0x186A9] =	vst v16  }
0x530: {  	v16 =	vld [tilespmem:s15+$0x6890]  }
0x531: {  	v17 =	vld [tilespmem:s15+$0xE890]  }
0x532: {  	v56 =	vld [tilespmem:s15+$0x16890]  }
0x533: {  	v57 =	vld [tilespmem:s15+$0x68A0]  }
0x534: {  	v58 =	vld [tilespmem:s15+$0xE8A0]  }
0x535: {  	v59 =	vld [tilespmem:s15+$0x168A0]  }
0x536: {  	v60 =	vld [tilespmem:s15+$0x68B0]  }
0x537: {  	v61 =	vld [tilespmem:s15+$0xE8B0]  }
0x538: {  	v62 =	vld [tilespmem:s15+$0x168B0]  }
0x539: {  	v63 =	vld [tilespmem:s15+$0xE8C0];
	v16 =	vadd.f32 v17, v16  }
0x53a: {  	v17 =	vld [tilespmem:s15+$0x68C0]  }
0x53b: {  	v28 =	vadd.f32 v58, v57;
	v16 =	vmul.f32 v56, v16  }
0x53c: {  	v29 =	vld [tilespmem:s15+$0x168C0]  }
0x53d: {  	v30 =	vadd.f32 v61, v60;
	v18 =	vmul.f32 v59, v28;
	v16 =	vadd.f32 $0.0e+00, v16;
	_ =	sdelay $0x1  }
0x53e: {  	v31 =	vmul.f32 v62, v30;
	v17 =	vadd.f32 v63, v17;
	v16 =	vadd.f32 v18, v16;
	_ =	sdelay $0x1  }
0x53f: {  	v17 =	vmul.f32 v29, v17;
	v16 =	vadd.f32 v31, v16;
	_ =	sdelay $0x1  }
0x540: {  	v16 =	vadd.f32 v17, v16;
	_ =	sdelay $0x1  }
0x541: {  	[tilespmem:$0x186BA] =	vst v16  }
0x542: {  	v16 =	vld [tilespmem:s15+$0x68D0]  }
0x543: {  	v17 =	vld [tilespmem:s15+$0xE8D0]  }
0x544: {  	v32 =	vld [tilespmem:s15+$0x168D0]  }
0x545: {  	v33 =	vld [tilespmem:s15+$0x68E0]  }
0x546: {  	v34 =	vld [tilespmem:s15+$0xE8E0]  }
0x547: {  	v35 =	vld [tilespmem:s15+$0x168E0]  }
0x548: {  	v36 =	vld [tilespmem:s15+$0x68F0]  }
0x549: {  	v37 =	vld [tilespmem:s15+$0xE8F0]  }
0x54a: {  	v38 =	vld [tilespmem:s15+$0x168F0]  }
0x54b: {  	v39 =	vld [tilespmem:s15+$0xE900];
	v16 =	vadd.f32 v17, v16  }
0x54c: {  	v17 =	vld [tilespmem:s15+$0x6900]  }
0x54d: {  	v40 =	vadd.f32 v34, v33;
	v16 =	vmul.f32 v32, v16  }
0x54e: {  	v41 =	vld [tilespmem:s15+$0x16900]  }
0x54f: {  	v42 =	vadd.f32 v37, v36;
	v18 =	vmul.f32 v35, v40;
	v16 =	vadd.f32 $0.0e+00, v16;
	_ =	sdelay $0x1  }
0x550: {  	v43 =	vmul.f32 v38, v42;
	v17 =	vadd.f32 v39, v17;
	v16 =	vadd.f32 v18, v16;
	_ =	sdelay $0x1  }
0x551: {  	v17 =	vmul.f32 v41, v17;
	v16 =	vadd.f32 v43, v16;
	_ =	sdelay $0x1  }
0x552: {  	v16 =	vadd.f32 v17, v16;
	_ =	sdelay $0x1  }
0x553: {  	[tilespmem:$0x186CB] =	vst v16  }
0x554: {  	v16 =	vld [tilespmem:s15+$0x6910]  }
0x555: {  	v17 =	vld [tilespmem:s15+$0xE910]  }
0x556: {  	v44 =	vld [tilespmem:s15+$0x16910]  }
0x557: {  	v45 =	vld [tilespmem:s15+$0x6920]  }
0x558: {  	v46 =	vld [tilespmem:s15+$0xE920]  }
0x559: {  	v47 =	vld [tilespmem:s15+$0x16920]  }
0x55a: {  	v48 =	vld [tilespmem:s15+$0x6930]  }
0x55b: {  	v49 =	vld [tilespmem:s15+$0xE930]  }
0x55c: {  	v50 =	vld [tilespmem:s15+$0x16930]  }
0x55d: {  	v51 =	vld [tilespmem:s15+$0xE940];
	v16 =	vadd.f32 v17, v16  }
0x55e: {  	v17 =	vld [tilespmem:s15+$0x6940]  }
0x55f: {  	v52 =	vadd.f32 v46, v45;
	v16 =	vmul.f32 v44, v16  }
0x560: {  	v53 =	vld [tilespmem:s15+$0x16940]  }
0x561: {  	v54 =	vadd.f32 v49, v48;
	v18 =	vmul.f32 v47, v52;
	v16 =	vadd.f32 $0.0e+00, v16;
	_ =	sdelay $0x1  }
0x562: {  	v55 =	vmul.f32 v50, v54;
	v17 =	vadd.f32 v51, v17;
	v16 =	vadd.f32 v18, v16;
	_ =	sdelay $0x1  }
0x563: {  	v17 =	vmul.f32 v53, v17;
	v16 =	vadd.f32 v55, v16;
	_ =	sdelay $0x1  }
0x564: {  	v16 =	vadd.f32 v17, v16;
	_ =	sdelay $0x1  }
0x565: {  	[tilespmem:$0x186DC] =	vst v16  }
0x566: {  	v16 =	vld [tilespmem:s15+$0x6950]  }
0x567: {  	v17 =	vld [tilespmem:s15+$0xE950]  }
0x568: {  	v56 =	vld [tilespmem:s15+$0x16950]  }
0x569: {  	v57 =	vld [tilespmem:s15+$0x6960]  }
0x56a: {  	v58 =	vld [tilespmem:s15+$0xE960]  }
0x56b: {  	v59 =	vld [tilespmem:s15+$0x16960]  }
0x56c: {  	v60 =	vld [tilespmem:s15+$0x6970]  }
0x56d: {  	v61 =	vld [tilespmem:s15+$0xE970]  }
0x56e: {  	v62 =	vld [tilespmem:s15+$0x16970]  }
0x56f: {  	v63 =	vld [tilespmem:s15+$0xE980];
	v16 =	vadd.f32 v17, v16  }
0x570: {  	v17 =	vld [tilespmem:s15+$0x6980]  }
0x571: {  	v26 =	vadd.f32 v58, v57;
	v16 =	vmul.f32 v56, v16  }
0x572: {  	v27 =	vld [tilespmem:s15+$0x16980]  }
0x573: {  	v28 =	vadd.f32 v61, v60;
	v18 =	vmul.f32 v59, v26;
	v16 =	vadd.f32 $0.0e+00, v16;
	_ =	sdelay $0x1  }
0x574: {  	v29 =	vmul.f32 v62, v28;
	v17 =	vadd.f32 v63, v17;
	v16 =	vadd.f32 v18, v16;
	_ =	sdelay $0x1  }
0x575: {  	v17 =	vmul.f32 v27, v17;
	v16 =	vadd.f32 v29, v16;
	_ =	sdelay $0x1  }
0x576: {  	v16 =	vadd.f32 v17, v16;
	_ =	sdelay $0x1  }
0x577: {  	[tilespmem:$0x186ED] =	vst v16  }
0x578: {  	v16 =	vld [tilespmem:s15+$0x6990]  }
0x579: {  	v17 =	vld [tilespmem:s15+$0xE990]  }
0x57a: {  	v30 =	vld [tilespmem:s15+$0x16990]  }
0x57b: {  	v31 =	vld [tilespmem:s15+$0x69A0]  }
0x57c: {  	v32 =	vld [tilespmem:s15+$0xE9A0]  }
0x57d: {  	v33 =	vld [tilespmem:s15+$0x169A0]  }
0x57e: {  	v34 =	vld [tilespmem:s15+$0x69B0]  }
0x57f: {  	v35 =	vld [tilespmem:s15+$0xE9B0]  }
0x580: {  	v36 =	vld [tilespmem:s15+$0x169B0]  }
0x581: {  	v37 =	vld [tilespmem:s15+$0xE9C0];
	v16 =	vadd.f32 v17, v16  }
0x582: {  	v17 =	vld [tilespmem:s15+$0x69C0]  }
0x583: {  	v38 =	vadd.f32 v32, v31;
	v16 =	vmul.f32 v30, v16  }
0x584: {  	v39 =	vld [tilespmem:s15+$0x169C0]  }
0x585: {  	v40 =	vadd.f32 v35, v34;
	v18 =	vmul.f32 v33, v38;
	v16 =	vadd.f32 $0.0e+00, v16;
	_ =	sdelay $0x1  }
0x586: {  	v41 =	vmul.f32 v36, v40;
	v17 =	vadd.f32 v37, v17;
	v16 =	vadd.f32 v18, v16;
	_ =	sdelay $0x1  }
0x587: {  	v17 =	vmul.f32 v39, v17;
	v16 =	vadd.f32 v41, v16;
	_ =	sdelay $0x1  }
0x588: {  	v16 =	vadd.f32 v17, v16;
	_ =	sdelay $0x1  }
0x589: {  	[tilespmem:$0x186FE] =	vst v16  }
0x58a: {  	v16 =	vld [tilespmem:s15+$0x69D0]  }
0x58b: {  	v17 =	vld [tilespmem:s15+$0xE9D0]  }
0x58c: {  	v42 =	vld [tilespmem:s15+$0x169D0]  }
0x58d: {  	v43 =	vld [tilespmem:s15+$0x69E0]  }
0x58e: {  	v44 =	vld [tilespmem:s15+$0xE9E0]  }
0x58f: {  	v45 =	vld [tilespmem:s15+$0x169E0]  }
0x590: {  	v46 =	vld [tilespmem:s15+$0x69F0]  }
0x591: {  	v47 =	vld [tilespmem:s15+$0xE9F0]  }
0x592: {  	v48 =	vld [tilespmem:s15+$0x169F0]  }
0x593: {  	v49 =	vld [tilespmem:s15+$0xEA00];
	v16 =	vadd.f32 v17, v16  }
0x594: {  	v17 =	vld [tilespmem:s15+$0x6A00]  }
0x595: {  	v50 =	vadd.f32 v44, v43;
	v16 =	vmul.f32 v42, v16  }
0x596: {  	v51 =	vld [tilespmem:s15+$0x16A00]  }
0x597: {  	v52 =	vadd.f32 v47, v46;
	v18 =	vmul.f32 v45, v50;
	v16 =	vadd.f32 $0.0e+00, v16;
	_ =	sdelay $0x1  }
0x598: {  	v53 =	vmul.f32 v48, v52;
	v17 =	vadd.f32 v49, v17;
	v16 =	vadd.f32 v18, v16;
	_ =	sdelay $0x1  }
0x599: {  	v17 =	vmul.f32 v51, v17;
	v16 =	vadd.f32 v53, v16;
	_ =	sdelay $0x1  }
0x59a: {  	v16 =	vadd.f32 v17, v16;
	_ =	sdelay $0x1  }
0x59b: {  	[tilespmem:$0x1870F] =	vst v16  }
0x59c: {  	v16 =	vld.idx.msk [tilespmem:v0+s10+$0x0], $0xffff;
	_ =	sdelay $0x1  }
0x59d: {  	v17 =	vld.idx.msk [tilespmem:v1+s10+$0x0], $0xffff;
	_ =	sdelay $0x1  }
0x59e: {  	v54 =	vld.idx.msk [tilespmem:v2+s10+$0x0], $0xffff  }
0x59f: {  	v16 =	vadd.f32 $0.0e+00, v16  }
0x5a0: {  	v55 =	vld.idx.msk [tilespmem:v3+s10+$0x0], $0xffff  }
0x5a1: {  	v16 =	vadd.f32 v17, v16  }
0x5a2: {  	v17 =	vld.idx.msk [tilespmem:v4+s10+$0x0], $0xffff  }
0x5a3: {  	v16 =	vadd.f32 v54, v16  }
0x5a4: {  	v56 =	vld.idx.msk [tilespmem:v5+s10+$0x0], $0xffff  }
0x5a5: {  	v16 =	vadd.f32 v55, v16  }
0x5a6: {  	v57 =	vld.idx.msk [tilespmem:v6+s10+$0x0], $0xffff  }
0x5a7: {  	v16 =	vadd.f32 v17, v16  }
0x5a8: {  	v17 =	vld.idx.msk [tilespmem:v7+s10+$0x0], $0xffff  }
0x5a9: {  	v16 =	vadd.f32 v56, v16  }
0x5aa: {  	v58 =	vld.idx.msk [tilespmem:v8+s10+$0x0], $0xffff  }
0x5ab: {  	v16 =	vadd.f32 v57, v16  }
0x5ac: {  	v59 =	vld.idx.msk [tilespmem:v9+s10+$0x0], $0xffff  }
0x5ad: {  	v16 =	vadd.f32 v17, v16  }
0x5ae: {  	v17 =	vld.idx.msk [tilespmem:v10+s10+$0x0], $0xffff  }
0x5af: {  	v16 =	vadd.f32 v58, v16  }
0x5b0: {  	v60 =	vld.idx.msk [tilespmem:v11+s10+$0x0], $0xffff  }
0x5b1: {  	v16 =	vadd.f32 v59, v16  }
0x5b2: {  	v61 =	vld.idx.msk [tilespmem:v12+s10+$0x0], $0xffff  }
0x5b3: {  	v16 =	vadd.f32 v17, v16  }
0x5b4: {  	v17 =	vld.idx.msk [tilespmem:v13+s10+$0x0], $0xffff  }
0x5b5: {  	v16 =	vadd.f32 v60, v16  }
0x5b6: {  	v62 =	vld.idx.msk [tilespmem:v14+s10+$0x0], $0xffff  }
0x5b7: {  	v16 =	vadd.f32 v61, v16  }
0x5b8: {  	v63 =	vld.idx.msk [tilespmem:v15+s10+$0x0], $0xffff  }
0x5b9: {  	v16 =	vadd.f32 v17, v16;
	_ =	sdelay $0x1  }
0x5ba: {  	v16 =	vadd.f32 v62, v16  }
0x5bb: {  	p0 =	sne.s32 s13, $0x7000  }
.Ltmp7:
0x5bc: {  	v16 =	vadd.f32 v63, v16;
	(pc) =	sbr.rel @p0 .LBB2_16-.Ltmp7, $3  }
0x5bd: {  	_ = 	snop  }
0x5be: {  	v16 =	vmul.f32 $5.000000000e-01, v16;
	_ =	sdelay $0x1  }
0x5bf: {  	s13 =	sadd.s32 $0x1000, s13;
	[tilespmem:s14+$0x0] =	vst v16;
	s14 =	sadd.s32 $0x10, s14  }
0x5c0: {  	s12 =	sadd.s32 $0x1, s12  }
0x5c1: {  	p0 =	sne.s32 s12, s7  }
.Ltmp8:
0x5c2: {  	_ = 	snop;
	(pc) =	sbr.rel @p0 .LBB2_1-.Ltmp8, $4  }
0x5c3: {  	[hbm4b:s6+s2] =	stream.linear.scatter [tilespmem:s11], [sflag:$0x2], $0x200, $0x38;
	[tilespmem:$0x18920] =	vst v63  }
0x5c4: {  	_ =	swait.ge [sflag:s8], $0x200  }
0x5c5: {  	[sflag:s8] =	ssyncset.done $0x0  }
0x5c6: {  	[sflag:s8] =	ssyncadd.s32 $0xFFFFFE00  }
0x5c7: {  	_ =	sfence.sel $0x180000  }
0x5c8: {  	[bflag:$0x0] =	sbarrier.arrive $0xFFFF  }
0x5c9: {  	p0 =	sne.s32 s1, $0x0;
	_ =	strace $0x9000004A  }
0x5ca: {  	s0 =	sadd.s32 @!p0 $0x100000, s0;
	[bflag:$0x2] =	sbarrier.arrive $0xFFFF  }
0x5cb: {  	[sflag:s0] =	ssyncadd.tile.s32 @!p0 $0x1;
	_ =	shalt  }
.Lfunc_end2:
_tile_overlayer_lowered:
.L_overlay_start_2:
0x5cc: {  	(tag) =	ssettag $0x2  }
0x5cd: {  	s0 =	rddreg [dreg:$0x0];
	s2 =	stileid.u32  }
0x5ce: {  	s1 =	rddreg [dreg:$0x1];
	p0 =	sne.s32 s2, $0x0  }
0x5cf: {  	s3 =	rddreg [dreg:$0x2];
	[bflag:$0x3] =	sbarrier.arrive $0xFFFF;
	s2 =	simm.s32 @!p0 $0x1C02  }
0x5d0: {  	[timem:s3], [sflag:s2] =	dma.local @!p0 [hbm:s0], s1  }
0x5d1: {  	s0 =	simm.s32 @!p0 $0x2  }
0x5d2: {  	_ =	swait.ge @!p0 [sflag:s0], s1  }
0x5d3: {  	s1 =	ssub.s32 @!p0 $0x0, s1;
	[sflag:s0] =	ssyncset.done @!p0 $0x0  }
0x5d4: {  	[sflag:s0] =	ssyncadd.s32 @!p0 s1  }
0x5d5: {  	[bflag:$0x3] =	sbarrier.arrive $0xFFFF  }
0x5d6: {  	_ =	shalt  }

// kernel: sparse-core-data-format-call.cloned.1.call-start
scs
called_computation_lowered:
.L_overlay_start_0:
0x0: {  	s1 =	sld [smem:$0x3FD9]  }
0x1: {  	s2 =	sld [smem:$0x3FFE];
	_ =	sdelay $0x1  }
0x2: {  	s3 =	srdreg.scid  }
0x3: {  	s0 =	sand.u32 $0x1, s3  }
0x4: {  	s17 =	sshll.u32 s0, $0xA;
	s1 =	sadd.s32 s2, s1  }
0x5: {  	s1 =	sadd.s32 s1, s17  }
0x6: {  	[smem:$0x3FC5] =	sst s1  }
0x7: {  	_ = 	snop  }
0x8: {  	(tm) =	ssettm $0x1  }
0x9: {  	s18 =	sld [smem:$0x3FFB];
	_ =	sdelay $0x3  }
0xa: {  	_ =	strace s18  }
0xb: {  	s1 =	sld [smem:$0x3FFC];
	_ =	sdelay $0x3  }
0xc: {  	_ =	strace s1  }
0xd: {  	s1 =	sld [smem:$0x3FFD];
	_ =	sdelay $0x3  }
0xe: {  	_ =	strace s1  }
0xf: {  	_ =	strace $0x8FFFFFFF  }
0x10: {  	s19 =	sld [smem:$0x3FDB];
	_ =	sdelay $0x1  }
0x11: {  	s20 =	simm.s32 $_scs_section_size  }
0x12: {  	s4 =	simm.s32 $_size__tile_overlayer_lowered;
	s5 =	simm.s32 $_tile_overlayer_lowered  }
0x13: {  	s23 =	simm.s32 $0x1BFF;
	s22 =	sshll.u32 s5, $0x1;
	s1 =	sadd.s32 s20, s19  }
0x14: {  	s6 =	simm.s32 $0x0;
	s21 =	sshll.u32 s4, $0x1;
	s4 =	sadd.s32 s22, s1  }
0x15: {  	[timem:s6], [sflag:s23] =	dma.local [hbm:s4], s21  }
0x16: {  	_ =	swait.ge [sflag:s23], s21  }
0x17: {  	s2 =	ssub.s32 $0x0, s21;
	[sflag:s23] =	ssyncset.done $0x0  }
0x18: {  	[sflag:s23] =	ssyncadd.s32 s2;
	_ =	sdelay $0x1  }
0x19: {  	s24 =	simm.s32 $0x1B8B  }
0x1a: {  	_ =	swait.ge [sflag:s24], $0x1  }
0x1b: {  	[sflag:s24] =	ssyncset.done $0x0  }
0x1c: {  	s26 =	simm.s32 $0x1B8E;
	s25 =	sld [smem:$0x3FFE];
	[sflag:s24] =	ssyncadd.s32 $0xFFFFFFFF  }
0x1d: {  	s27 =	simm.s32 $execute0_lowered;
	[smem:$0x3FD2] =	sst s26  }
0x1e: {  	s4 =	sshll.u32 s27, $0x1;
	_ =	strace $0x80000046;
	[dreg:$0x1] =	wrdreg $0xFFFFFFFF  }
0x1f: {  	s28 =	simm.s32 $_size_execute0_lowered;
	s1 =	sadd.s32 s1, s4;
	[dreg:$0x0] =	wrdreg $0x0  }
0x20: {  	s4 =	sshll.u32 s28, $0x1;
	[dreg:$0x2] =	wrdreg s1  }
0x21: {  	[dreg:$0x3] =	wrdreg s4  }
0x22: {  	[dreg:$0x4] =	wrdreg $0xC0  }
0x23: {  	_ =	task [dreg:s6], $0x5FFFF  }
0x24: {  	[dreg:$0x1] =	wrdreg $0xFFFFFFFF  }
0x25: {  	[dreg:$0x0] =	wrdreg $0x60  }
0x26: {  	[dreg:$0x2] =	wrdreg s25  }
0x27: {  	[dreg:$0x3] =	wrdreg $0x9  }
0x28: {  	_ =	task.clear_ibuf [dreg:s6], $0x4FFFF;
	_ =	strace $0x90000046  }
0x29: {  	s29 =	simm.s32 $0x9;
	_ =	strace $0x80000048  }
0x2a: {  	_ =	swait.ge [sflag:s29], $0x1  }
0x2b: {  	[sflag:s29] =	ssyncadd.s32 $0xFFFFFFFF  }
0x2c: {  	_ =	strace $0x90000048  }
0x2d: {  	_ =	sfence  }
0x2e: {  	s30 =	sld [smem:$0x0];
	_ =	sdelay $0x2  }
0x2f: {  	s31 =	sshll.u32 s3, $0xD;
	s3 =	sshrl.u32 s3, $0x2  }
0x30: {  	s2 =	sand.u32 $0x4000, s31;
	s1 =	sadd.s32 s3, s30  }
0x31: {  	s0 =	sor.u32 s2, s0;
	s1 =	sshll.u32 s1, $0x11  }
0x32: {  	s0 =	sor.u32 s1, s0  }
0x33: {  	s0 =	sadd.s32 $0x8F2B, s0  }
0x34: {  	[sflag:s0] =	ssyncadd.remote.s32 $0x1  }
0x35: {  	_ =	sfence.sel $0xFFFF  }
0x36: {  	[dreg:$0x0] =	wrdreg $0xFFFFFFFF;
	(pc) =	sbr.abs _section_cstart, $3  }
0x37: {  	[dreg:$0x1] =	wrdreg $0xFFFFFFFF  }
0x38: {  	_ =	task.clear_ibuf [dreg:s6], $0x2FFFF;
	_ =	strace $0x9FFFFFFF  }
0x39: {  	(tm) =	ssettm $0x7FFFFFFF  }
tec
execute0_lowered:
.L_overlay_start_1:
0x0: {  	(tag) =	ssettag $0x1  }
0x1: {  	s0 =	stileid.u32;
	s1 =	srdreg.scid  }
0x2: {  	s7 =	rddreg [dreg:$0x0];
	s31 =	simm.s32 $0x2;
	s18 =	simm.s32 $0x0  }
0x3: {  	p0 =	por $0x0, $0x0;
	s9 =	simm.s32 $0x100;
	s17 =	simm.s32 $0x0  }
0x4: {  	s19 =	simm.s32 $0x0;
	s10 =	simm.s32 $0x0;
	s11 =	simm.s32 $0x0  }
0x5: {  	s12 =	simm.s32 $0x0;
	s2 =	sshll.u32 s0, $0x7;
	s1 =	sshll.u32 s1, $0xB  }
0x6: {  	s14 =	simm.s32 $0x0;
	s1 =	sor.u32 s2, s1;
	s2 =	sand.u32 $0x1, s0  }
0x7: {  	s16 =	simm.s32 $0x0;
	s3 =	sand.u32 $0xF00, s1;
	s4 =	ssub.s32 $0x2, s2  }
0x8: {  	s1 =	rddreg [dreg:$0x1];
	s5 =	ssub.s32 $0x18600, s3;
	s6 =	sshrl.u32 s4, $0x1  }
.Ltmp0:
0x9: {  	s4 =	sand.u32 $0x1, s4;
	s5 =	sshrl.u32 s5, $0xC;
	(pc) =	sbr.rel .LBB1_1-.Ltmp0, $4  }
0xa: {  	_ =	strace $0x80000047;
	s6 =	sadd.s32 s4, s6;
	s8 =	sadd.s32 $0x1, s5  }
0xb: {  	s15 =	smov.u32 s2;
	s5 =	simm.s32 $0x1;
	s6 =	smul.u32 s6, s8  }
0xc: {  	s13 =	smov.u32 s3;
	s4 =	sadd.s32 $0x800, s7;
	[sflag:s5] =	ssyncpa.u1 $0x0  }
0xd: {  	s7 =	sadd.s32 $0x187800, s7;
	[sflag:s31] =	ssyncpa.u1 $0x0;
	s8 =	sadd.s32 $0x1, s6  }
.LBB1_4:
0xe: {  	_ =	sdelay $0x3  }
0xf: {  	s27 =	sor.u32 s30, s29;
	v47 =	vld.idx.msk [tilespmem:v0+s22+$0x470 ss:$0x1], $0xffff  }
0x10: {  	v57 =	vld.idx.msk [tilespmem:v0+s27+$0x410 ss:$0x1], $0xffff  }
0x11: {  	[tilespmem:s24+$0x1860 ss:$0x41] =	vst.msk $0xffff, v8;
	v58 =	vld.idx.msk [tilespmem:v0+s27+$0x420 ss:$0x1], $0xffff  }
0x12: {  	[tilespmem:s24+$0x1C70 ss:$0x41] =	vst.msk $0xffff, v7;
	v59 =	vld.idx.msk [tilespmem:v0+s27+$0x430 ss:$0x1], $0xffff  }
0x13: {  	[tilespmem:s24+$0x2490 ss:$0x41] =	vst.msk $0xffff, v1;
	v60 =	vld.idx.msk [tilespmem:v0+s27+$0x440 ss:$0x1], $0xffff  }
0x14: {  	[tilespmem:s24+$0x28A0 ss:$0x41] =	vst.msk $0xffff, v2;
	s28 =	sand.u32 $0x3B00, s27;
	v61 =	vld.idx.msk [tilespmem:v0+s27+$0x450 ss:$0x1], $0xffff  }
0x15: {  	s26 =	sand.u32 $0x80, s26;
	[tilespmem:s24+$0x2CB0 ss:$0x41] =	vst.msk $0xffff, v3;
	v62 =	vld.idx.msk [tilespmem:v0+s27+$0x460 ss:$0x1], $0xffff;
	s21 =	sadd.s32 s28, s21  }
0x16: {  	[tilespmem:s24+$0x30C0 ss:$0x41] =	vst.msk $0xffff, v4;
	v63 =	vld.idx.msk [tilespmem:v0+s27+$0x470 ss:$0x1], $0xffff;
	s26 =	sadd.s32 s26, s21  }
0x17: {  	[tilespmem:s24+$0x34D0 ss:$0x41] =	vst.msk $0xffff, v5;
	v48 =	vld [tilespmem:s26+$0x400]  }
0x18: {  	[tilespmem:s24+$0x38E0 ss:$0x41] =	vst.msk $0xffff, v6;
	s28 =	sshra.s32 s25, $0x2;
	v49 =	vld [tilespmem:s26+$0x0]  }
0x19: {  	s21 =	sadd.s32 s28, s23;
	v50 =	vld [tilespmem:s26+$0x10];
	[tilespmem:s24+$0x3CF0 ss:$0x41] =	vst.msk $0xffff, v47  }
0x1a: {  	v51 =	vld [tilespmem:s26+$0x20];
	[tilespmem:s21+$0x2490 ss:$0x41] =	vst.msk $0xffff, v57  }
0x1b: {  	p1 =	sgt.s32 s10, $0x185A0;
	s29 =	sshra.s32 s10, $0x1F;
	v52 =	vld [tilespmem:s26+$0x30];
	[tilespmem:s21+$0x28A0 ss:$0x41] =	vst.msk $0xffff, v58  }
0x1c: {  	s30 =	sshra.s32 s12, $0x1F;
	s31 =	sshra.s32 s11, $0x1F;
	s22 =	sand.u32 s29, s10;
	v53 =	vld [tilespmem:s26+$0x40];
	[tilespmem:s21+$0x2CB0 ss:$0x41] =	vst.msk $0xffff, v59  }
0x1d: {  	s27 =	sand.u32 $0x7, s11;
	s25 =	sand.u32 s30, s12;
	s23 =	smov.u32 s10;
	v54 =	vld [tilespmem:s26+$0x50];
	[tilespmem:s21+$0x30C0 ss:$0x41] =	vst.msk $0xffff, v60  }
0x1e: {  	v55 =	vld [tilespmem:s26+$0x60];
	s23 =	simm.s32 @!p1 $0x185A0;
	p1 =	sgt.s32 s12, $0x1;
	s24 =	smov.u32 s12;
	[tilespmem:s21+$0x34D0 ss:$0x41] =	vst.msk $0xffff, v61  }
0x1f: {  	v56 =	vld [tilespmem:s26+$0x70];
	s26 =	smov.u32 s11;
	s24 =	simm.s32 @!p1 $0x1;
	p1 =	sgt.s32 s11, $0x40;
	[tilespmem:s21+$0x38E0 ss:$0x41] =	vst.msk $0xffff, v62  }
0x20: {  	s25 =	sxor.u32 $0xFFFFFFFF, s25;
	s28 =	sand.u32 s31, s11;
	[tilespmem:s21+$0x3CF0 ss:$0x41] =	vst.msk $0xffff, v63;
	s26 =	simm.s32 @!p1 $0x40  }
0x21: {  	s30 =	sshll.u32 s12, $0x4;
	s24 =	sadd.s32 s25, s24;
	s26 =	ssub.s32 s26, s28;
	[tilespmem:s21+$0x2080 ss:$0x41] =	vst.msk $0xffff, v48  }
0x22: {  	s22 =	ssub.s32 s23, s22;
	p1 =	sgt.s32 s24, $0x0;
	[tilespmem:s21+$0x0 ss:$0x41] =	vst.msk $0xffff, v49;
	s28 =	sadd.s32 $0xFFFFFFC0, s26  }
0x23: {  	s24 =	ssub.s32 $0x1, s24;
	[tilespmem:s21+$0x410 ss:$0x41] =	vst.msk $0xffff, v50;
	s23 =	ssub.s32 $0x80, s26;
	p2 =	sgt.s32 s28, $0x3F  }
0x24: {  	s29 =	sadd.s32 $0xFFFE7A60, s22;
	[tilespmem:s21+$0x820 ss:$0x41] =	vst.msk $0xffff, v51;
	s24 =	simm.s32 @p1 $0x0;
	s23 =	simm.s32 @p2 $0x0  }
0x25: {  	s22 =	ssub.s32 $0x186A0, s22;
	[tilespmem:s21+$0xC30 ss:$0x41] =	vst.msk $0xffff, v52;
	p1 =	sgt.s32 s29, $0xFF;
	s23 =	smul.u32 s24, s23  }
0x26: {  	s31 =	sshll.u32 s10, $0x5;
	[tilespmem:s21+$0x1040 ss:$0x41] =	vst.msk $0xffff, v53;
	s22 =	simm.s32 @p1 $0x0;
	s24 =	sand.u32 $0x10, s30  }
0x27: {  	[tilespmem:s21+$0x1450 ss:$0x41] =	vst.msk $0xffff, v54;
	s26 =	sshrl.u32 s11, $0x3;
	s24 =	sadd.s32 s7, s24;
	s22 =	smul.u32 s22, s23  }
0x28: {  	[tilespmem:s21+$0x1860 ss:$0x41] =	vst.msk $0xffff, v55;
	s25 =	sand.u32 $0xF, s26;
	s28 =	sshll.u32 s27, $0x12;
	s23 =	sadd.s32 s31, s24  }
0x29: {  	[tilespmem:s21+$0x1C70 ss:$0x41] =	vst.msk $0xffff, v56;
	s31 =	sor.u32 $0x40, s28;
	s30 =	sadd.s32 s25, s23;
	s29 =	sand.u32 $0x3FFFFFFF, s22  }
0x2a: {  	[hbm4b:s30+s31] =	stream.strided.scatter [tilespmem:s20], [sflag:$0x2], s29, s9, s31, $0x18;
	[tilespmem:$0x10200] =	vst v63  }
.LBB1_5:
0x2b: {  	p1 =	slt.u32 s16, $0x2  }
0x2c: {  	s20 =	smov.u32 s18;
	p2 =	sgt.s32 @!p1 s18, $0x185A0;
	s21 =	sshra.s32 @!p1 s18, $0x1F  }
0x2d: {  	p3 =	sgt.s32 @!p1 s19, $0x1;
	s22 =	sshra.s32 @!p1 s17, $0x1F;
	p2 =	por !p2, p1  }
0x2e: {  	s18 =	sand.u32 @!p1 s21, s18;
	s21 =	sshra.s32 @!p1 s19, $0x1F;
	s22 =	sand.u32 @!p1 s22, s17  }
0x2f: {  	s20 =	simm.s32 @p2 $0x185A0;
	p2 =	por !p3, p1;
	p3 =	sgt.s32 @!p1 s17, $0x40  }
0x30: {  	s21 =	sand.u32 @!p1 s21, s19;
	p3 =	por !p3, p1;
	s19 =	simm.s32 @p2 $0x1  }
0x31: {  	s21 =	sxor.u32 @!p1 $0xFFFFFFFF, s21;
	s18 =	ssub.s32 @!p1 s20, s18;
	s17 =	simm.s32 @p3 $0x40  }
0x32: {  	s19 =	sadd.s32 @!p1 s21, s19;
	s20 =	sadd.s32 @!p1 $0xFFFE7A60, s18;
	s17 =	ssub.s32 @!p1 s17, s22  }
0x33: {  	s18 =	ssub.s32 @!p1 $0x186A0, s18;
	p2 =	sgt.s32 @!p1 s19, $0x0;
	s21 =	sadd.s32 @!p1 $0xFFFFFFC0, s17  }
0x34: {  	s19 =	ssub.s32 @!p1 $0x1, s19;
	p2 =	por !p2, p1;
	p3 =	sgt.s32 @!p1 s21, $0x3F  }
0x35: {  	s17 =	ssub.s32 @!p1 $0x80, s17;
	s19 =	simm.s32 @!p2 $0x0;
	p2 =	por !p3, p1  }
0x36: {  	s21 =	smov.u32 s14;
	p3 =	sgt.s32 @!p1 s20, $0xFF;
	s17 =	simm.s32 @!p2 $0x0  }
0x37: {  	s20 =	sadd.s32 $0x1000, s13;
	p2 =	por !p3, p1;
	s17 =	smul.u32 @!p1 s19, s17  }
0x38: {  	s18 =	simm.s32 @!p2 $0x0;
	p2 =	sgt.s32 s20, $0x1869F;
	s19 =	sadd.s32 $0x40, s14  }
0x39: {  	s22 =	smov.u32 s15;
	s21 =	smov.u32 @p2 s19  }
0x3a: {  	s17 =	smul.u32 @!p1 s18, s17;
	p3 =	sgt.s32 s21, $0x3F;
	s18 =	sadd.s32 $0x2, s15  }
0x3b: {  	p0 =	por !p0, !p0;
	s23 =	simm.s32 @!p1 $0x2;
	s22 =	smov.u32 @p3 s18  }
0x3c: {  	s20 =	smov.u32 @p2 s3;
	s19 =	smov.u32 s12;
	p2 =	sgt.s32 s22, $0x1  }
0x3d: {  	s12 =	smov.u32 s15;
	s22 =	smov.u32 @p2 s2;
	p2 =	sne.s32 s16, s8  }
.Ltmp1:
0x3e: {  	s21 =	simm.s32 @p3 $0x0;
	s18 =	smov.u32 s10;
	(pc) =	sbr.rel @!p2 .LBB1_6-.Ltmp1, $4  }
0x3f: {  	s10 =	smov.u32 s13;
	s13 =	smov.u32 s20;
	s17 =	sand.u32 @!p1 $0x3FFFFFFF, s17  }
0x40: {  	_ =	swait.ge @!p1 [sflag:s23], s17;
	s24 =	ssub.s32 @!p1 $0x0, s17;
	s17 =	smov.u32 s11  }
0x41: {  	s16 =	sadd.s32 $0x1, s16;
	s11 =	smov.u32 s14;
	[sflag:s23] =	ssyncset.done @!p1 $0x0  }
0x42: {  	s14 =	smov.u32 s21;
	s15 =	smov.u32 s22;
	[sflag:s23] =	ssyncadd.s32 @!p1 s24  }
.LBB1_1:
0x43: {  	p1 =	sge.u32 s16, s6  }
0x44: {  	s20 =	sshrl.u32 @!p1 s14, $0x3  }
0x45: {  	s21 =	sshll.u32 @!p1 s13, $0x3;
	s20 =	smul.u32 @!p1 $0xC3800, s20  }
0x46: {  	s22 =	sshll.u32 @!p1 s14, $0x7;
	s21 =	sand.u32 @!p1 $0xFFFFFC00, s21  }
0x47: {  	s20 =	sadd.s32 @!p1 s20, s21;
	s21 =	sand.u32 @!p1 $0x380, s22  }
0x48: {  	s22 =	sand.u32 @!p1 $0x7F, s13;
	s20 =	sor.u32 @!p1 s21, s20  }
0x49: {  	s21 =	sor.u32 @!p1 s22, s20  }
0x4a: {  	s22 =	smulhi.u32 @!p1 $0xA79C7B17, s21  }
0x4b: {  	s20 =	smulhi.u32 @!p1 $0xA79C7B17, s20  }
0x4c: {  	s22 =	sshrl.u32 @!p1 s22, $0x10  }
0x4d: {  	s31 =	sadd.s32 $0xFFFFFFFF, s16;
	s20 =	sshrl.u32 @!p1 s20, $0x10;
	s22 =	smul.u32 @!p1 $0x18700, s22  }
0x4e: {  	s23 =	sxor.u32 @!p1 $0xFFFFFFFF, s16;
	s24 =	smul.u32 @!p1 $0xC3800, s15;
	s20 =	sand.u32 @!p1 $0x3F, s20  }
0x4f: {  	s23 =	sshll.u32 @!p1 s23, $0xE;
	s20 =	smul.u32 @!p1 $0x30E0, s20;
	s21 =	ssub.s32 @!p1 s21, s22  }
0x50: {  	s22 =	sand.u32 @!p1 $0x4000, s23;
	s23 =	sadd.s32 @!p1 s4, s24;
	s24 =	sand.u32 @!p1 $0x7, s21  }
0x51: {  	s21 =	sshrl.u32 @!p1 s21, $0x3;
	s20 =	sadd.s32 @!p1 s20, s23;
	s23 =	sshll.u32 @!p1 s24, $0x12  }
0x52: {  	s20 =	sadd.s32 @!p1 s21, s20;
	s21 =	sor.u32 @!p1 $0x800, s23;
	s23 =	simm.s32 @!p1 $0xC3800  }
0x53: {  	[tilespmem:s22], [sflag:$0x1] =	stream.strided.gather @!p1 [hbm4b:s20+s21], $0x4000, s23, s21, $0x38;
	[tilespmem:$0x10200] =	vst v63  }
0x54: {  	p1 =	sge.u32 s31, s6  }
.Ltmp2:
0x55: {  	_ = 	snop;
	(pc) =	sbr.rel @p1 .LBB1_5-.Ltmp2, $1  }
0x56: {  	_ =	sdelay $0x3  }
0x57: {  	s23 =	simm.s32 $0x0  }
0x58: {  	s22 =	sand.u32 $0x3800, s23;
	s24 =	sand.u32 $0x380, s23  }
0x59: {  	s20 =	sand.u32 $0x1, s16;
	s22 =	sor.u32 s24, s22  }
0x5a: {  	_ =	swait.ge [sflag:s5], $0x4000;
	s21 =	sshll.u32 s20, $0xE;
	s24 =	sand.u32 $0x3B00, s22  }
0x5b: {  	[sflag:s5] =	ssyncset.done $0x0;
	s23 =	sand.u32 $0x80, s23;
	s24 =	sadd.s32 s24, s21  }
0x5c: {  	[sflag:s5] =	ssyncadd.s32 $0xFFFFC000;
	s26 =	sadd.s32 s23, s24  }
0x5d: {  	v4 =	vld [tilespmem:s26+$0x400]  }
0x5e: {  	s25 =	simm.s32 $0x1;
	v5 =	vld [tilespmem:s26+$0x0]  }
0x5f: {  	s25 =	simm.s32 @!p0 $0x0;
	v6 =	vld [tilespmem:s26+$0x10]  }
0x60: {  	v0 =	vmov s21;
	s31 =	smul.u32 $0x10400, s25;
	v7 =	vld [tilespmem:s26+$0x20]  }
0x61: {  	v9 =	vld [tilespmem:s26+$0x30]  }
0x62: {  	s23 =	sshrl.u32 s31, $0x2;
	v10 =	vld [tilespmem:s26+$0x40]  }
0x63: {  	s23 =	sor.u32 $0x8000, s23;
	v11 =	vld [tilespmem:s26+$0x50]  }
0x64: {  	v8 =	vld [tilespmem:s26+$0x60];
	s24 =	sadd.s32 $0x0, s23  }
0x65: {  	v1 =	vld.idx.msk [tilespmem:v0+s22+$0x410 ss:$0x1], $0xffff;
	[tilespmem:s24+$0x2080 ss:$0x41] =	vst.msk $0xffff, v4  }
0x66: {  	v2 =	vld.idx.msk [tilespmem:v0+s22+$0x420 ss:$0x1], $0xffff;
	[tilespmem:s24+$0x0 ss:$0x41] =	vst.msk $0xffff, v5  }
0x67: {  	v3 =	vld.idx.msk [tilespmem:v0+s22+$0x430 ss:$0x1], $0xffff;
	[tilespmem:s24+$0x410 ss:$0x41] =	vst.msk $0xffff, v6  }
0x68: {  	s20 =	smul.u32 $0x10400, s20;
	[tilespmem:s24+$0x820 ss:$0x41] =	vst.msk $0xffff, v7;
	v7 =	vld [tilespmem:s26+$0x70]  }
0x69: {  	s27 =	simm.s32 $0x100;
	s28 =	simm.s32 $0x8;
	[tilespmem:s24+$0xC30 ss:$0x41] =	vst.msk $0xffff, v9;
	v4 =	vld.idx.msk [tilespmem:v0+s22+$0x440 ss:$0x1], $0xffff  }
0x6a: {  	s29 =	sand.u32 $0x3800, s27;
	s20 =	sshrl.u32 s20, $0x2;
	[tilespmem:s24+$0x1040 ss:$0x41] =	vst.msk $0xffff, v10;
	v5 =	vld.idx.msk [tilespmem:v0+s22+$0x450 ss:$0x1], $0xffff;
	s26 =	simm.s32 $0x80  }
0x6b: {  	s25 =	simm.s32 $0x4;
	s20 =	sor.u32 $0x8000, s20;
	[tilespmem:s24+$0x1450 ss:$0x41] =	vst.msk $0xffff, v11;
	v6 =	vld.idx.msk [tilespmem:v0+s22+$0x460 ss:$0x1], $0xffff;
	s30 =	sand.u32 $0x380, s26  }
.LBB1_3:
0x6c: {  	p1 =	sne.s32 s28, $0xFC;
	[tilespmem:s24+$0x1860 ss:$0x41] =	vst.msk $0xffff, v8;
	v8 =	vld.idx.msk [tilespmem:v0+s22+$0x470 ss:$0x1], $0xffff;
	s22 =	sor.u32 s30, s29  }
0x6d: {  	s29 =	sand.u32 $0x3B00, s22;
	v9 =	vld.idx.msk [tilespmem:v0+s22+$0x410 ss:$0x1], $0xffff;
	[tilespmem:s24+$0x1C70 ss:$0x41] =	vst.msk $0xffff, v7  }
0x6e: {  	s30 =	sand.u32 $0x80, s26;
	s29 =	sadd.s32 s29, s21;
	v7 =	vld.idx.msk [tilespmem:v0+s22+$0x420 ss:$0x1], $0xffff;
	[tilespmem:s24+$0x2490 ss:$0x41] =	vst.msk $0xffff, v1  }
0x6f: {  	s29 =	sadd.s32 s30, s29;
	v10 =	vld.idx.msk [tilespmem:v0+s22+$0x430 ss:$0x1], $0xffff;
	[tilespmem:s24+$0x28A0 ss:$0x41] =	vst.msk $0xffff, v2  }
0x70: {  	v11 =	vld [tilespmem:s29+$0x400];
	[tilespmem:s24+$0x2CB0 ss:$0x41] =	vst.msk $0xffff, v3  }
0x71: {  	v12 =	vld [tilespmem:s29+$0x0];
	[tilespmem:s24+$0x30C0 ss:$0x41] =	vst.msk $0xffff, v4  }
0x72: {  	v4 =	vld [tilespmem:s29+$0x10];
	[tilespmem:s24+$0x34D0 ss:$0x41] =	vst.msk $0xffff, v5  }
0x73: {  	s30 =	sshra.s32 s25, $0x2;
	s25 =	smov.u32 s28;
	v1 =	vmov v9;
	v5 =	vld [tilespmem:s29+$0x20];
	[tilespmem:s24+$0x38E0 ss:$0x41] =	vst.msk $0xffff, v6  }
0x74: {  	v2 =	vmov v7;
	v6 =	vld [tilespmem:s29+$0x30];
	[tilespmem:s24+$0x3CF0 ss:$0x41] =	vst.msk $0xffff, v8;
	s24 =	sadd.s32 s30, s23  }
0x75: {  	v3 =	vmov v10;
	v9 =	vld [tilespmem:s29+$0x40];
	[tilespmem:s24+$0x2080 ss:$0x41] =	vst.msk $0xffff, v11  }
0x76: {  	[tilespmem:s24+$0x0 ss:$0x41] =	vst.msk $0xffff, v12;
	v10 =	vld [tilespmem:s29+$0x50]  }
.Ltmp3:
0x77: {  	[tilespmem:s24+$0x410 ss:$0x41] =	vst.msk $0xffff, v4;
	v8 =	vld [tilespmem:s29+$0x60];
	(pc) =	sbr.rel @p1 .LBB1_3-.Ltmp3, $4  }
0x78: {  	[tilespmem:s24+$0x820 ss:$0x41] =	vst.msk $0xffff, v5;
	v7 =	vld [tilespmem:s29+$0x70]  }
0x79: {  	[tilespmem:s24+$0xC30 ss:$0x41] =	vst.msk $0xffff, v6;
	v4 =	vld.idx.msk [tilespmem:v0+s22+$0x440 ss:$0x1], $0xffff  }
0x7a: {  	s26 =	sadd.s32 $0x80, s26;
	s27 =	sadd.s32 $0x100, s27;
	[tilespmem:s24+$0x1040 ss:$0x41] =	vst.msk $0xffff, v9;
	v5 =	vld.idx.msk [tilespmem:v0+s22+$0x450 ss:$0x1], $0xffff  }
0x7b: {  	s28 =	sadd.s32 $0x4, s28;
	s30 =	sand.u32 $0x380, s26;
	s29 =	sand.u32 $0x3800, s27;
	[tilespmem:s24+$0x1450 ss:$0x41] =	vst.msk $0xffff, v10;
	v6 =	vld.idx.msk [tilespmem:v0+s22+$0x460 ss:$0x1], $0xffff  }
.Ltmp4:
0x7c: {  	_ = 	snop;
	(pc) =	sbr.rel .LBB1_4-.Ltmp4, $1  }
0x7d: {  	_ =	sdelay $0x3  }
.LBB1_6:
0x7e: {  	_ =	sfence.sel $0x180000  }
0x7f: {  	s2 =	simm.s32 $0x1;
	[bflag:$0x0] =	sbarrier.arrive $0xFFFF  }
0x80: {  	s31 =	simm.s32 $0x2;
	[sflag:s2] =	ssyncpa.u1 $0x1  }
0x81: {  	[sflag:s31] =	ssyncpa.u1 $0x1  }
0x82: {  	p0 =	sne.s32 s0, $0x0;
	_ =	strace $0x90000047  }
0x83: {  	s0 =	sadd.s32 @!p0 $0x100000, s1;
	[bflag:$0x2] =	sbarrier.arrive $0xFFFF  }
0x84: {  	[sflag:s0] =	ssyncadd.tile.s32 @!p0 $0x1;
	_ =	shalt  }
.Lfunc_end1:
_tile_overlayer_lowered:
.L_overlay_start_2:
0x85: {  	(tag) =	ssettag $0x2  }
0x86: {  	s0 =	rddreg [dreg:$0x0];
	s2 =	stileid.u32  }
0x87: {  	s1 =	rddreg [dreg:$0x1];
	p0 =	sne.s32 s2, $0x0  }
0x88: {  	s3 =	rddreg [dreg:$0x2];
	[bflag:$0x3] =	sbarrier.arrive $0xFFFF;
	s2 =	simm.s32 @!p0 $0x1C01  }
0x89: {  	[timem:s3], [sflag:s2] =	dma.local @!p0 [hbm:s0], s1  }
0x8a: {  	s0 =	simm.s32 @!p0 $0x1  }
0x8b: {  	_ =	swait.ge @!p0 [sflag:s0], s1  }
0x8c: {  	s1 =	ssub.s32 @!p0 $0x0, s1;
	[sflag:s0] =	ssyncset.done @!p0 $0x0  }
0x8d: {  	[sflag:s0] =	ssyncadd.s32 @!p0 s1  }
0x8e: {  	[bflag:$0x3] =	sbarrier.arrive $0xFFFF  }
0x8f: {  	_ =	shalt  }

</sc_bundles>
